<compile_context>
chip_gen: v7x
topology: tpu7x:2x2x1
jax: 0.10.2.dev20260603
libtpu: 0.0.44.dev20260713+nightly
codegen_flags: <defaults>
</compile_context>

<pallas_src>
import functools

import jax
import jax.numpy as jnp
from jax import lax
from jax.experimental import pallas as pl
from jax.experimental.pallas import tpu as pltpu
from jax.experimental.pallas import tpu_sc as plsc


def _build_wt(connt, num_neurons, total_bits, n_bits):
    info = plsc.get_sparse_core_info()
    nc, ns = info.num_cores, info.num_subcores
    nw = nc * ns
    rows_per = num_neurons // nw
    mesh = plsc.VectorSubcoreMesh(core_axis_name="c", subcore_axis_name="s")

    @functools.partial(
        pl.kernel,
        out_type=jax.ShapeDtypeStruct((num_neurons, total_bits), jnp.float32),
        mesh=mesh,
        compiler_params=pltpu.CompilerParams(needs_layout_passes=False),
        scratch_types=[
            pltpu.VMEM((n_bits, num_neurons), jnp.int32),
            pltpu.VMEM((rows_per, total_bits), jnp.float32),
        ],
    )
    def wt_kernel(connt_hbm, wt_hbm, conn_v, wt_v):
        wid = lax.axis_index("s") * nc + lax.axis_index("c")
        n0 = wid * rows_per
        pltpu.sync_copy(connt_hbm, conn_v)

        def zero_body(k, _):
            r = k >> 3
            base = (k & 7) * 128
            for u in range(8):
                wt_v[r, pl.ds(base + u * 16, 16)] = jnp.zeros((16,), jnp.float32)
            return 0

        lax.fori_loop(0, rows_per * (total_bits // 128), zero_body, 0)
        iota = lax.iota(jnp.int32, 16)
        for k in range(rows_per // 16):
            local_n = k * 16 + iota
            for i in range(n_bits):
                w = float(1 << (n_bits - 1 - i))
                col = conn_v[i, pl.ds(n0 + k * 16, 16)]
                plsc.addupdate_scatter(
                    wt_v, [local_n, col], jnp.full((16,), w, jnp.float32)
                )
        pltpu.sync_copy(wt_v, wt_hbm.at[pl.ds(n0, rows_per)])

    return wt_kernel(connt)


def _bits_bf16(input_bits, batch, total_bits):
    bb = 1024

    def body(in_ref, out_ref):
        out_ref[...] = (in_ref[...] != 0).astype(jnp.bfloat16)

    return pl.pallas_call(
        body,
        grid=(batch // bb,),
        in_specs=[pl.BlockSpec((bb, total_bits), lambda j: (j, 0))],
        out_specs=pl.BlockSpec((bb, total_bits), lambda j: (j, 0)),
        out_shape=jax.ShapeDtypeStruct((batch, total_bits), jnp.bfloat16),
    )(input_bits)


def _addresses_t(wt, bitsb, n_lo, n_chunk, total_bits, batch):
    bb = 1024
    ci = n_lo // n_chunk

    def body(wt_ref, bits_ref, out_ref):
        bits = bits_ref[...]
        wtv = wt_ref[...]
        hi = jnp.floor(wtv * (1.0 / 128.0))
        lo = wtv - hi * 128.0
        dn = (((1,), (1,)), ((), ()))
        acc_hi = lax.dot_general(
            hi.astype(jnp.bfloat16), bits, dn, preferred_element_type=jnp.float32
        )
        acc_lo = lax.dot_general(
            lo.astype(jnp.bfloat16), bits, dn, preferred_element_type=jnp.float32
        )
        out_ref[...] = (acc_hi * 128.0 + acc_lo).astype(jnp.int16)

    return pl.pallas_call(
        body,
        grid=(batch // bb,),
        in_specs=[
            pl.BlockSpec((n_chunk, total_bits), lambda j: (ci, 0)),
            pl.BlockSpec((bb, total_bits), lambda j: (j, 0)),
        ],
        out_specs=pl.BlockSpec((n_chunk, bb), lambda j: (0, j)),
        out_shape=jax.ShapeDtypeStruct((n_chunk, batch), jnp.int16),
    )(wt, bitsb)


def _gather_t(memory, addrt, n_lo, n_chunk, mem_size, batch):
    info = plsc.get_sparse_core_info()
    nc, ns = info.num_cores, info.num_subcores
    nw = nc * ns
    npt = n_chunk // nw
    mesh = plsc.VectorSubcoreMesh(core_axis_name="c", subcore_axis_name="s")

    @functools.partial(
        pl.kernel,
        out_type=jax.ShapeDtypeStruct((n_chunk, batch), jnp.bfloat16),
        mesh=mesh,
        compiler_params=pltpu.CompilerParams(needs_layout_passes=False),
        scratch_types=[
            pltpu.VMEM((mem_size,), jnp.float32),
            pltpu.VMEM((mem_size,), jnp.float32),
            pltpu.VMEM((npt, batch), jnp.int16),
            pltpu.VMEM((npt, batch), jnp.bfloat16),
            pltpu.SemaphoreType.DMA,
            pltpu.SemaphoreType.DMA,
            pltpu.SemaphoreType.DMA,
            pltpu.SemaphoreType.DMA,
        ],
    )
    def gather_kernel(mem_hbm, addrt_hbm, outt_hbm,
                      mem0, mem1, idx_v, out_v, sm0, sm1, si, so):
        wid = lax.axis_index("s") * nc + lax.axis_index("c")
        mem_b, sm_b = (mem0, mem1), (sm0, sm1)

        def mem_dma(t, p):
            return pltpu.make_async_copy(
                mem_hbm.at[n_lo + wid * npt + t], mem_b[p], sm_b[p]
            )

        pltpu.make_async_copy(
            addrt_hbm.at[pl.ds(wid * npt, npt)], idx_v, si
        ).start()
        mem_dma(0, 0).start()
        mem_dma(1, 1).start()
        pltpu.make_async_copy(
            addrt_hbm.at[pl.ds(wid * npt, npt)], idx_v, si
        ).wait()
        for t in range(npt):
            p = t & 1
            mem_dma(t, p).wait()
            mv = mem_b[p]

            def gbody(k, _, mv=mv, t=t):
                base = k * 64
                for u in range(2):
                    x = idx_v[t, pl.ds(base + u * 32, 32)]
                    a, b = plsc.unpack(x, format=plsc.PackFormat.INTERLEAVED)
                    ga = plsc.load_gather(mv, [a])
                    gb = plsc.load_gather(mv, [b])
                    out_v[t, pl.ds(base + u * 32, 32)] = plsc.pack(
                        ga, gb, format=plsc.PackFormat.INTERLEAVED
                    )
                return 0

            lax.fori_loop(0, batch // 64, gbody, 0)
            if t + 2 < npt:
                mem_dma(t + 2, p).start()
        out = pltpu.make_async_copy(out_v, outt_hbm.at[pl.ds(wid * npt, npt)], so)
        out.start()
        out.wait()

    return gather_kernel(memory, addrt)


def _transpose_into(outt_c, prev, n_lo, n_chunk, num_neurons, batch):
    bt = 512
    cj = n_lo // bt

    def body(*refs):
        in_ref, out_ref = refs[0], refs[-1]
        out_ref[...] = in_ref[...].astype(jnp.float32).T

    in_specs = [pl.BlockSpec((bt, bt), lambda i, j: (j, i))]
    args = [outt_c]
    aliases = {}
    if prev is not None:
        in_specs.append(pl.BlockSpec(memory_space=pltpu.MemorySpace.HBM))
        args.append(prev)
        aliases = {1: 0}
    return pl.pallas_call(
        body,
        grid=(batch // bt, n_chunk // bt),
        in_specs=in_specs,
        out_specs=pl.BlockSpec((bt, bt), lambda i, j: (i, cj + j)),
        out_shape=jax.ShapeDtypeStruct((batch, num_neurons), jnp.float32),
        input_output_aliases=aliases,
    )(*args)


def kernel(input_bits, connections, memory):
    batch, total_bits = input_bits.shape
    num_neurons, n_bits = connections.shape
    mem_size = memory.shape[1]
    n_chunks = 2
    n_chunk = num_neurons // n_chunks

    connt = connections.T
    wt = _build_wt(connt, num_neurons, total_bits, n_bits)
    bitsb = _bits_bf16(input_bits, batch, total_bits)
    addrts = [
        _addresses_t(wt, bitsb, c * n_chunk, n_chunk, total_bits, batch)
        for c in range(n_chunks)
    ]
    outts = [
        _gather_t(memory, addrts[c], c * n_chunk, n_chunk, mem_size, batch)
        for c in range(n_chunks)
    ]
    out = None
    for c in range(n_chunks):
        out = _transpose_into(outts[c], out, c * n_chunk, n_chunk, num_neurons, batch)
    return out

# --- scband reference (transcript-rebuilt; emitter-appended) ---
"""Pipeline reference for scband-sparse-memory-25383256719711 (READ-ONLY COPY).

The authoritative reference and input builder live on the scoring server;
editing this copy changes nothing except your own understanding.
"""

import jax, jax.numpy as jnp
import numpy as np

B = 4096
TOTAL_BITS = 1024
NUM_NEURONS = 1024
N_BITS = 14
MEM_SIZE = 1 << N_BITS


def setup_inputs(seed: int = 0) -> dict:
    key = jax.random.key(seed)
    k1, k2, k3 = jax.random.split(key, 3)
    # forward input: binary input pattern (0/1)
    input_bits = jax.random.randint(k1, (B, TOTAL_BITS), 0, 2, dtype=jnp.int32)
    # buffer: random connections, values in [0, TOTAL_BITS)
    connections = jax.random.randint(k2, (NUM_NEURONS, N_BITS), 0, TOTAL_BITS, dtype=jnp.int32)
    # stored memory cells per neuron, values in {0=FALSE, 1=TRUE, 2=EMPTY}
    # (dense materialization of the sparse dict storage; kept float so reads are differentiable)
    memory = jax.random.randint(k3, (NUM_NEURONS, MEM_SIZE), 0, 3).astype(jnp.float32)
    return {"input_bits": input_bits, "connections": connections, "memory": memory}


def reference(input_bits, connections, memory):
    # get_addresses: gather connected bits, pack to integer address (MSB-first)
    bits64 = (input_bits != 0).astype(jnp.int32)            # [B, TOTAL_BITS]
    gathered = bits64[:, connections]                       # [B, NUM_NEURONS, N_BITS]
    weights = (2 ** jnp.arange(N_BITS - 1, -1, -1, dtype=jnp.int32))  # binary_addresses row
    addresses = (gathered * weights[None, None, :]).sum(-1) # [B, NUM_NEURONS]
    # get_memories_for_bits: read cell (neuron_idx, address) for each neuron
    neuron_idx = jnp.arange(NUM_NEURONS, dtype=jnp.int32)[None, :]    # [1, NUM_NEURONS]
    memories = memory[neuron_idx, addresses]                # [B, NUM_NEURONS]
    return memories

if __name__ == "__main__":
    import jax
    _d = setup_inputs()
    print(jax.jit(kernel)(*tuple(_d.values())))

</pallas_src>

<mosaic_0001>
#map = affine_map<(d0, d1) -> (0, 0)>
module attributes {stable_mosaic.version = 14 : i64} {
  func.func @gather_kernel(%arg0: i32, %arg1: i32, %arg2: memref<1024x16384xf32, #tpu.memory_space<hbm>>, %arg3: memref<512x4096xi16, #tpu.memory_space<hbm>>, %arg4: memref<512x4096xbf16, #tpu.memory_space<hbm>>, %arg5: memref<16384xf32, #tpu.memory_space<vmem>>, %arg6: memref<16384xf32, #tpu.memory_space<vmem>>, %arg7: memref<16x4096xi16, #tpu.memory_space<vmem>>, %arg8: memref<16x4096xbf16, #tpu.memory_space<vmem>>, %arg9: memref<!tpu.dma_semaphore, #tpu.memory_space<semaphore_mem>>, %arg10: memref<!tpu.dma_semaphore, #tpu.memory_space<semaphore_mem>>, %arg11: memref<!tpu.dma_semaphore, #tpu.memory_space<semaphore_mem>>, %arg12: memref<!tpu.dma_semaphore, #tpu.memory_space<semaphore_mem>>) attributes {dimension_semantics = [#tpu.dimension_semantics<core_parallel>, #tpu.dimension_semantics<subcore_parallel>], iteration_bounds = array<i64: 2, 16>, scalar_prefetch = 0 : i64, scratch_operands = 8 : i64, tpu.core_type = #tpu.core_type<sc_vector_subcore>, window_params = [{transform_indices = #map}, {transform_indices = #map}, {transform_indices = #map}]} {
    %mul3A = arith.constant 2 : i32
    %mul3A_0 = arith.muli %arg1, %mul3A : i32
    %add3A = arith.addi %mul3A_0, %arg0 : i32
    %mul3A_1 = arith.constant 16 : i32
    %mul3A_2 = arith.muli %add3A, %mul3A_1 : i32
    %dma_start3A = arith.constant 0 : i32
    %dma_start3A_3 = tpu.memref_slice %arg3[%mul3A_2, %dma_start3A] : memref<512x4096xi16, #tpu.memory_space<hbm>> -> memref<16x4096xi16, #tpu.memory_space<hbm>>
    %dma_start3A_4 = arith.constant 0 : i32
    %dma_start3A_5 = tpu.memref_slice %arg3[%mul3A_2, %dma_start3A_4] : memref<512x4096xi16, #tpu.memory_space<hbm>> -> memref<16x4096xi16, #tpu.memory_space<hbm>>
    tpu.enqueue_dma source(%dma_start3A_5 : memref<16x4096xi16, #tpu.memory_space<hbm>>) target(%arg7 : memref<16x4096xi16, #tpu.memory_space<vmem>>) target_semaphore(%arg11 : memref<!tpu.dma_semaphore, #tpu.memory_space<semaphore_mem>>)
    %mul3A_6 = arith.constant 16 : i32
    %mul3A_7 = arith.muli %add3A, %mul3A_6 : i32
    %add3A_8 = arith.constant 0 : i32
    %add3A_9 = arith.addi %add3A_8, %mul3A_7 : i32
    %add3A_10 = arith.constant 0 : i32
    %add3A_11 = arith.addi %add3A_9, %add3A_10 : i32
    %dma_start3A_12 = arith.constant 0 : i32
    %dma_start3A_13 = tpu.memref_slice %arg2[%add3A_11, %dma_start3A_12] : memref<1024x16384xf32, #tpu.memory_space<hbm>> -> memref<1x16384xf32, #tpu.memory_space<hbm>>
    %dma_start3A_14 = tpu.memref_squeeze %dma_start3A_13 : memref<1x16384xf32, #tpu.memory_space<hbm>> -> memref<16384xf32, #tpu.memory_space<hbm>>
    %dma_start3A_15 = arith.constant 0 : i32
    %dma_start3A_16 = tpu.memref_slice %arg2[%add3A_11, %dma_start3A_15] : memref<1024x16384xf32, #tpu.memory_space<hbm>> -> memref<1x16384xf32, #tpu.memory_space<hbm>>
    %dma_start3A_17 = tpu.memref_squeeze %dma_start3A_16 : memref<1x16384xf32, #tpu.memory_space<hbm>> -> memref<16384xf32, #tpu.memory_space<hbm>>
    tpu.enqueue_dma source(%dma_start3A_17 : memref<16384xf32, #tpu.memory_space<hbm>>) target(%arg5 : memref<16384xf32, #tpu.memory_space<vmem>>) target_semaphore(%arg9 : memref<!tpu.dma_semaphore, #tpu.memory_space<semaphore_mem>>)
    %mul3A_18 = arith.constant 16 : i32
    %mul3A_19 = arith.muli %add3A, %mul3A_18 : i32
    %add3A_20 = arith.constant 0 : i32
    %add3A_21 = arith.addi %add3A_20, %mul3A_19 : i32
    %add3A_22 = arith.constant 1 : i32
    %add3A_23 = arith.addi %add3A_21, %add3A_22 : i32
    %dma_start3A_24 = arith.constant 0 : i32
    %dma_start3A_25 = tpu.memref_slice %arg2[%add3A_23, %dma_start3A_24] : memref<1024x16384xf32, #tpu.memory_space<hbm>> -> memref<1x16384xf32, #tpu.memory_space<hbm>>
    %dma_start3A_26 = tpu.memref_squeeze %dma_start3A_25 : memref<1x16384xf32, #tpu.memory_space<hbm>> -> memref<16384xf32, #tpu.memory_space<hbm>>
    %dma_start3A_27 = arith.constant 0 : i32
    %dma_start3A_28 = tpu.memref_slice %arg2[%add3A_23, %dma_start3A_27] : memref<1024x16384xf32, #tpu.memory_space<hbm>> -> memref<1x16384xf32, #tpu.memory_space<hbm>>
    %dma_start3A_29 = tpu.memref_squeeze %dma_start3A_28 : memref<1x16384xf32, #tpu.memory_space<hbm>> -> memref<16384xf32, #tpu.memory_space<hbm>>
    tpu.enqueue_dma source(%dma_start3A_29 : memref<16384xf32, #tpu.memory_space<hbm>>) target(%arg6 : memref<16384xf32, #tpu.memory_space<vmem>>) target_semaphore(%arg10 : memref<!tpu.dma_semaphore, #tpu.memory_space<semaphore_mem>>)
    %mul3A_30 = arith.constant 16 : i32
    %mul3A_31 = arith.muli %add3A, %mul3A_30 : i32
    %dma_wait3A = arith.constant 0 : i32
    %dma_wait3A_32 = tpu.memref_slice %arg3[%mul3A_31, %dma_wait3A] : memref<512x4096xi16, #tpu.memory_space<hbm>> -> memref<16x4096xi16, #tpu.memory_space<hbm>>
    %dma_wait3A_33 = arith.constant 0 : i32
    %dma_wait3A_34 = tpu.memref_slice %arg3[%mul3A_31, %dma_wait3A_33] : memref<512x4096xi16, #tpu.memory_space<hbm>> -> memref<16x4096xi16, #tpu.memory_space<hbm>>
    tpu.wait_dma2 semaphore(%arg11 : memref<!tpu.dma_semaphore, #tpu.memory_space<semaphore_mem>>) src(%dma_wait3A_34 : memref<16x4096xi16, #tpu.memory_space<hbm>>) dst(%arg7 : memref<16x4096xi16, #tpu.memory_space<vmem>>)
    %mul3A_35 = arith.constant 16 : i32
    %mul3A_36 = arith.muli %add3A, %mul3A_35 : i32
    %add3A_37 = arith.constant 0 : i32
    %add3A_38 = arith.addi %add3A_37, %mul3A_36 : i32
    %add3A_39 = arith.constant 0 : i32
    %add3A_40 = arith.addi %add3A_38, %add3A_39 : i32
    %dma_wait3A_41 = arith.constant 0 : i32
    %dma_wait3A_42 = tpu.memref_slice %arg2[%add3A_40, %dma_wait3A_41] : memref<1024x16384xf32, #tpu.memory_space<hbm>> -> memref<1x16384xf32, #tpu.memory_space<hbm>>
    %dma_wait3A_43 = tpu.memref_squeeze %dma_wait3A_42 : memref<1x16384xf32, #tpu.memory_space<hbm>> -> memref<16384xf32, #tpu.memory_space<hbm>>
    %dma_wait3A_44 = arith.constant 0 : i32
    %dma_wait3A_45 = tpu.memref_slice %arg2[%add3A_40, %dma_wait3A_44] : memref<1024x16384xf32, #tpu.memory_space<hbm>> -> memref<1x16384xf32, #tpu.memory_space<hbm>>
    %dma_wait3A_46 = tpu.memref_squeeze %dma_wait3A_45 : memref<1x16384xf32, #tpu.memory_space<hbm>> -> memref<16384xf32, #tpu.memory_space<hbm>>
    tpu.wait_dma2 semaphore(%arg9 : memref<!tpu.dma_semaphore, #tpu.memory_space<semaphore_mem>>) src(%dma_wait3A_46 : memref<16384xf32, #tpu.memory_space<hbm>>) dst(%arg5 : memref<16384xf32, #tpu.memory_space<vmem>>)
    %scan3A = arith.constant 0 : i32
    %scan3A_47 = arith.constant 0 : i32
    %scan3A_48 = arith.constant 64 : i32
    %scan3A_49 = arith.addi %scan3A_47, %scan3A_48 : i32
    %scan3A_50 = arith.constant 1 : i32
    %scan3A_51 = scf.for %scan3A_516 = %scan3A_47 to %scan3A_49 step %scan3A_50 iter_args(%scan3A_517 = %scan3A) -> (i32)  : i32 {
      %mul3A_518 = arith.constant 64 : i32
      %mul3A_519 = arith.muli %scan3A_516, %mul3A_518 : i32
      %add3A_520 = arith.constant 0 : i32
      %add3A_521 = arith.addi %mul3A_519, %add3A_520 : i32
      %get3A = arith.constant 0 : i32
      %get3A_522 = arith.index_cast %get3A : i32 to index
      %get3A_523 = arith.index_cast %add3A_521 : i32 to index
      %get3A_524 = tpu.vector_load %arg7[%get3A_522, %get3A_523] {strides = array<i32>} : memref<16x4096xi16, #tpu.memory_space<vmem>>, vector<32xi16>,
      %unpack3A = tpu.unpack_subelements %get3A_524, 0 {pack_format = #tpu.pack_format<interleaved>} : vector<32xi16> -> vector<16xi32>
      %unpack3A_525 = tpu.unpack_subelements %get3A_524, 1 {pack_format = #tpu.pack_format<interleaved>} : vector<32xi16> -> vector<16xi32>
      %gather3A = tpu.vector_load_idx %arg5[%unpack3A] : memref<16384xf32, #tpu.memory_space<vmem>>[vector<16xi32>], vector<16xf32>,
      %gather3A_526 = tpu.vector_load_idx %arg5[%unpack3A_525] : memref<16384xf32, #tpu.memory_space<vmem>>[vector<16xi32>], vector<16xf32>,
      %pack3A = tpu.pack_subelements %gather3A, %gather3A_526 {pack_format = #tpu.pack_format<interleaved>, positions = array<i32: 0, 1>} : vector<16xf32>, vector<16xf32> -> vector<32xbf16>
      %add3A_527 = arith.constant 0 : i32
      %add3A_528 = arith.addi %mul3A_519, %add3A_527 : i32
      %swap3A = arith.constant 0 : i32
      %swap3A_529 = arith.index_cast %swap3A : i32 to index
      %swap3A_530 = arith.index_cast %add3A_528 : i32 to index
      %swap3A_531 = tpu.vector_load %arg8[%swap3A_529, %swap3A_530] {strides = array<i32>} : memref<16x4096xbf16, #tpu.memory_space<vmem>>, vector<32xbf16>,
      tpu.vector_store %arg8[%swap3A_529, %swap3A_530], %pack3A {strides = array<i32>} : memref<16x4096xbf16, #tpu.memory_space<vmem>>, vector<32xbf16>,
      %add3A_532 = arith.constant 32 : i32
      %add3A_533 = arith.addi %mul3A_519, %add3A_532 : i32
      %get3A_534 = arith.constant 0 : i32
      %get3A_535 = arith.index_cast %get3A_534 : i32 to index
      %get3A_536 = arith.index_cast %add3A_533 : i32 to index
      %get3A_537 = tpu.vector_load %arg7[%get3A_535, %get3A_536] {strides = array<i32>} : memref<16x4096xi16, #tpu.memory_space<vmem>>, vector<32xi16>,
      %unpack3A_538 = tpu.unpack_subelements %get3A_537, 0 {pack_format = #tpu.pack_format<interleaved>} : vector<32xi16> -> vector<16xi32>
      %unpack3A_539 = tpu.unpack_subelements %get3A_537, 1 {pack_format = #tpu.pack_format<interleaved>} : vector<32xi16> -> vector<16xi32>
      %gather3A_540 = tpu.vector_load_idx %arg5[%unpack3A_538] : memref<16384xf32, #tpu.memory_space<vmem>>[vector<16xi32>], vector<16xf32>,
      %gather3A_541 = tpu.vector_load_idx %arg5[%unpack3A_539] : memref<16384xf32, #tpu.memory_space<vmem>>[vector<16xi32>], vector<16xf32>,
      %pack3A_542 = tpu.pack_subelements %gather3A_540, %gather3A_541 {pack_format = #tpu.pack_format<interleaved>, positions = array<i32: 0, 1>} : vector<16xf32>, vector<16xf32> -> vector<32xbf16>
      %add3A_543 = arith.constant 32 : i32
      %add3A_544 = arith.addi %mul3A_519, %add3A_543 : i32
      %swap3A_545 = arith.constant 0 : i32
      %swap3A_546 = arith.index_cast %swap3A_545 : i32 to index
      %swap3A_547 = arith.index_cast %add3A_544 : i32 to index
      %swap3A_548 = tpu.vector_load %arg8[%swap3A_546, %swap3A_547] {strides = array<i32>} : memref<16x4096xbf16, #tpu.memory_space<vmem>>, vector<32xbf16>,
      tpu.vector_store %arg8[%swap3A_546, %swap3A_547], %pack3A_542 {strides = array<i32>} : memref<16x4096xbf16, #tpu.memory_space<vmem>>, vector<32xbf16>,
      %scan3A_549 = arith.constant 0 : i32
      scf.yield %scan3A_549 : i32
    }
    %scan3A_52 = arith.constant 64 : i32
    %mul3A_53 = arith.constant 16 : i32
    %mul3A_54 = arith.muli %add3A, %mul3A_53 : i32
    %add3A_55 = arith.constant 0 : i32
    %add3A_56 = arith.addi %add3A_55, %mul3A_54 : i32
    %add3A_57 = arith.constant 2 : i32
    %add3A_58 = arith.addi %add3A_56, %add3A_57 : i32
    %dma_start3A_59 = arith.constant 0 : i32
    %dma_start3A_60 = tpu.memref_slice %arg2[%add3A_58, %dma_start3A_59] : memref<1024x16384xf32, #tpu.memory_space<hbm>> -> memref<1x16384xf32, #tpu.memory_space<hbm>>
    %dma_start3A_61 = tpu.memref_squeeze %dma_start3A_60 : memref<1x16384xf32, #tpu.memory_space<hbm>> -> memref<16384xf32, #tpu.memory_space<hbm>>
    %dma_start3A_62 = arith.constant 0 : i32
    %dma_start3A_63 = tpu.memref_slice %arg2[%add3A_58, %dma_start3A_62] : memref<1024x16384xf32, #tpu.memory_space<hbm>> -> memref<1x16384xf32, #tpu.memory_space<hbm>>
    %dma_start3A_64 = tpu.memref_squeeze %dma_start3A_63 : memref<1x16384xf32, #tpu.memory_space<hbm>> -> memref<16384xf32, #tpu.memory_space<hbm>>
    tpu.enqueue_dma source(%dma_start3A_64 : memref<16384xf32, #tpu.memory_space<hbm>>) target(%arg5 : memref<16384xf32, #tpu.memory_space<vmem>>) target_semaphore(%arg9 : memref<!tpu.dma_semaphore, #tpu.memory_space<semaphore_mem>>)
    %mul3A_65 = arith.constant 16 : i32
    %mul3A_66 = arith.muli %add3A, %mul3A_65 : i32
    %add3A_67 = arith.constant 0 : i32
    %add3A_68 = arith.addi %add3A_67, %mul3A_66 : i32
    %add3A_69 = arith.constant 1 : i32
    %add3A_70 = arith.addi %add3A_68, %add3A_69 : i32
    %dma_wait3A_71 = arith.constant 0 : i32
    %dma_wait3A_72 = tpu.memref_slice %arg2[%add3A_70, %dma_wait3A_71] : memref<1024x16384xf32, #tpu.memory_space<hbm>> -> memref<1x16384xf32, #tpu.memory_space<hbm>>
    %dma_wait3A_73 = tpu.memref_squeeze %dma_wait3A_72 : memref<1x16384xf32, #tpu.memory_space<hbm>> -> memref<16384xf32, #tpu.memory_space<hbm>>
    %dma_wait3A_74 = arith.constant 0 : i32
    %dma_wait3A_75 = tpu.memref_slice %arg2[%add3A_70, %dma_wait3A_74] : memref<1024x16384xf32, #tpu.memory_space<hbm>> -> memref<1x16384xf32, #tpu.memory_space<hbm>>
    %dma_wait3A_76 = tpu.memref_squeeze %dma_wait3A_75 : memref<1x16384xf32, #tpu.memory_space<hbm>> -> memref<16384xf32, #tpu.memory_space<hbm>>
    tpu.wait_dma2 semaphore(%arg10 : memref<!tpu.dma_semaphore, #tpu.memory_space<semaphore_mem>>) src(%dma_wait3A_76 : memref<16384xf32, #tpu.memory_space<hbm>>) dst(%arg6 : memref<16384xf32, #tpu.memory_space<vmem>>)
    %scan3A_77 = arith.constant 0 : i32
    %scan3A_78 = arith.constant 0 : i32
    %scan3A_79 = arith.constant 64 : i32
    %scan3A_80 = arith.addi %scan3A_78, %scan3A_79 : i32
    %scan3A_81 = arith.constant 1 : i32
    %scan3A_82 = scf.for %scan3A_516 = %scan3A_78 to %scan3A_80 step %scan3A_81 iter_args(%scan3A_517 = %scan3A_77) -> (i32)  : i32 {
      %mul3A_518 = arith.constant 64 : i32
      %mul3A_519 = arith.muli %scan3A_516, %mul3A_518 : i32
      %add3A_520 = arith.constant 0 : i32
      %add3A_521 = arith.addi %mul3A_519, %add3A_520 : i32
      %get3A = arith.constant 1 : i32
      %get3A_522 = arith.index_cast %get3A : i32 to index
      %get3A_523 = arith.index_cast %add3A_521 : i32 to index
      %get3A_524 = tpu.vector_load %arg7[%get3A_522, %get3A_523] {strides = array<i32>} : memref<16x4096xi16, #tpu.memory_space<vmem>>, vector<32xi16>,
      %unpack3A = tpu.unpack_subelements %get3A_524, 0 {pack_format = #tpu.pack_format<interleaved>} : vector<32xi16> -> vector<16xi32>
      %unpack3A_525 = tpu.unpack_subelements %get3A_524, 1 {pack_format = #tpu.pack_format<interleaved>} : vector<32xi16> -> vector<16xi32>
      %gather3A = tpu.vector_load_idx %arg6[%unpack3A] : memref<16384xf32, #tpu.memory_space<vmem>>[vector<16xi32>], vector<16xf32>,
      %gather3A_526 = tpu.vector_load_idx %arg6[%unpack3A_525] : memref<16384xf32, #tpu.memory_space<vmem>>[vector<16xi32>], vector<16xf32>,
      %pack3A = tpu.pack_subelements %gather3A, %gather3A_526 {pack_format = #tpu.pack_format<interleaved>, positions = array<i32: 0, 1>} : vector<16xf32>, vector<16xf32> -> vector<32xbf16>
      %add3A_527 = arith.constant 0 : i32
      %add3A_528 = arith.addi %mul3A_519, %add3A_527 : i32
      %swap3A = arith.constant 1 : i32
      %swap3A_529 = arith.index_cast %swap3A : i32 to index
      %swap3A_530 = arith.index_cast %add3A_528 : i32 to index
      %swap3A_531 = tpu.vector_load %arg8[%swap3A_529, %swap3A_530] {strides = array<i32>} : memref<16x4096xbf16, #tpu.memory_space<vmem>>, vector<32xbf16>,
      tpu.vector_store %arg8[%swap3A_529, %swap3A_530], %pack3A {strides = array<i32>} : memref<16x4096xbf16, #tpu.memory_space<vmem>>, vector<32xbf16>,
      %add3A_532 = arith.constant 32 : i32
      %add3A_533 = arith.addi %mul3A_519, %add3A_532 : i32
      %get3A_534 = arith.constant 1 : i32
      %get3A_535 = arith.index_cast %get3A_534 : i32 to index
      %get3A_536 = arith.index_cast %add3A_533 : i32 to index
      %get3A_537 = tpu.vector_load %arg7[%get3A_535, %get3A_536] {strides = array<i32>} : memref<16x4096xi16, #tpu.memory_space<vmem>>, vector<32xi16>,
      %unpack3A_538 = tpu.unpack_subelements %get3A_537, 0 {pack_format = #tpu.pack_format<interleaved>} : vector<32xi16> -> vector<16xi32>
      %unpack3A_539 = tpu.unpack_subelements %get3A_537, 1 {pack_format = #tpu.pack_format<interleaved>} : vector<32xi16> -> vector<16xi32>
      %gather3A_540 = tpu.vector_load_idx %arg6[%unpack3A_538] : memref<16384xf32, #tpu.memory_space<vmem>>[vector<16xi32>], vector<16xf32>,
      %gather3A_541 = tpu.vector_load_idx %arg6[%unpack3A_539] : memref<16384xf32, #tpu.memory_space<vmem>>[vector<16xi32>], vector<16xf32>,
      %pack3A_542 = tpu.pack_subelements %gather3A_540, %gather3A_541 {pack_format = #tpu.pack_format<interleaved>, positions = array<i32: 0, 1>} : vector<16xf32>, vector<16xf32> -> vector<32xbf16>
      %add3A_543 = arith.constant 32 : i32
      %add3A_544 = arith.addi %mul3A_519, %add3A_543 : i32
      %swap3A_545 = arith.constant 1 : i32
      %swap3A_546 = arith.index_cast %swap3A_545 : i32 to index
      %swap3A_547 = arith.index_cast %add3A_544 : i32 to index
      %swap3A_548 = tpu.vector_load %arg8[%swap3A_546, %swap3A_547] {strides = array<i32>} : memref<16x4096xbf16, #tpu.memory_space<vmem>>, vector<32xbf16>,
      tpu.vector_store %arg8[%swap3A_546, %swap3A_547], %pack3A_542 {strides = array<i32>} : memref<16x4096xbf16, #tpu.memory_space<vmem>>, vector<32xbf16>,
      %scan3A_549 = arith.constant 0 : i32
      scf.yield %scan3A_549 : i32
    }
    %scan3A_83 = arith.constant 64 : i32
    %mul3A_84 = arith.constant 16 : i32
    %mul3A_85 = arith.muli %add3A, %mul3A_84 : i32
    %add3A_86 = arith.constant 0 : i32
    %add3A_87 = arith.addi %add3A_86, %mul3A_85 : i32
    %add3A_88 = arith.constant 3 : i32
    %add3A_89 = arith.addi %add3A_87, %add3A_88 : i32
    %dma_start3A_90 = arith.constant 0 : i32
    %dma_start3A_91 = tpu.memref_slice %arg2[%add3A_89, %dma_start3A_90] : memref<1024x16384xf32, #tpu.memory_space<hbm>> -> memref<1x16384xf32, #tpu.memory_space<hbm>>
    %dma_start3A_92 = tpu.memref_squeeze %dma_start3A_91 : memref<1x16384xf32, #tpu.memory_space<hbm>> -> memref<16384xf32, #tpu.memory_space<hbm>>
    %dma_start3A_93 = arith.constant 0 : i32
    %dma_start3A_94 = tpu.memref_slice %arg2[%add3A_89, %dma_start3A_93] : memref<1024x16384xf32, #tpu.memory_space<hbm>> -> memref<1x16384xf32, #tpu.memory_space<hbm>>
    %dma_start3A_95 = tpu.memref_squeeze %dma_start3A_94 : memref<1x16384xf32, #tpu.memory_space<hbm>> -> memref<16384xf32, #tpu.memory_space<hbm>>
    tpu.enqueue_dma source(%dma_start3A_95 : memref<16384xf32, #tpu.memory_space<hbm>>) target(%arg6 : memref<16384xf32, #tpu.memory_space<vmem>>) target_semaphore(%arg10 : memref<!tpu.dma_semaphore, #tpu.memory_space<semaphore_mem>>)
    %mul3A_96 = arith.constant 16 : i32
    %mul3A_97 = arith.muli %add3A, %mul3A_96 : i32
    %add3A_98 = arith.constant 0 : i32
    %add3A_99 = arith.addi %add3A_98, %mul3A_97 : i32
    %add3A_100 = arith.constant 2 : i32
    %add3A_101 = arith.addi %add3A_99, %add3A_100 : i32
    %dma_wait3A_102 = arith.constant 0 : i32
    %dma_wait3A_103 = tpu.memref_slice %arg2[%add3A_101, %dma_wait3A_102] : memref<1024x16384xf32, #tpu.memory_space<hbm>> -> memref<1x16384xf32, #tpu.memory_space<hbm>>
    %dma_wait3A_104 = tpu.memref_squeeze %dma_wait3A_103 : memref<1x16384xf32, #tpu.memory_space<hbm>> -> memref<16384xf32, #tpu.memory_space<hbm>>
    %dma_wait3A_105 = arith.constant 0 : i32
    %dma_wait3A_106 = tpu.memref_slice %arg2[%add3A_101, %dma_wait3A_105] : memref<1024x16384xf32, #tpu.memory_space<hbm>> -> memref<1x16384xf32, #tpu.memory_space<hbm>>
    %dma_wait3A_107 = tpu.memref_squeeze %dma_wait3A_106 : memref<1x16384xf32, #tpu.memory_space<hbm>> -> memref<16384xf32, #tpu.memory_space<hbm>>
    tpu.wait_dma2 semaphore(%arg9 : memref<!tpu.dma_semaphore, #tpu.memory_space<semaphore_mem>>) src(%dma_wait3A_107 : memref<16384xf32, #tpu.memory_space<hbm>>) dst(%arg5 : memref<16384xf32, #tpu.memory_space<vmem>>)
    %scan3A_108 = arith.constant 0 : i32
    %scan3A_109 = arith.constant 0 : i32
    %scan3A_110 = arith.constant 64 : i32
    %scan3A_111 = arith.addi %scan3A_109, %scan3A_110 : i32
    %scan3A_112 = arith.constant 1 : i32
    %scan3A_113 = scf.for %scan3A_516 = %scan3A_109 to %scan3A_111 step %scan3A_112 iter_args(%scan3A_517 = %scan3A_108) -> (i32)  : i32 {
      %mul3A_518 = arith.constant 64 : i32
      %mul3A_519 = arith.muli %scan3A_516, %mul3A_518 : i32
      %add3A_520 = arith.constant 0 : i32
      %add3A_521 = arith.addi %mul3A_519, %add3A_520 : i32
      %get3A = arith.constant 2 : i32
      %get3A_522 = arith.index_cast %get3A : i32 to index
      %get3A_523 = arith.index_cast %add3A_521 : i32 to index
      %get3A_524 = tpu.vector_load %arg7[%get3A_522, %get3A_523] {strides = array<i32>} : memref<16x4096xi16, #tpu.memory_space<vmem>>, vector<32xi16>,
      %unpack3A = tpu.unpack_subelements %get3A_524, 0 {pack_format = #tpu.pack_format<interleaved>} : vector<32xi16> -> vector<16xi32>
      %unpack3A_525 = tpu.unpack_subelements %get3A_524, 1 {pack_format = #tpu.pack_format<interleaved>} : vector<32xi16> -> vector<16xi32>
      %gather3A = tpu.vector_load_idx %arg5[%unpack3A] : memref<16384xf32, #tpu.memory_space<vmem>>[vector<16xi32>], vector<16xf32>,
      %gather3A_526 = tpu.vector_load_idx %arg5[%unpack3A_525] : memref<16384xf32, #tpu.memory_space<vmem>>[vector<16xi32>], vector<16xf32>,
      %pack3A = tpu.pack_subelements %gather3A, %gather3A_526 {pack_format = #tpu.pack_format<interleaved>, positions = array<i32: 0, 1>} : vector<16xf32>, vector<16xf32> -> vector<32xbf16>
      %add3A_527 = arith.constant 0 : i32
      %add3A_528 = arith.addi %mul3A_519, %add3A_527 : i32
      %swap3A = arith.constant 2 : i32
      %swap3A_529 = arith.index_cast %swap3A : i32 to index
      %swap3A_530 = arith.index_cast %add3A_528 : i32 to index
      %swap3A_531 = tpu.vector_load %arg8[%swap3A_529, %swap3A_530] {strides = array<i32>} : memref<16x4096xbf16, #tpu.memory_space<vmem>>, vector<32xbf16>,
      tpu.vector_store %arg8[%swap3A_529, %swap3A_530], %pack3A {strides = array<i32>} : memref<16x4096xbf16, #tpu.memory_space<vmem>>, vector<32xbf16>,
      %add3A_532 = arith.constant 32 : i32
      %add3A_533 = arith.addi %mul3A_519, %add3A_532 : i32
      %get3A_534 = arith.constant 2 : i32
      %get3A_535 = arith.index_cast %get3A_534 : i32 to index
      %get3A_536 = arith.index_cast %add3A_533 : i32 to index
      %get3A_537 = tpu.vector_load %arg7[%get3A_535, %get3A_536] {strides = array<i32>} : memref<16x4096xi16, #tpu.memory_space<vmem>>, vector<32xi16>,
      %unpack3A_538 = tpu.unpack_subelements %get3A_537, 0 {pack_format = #tpu.pack_format<interleaved>} : vector<32xi16> -> vector<16xi32>
      %unpack3A_539 = tpu.unpack_subelements %get3A_537, 1 {pack_format = #tpu.pack_format<interleaved>} : vector<32xi16> -> vector<16xi32>
      %gather3A_540 = tpu.vector_load_idx %arg5[%unpack3A_538] : memref<16384xf32, #tpu.memory_space<vmem>>[vector<16xi32>], vector<16xf32>,
      %gather3A_541 = tpu.vector_load_idx %arg5[%unpack3A_539] : memref<16384xf32, #tpu.memory_space<vmem>>[vector<16xi32>], vector<16xf32>,
      %pack3A_542 = tpu.pack_subelements %gather3A_540, %gather3A_541 {pack_format = #tpu.pack_format<interleaved>, positions = array<i32: 0, 1>} : vector<16xf32>, vector<16xf32> -> vector<32xbf16>
      %add3A_543 = arith.constant 32 : i32
      %add3A_544 = arith.addi %mul3A_519, %add3A_543 : i32
      %swap3A_545 = arith.constant 2 : i32
      %swap3A_546 = arith.index_cast %swap3A_545 : i32 to index
      %swap3A_547 = arith.index_cast %add3A_544 : i32 to index
      %swap3A_548 = tpu.vector_load %arg8[%swap3A_546, %swap3A_547] {strides = array<i32>} : memref<16x4096xbf16, #tpu.memory_space<vmem>>, vector<32xbf16>,
      tpu.vector_store %arg8[%swap3A_546, %swap3A_547], %pack3A_542 {strides = array<i32>} : memref<16x4096xbf16, #tpu.memory_space<vmem>>, vector<32xbf16>,
      %scan3A_549 = arith.constant 0 : i32
      scf.yield %scan3A_549 : i32
    }
    %scan3A_114 = arith.constant 64 : i32
    %mul3A_115 = arith.constant 16 : i32
    %mul3A_116 = arith.muli %add3A, %mul3A_115 : i32
    %add3A_117 = arith.constant 0 : i32
    %add3A_118 = arith.addi %add3A_117, %mul3A_116 : i32
    %add3A_119 = arith.constant 4 : i32
    %add3A_120 = arith.addi %add3A_118, %add3A_119 : i32
    %dma_start3A_121 = arith.constant 0 : i32
    %dma_start3A_122 = tpu.memref_slice %arg2[%add3A_120, %dma_start3A_121] : memref<1024x16384xf32, #tpu.memory_space<hbm>> -> memref<1x16384xf32, #tpu.memory_space<hbm>>
    %dma_start3A_123 = tpu.memref_squeeze %dma_start3A_122 : memref<1x16384xf32, #tpu.memory_space<hbm>> -> memref<16384xf32, #tpu.memory_space<hbm>>
    %dma_start3A_124 = arith.constant 0 : i32
    %dma_start3A_125 = tpu.memref_slice %arg2[%add3A_120, %dma_start3A_124] : memref<1024x16384xf32, #tpu.memory_space<hbm>> -> memref<1x16384xf32, #tpu.memory_space<hbm>>
    %dma_start3A_126 = tpu.memref_squeeze %dma_start3A_125 : memref<1x16384xf32, #tpu.memory_space<hbm>> -> memref<16384xf32, #tpu.memory_space<hbm>>
    tpu.enqueue_dma source(%dma_start3A_126 : memref<16384xf32, #tpu.memory_space<hbm>>) target(%arg5 : memref<16384xf32, #tpu.memory_space<vmem>>) target_semaphore(%arg9 : memref<!tpu.dma_semaphore, #tpu.memory_space<semaphore_mem>>)
    %mul3A_127 = arith.constant 16 : i32
    %mul3A_128 = arith.muli %add3A, %mul3A_127 : i32
    %add3A_129 = arith.constant 0 : i32
    %add3A_130 = arith.addi %add3A_129, %mul3A_128 : i32
    %add3A_131 = arith.constant 3 : i32
    %add3A_132 = arith.addi %add3A_130, %add3A_131 : i32
    %dma_wait3A_133 = arith.constant 0 : i32
    %dma_wait3A_134 = tpu.memref_slice %arg2[%add3A_132, %dma_wait3A_133] : memref<1024x16384xf32, #tpu.memory_space<hbm>> -> memref<1x16384xf32, #tpu.memory_space<hbm>>
    %dma_wait3A_135 = tpu.memref_squeeze %dma_wait3A_134 : memref<1x16384xf32, #tpu.memory_space<hbm>> -> memref<16384xf32, #tpu.memory_space<hbm>>
    %dma_wait3A_136 = arith.constant 0 : i32
    %dma_wait3A_137 = tpu.memref_slice %arg2[%add3A_132, %dma_wait3A_136] : memref<1024x16384xf32, #tpu.memory_space<hbm>> -> memref<1x16384xf32, #tpu.memory_space<hbm>>
    %dma_wait3A_138 = tpu.memref_squeeze %dma_wait3A_137 : memref<1x16384xf32, #tpu.memory_space<hbm>> -> memref<16384xf32, #tpu.memory_space<hbm>>
    tpu.wait_dma2 semaphore(%arg10 : memref<!tpu.dma_semaphore, #tpu.memory_space<semaphore_mem>>) src(%dma_wait3A_138 : memref<16384xf32, #tpu.memory_space<hbm>>) dst(%arg6 : memref<16384xf32, #tpu.memory_space<vmem>>)
    %scan3A_139 = arith.constant 0 : i32
    %scan3A_140 = arith.constant 0 : i32
    %scan3A_141 = arith.constant 64 : i32
    %scan3A_142 = arith.addi %scan3A_140, %scan3A_141 : i32
    %scan3A_143 = arith.constant 1 : i32
    %scan3A_144 = scf.for %scan3A_516 = %scan3A_140 to %scan3A_142 step %scan3A_143 iter_args(%scan3A_517 = %scan3A_139) -> (i32)  : i32 {
      %mul3A_518 = arith.constant 64 : i32
      %mul3A_519 = arith.muli %scan3A_516, %mul3A_518 : i32
      %add3A_520 = arith.constant 0 : i32
      %add3A_521 = arith.addi %mul3A_519, %add3A_520 : i32
      %get3A = arith.constant 3 : i32
      %get3A_522 = arith.index_cast %get3A : i32 to index
      %get3A_523 = arith.index_cast %add3A_521 : i32 to index
      %get3A_524 = tpu.vector_load %arg7[%get3A_522, %get3A_523] {strides = array<i32>} : memref<16x4096xi16, #tpu.memory_space<vmem>>, vector<32xi16>,
      %unpack3A = tpu.unpack_subelements %get3A_524, 0 {pack_format = #tpu.pack_format<interleaved>} : vector<32xi16> -> vector<16xi32>
      %unpack3A_525 = tpu.unpack_subelements %get3A_524, 1 {pack_format = #tpu.pack_format<interleaved>} : vector<32xi16> -> vector<16xi32>
      %gather3A = tpu.vector_load_idx %arg6[%unpack3A] : memref<16384xf32, #tpu.memory_space<vmem>>[vector<16xi32>], vector<16xf32>,
      %gather3A_526 = tpu.vector_load_idx %arg6[%unpack3A_525] : memref<16384xf32, #tpu.memory_space<vmem>>[vector<16xi32>], vector<16xf32>,
      %pack3A = tpu.pack_subelements %gather3A, %gather3A_526 {pack_format = #tpu.pack_format<interleaved>, positions = array<i32: 0, 1>} : vector<16xf32>, vector<16xf32> -> vector<32xbf16>
      %add3A_527 = arith.constant 0 : i32
      %add3A_528 = arith.addi %mul3A_519, %add3A_527 : i32
      %swap3A = arith.constant 3 : i32
      %swap3A_529 = arith.index_cast %swap3A : i32 to index
      %swap3A_530 = arith.index_cast %add3A_528 : i32 to index
      %swap3A_531 = tpu.vector_load %arg8[%swap3A_529, %swap3A_530] {strides = array<i32>} : memref<16x4096xbf16, #tpu.memory_space<vmem>>, vector<32xbf16>,
      tpu.vector_store %arg8[%swap3A_529, %swap3A_530], %pack3A {strides = array<i32>} : memref<16x4096xbf16, #tpu.memory_space<vmem>>, vector<32xbf16>,
      %add3A_532 = arith.constant 32 : i32
      %add3A_533 = arith.addi %mul3A_519, %add3A_532 : i32
      %get3A_534 = arith.constant 3 : i32
      %get3A_535 = arith.index_cast %get3A_534 : i32 to index
      %get3A_536 = arith.index_cast %add3A_533 : i32 to index
      %get3A_537 = tpu.vector_load %arg7[%get3A_535, %get3A_536] {strides = array<i32>} : memref<16x4096xi16, #tpu.memory_space<vmem>>, vector<32xi16>,
      %unpack3A_538 = tpu.unpack_subelements %get3A_537, 0 {pack_format = #tpu.pack_format<interleaved>} : vector<32xi16> -> vector<16xi32>
      %unpack3A_539 = tpu.unpack_subelements %get3A_537, 1 {pack_format = #tpu.pack_format<interleaved>} : vector<32xi16> -> vector<16xi32>
      %gather3A_540 = tpu.vector_load_idx %arg6[%unpack3A_538] : memref<16384xf32, #tpu.memory_space<vmem>>[vector<16xi32>], vector<16xf32>,
      %gather3A_541 = tpu.vector_load_idx %arg6[%unpack3A_539] : memref<16384xf32, #tpu.memory_space<vmem>>[vector<16xi32>], vector<16xf32>,
      %pack3A_542 = tpu.pack_subelements %gather3A_540, %gather3A_541 {pack_format = #tpu.pack_format<interleaved>, positions = array<i32: 0, 1>} : vector<16xf32>, vector<16xf32> -> vector<32xbf16>
      %add3A_543 = arith.constant 32 : i32
      %add3A_544 = arith.addi %mul3A_519, %add3A_543 : i32
      %swap3A_545 = arith.constant 3 : i32
      %swap3A_546 = arith.index_cast %swap3A_545 : i32 to index
      %swap3A_547 = arith.index_cast %add3A_544 : i32 to index
      %swap3A_548 = tpu.vector_load %arg8[%swap3A_546, %swap3A_547] {strides = array<i32>} : memref<16x4096xbf16, #tpu.memory_space<vmem>>, vector<32xbf16>,
      tpu.vector_store %arg8[%swap3A_546, %swap3A_547], %pack3A_542 {strides = array<i32>} : memref<16x4096xbf16, #tpu.memory_space<vmem>>, vector<32xbf16>,
      %scan3A_549 = arith.constant 0 : i32
      scf.yield %scan3A_549 : i32
    }
    %scan3A_145 = arith.constant 64 : i32
    %mul3A_146 = arith.constant 16 : i32
    %mul3A_147 = arith.muli %add3A, %mul3A_146 : i32
    %add3A_148 = arith.constant 0 : i32
    %add3A_149 = arith.addi %add3A_148, %mul3A_147 : i32
    %add3A_150 = arith.constant 5 : i32
    %add3A_151 = arith.addi %add3A_149, %add3A_150 : i32
    %dma_start3A_152 = arith.constant 0 : i32
    %dma_start3A_153 = tpu.memref_slice %arg2[%add3A_151, %dma_start3A_152] : memref<1024x16384xf32, #tpu.memory_space<hbm>> -> memref<1x16384xf32, #tpu.memory_space<hbm>>
    %dma_start3A_154 = tpu.memref_squeeze %dma_start3A_153 : memref<1x16384xf32, #tpu.memory_space<hbm>> -> memref<16384xf32, #tpu.memory_space<hbm>>
    %dma_start3A_155 = arith.constant 0 : i32
    %dma_start3A_156 = tpu.memref_slice %arg2[%add3A_151, %dma_start3A_155] : memref<1024x16384xf32, #tpu.memory_space<hbm>> -> memref<1x16384xf32, #tpu.memory_space<hbm>>
    %dma_start3A_157 = tpu.memref_squeeze %dma_start3A_156 : memref<1x16384xf32, #tpu.memory_space<hbm>> -> memref<16384xf32, #tpu.memory_space<hbm>>
    tpu.enqueue_dma source(%dma_start3A_157 : memref<16384xf32, #tpu.memory_space<hbm>>) target(%arg6 : memref<16384xf32, #tpu.memory_space<vmem>>) target_semaphore(%arg10 : memref<!tpu.dma_semaphore, #tpu.memory_space<semaphore_mem>>)
    %mul3A_158 = arith.constant 16 : i32
    %mul3A_159 = arith.muli %add3A, %mul3A_158 : i32
    %add3A_160 = arith.constant 0 : i32
    %add3A_161 = arith.addi %add3A_160, %mul3A_159 : i32
    %add3A_162 = arith.constant 4 : i32
    %add3A_163 = arith.addi %add3A_161, %add3A_162 : i32
    %dma_wait3A_164 = arith.constant 0 : i32
    %dma_wait3A_165 = tpu.memref_slice %arg2[%add3A_163, %dma_wait3A_164] : memref<1024x16384xf32, #tpu.memory_space<hbm>> -> memref<1x16384xf32, #tpu.memory_space<hbm>>
    %dma_wait3A_166 = tpu.memref_squeeze %dma_wait3A_165 : memref<1x16384xf32, #tpu.memory_space<hbm>> -> memref<16384xf32, #tpu.memory_space<hbm>>
    %dma_wait3A_167 = arith.constant 0 : i32
    %dma_wait3A_168 = tpu.memref_slice %arg2[%add3A_163, %dma_wait3A_167] : memref<1024x16384xf32, #tpu.memory_space<hbm>> -> memref<1x16384xf32, #tpu.memory_space<hbm>>
    %dma_wait3A_169 = tpu.memref_squeeze %dma_wait3A_168 : memref<1x16384xf32, #tpu.memory_space<hbm>> -> memref<16384xf32, #tpu.memory_space<hbm>>
    tpu.wait_dma2 semaphore(%arg9 : memref<!tpu.dma_semaphore, #tpu.memory_space<semaphore_mem>>) src(%dma_wait3A_169 : memref<16384xf32, #tpu.memory_space<hbm>>) dst(%arg5 : memref<16384xf32, #tpu.memory_space<vmem>>)
    %scan3A_170 = arith.constant 0 : i32
    %scan3A_171 = arith.constant 0 : i32
    %scan3A_172 = arith.constant 64 : i32
    %scan3A_173 = arith.addi %scan3A_171, %scan3A_172 : i32
    %scan3A_174 = arith.constant 1 : i32
    %scan3A_175 = scf.for %scan3A_516 = %scan3A_171 to %scan3A_173 step %scan3A_174 iter_args(%scan3A_517 = %scan3A_170) -> (i32)  : i32 {
      %mul3A_518 = arith.constant 64 : i32
      %mul3A_519 = arith.muli %scan3A_516, %mul3A_518 : i32
      %add3A_520 = arith.constant 0 : i32
      %add3A_521 = arith.addi %mul3A_519, %add3A_520 : i32
      %get3A = arith.constant 4 : i32
      %get3A_522 = arith.index_cast %get3A : i32 to index
      %get3A_523 = arith.index_cast %add3A_521 : i32 to index
      %get3A_524 = tpu.vector_load %arg7[%get3A_522, %get3A_523] {strides = array<i32>} : memref<16x4096xi16, #tpu.memory_space<vmem>>, vector<32xi16>,
      %unpack3A = tpu.unpack_subelements %get3A_524, 0 {pack_format = #tpu.pack_format<interleaved>} : vector<32xi16> -> vector<16xi32>
      %unpack3A_525 = tpu.unpack_subelements %get3A_524, 1 {pack_format = #tpu.pack_format<interleaved>} : vector<32xi16> -> vector<16xi32>
      %gather3A = tpu.vector_load_idx %arg5[%unpack3A] : memref<16384xf32, #tpu.memory_space<vmem>>[vector<16xi32>], vector<16xf32>,
      %gather3A_526 = tpu.vector_load_idx %arg5[%unpack3A_525] : memref<16384xf32, #tpu.memory_space<vmem>>[vector<16xi32>], vector<16xf32>,
      %pack3A = tpu.pack_subelements %gather3A, %gather3A_526 {pack_format = #tpu.pack_format<interleaved>, positions = array<i32: 0, 1>} : vector<16xf32>, vector<16xf32> -> vector<32xbf16>
      %add3A_527 = arith.constant 0 : i32
      %add3A_528 = arith.addi %mul3A_519, %add3A_527 : i32
      %swap3A = arith.constant 4 : i32
      %swap3A_529 = arith.index_cast %swap3A : i32 to index
      %swap3A_530 = arith.index_cast %add3A_528 : i32 to index
      %swap3A_531 = tpu.vector_load %arg8[%swap3A_529, %swap3A_530] {strides = array<i32>} : memref<16x4096xbf16, #tpu.memory_space<vmem>>, vector<32xbf16>,
      tpu.vector_store %arg8[%swap3A_529, %swap3A_530], %pack3A {strides = array<i32>} : memref<16x4096xbf16, #tpu.memory_space<vmem>>, vector<32xbf16>,
      %add3A_532 = arith.constant 32 : i32
      %add3A_533 = arith.addi %mul3A_519, %add3A_532 : i32
      %get3A_534 = arith.constant 4 : i32
      %get3A_535 = arith.index_cast %get3A_534 : i32 to index
      %get3A_536 = arith.index_cast %add3A_533 : i32 to index
      %get3A_537 = tpu.vector_load %arg7[%get3A_535, %get3A_536] {strides = array<i32>} : memref<16x4096xi16, #tpu.memory_space<vmem>>, vector<32xi16>,
      %unpack3A_538 = tpu.unpack_subelements %get3A_537, 0 {pack_format = #tpu.pack_format<interleaved>} : vector<32xi16> -> vector<16xi32>
      %unpack3A_539 = tpu.unpack_subelements %get3A_537, 1 {pack_format = #tpu.pack_format<interleaved>} : vector<32xi16> -> vector<16xi32>
      %gather3A_540 = tpu.vector_load_idx %arg5[%unpack3A_538] : memref<16384xf32, #tpu.memory_space<vmem>>[vector<16xi32>], vector<16xf32>,
      %gather3A_541 = tpu.vector_load_idx %arg5[%unpack3A_539] : memref<16384xf32, #tpu.memory_space<vmem>>[vector<16xi32>], vector<16xf32>,
      %pack3A_542 = tpu.pack_subelements %gather3A_540, %gather3A_541 {pack_format = #tpu.pack_format<interleaved>, positions = array<i32: 0, 1>} : vector<16xf32>, vector<16xf32> -> vector<32xbf16>
      %add3A_543 = arith.constant 32 : i32
      %add3A_544 = arith.addi %mul3A_519, %add3A_543 : i32
      %swap3A_545 = arith.constant 4 : i32
      %swap3A_546 = arith.index_cast %swap3A_545 : i32 to index
      %swap3A_547 = arith.index_cast %add3A_544 : i32 to index
      %swap3A_548 = tpu.vector_load %arg8[%swap3A_546, %swap3A_547] {strides = array<i32>} : memref<16x4096xbf16, #tpu.memory_space<vmem>>, vector<32xbf16>,
      tpu.vector_store %arg8[%swap3A_546, %swap3A_547], %pack3A_542 {strides = array<i32>} : memref<16x4096xbf16, #tpu.memory_space<vmem>>, vector<32xbf16>,
      %scan3A_549 = arith.constant 0 : i32
      scf.yield %scan3A_549 : i32
    }
    %scan3A_176 = arith.constant 64 : i32
    %mul3A_177 = arith.constant 16 : i32
    %mul3A_178 = arith.muli %add3A, %mul3A_177 : i32
    %add3A_179 = arith.constant 0 : i32
    %add3A_180 = arith.addi %add3A_179, %mul3A_178 : i32
    %add3A_181 = arith.constant 6 : i32
    %add3A_182 = arith.addi %add3A_180, %add3A_181 : i32
    %dma_start3A_183 = arith.constant 0 : i32
    %dma_start3A_184 = tpu.memref_slice %arg2[%add3A_182, %dma_start3A_183] : memref<1024x16384xf32, #tpu.memory_space<hbm>> -> memref<1x16384xf32, #tpu.memory_space<hbm>>
    %dma_start3A_185 = tpu.memref_squeeze %dma_start3A_184 : memref<1x16384xf32, #tpu.memory_space<hbm>> -> memref<16384xf32, #tpu.memory_space<hbm>>
    %dma_start3A_186 = arith.constant 0 : i32
    %dma_start3A_187 = tpu.memref_slice %arg2[%add3A_182, %dma_start3A_186] : memref<1024x16384xf32, #tpu.memory_space<hbm>> -> memref<1x16384xf32, #tpu.memory_space<hbm>>
    %dma_start3A_188 = tpu.memref_squeeze %dma_start3A_187 : memref<1x16384xf32, #tpu.memory_space<hbm>> -> memref<16384xf32, #tpu.memory_space<hbm>>
    tpu.enqueue_dma source(%dma_start3A_188 : memref<16384xf32, #tpu.memory_space<hbm>>) target(%arg5 : memref<16384xf32, #tpu.memory_space<vmem>>) target_semaphore(%arg9 : memref<!tpu.dma_semaphore, #tpu.memory_space<semaphore_mem>>)
    %mul3A_189 = arith.constant 16 : i32
    %mul3A_190 = arith.muli %add3A, %mul3A_189 : i32
    %add3A_191 = arith.constant 0 : i32
    %add3A_192 = arith.addi %add3A_191, %mul3A_190 : i32
    %add3A_193 = arith.constant 5 : i32
    %add3A_194 = arith.addi %add3A_192, %add3A_193 : i32
    %dma_wait3A_195 = arith.constant 0 : i32
    %dma_wait3A_196 = tpu.memref_slice %arg2[%add3A_194, %dma_wait3A_195] : memref<1024x16384xf32, #tpu.memory_space<hbm>> -> memref<1x16384xf32, #tpu.memory_space<hbm>>
    %dma_wait3A_197 = tpu.memref_squeeze %dma_wait3A_196 : memref<1x16384xf32, #tpu.memory_space<hbm>> -> memref<16384xf32, #tpu.memory_space<hbm>>
    %dma_wait3A_198 = arith.constant 0 : i32
    %dma_wait3A_199 = tpu.memref_slice %arg2[%add3A_194, %dma_wait3A_198] : memref<1024x16384xf32, #tpu.memory_space<hbm>> -> memref<1x16384xf32, #tpu.memory_space<hbm>>
    %dma_wait3A_200 = tpu.memref_squeeze %dma_wait3A_199 : memref<1x16384xf32, #tpu.memory_space<hbm>> -> memref<16384xf32, #tpu.memory_space<hbm>>
    tpu.wait_dma2 semaphore(%arg10 : memref<!tpu.dma_semaphore, #tpu.memory_space<semaphore_mem>>) src(%dma_wait3A_200 : memref<16384xf32, #tpu.memory_space<hbm>>) dst(%arg6 : memref<16384xf32, #tpu.memory_space<vmem>>)
    %scan3A_201 = arith.constant 0 : i32
    %scan3A_202 = arith.constant 0 : i32
    %scan3A_203 = arith.constant 64 : i32
    %scan3A_204 = arith.addi %scan3A_202, %scan3A_203 : i32
    %scan3A_205 = arith.constant 1 : i32
    %scan3A_206 = scf.for %scan3A_516 = %scan3A_202 to %scan3A_204 step %scan3A_205 iter_args(%scan3A_517 = %scan3A_201) -> (i32)  : i32 {
      %mul3A_518 = arith.constant 64 : i32
      %mul3A_519 = arith.muli %scan3A_516, %mul3A_518 : i32
      %add3A_520 = arith.constant 0 : i32
      %add3A_521 = arith.addi %mul3A_519, %add3A_520 : i32
      %get3A = arith.constant 5 : i32
      %get3A_522 = arith.index_cast %get3A : i32 to index
      %get3A_523 = arith.index_cast %add3A_521 : i32 to index
      %get3A_524 = tpu.vector_load %arg7[%get3A_522, %get3A_523] {strides = array<i32>} : memref<16x4096xi16, #tpu.memory_space<vmem>>, vector<32xi16>,
      %unpack3A = tpu.unpack_subelements %get3A_524, 0 {pack_format = #tpu.pack_format<interleaved>} : vector<32xi16> -> vector<16xi32>
      %unpack3A_525 = tpu.unpack_subelements %get3A_524, 1 {pack_format = #tpu.pack_format<interleaved>} : vector<32xi16> -> vector<16xi32>
      %gather3A = tpu.vector_load_idx %arg6[%unpack3A] : memref<16384xf32, #tpu.memory_space<vmem>>[vector<16xi32>], vector<16xf32>,
      %gather3A_526 = tpu.vector_load_idx %arg6[%unpack3A_525] : memref<16384xf32, #tpu.memory_space<vmem>>[vector<16xi32>], vector<16xf32>,
      %pack3A = tpu.pack_subelements %gather3A, %gather3A_526 {pack_format = #tpu.pack_format<interleaved>, positions = array<i32: 0, 1>} : vector<16xf32>, vector<16xf32> -> vector<32xbf16>
      %add3A_527 = arith.constant 0 : i32
      %add3A_528 = arith.addi %mul3A_519, %add3A_527 : i32
      %swap3A = arith.constant 5 : i32
      %swap3A_529 = arith.index_cast %swap3A : i32 to index
      %swap3A_530 = arith.index_cast %add3A_528 : i32 to index
      %swap3A_531 = tpu.vector_load %arg8[%swap3A_529, %swap3A_530] {strides = array<i32>} : memref<16x4096xbf16, #tpu.memory_space<vmem>>, vector<32xbf16>,
      tpu.vector_store %arg8[%swap3A_529, %swap3A_530], %pack3A {strides = array<i32>} : memref<16x4096xbf16, #tpu.memory_space<vmem>>, vector<32xbf16>,
      %add3A_532 = arith.constant 32 : i32
      %add3A_533 = arith.addi %mul3A_519, %add3A_532 : i32
      %get3A_534 = arith.constant 5 : i32
      %get3A_535 = arith.index_cast %get3A_534 : i32 to index
      %get3A_536 = arith.index_cast %add3A_533 : i32 to index
      %get3A_537 = tpu.vector_load %arg7[%get3A_535, %get3A_536] {strides = array<i32>} : memref<16x4096xi16, #tpu.memory_space<vmem>>, vector<32xi16>,
      %unpack3A_538 = tpu.unpack_subelements %get3A_537, 0 {pack_format = #tpu.pack_format<interleaved>} : vector<32xi16> -> vector<16xi32>
      %unpack3A_539 = tpu.unpack_subelements %get3A_537, 1 {pack_format = #tpu.pack_format<interleaved>} : vector<32xi16> -> vector<16xi32>
      %gather3A_540 = tpu.vector_load_idx %arg6[%unpack3A_538] : memref<16384xf32, #tpu.memory_space<vmem>>[vector<16xi32>], vector<16xf32>,
      %gather3A_541 = tpu.vector_load_idx %arg6[%unpack3A_539] : memref<16384xf32, #tpu.memory_space<vmem>>[vector<16xi32>], vector<16xf32>,
      %pack3A_542 = tpu.pack_subelements %gather3A_540, %gather3A_541 {pack_format = #tpu.pack_format<interleaved>, positions = array<i32: 0, 1>} : vector<16xf32>, vector<16xf32> -> vector<32xbf16>
      %add3A_543 = arith.constant 32 : i32
      %add3A_544 = arith.addi %mul3A_519, %add3A_543 : i32
      %swap3A_545 = arith.constant 5 : i32
      %swap3A_546 = arith.index_cast %swap3A_545 : i32 to index
      %swap3A_547 = arith.index_cast %add3A_544 : i32 to index
      %swap3A_548 = tpu.vector_load %arg8[%swap3A_546, %swap3A_547] {strides = array<i32>} : memref<16x4096xbf16, #tpu.memory_space<vmem>>, vector<32xbf16>,
      tpu.vector_store %arg8[%swap3A_546, %swap3A_547], %pack3A_542 {strides = array<i32>} : memref<16x4096xbf16, #tpu.memory_space<vmem>>, vector<32xbf16>,
      %scan3A_549 = arith.constant 0 : i32
      scf.yield %scan3A_549 : i32
    }
    %scan3A_207 = arith.constant 64 : i32
    %mul3A_208 = arith.constant 16 : i32
    %mul3A_209 = arith.muli %add3A, %mul3A_208 : i32
    %add3A_210 = arith.constant 0 : i32
    %add3A_211 = arith.addi %add3A_210, %mul3A_209 : i32
    %add3A_212 = arith.constant 7 : i32
    %add3A_213 = arith.addi %add3A_211, %add3A_212 : i32
    %dma_start3A_214 = arith.constant 0 : i32
    %dma_start3A_215 = tpu.memref_slice %arg2[%add3A_213, %dma_start3A_214] : memref<1024x16384xf32, #tpu.memory_space<hbm>> -> memref<1x16384xf32, #tpu.memory_space<hbm>>
    %dma_start3A_216 = tpu.memref_squeeze %dma_start3A_215 : memref<1x16384xf32, #tpu.memory_space<hbm>> -> memref<16384xf32, #tpu.memory_space<hbm>>
    %dma_start3A_217 = arith.constant 0 : i32
    %dma_start3A_218 = tpu.memref_slice %arg2[%add3A_213, %dma_start3A_217] : memref<1024x16384xf32, #tpu.memory_space<hbm>> -> memref<1x16384xf32, #tpu.memory_space<hbm>>
    %dma_start3A_219 = tpu.memref_squeeze %dma_start3A_218 : memref<1x16384xf32, #tpu.memory_space<hbm>> -> memref<16384xf32, #tpu.memory_space<hbm>>
    tpu.enqueue_dma source(%dma_start3A_219 : memref<16384xf32, #tpu.memory_space<hbm>>) target(%arg6 : memref<16384xf32, #tpu.memory_space<vmem>>) target_semaphore(%arg10 : memref<!tpu.dma_semaphore, #tpu.memory_space<semaphore_mem>>)
    %mul3A_220 = arith.constant 16 : i32
    %mul3A_221 = arith.muli %add3A, %mul3A_220 : i32
    %add3A_222 = arith.constant 0 : i32
    %add3A_223 = arith.addi %add3A_222, %mul3A_221 : i32
    %add3A_224 = arith.constant 6 : i32
    %add3A_225 = arith.addi %add3A_223, %add3A_224 : i32
    %dma_wait3A_226 = arith.constant 0 : i32
    %dma_wait3A_227 = tpu.memref_slice %arg2[%add3A_225, %dma_wait3A_226] : memref<1024x16384xf32, #tpu.memory_space<hbm>> -> memref<1x16384xf32, #tpu.memory_space<hbm>>
    %dma_wait3A_228 = tpu.memref_squeeze %dma_wait3A_227 : memref<1x16384xf32, #tpu.memory_space<hbm>> -> memref<16384xf32, #tpu.memory_space<hbm>>
    %dma_wait3A_229 = arith.constant 0 : i32
    %dma_wait3A_230 = tpu.memref_slice %arg2[%add3A_225, %dma_wait3A_229] : memref<1024x16384xf32, #tpu.memory_space<hbm>> -> memref<1x16384xf32, #tpu.memory_space<hbm>>
    %dma_wait3A_231 = tpu.memref_squeeze %dma_wait3A_230 : memref<1x16384xf32, #tpu.memory_space<hbm>> -> memref<16384xf32, #tpu.memory_space<hbm>>
    tpu.wait_dma2 semaphore(%arg9 : memref<!tpu.dma_semaphore, #tpu.memory_space<semaphore_mem>>) src(%dma_wait3A_231 : memref<16384xf32, #tpu.memory_space<hbm>>) dst(%arg5 : memref<16384xf32, #tpu.memory_space<vmem>>)
    %scan3A_232 = arith.constant 0 : i32
    %scan3A_233 = arith.constant 0 : i32
    %scan3A_234 = arith.constant 64 : i32
    %scan3A_235 = arith.addi %scan3A_233, %scan3A_234 : i32
    %scan3A_236 = arith.constant 1 : i32
    %scan3A_237 = scf.for %scan3A_516 = %scan3A_233 to %scan3A_235 step %scan3A_236 iter_args(%scan3A_517 = %scan3A_232) -> (i32)  : i32 {
      %mul3A_518 = arith.constant 64 : i32
      %mul3A_519 = arith.muli %scan3A_516, %mul3A_518 : i32
      %add3A_520 = arith.constant 0 : i32
      %add3A_521 = arith.addi %mul3A_519, %add3A_520 : i32
      %get3A = arith.constant 6 : i32
      %get3A_522 = arith.index_cast %get3A : i32 to index
      %get3A_523 = arith.index_cast %add3A_521 : i32 to index
      %get3A_524 = tpu.vector_load %arg7[%get3A_522, %get3A_523] {strides = array<i32>} : memref<16x4096xi16, #tpu.memory_space<vmem>>, vector<32xi16>,
      %unpack3A = tpu.unpack_subelements %get3A_524, 0 {pack_format = #tpu.pack_format<interleaved>} : vector<32xi16> -> vector<16xi32>
      %unpack3A_525 = tpu.unpack_subelements %get3A_524, 1 {pack_format = #tpu.pack_format<interleaved>} : vector<32xi16> -> vector<16xi32>
      %gather3A = tpu.vector_load_idx %arg5[%unpack3A] : memref<16384xf32, #tpu.memory_space<vmem>>[vector<16xi32>], vector<16xf32>,
      %gather3A_526 = tpu.vector_load_idx %arg5[%unpack3A_525] : memref<16384xf32, #tpu.memory_space<vmem>>[vector<16xi32>], vector<16xf32>,
      %pack3A = tpu.pack_subelements %gather3A, %gather3A_526 {pack_format = #tpu.pack_format<interleaved>, positions = array<i32: 0, 1>} : vector<16xf32>, vector<16xf32> -> vector<32xbf16>
      %add3A_527 = arith.constant 0 : i32
      %add3A_528 = arith.addi %mul3A_519, %add3A_527 : i32
      %swap3A = arith.constant 6 : i32
      %swap3A_529 = arith.index_cast %swap3A : i32 to index
      %swap3A_530 = arith.index_cast %add3A_528 : i32 to index
      %swap3A_531 = tpu.vector_load %arg8[%swap3A_529, %swap3A_530] {strides = array<i32>} : memref<16x4096xbf16, #tpu.memory_space<vmem>>, vector<32xbf16>,
      tpu.vector_store %arg8[%swap3A_529, %swap3A_530], %pack3A {strides = array<i32>} : memref<16x4096xbf16, #tpu.memory_space<vmem>>, vector<32xbf16>,
      %add3A_532 = arith.constant 32 : i32
      %add3A_533 = arith.addi %mul3A_519, %add3A_532 : i32
      %get3A_534 = arith.constant 6 : i32
      %get3A_535 = arith.index_cast %get3A_534 : i32 to index
      %get3A_536 = arith.index_cast %add3A_533 : i32 to index
      %get3A_537 = tpu.vector_load %arg7[%get3A_535, %get3A_536] {strides = array<i32>} : memref<16x4096xi16, #tpu.memory_space<vmem>>, vector<32xi16>,
      %unpack3A_538 = tpu.unpack_subelements %get3A_537, 0 {pack_format = #tpu.pack_format<interleaved>} : vector<32xi16> -> vector<16xi32>
      %unpack3A_539 = tpu.unpack_subelements %get3A_537, 1 {pack_format = #tpu.pack_format<interleaved>} : vector<32xi16> -> vector<16xi32>
      %gather3A_540 = tpu.vector_load_idx %arg5[%unpack3A_538] : memref<16384xf32, #tpu.memory_space<vmem>>[vector<16xi32>], vector<16xf32>,
      %gather3A_541 = tpu.vector_load_idx %arg5[%unpack3A_539] : memref<16384xf32, #tpu.memory_space<vmem>>[vector<16xi32>], vector<16xf32>,
      %pack3A_542 = tpu.pack_subelements %gather3A_540, %gather3A_541 {pack_format = #tpu.pack_format<interleaved>, positions = array<i32: 0, 1>} : vector<16xf32>, vector<16xf32> -> vector<32xbf16>
      %add3A_543 = arith.constant 32 : i32
      %add3A_544 = arith.addi %mul3A_519, %add3A_543 : i32
      %swap3A_545 = arith.constant 6 : i32
      %swap3A_546 = arith.index_cast %swap3A_545 : i32 to index
      %swap3A_547 = arith.index_cast %add3A_544 : i32 to index
      %swap3A_548 = tpu.vector_load %arg8[%swap3A_546, %swap3A_547] {strides = array<i32>} : memref<16x4096xbf16, #tpu.memory_space<vmem>>, vector<32xbf16>,
      tpu.vector_store %arg8[%swap3A_546, %swap3A_547], %pack3A_542 {strides = array<i32>} : memref<16x4096xbf16, #tpu.memory_space<vmem>>, vector<32xbf16>,
      %scan3A_549 = arith.constant 0 : i32
      scf.yield %scan3A_549 : i32
    }
    %scan3A_238 = arith.constant 64 : i32
    %mul3A_239 = arith.constant 16 : i32
    %mul3A_240 = arith.muli %add3A, %mul3A_239 : i32
    %add3A_241 = arith.constant 0 : i32
    %add3A_242 = arith.addi %add3A_241, %mul3A_240 : i32
    %add3A_243 = arith.constant 8 : i32
    %add3A_244 = arith.addi %add3A_242, %add3A_243 : i32
    %dma_start3A_245 = arith.constant 0 : i32
    %dma_start3A_246 = tpu.memref_slice %arg2[%add3A_244, %dma_start3A_245] : memref<1024x16384xf32, #tpu.memory_space<hbm>> -> memref<1x16384xf32, #tpu.memory_space<hbm>>
    %dma_start3A_247 = tpu.memref_squeeze %dma_start3A_246 : memref<1x16384xf32, #tpu.memory_space<hbm>> -> memref<16384xf32, #tpu.memory_space<hbm>>
    %dma_start3A_248 = arith.constant 0 : i32
    %dma_start3A_249 = tpu.memref_slice %arg2[%add3A_244, %dma_start3A_248] : memref<1024x16384xf32, #tpu.memory_space<hbm>> -> memref<1x16384xf32, #tpu.memory_space<hbm>>
    %dma_start3A_250 = tpu.memref_squeeze %dma_start3A_249 : memref<1x16384xf32, #tpu.memory_space<hbm>> -> memref<16384xf32, #tpu.memory_space<hbm>>
    tpu.enqueue_dma source(%dma_start3A_250 : memref<16384xf32, #tpu.memory_space<hbm>>) target(%arg5 : memref<16384xf32, #tpu.memory_space<vmem>>) target_semaphore(%arg9 : memref<!tpu.dma_semaphore, #tpu.memory_space<semaphore_mem>>)
    %mul3A_251 = arith.constant 16 : i32
    %mul3A_252 = arith.muli %add3A, %mul3A_251 : i32
    %add3A_253 = arith.constant 0 : i32
    %add3A_254 = arith.addi %add3A_253, %mul3A_252 : i32
    %add3A_255 = arith.constant 7 : i32
    %add3A_256 = arith.addi %add3A_254, %add3A_255 : i32
    %dma_wait3A_257 = arith.constant 0 : i32
    %dma_wait3A_258 = tpu.memref_slice %arg2[%add3A_256, %dma_wait3A_257] : memref<1024x16384xf32, #tpu.memory_space<hbm>> -> memref<1x16384xf32, #tpu.memory_space<hbm>>
    %dma_wait3A_259 = tpu.memref_squeeze %dma_wait3A_258 : memref<1x16384xf32, #tpu.memory_space<hbm>> -> memref<16384xf32, #tpu.memory_space<hbm>>
    %dma_wait3A_260 = arith.constant 0 : i32
    %dma_wait3A_261 = tpu.memref_slice %arg2[%add3A_256, %dma_wait3A_260] : memref<1024x16384xf32, #tpu.memory_space<hbm>> -> memref<1x16384xf32, #tpu.memory_space<hbm>>
    %dma_wait3A_262 = tpu.memref_squeeze %dma_wait3A_261 : memref<1x16384xf32, #tpu.memory_space<hbm>> -> memref<16384xf32, #tpu.memory_space<hbm>>
    tpu.wait_dma2 semaphore(%arg10 : memref<!tpu.dma_semaphore, #tpu.memory_space<semaphore_mem>>) src(%dma_wait3A_262 : memref<16384xf32, #tpu.memory_space<hbm>>) dst(%arg6 : memref<16384xf32, #tpu.memory_space<vmem>>)
    %scan3A_263 = arith.constant 0 : i32
    %scan3A_264 = arith.constant 0 : i32
    %scan3A_265 = arith.constant 64 : i32
    %scan3A_266 = arith.addi %scan3A_264, %scan3A_265 : i32
    %scan3A_267 = arith.constant 1 : i32
    %scan3A_268 = scf.for %scan3A_516 = %scan3A_264 to %scan3A_266 step %scan3A_267 iter_args(%scan3A_517 = %scan3A_263) -> (i32)  : i32 {
      %mul3A_518 = arith.constant 64 : i32
      %mul3A_519 = arith.muli %scan3A_516, %mul3A_518 : i32
      %add3A_520 = arith.constant 0 : i32
      %add3A_521 = arith.addi %mul3A_519, %add3A_520 : i32
      %get3A = arith.constant 7 : i32
      %get3A_522 = arith.index_cast %get3A : i32 to index
      %get3A_523 = arith.index_cast %add3A_521 : i32 to index
      %get3A_524 = tpu.vector_load %arg7[%get3A_522, %get3A_523] {strides = array<i32>} : memref<16x4096xi16, #tpu.memory_space<vmem>>, vector<32xi16>,
      %unpack3A = tpu.unpack_subelements %get3A_524, 0 {pack_format = #tpu.pack_format<interleaved>} : vector<32xi16> -> vector<16xi32>
      %unpack3A_525 = tpu.unpack_subelements %get3A_524, 1 {pack_format = #tpu.pack_format<interleaved>} : vector<32xi16> -> vector<16xi32>
      %gather3A = tpu.vector_load_idx %arg6[%unpack3A] : memref<16384xf32, #tpu.memory_space<vmem>>[vector<16xi32>], vector<16xf32>,
      %gather3A_526 = tpu.vector_load_idx %arg6[%unpack3A_525] : memref<16384xf32, #tpu.memory_space<vmem>>[vector<16xi32>], vector<16xf32>,
      %pack3A = tpu.pack_subelements %gather3A, %gather3A_526 {pack_format = #tpu.pack_format<interleaved>, positions = array<i32: 0, 1>} : vector<16xf32>, vector<16xf32> -> vector<32xbf16>
      %add3A_527 = arith.constant 0 : i32
      %add3A_528 = arith.addi %mul3A_519, %add3A_527 : i32
      %swap3A = arith.constant 7 : i32
      %swap3A_529 = arith.index_cast %swap3A : i32 to index
      %swap3A_530 = arith.index_cast %add3A_528 : i32 to index
      %swap3A_531 = tpu.vector_load %arg8[%swap3A_529, %swap3A_530] {strides = array<i32>} : memref<16x4096xbf16, #tpu.memory_space<vmem>>, vector<32xbf16>,
      tpu.vector_store %arg8[%swap3A_529, %swap3A_530], %pack3A {strides = array<i32>} : memref<16x4096xbf16, #tpu.memory_space<vmem>>, vector<32xbf16>,
      %add3A_532 = arith.constant 32 : i32
      %add3A_533 = arith.addi %mul3A_519, %add3A_532 : i32
      %get3A_534 = arith.constant 7 : i32
      %get3A_535 = arith.index_cast %get3A_534 : i32 to index
      %get3A_536 = arith.index_cast %add3A_533 : i32 to index
      %get3A_537 = tpu.vector_load %arg7[%get3A_535, %get3A_536] {strides = array<i32>} : memref<16x4096xi16, #tpu.memory_space<vmem>>, vector<32xi16>,
      %unpack3A_538 = tpu.unpack_subelements %get3A_537, 0 {pack_format = #tpu.pack_format<interleaved>} : vector<32xi16> -> vector<16xi32>
      %unpack3A_539 = tpu.unpack_subelements %get3A_537, 1 {pack_format = #tpu.pack_format<interleaved>} : vector<32xi16> -> vector<16xi32>
      %gather3A_540 = tpu.vector_load_idx %arg6[%unpack3A_538] : memref<16384xf32, #tpu.memory_space<vmem>>[vector<16xi32>], vector<16xf32>,
      %gather3A_541 = tpu.vector_load_idx %arg6[%unpack3A_539] : memref<16384xf32, #tpu.memory_space<vmem>>[vector<16xi32>], vector<16xf32>,
      %pack3A_542 = tpu.pack_subelements %gather3A_540, %gather3A_541 {pack_format = #tpu.pack_format<interleaved>, positions = array<i32: 0, 1>} : vector<16xf32>, vector<16xf32> -> vector<32xbf16>
      %add3A_543 = arith.constant 32 : i32
      %add3A_544 = arith.addi %mul3A_519, %add3A_543 : i32
      %swap3A_545 = arith.constant 7 : i32
      %swap3A_546 = arith.index_cast %swap3A_545 : i32 to index
      %swap3A_547 = arith.index_cast %add3A_544 : i32 to index
      %swap3A_548 = tpu.vector_load %arg8[%swap3A_546, %swap3A_547] {strides = array<i32>} : memref<16x4096xbf16, #tpu.memory_space<vmem>>, vector<32xbf16>,
      tpu.vector_store %arg8[%swap3A_546, %swap3A_547], %pack3A_542 {strides = array<i32>} : memref<16x4096xbf16, #tpu.memory_space<vmem>>, vector<32xbf16>,
      %scan3A_549 = arith.constant 0 : i32
      scf.yield %scan3A_549 : i32
    }
    %scan3A_269 = arith.constant 64 : i32
    %mul3A_270 = arith.constant 16 : i32
    %mul3A_271 = arith.muli %add3A, %mul3A_270 : i32
    %add3A_272 = arith.constant 0 : i32
    %add3A_273 = arith.addi %add3A_272, %mul3A_271 : i32
    %add3A_274 = arith.constant 9 : i32
    %add3A_275 = arith.addi %add3A_273, %add3A_274 : i32
    %dma_start3A_276 = arith.constant 0 : i32
    %dma_start3A_277 = tpu.memref_slice %arg2[%add3A_275, %dma_start3A_276] : memref<1024x16384xf32, #tpu.memory_space<hbm>> -> memref<1x16384xf32, #tpu.memory_space<hbm>>
    %dma_start3A_278 = tpu.memref_squeeze %dma_start3A_277 : memref<1x16384xf32, #tpu.memory_space<hbm>> -> memref<16384xf32, #tpu.memory_space<hbm>>
    %dma_start3A_279 = arith.constant 0 : i32
    %dma_start3A_280 = tpu.memref_slice %arg2[%add3A_275, %dma_start3A_279] : memref<1024x16384xf32, #tpu.memory_space<hbm>> -> memref<1x16384xf32, #tpu.memory_space<hbm>>
    %dma_start3A_281 = tpu.memref_squeeze %dma_start3A_280 : memref<1x16384xf32, #tpu.memory_space<hbm>> -> memref<16384xf32, #tpu.memory_space<hbm>>
    tpu.enqueue_dma source(%dma_start3A_281 : memref<16384xf32, #tpu.memory_space<hbm>>) target(%arg6 : memref<16384xf32, #tpu.memory_space<vmem>>) target_semaphore(%arg10 : memref<!tpu.dma_semaphore, #tpu.memory_space<semaphore_mem>>)
    %mul3A_282 = arith.constant 16 : i32
    %mul3A_283 = arith.muli %add3A, %mul3A_282 : i32
    %add3A_284 = arith.constant 0 : i32
    %add3A_285 = arith.addi %add3A_284, %mul3A_283 : i32
    %add3A_286 = arith.constant 8 : i32
    %add3A_287 = arith.addi %add3A_285, %add3A_286 : i32
    %dma_wait3A_288 = arith.constant 0 : i32
    %dma_wait3A_289 = tpu.memref_slice %arg2[%add3A_287, %dma_wait3A_288] : memref<1024x16384xf32, #tpu.memory_space<hbm>> -> memref<1x16384xf32, #tpu.memory_space<hbm>>
    %dma_wait3A_290 = tpu.memref_squeeze %dma_wait3A_289 : memref<1x16384xf32, #tpu.memory_space<hbm>> -> memref<16384xf32, #tpu.memory_space<hbm>>
    %dma_wait3A_291 = arith.constant 0 : i32
    %dma_wait3A_292 = tpu.memref_slice %arg2[%add3A_287, %dma_wait3A_291] : memref<1024x16384xf32, #tpu.memory_space<hbm>> -> memref<1x16384xf32, #tpu.memory_space<hbm>>
    %dma_wait3A_293 = tpu.memref_squeeze %dma_wait3A_292 : memref<1x16384xf32, #tpu.memory_space<hbm>> -> memref<16384xf32, #tpu.memory_space<hbm>>
    tpu.wait_dma2 semaphore(%arg9 : memref<!tpu.dma_semaphore, #tpu.memory_space<semaphore_mem>>) src(%dma_wait3A_293 : memref<16384xf32, #tpu.memory_space<hbm>>) dst(%arg5 : memref<16384xf32, #tpu.memory_space<vmem>>)
    %scan3A_294 = arith.constant 0 : i32
    %scan3A_295 = arith.constant 0 : i32
    %scan3A_296 = arith.constant 64 : i32
    %scan3A_297 = arith.addi %scan3A_295, %scan3A_296 : i32
    %scan3A_298 = arith.constant 1 : i32
    %scan3A_299 = scf.for %scan3A_516 = %scan3A_295 to %scan3A_297 step %scan3A_298 iter_args(%scan3A_517 = %scan3A_294) -> (i32)  : i32 {
      %mul3A_518 = arith.constant 64 : i32
      %mul3A_519 = arith.muli %scan3A_516, %mul3A_518 : i32
      %add3A_520 = arith.constant 0 : i32
      %add3A_521 = arith.addi %mul3A_519, %add3A_520 : i32
      %get3A = arith.constant 8 : i32
      %get3A_522 = arith.index_cast %get3A : i32 to index
      %get3A_523 = arith.index_cast %add3A_521 : i32 to index
      %get3A_524 = tpu.vector_load %arg7[%get3A_522, %get3A_523] {strides = array<i32>} : memref<16x4096xi16, #tpu.memory_space<vmem>>, vector<32xi16>,
      %unpack3A = tpu.unpack_subelements %get3A_524, 0 {pack_format = #tpu.pack_format<interleaved>} : vector<32xi16> -> vector<16xi32>
      %unpack3A_525 = tpu.unpack_subelements %get3A_524, 1 {pack_format = #tpu.pack_format<interleaved>} : vector<32xi16> -> vector<16xi32>
      %gather3A = tpu.vector_load_idx %arg5[%unpack3A] : memref<16384xf32, #tpu.memory_space<vmem>>[vector<16xi32>], vector<16xf32>,
      %gather3A_526 = tpu.vector_load_idx %arg5[%unpack3A_525] : memref<16384xf32, #tpu.memory_space<vmem>>[vector<16xi32>], vector<16xf32>,
      %pack3A = tpu.pack_subelements %gather3A, %gather3A_526 {pack_format = #tpu.pack_format<interleaved>, positions = array<i32: 0, 1>} : vector<16xf32>, vector<16xf32> -> vector<32xbf16>
      %add3A_527 = arith.constant 0 : i32
      %add3A_528 = arith.addi %mul3A_519, %add3A_527 : i32
      %swap3A = arith.constant 8 : i32
      %swap3A_529 = arith.index_cast %swap3A : i32 to index
      %swap3A_530 = arith.index_cast %add3A_528 : i32 to index
      %swap3A_531 = tpu.vector_load %arg8[%swap3A_529, %swap3A_530] {strides = array<i32>} : memref<16x4096xbf16, #tpu.memory_space<vmem>>, vector<32xbf16>,
      tpu.vector_store %arg8[%swap3A_529, %swap3A_530], %pack3A {strides = array<i32>} : memref<16x4096xbf16, #tpu.memory_space<vmem>>, vector<32xbf16>,
      %add3A_532 = arith.constant 32 : i32
      %add3A_533 = arith.addi %mul3A_519, %add3A_532 : i32
      %get3A_534 = arith.constant 8 : i32
      %get3A_535 = arith.index_cast %get3A_534 : i32 to index
      %get3A_536 = arith.index_cast %add3A_533 : i32 to index
      %get3A_537 = tpu.vector_load %arg7[%get3A_535, %get3A_536] {strides = array<i32>} : memref<16x4096xi16, #tpu.memory_space<vmem>>, vector<32xi16>,
      %unpack3A_538 = tpu.unpack_subelements %get3A_537, 0 {pack_format = #tpu.pack_format<interleaved>} : vector<32xi16> -> vector<16xi32>
      %unpack3A_539 = tpu.unpack_subelements %get3A_537, 1 {pack_format = #tpu.pack_format<interleaved>} : vector<32xi16> -> vector<16xi32>
      %gather3A_540 = tpu.vector_load_idx %arg5[%unpack3A_538] : memref<16384xf32, #tpu.memory_space<vmem>>[vector<16xi32>], vector<16xf32>,
      %gather3A_541 = tpu.vector_load_idx %arg5[%unpack3A_539] : memref<16384xf32, #tpu.memory_space<vmem>>[vector<16xi32>], vector<16xf32>,
      %pack3A_542 = tpu.pack_subelements %gather3A_540, %gather3A_541 {pack_format = #tpu.pack_format<interleaved>, positions = array<i32: 0, 1>} : vector<16xf32>, vector<16xf32> -> vector<32xbf16>
      %add3A_543 = arith.constant 32 : i32
      %add3A_544 = arith.addi %mul3A_519, %add3A_543 : i32
      %swap3A_545 = arith.constant 8 : i32
      %swap3A_546 = arith.index_cast %swap3A_545 : i32 to index
      %swap3A_547 = arith.index_cast %add3A_544 : i32 to index
      %swap3A_548 = tpu.vector_load %arg8[%swap3A_546, %swap3A_547] {strides = array<i32>} : memref<16x4096xbf16, #tpu.memory_space<vmem>>, vector<32xbf16>,
      tpu.vector_store %arg8[%swap3A_546, %swap3A_547], %pack3A_542 {strides = array<i32>} : memref<16x4096xbf16, #tpu.memory_space<vmem>>, vector<32xbf16>,
      %scan3A_549 = arith.constant 0 : i32
      scf.yield %scan3A_549 : i32
    }
    %scan3A_300 = arith.constant 64 : i32
    %mul3A_301 = arith.constant 16 : i32
    %mul3A_302 = arith.muli %add3A, %mul3A_301 : i32
    %add3A_303 = arith.constant 0 : i32
    %add3A_304 = arith.addi %add3A_303, %mul3A_302 : i32
    %add3A_305 = arith.constant 10 : i32
    %add3A_306 = arith.addi %add3A_304, %add3A_305 : i32
    %dma_start3A_307 = arith.constant 0 : i32
    %dma_start3A_308 = tpu.memref_slice %arg2[%add3A_306, %dma_start3A_307] : memref<1024x16384xf32, #tpu.memory_space<hbm>> -> memref<1x16384xf32, #tpu.memory_space<hbm>>
    %dma_start3A_309 = tpu.memref_squeeze %dma_start3A_308 : memref<1x16384xf32, #tpu.memory_space<hbm>> -> memref<16384xf32, #tpu.memory_space<hbm>>
    %dma_start3A_310 = arith.constant 0 : i32
    %dma_start3A_311 = tpu.memref_slice %arg2[%add3A_306, %dma_start3A_310] : memref<1024x16384xf32, #tpu.memory_space<hbm>> -> memref<1x16384xf32, #tpu.memory_space<hbm>>
    %dma_start3A_312 = tpu.memref_squeeze %dma_start3A_311 : memref<1x16384xf32, #tpu.memory_space<hbm>> -> memref<16384xf32, #tpu.memory_space<hbm>>
    tpu.enqueue_dma source(%dma_start3A_312 : memref<16384xf32, #tpu.memory_space<hbm>>) target(%arg5 : memref<16384xf32, #tpu.memory_space<vmem>>) target_semaphore(%arg9 : memref<!tpu.dma_semaphore, #tpu.memory_space<semaphore_mem>>)
    %mul3A_313 = arith.constant 16 : i32
    %mul3A_314 = arith.muli %add3A, %mul3A_313 : i32
    %add3A_315 = arith.constant 0 : i32
    %add3A_316 = arith.addi %add3A_315, %mul3A_314 : i32
    %add3A_317 = arith.constant 9 : i32
    %add3A_318 = arith.addi %add3A_316, %add3A_317 : i32
    %dma_wait3A_319 = arith.constant 0 : i32
    %dma_wait3A_320 = tpu.memref_slice %arg2[%add3A_318, %dma_wait3A_319] : memref<1024x16384xf32, #tpu.memory_space<hbm>> -> memref<1x16384xf32, #tpu.memory_space<hbm>>
    %dma_wait3A_321 = tpu.memref_squeeze %dma_wait3A_320 : memref<1x16384xf32, #tpu.memory_space<hbm>> -> memref<16384xf32, #tpu.memory_space<hbm>>
    %dma_wait3A_322 = arith.constant 0 : i32
    %dma_wait3A_323 = tpu.memref_slice %arg2[%add3A_318, %dma_wait3A_322] : memref<1024x16384xf32, #tpu.memory_space<hbm>> -> memref<1x16384xf32, #tpu.memory_space<hbm>>
    %dma_wait3A_324 = tpu.memref_squeeze %dma_wait3A_323 : memref<1x16384xf32, #tpu.memory_space<hbm>> -> memref<16384xf32, #tpu.memory_space<hbm>>
    tpu.wait_dma2 semaphore(%arg10 : memref<!tpu.dma_semaphore, #tpu.memory_space<semaphore_mem>>) src(%dma_wait3A_324 : memref<16384xf32, #tpu.memory_space<hbm>>) dst(%arg6 : memref<16384xf32, #tpu.memory_space<vmem>>)
    %scan3A_325 = arith.constant 0 : i32
    %scan3A_326 = arith.constant 0 : i32
    %scan3A_327 = arith.constant 64 : i32
    %scan3A_328 = arith.addi %scan3A_326, %scan3A_327 : i32
    %scan3A_329 = arith.constant 1 : i32
    %scan3A_330 = scf.for %scan3A_516 = %scan3A_326 to %scan3A_328 step %scan3A_329 iter_args(%scan3A_517 = %scan3A_325) -> (i32)  : i32 {
      %mul3A_518 = arith.constant 64 : i32
      %mul3A_519 = arith.muli %scan3A_516, %mul3A_518 : i32
      %add3A_520 = arith.constant 0 : i32
      %add3A_521 = arith.addi %mul3A_519, %add3A_520 : i32
      %get3A = arith.constant 9 : i32
      %get3A_522 = arith.index_cast %get3A : i32 to index
      %get3A_523 = arith.index_cast %add3A_521 : i32 to index
      %get3A_524 = tpu.vector_load %arg7[%get3A_522, %get3A_523] {strides = array<i32>} : memref<16x4096xi16, #tpu.memory_space<vmem>>, vector<32xi16>,
      %unpack3A = tpu.unpack_subelements %get3A_524, 0 {pack_format = #tpu.pack_format<interleaved>} : vector<32xi16> -> vector<16xi32>
      %unpack3A_525 = tpu.unpack_subelements %get3A_524, 1 {pack_format = #tpu.pack_format<interleaved>} : vector<32xi16> -> vector<16xi32>
      %gather3A = tpu.vector_load_idx %arg6[%unpack3A] : memref<16384xf32, #tpu.memory_space<vmem>>[vector<16xi32>], vector<16xf32>,
      %gather3A_526 = tpu.vector_load_idx %arg6[%unpack3A_525] : memref<16384xf32, #tpu.memory_space<vmem>>[vector<16xi32>], vector<16xf32>,
      %pack3A = tpu.pack_subelements %gather3A, %gather3A_526 {pack_format = #tpu.pack_format<interleaved>, positions = array<i32: 0, 1>} : vector<16xf32>, vector<16xf32> -> vector<32xbf16>
      %add3A_527 = arith.constant 0 : i32
      %add3A_528 = arith.addi %mul3A_519, %add3A_527 : i32
      %swap3A = arith.constant 9 : i32
      %swap3A_529 = arith.index_cast %swap3A : i32 to index
      %swap3A_530 = arith.index_cast %add3A_528 : i32 to index
      %swap3A_531 = tpu.vector_load %arg8[%swap3A_529, %swap3A_530] {strides = array<i32>} : memref<16x4096xbf16, #tpu.memory_space<vmem>>, vector<32xbf16>,
      tpu.vector_store %arg8[%swap3A_529, %swap3A_530], %pack3A {strides = array<i32>} : memref<16x4096xbf16, #tpu.memory_space<vmem>>, vector<32xbf16>,
      %add3A_532 = arith.constant 32 : i32
      %add3A_533 = arith.addi %mul3A_519, %add3A_532 : i32
      %get3A_534 = arith.constant 9 : i32
      %get3A_535 = arith.index_cast %get3A_534 : i32 to index
      %get3A_536 = arith.index_cast %add3A_533 : i32 to index
      %get3A_537 = tpu.vector_load %arg7[%get3A_535, %get3A_536] {strides = array<i32>} : memref<16x4096xi16, #tpu.memory_space<vmem>>, vector<32xi16>,
      %unpack3A_538 = tpu.unpack_subelements %get3A_537, 0 {pack_format = #tpu.pack_format<interleaved>} : vector<32xi16> -> vector<16xi32>
      %unpack3A_539 = tpu.unpack_subelements %get3A_537, 1 {pack_format = #tpu.pack_format<interleaved>} : vector<32xi16> -> vector<16xi32>
      %gather3A_540 = tpu.vector_load_idx %arg6[%unpack3A_538] : memref<16384xf32, #tpu.memory_space<vmem>>[vector<16xi32>], vector<16xf32>,
      %gather3A_541 = tpu.vector_load_idx %arg6[%unpack3A_539] : memref<16384xf32, #tpu.memory_space<vmem>>[vector<16xi32>], vector<16xf32>,
      %pack3A_542 = tpu.pack_subelements %gather3A_540, %gather3A_541 {pack_format = #tpu.pack_format<interleaved>, positions = array<i32: 0, 1>} : vector<16xf32>, vector<16xf32> -> vector<32xbf16>
      %add3A_543 = arith.constant 32 : i32
      %add3A_544 = arith.addi %mul3A_519, %add3A_543 : i32
      %swap3A_545 = arith.constant 9 : i32
      %swap3A_546 = arith.index_cast %swap3A_545 : i32 to index
      %swap3A_547 = arith.index_cast %add3A_544 : i32 to index
      %swap3A_548 = tpu.vector_load %arg8[%swap3A_546, %swap3A_547] {strides = array<i32>} : memref<16x4096xbf16, #tpu.memory_space<vmem>>, vector<32xbf16>,
      tpu.vector_store %arg8[%swap3A_546, %swap3A_547], %pack3A_542 {strides = array<i32>} : memref<16x4096xbf16, #tpu.memory_space<vmem>>, vector<32xbf16>,
      %scan3A_549 = arith.constant 0 : i32
      scf.yield %scan3A_549 : i32
    }
    %scan3A_331 = arith.constant 64 : i32
    %mul3A_332 = arith.constant 16 : i32
    %mul3A_333 = arith.muli %add3A, %mul3A_332 : i32
    %add3A_334 = arith.constant 0 : i32
    %add3A_335 = arith.addi %add3A_334, %mul3A_333 : i32
    %add3A_336 = arith.constant 11 : i32
    %add3A_337 = arith.addi %add3A_335, %add3A_336 : i32
    %dma_start3A_338 = arith.constant 0 : i32
    %dma_start3A_339 = tpu.memref_slice %arg2[%add3A_337, %dma_start3A_338] : memref<1024x16384xf32, #tpu.memory_space<hbm>> -> memref<1x16384xf32, #tpu.memory_space<hbm>>
    %dma_start3A_340 = tpu.memref_squeeze %dma_start3A_339 : memref<1x16384xf32, #tpu.memory_space<hbm>> -> memref<16384xf32, #tpu.memory_space<hbm>>
    %dma_start3A_341 = arith.constant 0 : i32
    %dma_start3A_342 = tpu.memref_slice %arg2[%add3A_337, %dma_start3A_341] : memref<1024x16384xf32, #tpu.memory_space<hbm>> -> memref<1x16384xf32, #tpu.memory_space<hbm>>
    %dma_start3A_343 = tpu.memref_squeeze %dma_start3A_342 : memref<1x16384xf32, #tpu.memory_space<hbm>> -> memref<16384xf32, #tpu.memory_space<hbm>>
    tpu.enqueue_dma source(%dma_start3A_343 : memref<16384xf32, #tpu.memory_space<hbm>>) target(%arg6 : memref<16384xf32, #tpu.memory_space<vmem>>) target_semaphore(%arg10 : memref<!tpu.dma_semaphore, #tpu.memory_space<semaphore_mem>>)
    %mul3A_344 = arith.constant 16 : i32
    %mul3A_345 = arith.muli %add3A, %mul3A_344 : i32
    %add3A_346 = arith.constant 0 : i32
    %add3A_347 = arith.addi %add3A_346, %mul3A_345 : i32
    %add3A_348 = arith.constant 10 : i32
    %add3A_349 = arith.addi %add3A_347, %add3A_348 : i32
    %dma_wait3A_350 = arith.constant 0 : i32
    %dma_wait3A_351 = tpu.memref_slice %arg2[%add3A_349, %dma_wait3A_350] : memref<1024x16384xf32, #tpu.memory_space<hbm>> -> memref<1x16384xf32, #tpu.memory_space<hbm>>
    %dma_wait3A_352 = tpu.memref_squeeze %dma_wait3A_351 : memref<1x16384xf32, #tpu.memory_space<hbm>> -> memref<16384xf32, #tpu.memory_space<hbm>>
    %dma_wait3A_353 = arith.constant 0 : i32
    %dma_wait3A_354 = tpu.memref_slice %arg2[%add3A_349, %dma_wait3A_353] : memref<1024x16384xf32, #tpu.memory_space<hbm>> -> memref<1x16384xf32, #tpu.memory_space<hbm>>
    %dma_wait3A_355 = tpu.memref_squeeze %dma_wait3A_354 : memref<1x16384xf32, #tpu.memory_space<hbm>> -> memref<16384xf32, #tpu.memory_space<hbm>>
    tpu.wait_dma2 semaphore(%arg9 : memref<!tpu.dma_semaphore, #tpu.memory_space<semaphore_mem>>) src(%dma_wait3A_355 : memref<16384xf32, #tpu.memory_space<hbm>>) dst(%arg5 : memref<16384xf32, #tpu.memory_space<vmem>>)
    %scan3A_356 = arith.constant 0 : i32
    %scan3A_357 = arith.constant 0 : i32
    %scan3A_358 = arith.constant 64 : i32
    %scan3A_359 = arith.addi %scan3A_357, %scan3A_358 : i32
    %scan3A_360 = arith.constant 1 : i32
    %scan3A_361 = scf.for %scan3A_516 = %scan3A_357 to %scan3A_359 step %scan3A_360 iter_args(%scan3A_517 = %scan3A_356) -> (i32)  : i32 {
      %mul3A_518 = arith.constant 64 : i32
      %mul3A_519 = arith.muli %scan3A_516, %mul3A_518 : i32
      %add3A_520 = arith.constant 0 : i32
      %add3A_521 = arith.addi %mul3A_519, %add3A_520 : i32
      %get3A = arith.constant 10 : i32
      %get3A_522 = arith.index_cast %get3A : i32 to index
      %get3A_523 = arith.index_cast %add3A_521 : i32 to index
      %get3A_524 = tpu.vector_load %arg7[%get3A_522, %get3A_523] {strides = array<i32>} : memref<16x4096xi16, #tpu.memory_space<vmem>>, vector<32xi16>,
      %unpack3A = tpu.unpack_subelements %get3A_524, 0 {pack_format = #tpu.pack_format<interleaved>} : vector<32xi16> -> vector<16xi32>
      %unpack3A_525 = tpu.unpack_subelements %get3A_524, 1 {pack_format = #tpu.pack_format<interleaved>} : vector<32xi16> -> vector<16xi32>
      %gather3A = tpu.vector_load_idx %arg5[%unpack3A] : memref<16384xf32, #tpu.memory_space<vmem>>[vector<16xi32>], vector<16xf32>,
      %gather3A_526 = tpu.vector_load_idx %arg5[%unpack3A_525] : memref<16384xf32, #tpu.memory_space<vmem>>[vector<16xi32>], vector<16xf32>,
      %pack3A = tpu.pack_subelements %gather3A, %gather3A_526 {pack_format = #tpu.pack_format<interleaved>, positions = array<i32: 0, 1>} : vector<16xf32>, vector<16xf32> -> vector<32xbf16>
      %add3A_527 = arith.constant 0 : i32
      %add3A_528 = arith.addi %mul3A_519, %add3A_527 : i32
      %swap3A = arith.constant 10 : i32
      %swap3A_529 = arith.index_cast %swap3A : i32 to index
      %swap3A_530 = arith.index_cast %add3A_528 : i32 to index
      %swap3A_531 = tpu.vector_load %arg8[%swap3A_529, %swap3A_530] {strides = array<i32>} : memref<16x4096xbf16, #tpu.memory_space<vmem>>, vector<32xbf16>,
      tpu.vector_store %arg8[%swap3A_529, %swap3A_530], %pack3A {strides = array<i32>} : memref<16x4096xbf16, #tpu.memory_space<vmem>>, vector<32xbf16>,
      %add3A_532 = arith.constant 32 : i32
      %add3A_533 = arith.addi %mul3A_519, %add3A_532 : i32
      %get3A_534 = arith.constant 10 : i32
      %get3A_535 = arith.index_cast %get3A_534 : i32 to index
      %get3A_536 = arith.index_cast %add3A_533 : i32 to index
      %get3A_537 = tpu.vector_load %arg7[%get3A_535, %get3A_536] {strides = array<i32>} : memref<16x4096xi16, #tpu.memory_space<vmem>>, vector<32xi16>,
      %unpack3A_538 = tpu.unpack_subelements %get3A_537, 0 {pack_format = #tpu.pack_format<interleaved>} : vector<32xi16> -> vector<16xi32>
      %unpack3A_539 = tpu.unpack_subelements %get3A_537, 1 {pack_format = #tpu.pack_format<interleaved>} : vector<32xi16> -> vector<16xi32>
      %gather3A_540 = tpu.vector_load_idx %arg5[%unpack3A_538] : memref<16384xf32, #tpu.memory_space<vmem>>[vector<16xi32>], vector<16xf32>,
      %gather3A_541 = tpu.vector_load_idx %arg5[%unpack3A_539] : memref<16384xf32, #tpu.memory_space<vmem>>[vector<16xi32>], vector<16xf32>,
      %pack3A_542 = tpu.pack_subelements %gather3A_540, %gather3A_541 {pack_format = #tpu.pack_format<interleaved>, positions = array<i32: 0, 1>} : vector<16xf32>, vector<16xf32> -> vector<32xbf16>
      %add3A_543 = arith.constant 32 : i32
      %add3A_544 = arith.addi %mul3A_519, %add3A_543 : i32
      %swap3A_545 = arith.constant 10 : i32
      %swap3A_546 = arith.index_cast %swap3A_545 : i32 to index
      %swap3A_547 = arith.index_cast %add3A_544 : i32 to index
      %swap3A_548 = tpu.vector_load %arg8[%swap3A_546, %swap3A_547] {strides = array<i32>} : memref<16x4096xbf16, #tpu.memory_space<vmem>>, vector<32xbf16>,
      tpu.vector_store %arg8[%swap3A_546, %swap3A_547], %pack3A_542 {strides = array<i32>} : memref<16x4096xbf16, #tpu.memory_space<vmem>>, vector<32xbf16>,
      %scan3A_549 = arith.constant 0 : i32
      scf.yield %scan3A_549 : i32
    }
    %scan3A_362 = arith.constant 64 : i32
    %mul3A_363 = arith.constant 16 : i32
    %mul3A_364 = arith.muli %add3A, %mul3A_363 : i32
    %add3A_365 = arith.constant 0 : i32
    %add3A_366 = arith.addi %add3A_365, %mul3A_364 : i32
    %add3A_367 = arith.constant 12 : i32
    %add3A_368 = arith.addi %add3A_366, %add3A_367 : i32
    %dma_start3A_369 = arith.constant 0 : i32
    %dma_start3A_370 = tpu.memref_slice %arg2[%add3A_368, %dma_start3A_369] : memref<1024x16384xf32, #tpu.memory_space<hbm>> -> memref<1x16384xf32, #tpu.memory_space<hbm>>
    %dma_start3A_371 = tpu.memref_squeeze %dma_start3A_370 : memref<1x16384xf32, #tpu.memory_space<hbm>> -> memref<16384xf32, #tpu.memory_space<hbm>>
    %dma_start3A_372 = arith.constant 0 : i32
    %dma_start3A_373 = tpu.memref_slice %arg2[%add3A_368, %dma_start3A_372] : memref<1024x16384xf32, #tpu.memory_space<hbm>> -> memref<1x16384xf32, #tpu.memory_space<hbm>>
    %dma_start3A_374 = tpu.memref_squeeze %dma_start3A_373 : memref<1x16384xf32, #tpu.memory_space<hbm>> -> memref<16384xf32, #tpu.memory_space<hbm>>
    tpu.enqueue_dma source(%dma_start3A_374 : memref<16384xf32, #tpu.memory_space<hbm>>) target(%arg5 : memref<16384xf32, #tpu.memory_space<vmem>>) target_semaphore(%arg9 : memref<!tpu.dma_semaphore, #tpu.memory_space<semaphore_mem>>)
    %mul3A_375 = arith.constant 16 : i32
    %mul3A_376 = arith.muli %add3A, %mul3A_375 : i32
    %add3A_377 = arith.constant 0 : i32
    %add3A_378 = arith.addi %add3A_377, %mul3A_376 : i32
    %add3A_379 = arith.constant 11 : i32
    %add3A_380 = arith.addi %add3A_378, %add3A_379 : i32
    %dma_wait3A_381 = arith.constant 0 : i32
    %dma_wait3A_382 = tpu.memref_slice %arg2[%add3A_380, %dma_wait3A_381] : memref<1024x16384xf32, #tpu.memory_space<hbm>> -> memref<1x16384xf32, #tpu.memory_space<hbm>>
    %dma_wait3A_383 = tpu.memref_squeeze %dma_wait3A_382 : memref<1x16384xf32, #tpu.memory_space<hbm>> -> memref<16384xf32, #tpu.memory_space<hbm>>
    %dma_wait3A_384 = arith.constant 0 : i32
    %dma_wait3A_385 = tpu.memref_slice %arg2[%add3A_380, %dma_wait3A_384] : memref<1024x16384xf32, #tpu.memory_space<hbm>> -> memref<1x16384xf32, #tpu.memory_space<hbm>>
    %dma_wait3A_386 = tpu.memref_squeeze %dma_wait3A_385 : memref<1x16384xf32, #tpu.memory_space<hbm>> -> memref<16384xf32, #tpu.memory_space<hbm>>
    tpu.wait_dma2 semaphore(%arg10 : memref<!tpu.dma_semaphore, #tpu.memory_space<semaphore_mem>>) src(%dma_wait3A_386 : memref<16384xf32, #tpu.memory_space<hbm>>) dst(%arg6 : memref<16384xf32, #tpu.memory_space<vmem>>)
    %scan3A_387 = arith.constant 0 : i32
    %scan3A_388 = arith.constant 0 : i32
    %scan3A_389 = arith.constant 64 : i32
    %scan3A_390 = arith.addi %scan3A_388, %scan3A_389 : i32
    %scan3A_391 = arith.constant 1 : i32
    %scan3A_392 = scf.for %scan3A_516 = %scan3A_388 to %scan3A_390 step %scan3A_391 iter_args(%scan3A_517 = %scan3A_387) -> (i32)  : i32 {
      %mul3A_518 = arith.constant 64 : i32
      %mul3A_519 = arith.muli %scan3A_516, %mul3A_518 : i32
      %add3A_520 = arith.constant 0 : i32
      %add3A_521 = arith.addi %mul3A_519, %add3A_520 : i32
      %get3A = arith.constant 11 : i32
      %get3A_522 = arith.index_cast %get3A : i32 to index
      %get3A_523 = arith.index_cast %add3A_521 : i32 to index
      %get3A_524 = tpu.vector_load %arg7[%get3A_522, %get3A_523] {strides = array<i32>} : memref<16x4096xi16, #tpu.memory_space<vmem>>, vector<32xi16>,
      %unpack3A = tpu.unpack_subelements %get3A_524, 0 {pack_format = #tpu.pack_format<interleaved>} : vector<32xi16> -> vector<16xi32>
      %unpack3A_525 = tpu.unpack_subelements %get3A_524, 1 {pack_format = #tpu.pack_format<interleaved>} : vector<32xi16> -> vector<16xi32>
      %gather3A = tpu.vector_load_idx %arg6[%unpack3A] : memref<16384xf32, #tpu.memory_space<vmem>>[vector<16xi32>], vector<16xf32>,
      %gather3A_526 = tpu.vector_load_idx %arg6[%unpack3A_525] : memref<16384xf32, #tpu.memory_space<vmem>>[vector<16xi32>], vector<16xf32>,
      %pack3A = tpu.pack_subelements %gather3A, %gather3A_526 {pack_format = #tpu.pack_format<interleaved>, positions = array<i32: 0, 1>} : vector<16xf32>, vector<16xf32> -> vector<32xbf16>
      %add3A_527 = arith.constant 0 : i32
      %add3A_528 = arith.addi %mul3A_519, %add3A_527 : i32
      %swap3A = arith.constant 11 : i32
      %swap3A_529 = arith.index_cast %swap3A : i32 to index
      %swap3A_530 = arith.index_cast %add3A_528 : i32 to index
      %swap3A_531 = tpu.vector_load %arg8[%swap3A_529, %swap3A_530] {strides = array<i32>} : memref<16x4096xbf16, #tpu.memory_space<vmem>>, vector<32xbf16>,
      tpu.vector_store %arg8[%swap3A_529, %swap3A_530], %pack3A {strides = array<i32>} : memref<16x4096xbf16, #tpu.memory_space<vmem>>, vector<32xbf16>,
      %add3A_532 = arith.constant 32 : i32
      %add3A_533 = arith.addi %mul3A_519, %add3A_532 : i32
      %get3A_534 = arith.constant 11 : i32
      %get3A_535 = arith.index_cast %get3A_534 : i32 to index
      %get3A_536 = arith.index_cast %add3A_533 : i32 to index
      %get3A_537 = tpu.vector_load %arg7[%get3A_535, %get3A_536] {strides = array<i32>} : memref<16x4096xi16, #tpu.memory_space<vmem>>, vector<32xi16>,
      %unpack3A_538 = tpu.unpack_subelements %get3A_537, 0 {pack_format = #tpu.pack_format<interleaved>} : vector<32xi16> -> vector<16xi32>
      %unpack3A_539 = tpu.unpack_subelements %get3A_537, 1 {pack_format = #tpu.pack_format<interleaved>} : vector<32xi16> -> vector<16xi32>
      %gather3A_540 = tpu.vector_load_idx %arg6[%unpack3A_538] : memref<16384xf32, #tpu.memory_space<vmem>>[vector<16xi32>], vector<16xf32>,
      %gather3A_541 = tpu.vector_load_idx %arg6[%unpack3A_539] : memref<16384xf32, #tpu.memory_space<vmem>>[vector<16xi32>], vector<16xf32>,
      %pack3A_542 = tpu.pack_subelements %gather3A_540, %gather3A_541 {pack_format = #tpu.pack_format<interleaved>, positions = array<i32: 0, 1>} : vector<16xf32>, vector<16xf32> -> vector<32xbf16>
      %add3A_543 = arith.constant 32 : i32
      %add3A_544 = arith.addi %mul3A_519, %add3A_543 : i32
      %swap3A_545 = arith.constant 11 : i32
      %swap3A_546 = arith.index_cast %swap3A_545 : i32 to index
      %swap3A_547 = arith.index_cast %add3A_544 : i32 to index
      %swap3A_548 = tpu.vector_load %arg8[%swap3A_546, %swap3A_547] {strides = array<i32>} : memref<16x4096xbf16, #tpu.memory_space<vmem>>, vector<32xbf16>,
      tpu.vector_store %arg8[%swap3A_546, %swap3A_547], %pack3A_542 {strides = array<i32>} : memref<16x4096xbf16, #tpu.memory_space<vmem>>, vector<32xbf16>,
      %scan3A_549 = arith.constant 0 : i32
      scf.yield %scan3A_549 : i32
    }
    %scan3A_393 = arith.constant 64 : i32
    %mul3A_394 = arith.constant 16 : i32
    %mul3A_395 = arith.muli %add3A, %mul3A_394 : i32
    %add3A_396 = arith.constant 0 : i32
    %add3A_397 = arith.addi %add3A_396, %mul3A_395 : i32
    %add3A_398 = arith.constant 13 : i32
    %add3A_399 = arith.addi %add3A_397, %add3A_398 : i32
    %dma_start3A_400 = arith.constant 0 : i32
    %dma_start3A_401 = tpu.memref_slice %arg2[%add3A_399, %dma_start3A_400] : memref<1024x16384xf32, #tpu.memory_space<hbm>> -> memref<1x16384xf32, #tpu.memory_space<hbm>>
    %dma_start3A_402 = tpu.memref_squeeze %dma_start3A_401 : memref<1x16384xf32, #tpu.memory_space<hbm>> -> memref<16384xf32, #tpu.memory_space<hbm>>
    %dma_start3A_403 = arith.constant 0 : i32
    %dma_start3A_404 = tpu.memref_slice %arg2[%add3A_399, %dma_start3A_403] : memref<1024x16384xf32, #tpu.memory_space<hbm>> -> memref<1x16384xf32, #tpu.memory_space<hbm>>
    %dma_start3A_405 = tpu.memref_squeeze %dma_start3A_404 : memref<1x16384xf32, #tpu.memory_space<hbm>> -> memref<16384xf32, #tpu.memory_space<hbm>>
    tpu.enqueue_dma source(%dma_start3A_405 : memref<16384xf32, #tpu.memory_space<hbm>>) target(%arg6 : memref<16384xf32, #tpu.memory_space<vmem>>) target_semaphore(%arg10 : memref<!tpu.dma_semaphore, #tpu.memory_space<semaphore_mem>>)
    %mul3A_406 = arith.constant 16 : i32
    %mul3A_407 = arith.muli %add3A, %mul3A_406 : i32
    %add3A_408 = arith.constant 0 : i32
    %add3A_409 = arith.addi %add3A_408, %mul3A_407 : i32
    %add3A_410 = arith.constant 12 : i32
    %add3A_411 = arith.addi %add3A_409, %add3A_410 : i32
    %dma_wait3A_412 = arith.constant 0 : i32
    %dma_wait3A_413 = tpu.memref_slice %arg2[%add3A_411, %dma_wait3A_412] : memref<1024x16384xf32, #tpu.memory_space<hbm>> -> memref<1x16384xf32, #tpu.memory_space<hbm>>
    %dma_wait3A_414 = tpu.memref_squeeze %dma_wait3A_413 : memref<1x16384xf32, #tpu.memory_space<hbm>> -> memref<16384xf32, #tpu.memory_space<hbm>>
    %dma_wait3A_415 = arith.constant 0 : i32
    %dma_wait3A_416 = tpu.memref_slice %arg2[%add3A_411, %dma_wait3A_415] : memref<1024x16384xf32, #tpu.memory_space<hbm>> -> memref<1x16384xf32, #tpu.memory_space<hbm>>
    %dma_wait3A_417 = tpu.memref_squeeze %dma_wait3A_416 : memref<1x16384xf32, #tpu.memory_space<hbm>> -> memref<16384xf32, #tpu.memory_space<hbm>>
    tpu.wait_dma2 semaphore(%arg9 : memref<!tpu.dma_semaphore, #tpu.memory_space<semaphore_mem>>) src(%dma_wait3A_417 : memref<16384xf32, #tpu.memory_space<hbm>>) dst(%arg5 : memref<16384xf32, #tpu.memory_space<vmem>>)
    %scan3A_418 = arith.constant 0 : i32
    %scan3A_419 = arith.constant 0 : i32
    %scan3A_420 = arith.constant 64 : i32
    %scan3A_421 = arith.addi %scan3A_419, %scan3A_420 : i32
    %scan3A_422 = arith.constant 1 : i32
    %scan3A_423 = scf.for %scan3A_516 = %scan3A_419 to %scan3A_421 step %scan3A_422 iter_args(%scan3A_517 = %scan3A_418) -> (i32)  : i32 {
      %mul3A_518 = arith.constant 64 : i32
      %mul3A_519 = arith.muli %scan3A_516, %mul3A_518 : i32
      %add3A_520 = arith.constant 0 : i32
      %add3A_521 = arith.addi %mul3A_519, %add3A_520 : i32
      %get3A = arith.constant 12 : i32
      %get3A_522 = arith.index_cast %get3A : i32 to index
      %get3A_523 = arith.index_cast %add3A_521 : i32 to index
      %get3A_524 = tpu.vector_load %arg7[%get3A_522, %get3A_523] {strides = array<i32>} : memref<16x4096xi16, #tpu.memory_space<vmem>>, vector<32xi16>,
      %unpack3A = tpu.unpack_subelements %get3A_524, 0 {pack_format = #tpu.pack_format<interleaved>} : vector<32xi16> -> vector<16xi32>
      %unpack3A_525 = tpu.unpack_subelements %get3A_524, 1 {pack_format = #tpu.pack_format<interleaved>} : vector<32xi16> -> vector<16xi32>
      %gather3A = tpu.vector_load_idx %arg5[%unpack3A] : memref<16384xf32, #tpu.memory_space<vmem>>[vector<16xi32>], vector<16xf32>,
      %gather3A_526 = tpu.vector_load_idx %arg5[%unpack3A_525] : memref<16384xf32, #tpu.memory_space<vmem>>[vector<16xi32>], vector<16xf32>,
      %pack3A = tpu.pack_subelements %gather3A, %gather3A_526 {pack_format = #tpu.pack_format<interleaved>, positions = array<i32: 0, 1>} : vector<16xf32>, vector<16xf32> -> vector<32xbf16>
      %add3A_527 = arith.constant 0 : i32
      %add3A_528 = arith.addi %mul3A_519, %add3A_527 : i32
      %swap3A = arith.constant 12 : i32
      %swap3A_529 = arith.index_cast %swap3A : i32 to index
      %swap3A_530 = arith.index_cast %add3A_528 : i32 to index
      %swap3A_531 = tpu.vector_load %arg8[%swap3A_529, %swap3A_530] {strides = array<i32>} : memref<16x4096xbf16, #tpu.memory_space<vmem>>, vector<32xbf16>,
      tpu.vector_store %arg8[%swap3A_529, %swap3A_530], %pack3A {strides = array<i32>} : memref<16x4096xbf16, #tpu.memory_space<vmem>>, vector<32xbf16>,
      %add3A_532 = arith.constant 32 : i32
      %add3A_533 = arith.addi %mul3A_519, %add3A_532 : i32
      %get3A_534 = arith.constant 12 : i32
      %get3A_535 = arith.index_cast %get3A_534 : i32 to index
      %get3A_536 = arith.index_cast %add3A_533 : i32 to index
      %get3A_537 = tpu.vector_load %arg7[%get3A_535, %get3A_536] {strides = array<i32>} : memref<16x4096xi16, #tpu.memory_space<vmem>>, vector<32xi16>,
      %unpack3A_538 = tpu.unpack_subelements %get3A_537, 0 {pack_format = #tpu.pack_format<interleaved>} : vector<32xi16> -> vector<16xi32>
      %unpack3A_539 = tpu.unpack_subelements %get3A_537, 1 {pack_format = #tpu.pack_format<interleaved>} : vector<32xi16> -> vector<16xi32>
      %gather3A_540 = tpu.vector_load_idx %arg5[%unpack3A_538] : memref<16384xf32, #tpu.memory_space<vmem>>[vector<16xi32>], vector<16xf32>,
      %gather3A_541 = tpu.vector_load_idx %arg5[%unpack3A_539] : memref<16384xf32, #tpu.memory_space<vmem>>[vector<16xi32>], vector<16xf32>,
      %pack3A_542 = tpu.pack_subelements %gather3A_540, %gather3A_541 {pack_format = #tpu.pack_format<interleaved>, positions = array<i32: 0, 1>} : vector<16xf32>, vector<16xf32> -> vector<32xbf16>
      %add3A_543 = arith.constant 32 : i32
      %add3A_544 = arith.addi %mul3A_519, %add3A_543 : i32
      %swap3A_545 = arith.constant 12 : i32
      %swap3A_546 = arith.index_cast %swap3A_545 : i32 to index
      %swap3A_547 = arith.index_cast %add3A_544 : i32 to index
      %swap3A_548 = tpu.vector_load %arg8[%swap3A_546, %swap3A_547] {strides = array<i32>} : memref<16x4096xbf16, #tpu.memory_space<vmem>>, vector<32xbf16>,
      tpu.vector_store %arg8[%swap3A_546, %swap3A_547], %pack3A_542 {strides = array<i32>} : memref<16x4096xbf16, #tpu.memory_space<vmem>>, vector<32xbf16>,
      %scan3A_549 = arith.constant 0 : i32
      scf.yield %scan3A_549 : i32
    }
    %scan3A_424 = arith.constant 64 : i32
    %mul3A_425 = arith.constant 16 : i32
    %mul3A_426 = arith.muli %add3A, %mul3A_425 : i32
    %add3A_427 = arith.constant 0 : i32
    %add3A_428 = arith.addi %add3A_427, %mul3A_426 : i32
    %add3A_429 = arith.constant 14 : i32
    %add3A_430 = arith.addi %add3A_428, %add3A_429 : i32
    %dma_start3A_431 = arith.constant 0 : i32
    %dma_start3A_432 = tpu.memref_slice %arg2[%add3A_430, %dma_start3A_431] : memref<1024x16384xf32, #tpu.memory_space<hbm>> -> memref<1x16384xf32, #tpu.memory_space<hbm>>
    %dma_start3A_433 = tpu.memref_squeeze %dma_start3A_432 : memref<1x16384xf32, #tpu.memory_space<hbm>> -> memref<16384xf32, #tpu.memory_space<hbm>>
    %dma_start3A_434 = arith.constant 0 : i32
    %dma_start3A_435 = tpu.memref_slice %arg2[%add3A_430, %dma_start3A_434] : memref<1024x16384xf32, #tpu.memory_space<hbm>> -> memref<1x16384xf32, #tpu.memory_space<hbm>>
    %dma_start3A_436 = tpu.memref_squeeze %dma_start3A_435 : memref<1x16384xf32, #tpu.memory_space<hbm>> -> memref<16384xf32, #tpu.memory_space<hbm>>
    tpu.enqueue_dma source(%dma_start3A_436 : memref<16384xf32, #tpu.memory_space<hbm>>) target(%arg5 : memref<16384xf32, #tpu.memory_space<vmem>>) target_semaphore(%arg9 : memref<!tpu.dma_semaphore, #tpu.memory_space<semaphore_mem>>)
    %mul3A_437 = arith.constant 16 : i32
    %mul3A_438 = arith.muli %add3A, %mul3A_437 : i32
    %add3A_439 = arith.constant 0 : i32
    %add3A_440 = arith.addi %add3A_439, %mul3A_438 : i32
    %add3A_441 = arith.constant 13 : i32
    %add3A_442 = arith.addi %add3A_440, %add3A_441 : i32
    %dma_wait3A_443 = arith.constant 0 : i32
    %dma_wait3A_444 = tpu.memref_slice %arg2[%add3A_442, %dma_wait3A_443] : memref<1024x16384xf32, #tpu.memory_space<hbm>> -> memref<1x16384xf32, #tpu.memory_space<hbm>>
    %dma_wait3A_445 = tpu.memref_squeeze %dma_wait3A_444 : memref<1x16384xf32, #tpu.memory_space<hbm>> -> memref<16384xf32, #tpu.memory_space<hbm>>
    %dma_wait3A_446 = arith.constant 0 : i32
    %dma_wait3A_447 = tpu.memref_slice %arg2[%add3A_442, %dma_wait3A_446] : memref<1024x16384xf32, #tpu.memory_space<hbm>> -> memref<1x16384xf32, #tpu.memory_space<hbm>>
    %dma_wait3A_448 = tpu.memref_squeeze %dma_wait3A_447 : memref<1x16384xf32, #tpu.memory_space<hbm>> -> memref<16384xf32, #tpu.memory_space<hbm>>
    tpu.wait_dma2 semaphore(%arg10 : memref<!tpu.dma_semaphore, #tpu.memory_space<semaphore_mem>>) src(%dma_wait3A_448 : memref<16384xf32, #tpu.memory_space<hbm>>) dst(%arg6 : memref<16384xf32, #tpu.memory_space<vmem>>)
    %scan3A_449 = arith.constant 0 : i32
    %scan3A_450 = arith.constant 0 : i32
    %scan3A_451 = arith.constant 64 : i32
    %scan3A_452 = arith.addi %scan3A_450, %scan3A_451 : i32
    %scan3A_453 = arith.constant 1 : i32
    %scan3A_454 = scf.for %scan3A_516 = %scan3A_450 to %scan3A_452 step %scan3A_453 iter_args(%scan3A_517 = %scan3A_449) -> (i32)  : i32 {
      %mul3A_518 = arith.constant 64 : i32
      %mul3A_519 = arith.muli %scan3A_516, %mul3A_518 : i32
      %add3A_520 = arith.constant 0 : i32
      %add3A_521 = arith.addi %mul3A_519, %add3A_520 : i32
      %get3A = arith.constant 13 : i32
      %get3A_522 = arith.index_cast %get3A : i32 to index
      %get3A_523 = arith.index_cast %add3A_521 : i32 to index
      %get3A_524 = tpu.vector_load %arg7[%get3A_522, %get3A_523] {strides = array<i32>} : memref<16x4096xi16, #tpu.memory_space<vmem>>, vector<32xi16>,
      %unpack3A = tpu.unpack_subelements %get3A_524, 0 {pack_format = #tpu.pack_format<interleaved>} : vector<32xi16> -> vector<16xi32>
      %unpack3A_525 = tpu.unpack_subelements %get3A_524, 1 {pack_format = #tpu.pack_format<interleaved>} : vector<32xi16> -> vector<16xi32>
      %gather3A = tpu.vector_load_idx %arg6[%unpack3A] : memref<16384xf32, #tpu.memory_space<vmem>>[vector<16xi32>], vector<16xf32>,
      %gather3A_526 = tpu.vector_load_idx %arg6[%unpack3A_525] : memref<16384xf32, #tpu.memory_space<vmem>>[vector<16xi32>], vector<16xf32>,
      %pack3A = tpu.pack_subelements %gather3A, %gather3A_526 {pack_format = #tpu.pack_format<interleaved>, positions = array<i32: 0, 1>} : vector<16xf32>, vector<16xf32> -> vector<32xbf16>
      %add3A_527 = arith.constant 0 : i32
      %add3A_528 = arith.addi %mul3A_519, %add3A_527 : i32
      %swap3A = arith.constant 13 : i32
      %swap3A_529 = arith.index_cast %swap3A : i32 to index
      %swap3A_530 = arith.index_cast %add3A_528 : i32 to index
      %swap3A_531 = tpu.vector_load %arg8[%swap3A_529, %swap3A_530] {strides = array<i32>} : memref<16x4096xbf16, #tpu.memory_space<vmem>>, vector<32xbf16>,
      tpu.vector_store %arg8[%swap3A_529, %swap3A_530], %pack3A {strides = array<i32>} : memref<16x4096xbf16, #tpu.memory_space<vmem>>, vector<32xbf16>,
      %add3A_532 = arith.constant 32 : i32
      %add3A_533 = arith.addi %mul3A_519, %add3A_532 : i32
      %get3A_534 = arith.constant 13 : i32
      %get3A_535 = arith.index_cast %get3A_534 : i32 to index
      %get3A_536 = arith.index_cast %add3A_533 : i32 to index
      %get3A_537 = tpu.vector_load %arg7[%get3A_535, %get3A_536] {strides = array<i32>} : memref<16x4096xi16, #tpu.memory_space<vmem>>, vector<32xi16>,
      %unpack3A_538 = tpu.unpack_subelements %get3A_537, 0 {pack_format = #tpu.pack_format<interleaved>} : vector<32xi16> -> vector<16xi32>
      %unpack3A_539 = tpu.unpack_subelements %get3A_537, 1 {pack_format = #tpu.pack_format<interleaved>} : vector<32xi16> -> vector<16xi32>
      %gather3A_540 = tpu.vector_load_idx %arg6[%unpack3A_538] : memref<16384xf32, #tpu.memory_space<vmem>>[vector<16xi32>], vector<16xf32>,
      %gather3A_541 = tpu.vector_load_idx %arg6[%unpack3A_539] : memref<16384xf32, #tpu.memory_space<vmem>>[vector<16xi32>], vector<16xf32>,
      %pack3A_542 = tpu.pack_subelements %gather3A_540, %gather3A_541 {pack_format = #tpu.pack_format<interleaved>, positions = array<i32: 0, 1>} : vector<16xf32>, vector<16xf32> -> vector<32xbf16>
      %add3A_543 = arith.constant 32 : i32
      %add3A_544 = arith.addi %mul3A_519, %add3A_543 : i32
      %swap3A_545 = arith.constant 13 : i32
      %swap3A_546 = arith.index_cast %swap3A_545 : i32 to index
      %swap3A_547 = arith.index_cast %add3A_544 : i32 to index
      %swap3A_548 = tpu.vector_load %arg8[%swap3A_546, %swap3A_547] {strides = array<i32>} : memref<16x4096xbf16, #tpu.memory_space<vmem>>, vector<32xbf16>,
      tpu.vector_store %arg8[%swap3A_546, %swap3A_547], %pack3A_542 {strides = array<i32>} : memref<16x4096xbf16, #tpu.memory_space<vmem>>, vector<32xbf16>,
      %scan3A_549 = arith.constant 0 : i32
      scf.yield %scan3A_549 : i32
    }
    %scan3A_455 = arith.constant 64 : i32
    %mul3A_456 = arith.constant 16 : i32
    %mul3A_457 = arith.muli %add3A, %mul3A_456 : i32
    %add3A_458 = arith.constant 0 : i32
    %add3A_459 = arith.addi %add3A_458, %mul3A_457 : i32
    %add3A_460 = arith.constant 15 : i32
    %add3A_461 = arith.addi %add3A_459, %add3A_460 : i32
    %dma_start3A_462 = arith.constant 0 : i32
    %dma_start3A_463 = tpu.memref_slice %arg2[%add3A_461, %dma_start3A_462] : memref<1024x16384xf32, #tpu.memory_space<hbm>> -> memref<1x16384xf32, #tpu.memory_space<hbm>>
    %dma_start3A_464 = tpu.memref_squeeze %dma_start3A_463 : memref<1x16384xf32, #tpu.memory_space<hbm>> -> memref<16384xf32, #tpu.memory_space<hbm>>
    %dma_start3A_465 = arith.constant 0 : i32
    %dma_start3A_466 = tpu.memref_slice %arg2[%add3A_461, %dma_start3A_465] : memref<1024x16384xf32, #tpu.memory_space<hbm>> -> memref<1x16384xf32, #tpu.memory_space<hbm>>
    %dma_start3A_467 = tpu.memref_squeeze %dma_start3A_466 : memref<1x16384xf32, #tpu.memory_space<hbm>> -> memref<16384xf32, #tpu.memory_space<hbm>>
    tpu.enqueue_dma source(%dma_start3A_467 : memref<16384xf32, #tpu.memory_space<hbm>>) target(%arg6 : memref<16384xf32, #tpu.memory_space<vmem>>) target_semaphore(%arg10 : memref<!tpu.dma_semaphore, #tpu.memory_space<semaphore_mem>>)
    %mul3A_468 = arith.constant 16 : i32
    %mul3A_469 = arith.muli %add3A, %mul3A_468 : i32
    %add3A_470 = arith.constant 0 : i32
    %add3A_471 = arith.addi %add3A_470, %mul3A_469 : i32
    %add3A_472 = arith.constant 14 : i32
    %add3A_473 = arith.addi %add3A_471, %add3A_472 : i32
    %dma_wait3A_474 = arith.constant 0 : i32
    %dma_wait3A_475 = tpu.memref_slice %arg2[%add3A_473, %dma_wait3A_474] : memref<1024x16384xf32, #tpu.memory_space<hbm>> -> memref<1x16384xf32, #tpu.memory_space<hbm>>
    %dma_wait3A_476 = tpu.memref_squeeze %dma_wait3A_475 : memref<1x16384xf32, #tpu.memory_space<hbm>> -> memref<16384xf32, #tpu.memory_space<hbm>>
    %dma_wait3A_477 = arith.constant 0 : i32
    %dma_wait3A_478 = tpu.memref_slice %arg2[%add3A_473, %dma_wait3A_477] : memref<1024x16384xf32, #tpu.memory_space<hbm>> -> memref<1x16384xf32, #tpu.memory_space<hbm>>
    %dma_wait3A_479 = tpu.memref_squeeze %dma_wait3A_478 : memref<1x16384xf32, #tpu.memory_space<hbm>> -> memref<16384xf32, #tpu.memory_space<hbm>>
    tpu.wait_dma2 semaphore(%arg9 : memref<!tpu.dma_semaphore, #tpu.memory_space<semaphore_mem>>) src(%dma_wait3A_479 : memref<16384xf32, #tpu.memory_space<hbm>>) dst(%arg5 : memref<16384xf32, #tpu.memory_space<vmem>>)
    %scan3A_480 = arith.constant 0 : i32
    %scan3A_481 = arith.constant 0 : i32
    %scan3A_482 = arith.constant 64 : i32
    %scan3A_483 = arith.addi %scan3A_481, %scan3A_482 : i32
    %scan3A_484 = arith.constant 1 : i32
    %scan3A_485 = scf.for %scan3A_516 = %scan3A_481 to %scan3A_483 step %scan3A_484 iter_args(%scan3A_517 = %scan3A_480) -> (i32)  : i32 {
      %mul3A_518 = arith.constant 64 : i32
      %mul3A_519 = arith.muli %scan3A_516, %mul3A_518 : i32
      %add3A_520 = arith.constant 0 : i32
      %add3A_521 = arith.addi %mul3A_519, %add3A_520 : i32
      %get3A = arith.constant 14 : i32
      %get3A_522 = arith.index_cast %get3A : i32 to index
      %get3A_523 = arith.index_cast %add3A_521 : i32 to index
      %get3A_524 = tpu.vector_load %arg7[%get3A_522, %get3A_523] {strides = array<i32>} : memref<16x4096xi16, #tpu.memory_space<vmem>>, vector<32xi16>,
      %unpack3A = tpu.unpack_subelements %get3A_524, 0 {pack_format = #tpu.pack_format<interleaved>} : vector<32xi16> -> vector<16xi32>
      %unpack3A_525 = tpu.unpack_subelements %get3A_524, 1 {pack_format = #tpu.pack_format<interleaved>} : vector<32xi16> -> vector<16xi32>
      %gather3A = tpu.vector_load_idx %arg5[%unpack3A] : memref<16384xf32, #tpu.memory_space<vmem>>[vector<16xi32>], vector<16xf32>,
      %gather3A_526 = tpu.vector_load_idx %arg5[%unpack3A_525] : memref<16384xf32, #tpu.memory_space<vmem>>[vector<16xi32>], vector<16xf32>,
      %pack3A = tpu.pack_subelements %gather3A, %gather3A_526 {pack_format = #tpu.pack_format<interleaved>, positions = array<i32: 0, 1>} : vector<16xf32>, vector<16xf32> -> vector<32xbf16>
      %add3A_527 = arith.constant 0 : i32
      %add3A_528 = arith.addi %mul3A_519, %add3A_527 : i32
      %swap3A = arith.constant 14 : i32
      %swap3A_529 = arith.index_cast %swap3A : i32 to index
      %swap3A_530 = arith.index_cast %add3A_528 : i32 to index
      %swap3A_531 = tpu.vector_load %arg8[%swap3A_529, %swap3A_530] {strides = array<i32>} : memref<16x4096xbf16, #tpu.memory_space<vmem>>, vector<32xbf16>,
      tpu.vector_store %arg8[%swap3A_529, %swap3A_530], %pack3A {strides = array<i32>} : memref<16x4096xbf16, #tpu.memory_space<vmem>>, vector<32xbf16>,
      %add3A_532 = arith.constant 32 : i32
      %add3A_533 = arith.addi %mul3A_519, %add3A_532 : i32
      %get3A_534 = arith.constant 14 : i32
      %get3A_535 = arith.index_cast %get3A_534 : i32 to index
      %get3A_536 = arith.index_cast %add3A_533 : i32 to index
      %get3A_537 = tpu.vector_load %arg7[%get3A_535, %get3A_536] {strides = array<i32>} : memref<16x4096xi16, #tpu.memory_space<vmem>>, vector<32xi16>,
      %unpack3A_538 = tpu.unpack_subelements %get3A_537, 0 {pack_format = #tpu.pack_format<interleaved>} : vector<32xi16> -> vector<16xi32>
      %unpack3A_539 = tpu.unpack_subelements %get3A_537, 1 {pack_format = #tpu.pack_format<interleaved>} : vector<32xi16> -> vector<16xi32>
      %gather3A_540 = tpu.vector_load_idx %arg5[%unpack3A_538] : memref<16384xf32, #tpu.memory_space<vmem>>[vector<16xi32>], vector<16xf32>,
      %gather3A_541 = tpu.vector_load_idx %arg5[%unpack3A_539] : memref<16384xf32, #tpu.memory_space<vmem>>[vector<16xi32>], vector<16xf32>,
      %pack3A_542 = tpu.pack_subelements %gather3A_540, %gather3A_541 {pack_format = #tpu.pack_format<interleaved>, positions = array<i32: 0, 1>} : vector<16xf32>, vector<16xf32> -> vector<32xbf16>
      %add3A_543 = arith.constant 32 : i32
      %add3A_544 = arith.addi %mul3A_519, %add3A_543 : i32
      %swap3A_545 = arith.constant 14 : i32
      %swap3A_546 = arith.index_cast %swap3A_545 : i32 to index
      %swap3A_547 = arith.index_cast %add3A_544 : i32 to index
      %swap3A_548 = tpu.vector_load %arg8[%swap3A_546, %swap3A_547] {strides = array<i32>} : memref<16x4096xbf16, #tpu.memory_space<vmem>>, vector<32xbf16>,
      tpu.vector_store %arg8[%swap3A_546, %swap3A_547], %pack3A_542 {strides = array<i32>} : memref<16x4096xbf16, #tpu.memory_space<vmem>>, vector<32xbf16>,
      %scan3A_549 = arith.constant 0 : i32
      scf.yield %scan3A_549 : i32
    }
    %scan3A_486 = arith.constant 64 : i32
    %mul3A_487 = arith.constant 16 : i32
    %mul3A_488 = arith.muli %add3A, %mul3A_487 : i32
    %add3A_489 = arith.constant 0 : i32
    %add3A_490 = arith.addi %add3A_489, %mul3A_488 : i32
    %add3A_491 = arith.constant 15 : i32
    %add3A_492 = arith.addi %add3A_490, %add3A_491 : i32
    %dma_wait3A_493 = arith.constant 0 : i32
    %dma_wait3A_494 = tpu.memref_slice %arg2[%add3A_492, %dma_wait3A_493] : memref<1024x16384xf32, #tpu.memory_space<hbm>> -> memref<1x16384xf32, #tpu.memory_space<hbm>>
    %dma_wait3A_495 = tpu.memref_squeeze %dma_wait3A_494 : memref<1x16384xf32, #tpu.memory_space<hbm>> -> memref<16384xf32, #tpu.memory_space<hbm>>
    %dma_wait3A_496 = arith.constant 0 : i32
    %dma_wait3A_497 = tpu.memref_slice %arg2[%add3A_492, %dma_wait3A_496] : memref<1024x16384xf32, #tpu.memory_space<hbm>> -> memref<1x16384xf32, #tpu.memory_space<hbm>>
    %dma_wait3A_498 = tpu.memref_squeeze %dma_wait3A_497 : memref<1x16384xf32, #tpu.memory_space<hbm>> -> memref<16384xf32, #tpu.memory_space<hbm>>
    tpu.wait_dma2 semaphore(%arg10 : memref<!tpu.dma_semaphore, #tpu.memory_space<semaphore_mem>>) src(%dma_wait3A_498 : memref<16384xf32, #tpu.memory_space<hbm>>) dst(%arg6 : memref<16384xf32, #tpu.memory_space<vmem>>)
    %scan3A_499 = arith.constant 0 : i32
    %scan3A_500 = arith.constant 0 : i32
    %scan3A_501 = arith.constant 64 : i32
    %scan3A_502 = arith.addi %scan3A_500, %scan3A_501 : i32
    %scan3A_503 = arith.constant 1 : i32
    %scan3A_504 = scf.for %scan3A_516 = %scan3A_500 to %scan3A_502 step %scan3A_503 iter_args(%scan3A_517 = %scan3A_499) -> (i32)  : i32 {
      %mul3A_518 = arith.constant 64 : i32
      %mul3A_519 = arith.muli %scan3A_516, %mul3A_518 : i32
      %add3A_520 = arith.constant 0 : i32
      %add3A_521 = arith.addi %mul3A_519, %add3A_520 : i32
      %get3A = arith.constant 15 : i32
      %get3A_522 = arith.index_cast %get3A : i32 to index
      %get3A_523 = arith.index_cast %add3A_521 : i32 to index
      %get3A_524 = tpu.vector_load %arg7[%get3A_522, %get3A_523] {strides = array<i32>} : memref<16x4096xi16, #tpu.memory_space<vmem>>, vector<32xi16>,
      %unpack3A = tpu.unpack_subelements %get3A_524, 0 {pack_format = #tpu.pack_format<interleaved>} : vector<32xi16> -> vector<16xi32>
      %unpack3A_525 = tpu.unpack_subelements %get3A_524, 1 {pack_format = #tpu.pack_format<interleaved>} : vector<32xi16> -> vector<16xi32>
      %gather3A = tpu.vector_load_idx %arg6[%unpack3A] : memref<16384xf32, #tpu.memory_space<vmem>>[vector<16xi32>], vector<16xf32>,
      %gather3A_526 = tpu.vector_load_idx %arg6[%unpack3A_525] : memref<16384xf32, #tpu.memory_space<vmem>>[vector<16xi32>], vector<16xf32>,
      %pack3A = tpu.pack_subelements %gather3A, %gather3A_526 {pack_format = #tpu.pack_format<interleaved>, positions = array<i32: 0, 1>} : vector<16xf32>, vector<16xf32> -> vector<32xbf16>
      %add3A_527 = arith.constant 0 : i32
      %add3A_528 = arith.addi %mul3A_519, %add3A_527 : i32
      %swap3A = arith.constant 15 : i32
      %swap3A_529 = arith.index_cast %swap3A : i32 to index
      %swap3A_530 = arith.index_cast %add3A_528 : i32 to index
      %swap3A_531 = tpu.vector_load %arg8[%swap3A_529, %swap3A_530] {strides = array<i32>} : memref<16x4096xbf16, #tpu.memory_space<vmem>>, vector<32xbf16>,
      tpu.vector_store %arg8[%swap3A_529, %swap3A_530], %pack3A {strides = array<i32>} : memref<16x4096xbf16, #tpu.memory_space<vmem>>, vector<32xbf16>,
      %add3A_532 = arith.constant 32 : i32
      %add3A_533 = arith.addi %mul3A_519, %add3A_532 : i32
      %get3A_534 = arith.constant 15 : i32
      %get3A_535 = arith.index_cast %get3A_534 : i32 to index
      %get3A_536 = arith.index_cast %add3A_533 : i32 to index
      %get3A_537 = tpu.vector_load %arg7[%get3A_535, %get3A_536] {strides = array<i32>} : memref<16x4096xi16, #tpu.memory_space<vmem>>, vector<32xi16>,
      %unpack3A_538 = tpu.unpack_subelements %get3A_537, 0 {pack_format = #tpu.pack_format<interleaved>} : vector<32xi16> -> vector<16xi32>
      %unpack3A_539 = tpu.unpack_subelements %get3A_537, 1 {pack_format = #tpu.pack_format<interleaved>} : vector<32xi16> -> vector<16xi32>
      %gather3A_540 = tpu.vector_load_idx %arg6[%unpack3A_538] : memref<16384xf32, #tpu.memory_space<vmem>>[vector<16xi32>], vector<16xf32>,
      %gather3A_541 = tpu.vector_load_idx %arg6[%unpack3A_539] : memref<16384xf32, #tpu.memory_space<vmem>>[vector<16xi32>], vector<16xf32>,
      %pack3A_542 = tpu.pack_subelements %gather3A_540, %gather3A_541 {pack_format = #tpu.pack_format<interleaved>, positions = array<i32: 0, 1>} : vector<16xf32>, vector<16xf32> -> vector<32xbf16>
      %add3A_543 = arith.constant 32 : i32
      %add3A_544 = arith.addi %mul3A_519, %add3A_543 : i32
      %swap3A_545 = arith.constant 15 : i32
      %swap3A_546 = arith.index_cast %swap3A_545 : i32 to index
      %swap3A_547 = arith.index_cast %add3A_544 : i32 to index
      %swap3A_548 = tpu.vector_load %arg8[%swap3A_546, %swap3A_547] {strides = array<i32>} : memref<16x4096xbf16, #tpu.memory_space<vmem>>, vector<32xbf16>,
      tpu.vector_store %arg8[%swap3A_546, %swap3A_547], %pack3A_542 {strides = array<i32>} : memref<16x4096xbf16, #tpu.memory_space<vmem>>, vector<32xbf16>,
      %scan3A_549 = arith.constant 0 : i32
      scf.yield %scan3A_549 : i32
    }
    %scan3A_505 = arith.constant 64 : i32
    %mul3A_506 = arith.constant 16 : i32
    %mul3A_507 = arith.muli %add3A, %mul3A_506 : i32
    %dma_start3A_508 = arith.constant 0 : i32
    %dma_start3A_509 = tpu.memref_slice %arg4[%mul3A_507, %dma_start3A_508] : memref<512x4096xbf16, #tpu.memory_space<hbm>> -> memref<16x4096xbf16, #tpu.memory_space<hbm>>
    %dma_start3A_510 = arith.constant 0 : i32
    %dma_start3A_511 = tpu.memref_slice %arg4[%mul3A_507, %dma_start3A_510] : memref<512x4096xbf16, #tpu.memory_space<hbm>> -> memref<16x4096xbf16, #tpu.memory_space<hbm>>
    tpu.enqueue_dma source(%arg8 : memref<16x4096xbf16, #tpu.memory_space<vmem>>) target(%dma_start3A_511 : memref<16x4096xbf16, #tpu.memory_space<hbm>>) target_semaphore(%arg12 : memref<!tpu.dma_semaphore, #tpu.memory_space<semaphore_mem>>)
    %dma_wait3A_512 = arith.constant 0 : i32
    %dma_wait3A_513 = tpu.memref_slice %arg4[%mul3A_507, %dma_wait3A_512] : memref<512x4096xbf16, #tpu.memory_space<hbm>> -> memref<16x4096xbf16, #tpu.memory_space<hbm>>
    %dma_wait3A_514 = arith.constant 0 : i32
    %dma_wait3A_515 = tpu.memref_slice %arg4[%mul3A_507, %dma_wait3A_514] : memref<512x4096xbf16, #tpu.memory_space<hbm>> -> memref<16x4096xbf16, #tpu.memory_space<hbm>>
    tpu.wait_dma2 semaphore(%arg12 : memref<!tpu.dma_semaphore, #tpu.memory_space<semaphore_mem>>) src(%arg8 : memref<16x4096xbf16, #tpu.memory_space<vmem>>) dst(%dma_wait3A_515 : memref<16x4096xbf16, #tpu.memory_space<hbm>>)
    return
  }
}

#map = affine_map<(d0, d1) -> (0, 0)>
module attributes {stable_mosaic.version = 14 : i64} {
  func.func @wt_kernel(%arg0: i32, %arg1: i32, %arg2: memref<14x1024xi32, #tpu.memory_space<hbm>>, %arg3: memref<1024x1024xf32, #tpu.memory_space<hbm>>, %arg4: memref<14x1024xi32, #tpu.memory_space<vmem>>, %arg5: memref<32x1024xf32, #tpu.memory_space<vmem>>) attributes {dimension_semantics = [#tpu.dimension_semantics<core_parallel>, #tpu.dimension_semantics<subcore_parallel>], iteration_bounds = array<i64: 2, 16>, scalar_prefetch = 0 : i64, scratch_operands = 2 : i64, tpu.core_type = #tpu.core_type<sc_vector_subcore>, window_params = [{transform_indices = #map}, {transform_indices = #map}]} {
    %mul3A = arith.constant 2 : i32
    %mul3A_0 = arith.muli %arg1, %mul3A : i32
    %add3A = arith.addi %mul3A_0, %arg0 : i32
    %mul3A_1 = arith.constant 32 : i32
    %mul3A_2 = arith.muli %add3A, %mul3A_1 : i32
    "tpu.region"() ({
      %run_scoped3A = tpu.sem_alloc : memref<!tpu.dma_semaphore, #tpu.memory_space<semaphore_mem>>
      tpu.enqueue_dma source(%arg2 : memref<14x1024xi32, #tpu.memory_space<hbm>>) target(%arg4 : memref<14x1024xi32, #tpu.memory_space<vmem>>) target_semaphore(%run_scoped3A : memref<!tpu.dma_semaphore, #tpu.memory_space<semaphore_mem>>)
      tpu.wait_dma2 semaphore(%run_scoped3A : memref<!tpu.dma_semaphore, #tpu.memory_space<semaphore_mem>>) src(%arg2 : memref<14x1024xi32, #tpu.memory_space<hbm>>) dst(%arg4 : memref<14x1024xi32, #tpu.memory_space<vmem>>)
      tpu.yield
    }) : () -> ()
    %scan3A = arith.constant 0 : i32
    %scan3A_3 = arith.constant 0 : i32
    %scan3A_4 = arith.constant 256 : i32
    %scan3A_5 = arith.addi %scan3A_3, %scan3A_4 : i32
    %scan3A_6 = arith.constant 1 : i32
    %scan3A_7 = scf.for %scan3A_237 = %scan3A_3 to %scan3A_5 step %scan3A_6 iter_args(%scan3A_238 = %scan3A) -> (i32)  : i32 {
      %shift_right_arithmetic3A = arith.constant 3 : i32
      %shift_right_arithmetic3A_239 = arith.shrsi %scan3A_237, %shift_right_arithmetic3A : i32
      %and3A = arith.constant 7 : i32
      %and3A_240 = arith.andi %scan3A_237, %and3A : i32
      %mul3A_241 = arith.constant 128 : i32
      %mul3A_242 = arith.muli %and3A_240, %mul3A_241 : i32
      %broadcast_in_dim3A_243 = arith.constant 0.000000e+00 : f32
      %broadcast_in_dim3A_244 = vector.broadcast %broadcast_in_dim3A_243 : f32 to vector<16xf32>
      %add3A_245 = arith.constant 0 : i32
      %add3A_246 = arith.addi %mul3A_242, %add3A_245 : i32
      %swap3A = arith.index_cast %shift_right_arithmetic3A_239 : i32 to index
      %swap3A_247 = arith.index_cast %add3A_246 : i32 to index
      %swap3A_248 = tpu.vector_load %arg5[%swap3A, %swap3A_247] {strides = array<i32>} : memref<32x1024xf32, #tpu.memory_space<vmem>>, vector<16xf32>,
      tpu.vector_store %arg5[%swap3A, %swap3A_247], %broadcast_in_dim3A_244 {strides = array<i32>} : memref<32x1024xf32, #tpu.memory_space<vmem>>, vector<16xf32>,
      %broadcast_in_dim3A_249 = arith.constant 0.000000e+00 : f32
      %broadcast_in_dim3A_250 = vector.broadcast %broadcast_in_dim3A_249 : f32 to vector<16xf32>
      %add3A_251 = arith.constant 16 : i32
      %add3A_252 = arith.addi %mul3A_242, %add3A_251 : i32
      %swap3A_253 = arith.index_cast %shift_right_arithmetic3A_239 : i32 to index
      %swap3A_254 = arith.index_cast %add3A_252 : i32 to index
      %swap3A_255 = tpu.vector_load %arg5[%swap3A_253, %swap3A_254] {strides = array<i32>} : memref<32x1024xf32, #tpu.memory_space<vmem>>, vector<16xf32>,
      tpu.vector_store %arg5[%swap3A_253, %swap3A_254], %broadcast_in_dim3A_250 {strides = array<i32>} : memref<32x1024xf32, #tpu.memory_space<vmem>>, vector<16xf32>,
      %broadcast_in_dim3A_256 = arith.constant 0.000000e+00 : f32
      %broadcast_in_dim3A_257 = vector.broadcast %broadcast_in_dim3A_256 : f32 to vector<16xf32>
      %add3A_258 = arith.constant 32 : i32
      %add3A_259 = arith.addi %mul3A_242, %add3A_258 : i32
      %swap3A_260 = arith.index_cast %shift_right_arithmetic3A_239 : i32 to index
      %swap3A_261 = arith.index_cast %add3A_259 : i32 to index
      %swap3A_262 = tpu.vector_load %arg5[%swap3A_260, %swap3A_261] {strides = array<i32>} : memref<32x1024xf32, #tpu.memory_space<vmem>>, vector<16xf32>,
      tpu.vector_store %arg5[%swap3A_260, %swap3A_261], %broadcast_in_dim3A_257 {strides = array<i32>} : memref<32x1024xf32, #tpu.memory_space<vmem>>, vector<16xf32>,
      %broadcast_in_dim3A_263 = arith.constant 0.000000e+00 : f32
      %broadcast_in_dim3A_264 = vector.broadcast %broadcast_in_dim3A_263 : f32 to vector<16xf32>
      %add3A_265 = arith.constant 48 : i32
      %add3A_266 = arith.addi %mul3A_242, %add3A_265 : i32
      %swap3A_267 = arith.index_cast %shift_right_arithmetic3A_239 : i32 to index
      %swap3A_268 = arith.index_cast %add3A_266 : i32 to index
      %swap3A_269 = tpu.vector_load %arg5[%swap3A_267, %swap3A_268] {strides = array<i32>} : memref<32x1024xf32, #tpu.memory_space<vmem>>, vector<16xf32>,
      tpu.vector_store %arg5[%swap3A_267, %swap3A_268], %broadcast_in_dim3A_264 {strides = array<i32>} : memref<32x1024xf32, #tpu.memory_space<vmem>>, vector<16xf32>,
      %broadcast_in_dim3A_270 = arith.constant 0.000000e+00 : f32
      %broadcast_in_dim3A_271 = vector.broadcast %broadcast_in_dim3A_270 : f32 to vector<16xf32>
      %add3A_272 = arith.constant 64 : i32
      %add3A_273 = arith.addi %mul3A_242, %add3A_272 : i32
      %swap3A_274 = arith.index_cast %shift_right_arithmetic3A_239 : i32 to index
      %swap3A_275 = arith.index_cast %add3A_273 : i32 to index
      %swap3A_276 = tpu.vector_load %arg5[%swap3A_274, %swap3A_275] {strides = array<i32>} : memref<32x1024xf32, #tpu.memory_space<vmem>>, vector<16xf32>,
      tpu.vector_store %arg5[%swap3A_274, %swap3A_275], %broadcast_in_dim3A_271 {strides = array<i32>} : memref<32x1024xf32, #tpu.memory_space<vmem>>, vector<16xf32>,
      %broadcast_in_dim3A_277 = arith.constant 0.000000e+00 : f32
      %broadcast_in_dim3A_278 = vector.broadcast %broadcast_in_dim3A_277 : f32 to vector<16xf32>
      %add3A_279 = arith.constant 80 : i32
      %add3A_280 = arith.addi %mul3A_242, %add3A_279 : i32
      %swap3A_281 = arith.index_cast %shift_right_arithmetic3A_239 : i32 to index
      %swap3A_282 = arith.index_cast %add3A_280 : i32 to index
      %swap3A_283 = tpu.vector_load %arg5[%swap3A_281, %swap3A_282] {strides = array<i32>} : memref<32x1024xf32, #tpu.memory_space<vmem>>, vector<16xf32>,
      tpu.vector_store %arg5[%swap3A_281, %swap3A_282], %broadcast_in_dim3A_278 {strides = array<i32>} : memref<32x1024xf32, #tpu.memory_space<vmem>>, vector<16xf32>,
      %broadcast_in_dim3A_284 = arith.constant 0.000000e+00 : f32
      %broadcast_in_dim3A_285 = vector.broadcast %broadcast_in_dim3A_284 : f32 to vector<16xf32>
      %add3A_286 = arith.constant 96 : i32
      %add3A_287 = arith.addi %mul3A_242, %add3A_286 : i32
      %swap3A_288 = arith.index_cast %shift_right_arithmetic3A_239 : i32 to index
      %swap3A_289 = arith.index_cast %add3A_287 : i32 to index
      %swap3A_290 = tpu.vector_load %arg5[%swap3A_288, %swap3A_289] {strides = array<i32>} : memref<32x1024xf32, #tpu.memory_space<vmem>>, vector<16xf32>,
      tpu.vector_store %arg5[%swap3A_288, %swap3A_289], %broadcast_in_dim3A_285 {strides = array<i32>} : memref<32x1024xf32, #tpu.memory_space<vmem>>, vector<16xf32>,
      %broadcast_in_dim3A_291 = arith.constant 0.000000e+00 : f32
      %broadcast_in_dim3A_292 = vector.broadcast %broadcast_in_dim3A_291 : f32 to vector<16xf32>
      %add3A_293 = arith.constant 112 : i32
      %add3A_294 = arith.addi %mul3A_242, %add3A_293 : i32
      %swap3A_295 = arith.index_cast %shift_right_arithmetic3A_239 : i32 to index
      %swap3A_296 = arith.index_cast %add3A_294 : i32 to index
      %swap3A_297 = tpu.vector_load %arg5[%swap3A_295, %swap3A_296] {strides = array<i32>} : memref<32x1024xf32, #tpu.memory_space<vmem>>, vector<16xf32>,
      tpu.vector_store %arg5[%swap3A_295, %swap3A_296], %broadcast_in_dim3A_292 {strides = array<i32>} : memref<32x1024xf32, #tpu.memory_space<vmem>>, vector<16xf32>,
      %scan3A_298 = arith.constant 0 : i32
      scf.yield %scan3A_298 : i32
    }
    %scan3A_8 = arith.constant 256 : i32
    %iota3A = tpu.iota {dimensions = array<i32: 0>} : vector<16xi32>
    %add3A_9 = arith.constant 0 : i32
    %add3A_10 = vector.broadcast %add3A_9 : i32 to vector<16xi32>
    %add3A_11 = arith.addi %add3A_10, %iota3A : vector<16xi32>
    %add3A_12 = arith.constant 0 : i32
    %add3A_13 = arith.addi %mul3A_2, %add3A_12 : i32
    %get3A = arith.constant 0 : i32
    %get3A_14 = arith.index_cast %get3A : i32 to index
    %get3A_15 = arith.index_cast %add3A_13 : i32 to index
    %get3A_16 = tpu.vector_load %arg4[%get3A_14, %get3A_15] {strides = array<i32>} : memref<14x1024xi32, #tpu.memory_space<vmem>>, vector<16xi32>,
    %broadcast_in_dim3A = arith.constant 8.192000e+03 : f32
    %broadcast_in_dim3A_17 = vector.broadcast %broadcast_in_dim3A : f32 to vector<16xf32>
    tpu.vector_store_idx %arg5[%add3A_11, %get3A_16], %broadcast_in_dim3A_17 {add = true} : memref<32x1024xf32, #tpu.memory_space<vmem>>[vector<16xi32>, vector<16xi32>], vector<16xf32>,
    %add3A_18 = arith.constant 0 : i32
    %add3A_19 = arith.addi %mul3A_2, %add3A_18 : i32
    %get3A_20 = arith.constant 1 : i32
    %get3A_21 = arith.index_cast %get3A_20 : i32 to index
    %get3A_22 = arith.index_cast %add3A_19 : i32 to index
    %get3A_23 = tpu.vector_load %arg4[%get3A_21, %get3A_22] {strides = array<i32>} : memref<14x1024xi32, #tpu.memory_space<vmem>>, vector<16xi32>,
    %broadcast_in_dim3A_24 = arith.constant 4.096000e+03 : f32
    %broadcast_in_dim3A_25 = vector.broadcast %broadcast_in_dim3A_24 : f32 to vector<16xf32>
    tpu.vector_store_idx %arg5[%add3A_11, %get3A_23], %broadcast_in_dim3A_25 {add = true} : memref<32x1024xf32, #tpu.memory_space<vmem>>[vector<16xi32>, vector<16xi32>], vector<16xf32>,
    %add3A_26 = arith.constant 0 : i32
    %add3A_27 = arith.addi %mul3A_2, %add3A_26 : i32
    %get3A_28 = arith.constant 2 : i32
    %get3A_29 = arith.index_cast %get3A_28 : i32 to index
    %get3A_30 = arith.index_cast %add3A_27 : i32 to index
    %get3A_31 = tpu.vector_load %arg4[%get3A_29, %get3A_30] {strides = array<i32>} : memref<14x1024xi32, #tpu.memory_space<vmem>>, vector<16xi32>,
    %broadcast_in_dim3A_32 = arith.constant 2.048000e+03 : f32
    %broadcast_in_dim3A_33 = vector.broadcast %broadcast_in_dim3A_32 : f32 to vector<16xf32>
    tpu.vector_store_idx %arg5[%add3A_11, %get3A_31], %broadcast_in_dim3A_33 {add = true} : memref<32x1024xf32, #tpu.memory_space<vmem>>[vector<16xi32>, vector<16xi32>], vector<16xf32>,
    %add3A_34 = arith.constant 0 : i32
    %add3A_35 = arith.addi %mul3A_2, %add3A_34 : i32
    %get3A_36 = arith.constant 3 : i32
    %get3A_37 = arith.index_cast %get3A_36 : i32 to index
    %get3A_38 = arith.index_cast %add3A_35 : i32 to index
    %get3A_39 = tpu.vector_load %arg4[%get3A_37, %get3A_38] {strides = array<i32>} : memref<14x1024xi32, #tpu.memory_space<vmem>>, vector<16xi32>,
    %broadcast_in_dim3A_40 = arith.constant 1.024000e+03 : f32
    %broadcast_in_dim3A_41 = vector.broadcast %broadcast_in_dim3A_40 : f32 to vector<16xf32>
    tpu.vector_store_idx %arg5[%add3A_11, %get3A_39], %broadcast_in_dim3A_41 {add = true} : memref<32x1024xf32, #tpu.memory_space<vmem>>[vector<16xi32>, vector<16xi32>], vector<16xf32>,
    %add3A_42 = arith.constant 0 : i32
    %add3A_43 = arith.addi %mul3A_2, %add3A_42 : i32
    %get3A_44 = arith.constant 4 : i32
    %get3A_45 = arith.index_cast %get3A_44 : i32 to index
    %get3A_46 = arith.index_cast %add3A_43 : i32 to index
    %get3A_47 = tpu.vector_load %arg4[%get3A_45, %get3A_46] {strides = array<i32>} : memref<14x1024xi32, #tpu.memory_space<vmem>>, vector<16xi32>,
    %broadcast_in_dim3A_48 = arith.constant 5.120000e+02 : f32
    %broadcast_in_dim3A_49 = vector.broadcast %broadcast_in_dim3A_48 : f32 to vector<16xf32>
    tpu.vector_store_idx %arg5[%add3A_11, %get3A_47], %broadcast_in_dim3A_49 {add = true} : memref<32x1024xf32, #tpu.memory_space<vmem>>[vector<16xi32>, vector<16xi32>], vector<16xf32>,
    %add3A_50 = arith.constant 0 : i32
    %add3A_51 = arith.addi %mul3A_2, %add3A_50 : i32
    %get3A_52 = arith.constant 5 : i32
    %get3A_53 = arith.index_cast %get3A_52 : i32 to index
    %get3A_54 = arith.index_cast %add3A_51 : i32 to index
    %get3A_55 = tpu.vector_load %arg4[%get3A_53, %get3A_54] {strides = array<i32>} : memref<14x1024xi32, #tpu.memory_space<vmem>>, vector<16xi32>,
    %broadcast_in_dim3A_56 = arith.constant 2.560000e+02 : f32
    %broadcast_in_dim3A_57 = vector.broadcast %broadcast_in_dim3A_56 : f32 to vector<16xf32>
    tpu.vector_store_idx %arg5[%add3A_11, %get3A_55], %broadcast_in_dim3A_57 {add = true} : memref<32x1024xf32, #tpu.memory_space<vmem>>[vector<16xi32>, vector<16xi32>], vector<16xf32>,
    %add3A_58 = arith.constant 0 : i32
    %add3A_59 = arith.addi %mul3A_2, %add3A_58 : i32
    %get3A_60 = arith.constant 6 : i32
    %get3A_61 = arith.index_cast %get3A_60 : i32 to index
    %get3A_62 = arith.index_cast %add3A_59 : i32 to index
    %get3A_63 = tpu.vector_load %arg4[%get3A_61, %get3A_62] {strides = array<i32>} : memref<14x1024xi32, #tpu.memory_space<vmem>>, vector<16xi32>,
    %broadcast_in_dim3A_64 = arith.constant 1.280000e+02 : f32
    %broadcast_in_dim3A_65 = vector.broadcast %broadcast_in_dim3A_64 : f32 to vector<16xf32>
    tpu.vector_store_idx %arg5[%add3A_11, %get3A_63], %broadcast_in_dim3A_65 {add = true} : memref<32x1024xf32, #tpu.memory_space<vmem>>[vector<16xi32>, vector<16xi32>], vector<16xf32>,
    %add3A_66 = arith.constant 0 : i32
    %add3A_67 = arith.addi %mul3A_2, %add3A_66 : i32
    %get3A_68 = arith.constant 7 : i32
    %get3A_69 = arith.index_cast %get3A_68 : i32 to index
    %get3A_70 = arith.index_cast %add3A_67 : i32 to index
    %get3A_71 = tpu.vector_load %arg4[%get3A_69, %get3A_70] {strides = array<i32>} : memref<14x1024xi32, #tpu.memory_space<vmem>>, vector<16xi32>,
    %broadcast_in_dim3A_72 = arith.constant 6.400000e+01 : f32
    %broadcast_in_dim3A_73 = vector.broadcast %broadcast_in_dim3A_72 : f32 to vector<16xf32>
    tpu.vector_store_idx %arg5[%add3A_11, %get3A_71], %broadcast_in_dim3A_73 {add = true} : memref<32x1024xf32, #tpu.memory_space<vmem>>[vector<16xi32>, vector<16xi32>], vector<16xf32>,
    %add3A_74 = arith.constant 0 : i32
    %add3A_75 = arith.addi %mul3A_2, %add3A_74 : i32
    %get3A_76 = arith.constant 8 : i32
    %get3A_77 = arith.index_cast %get3A_76 : i32 to index
    %get3A_78 = arith.index_cast %add3A_75 : i32 to index
    %get3A_79 = tpu.vector_load %arg4[%get3A_77, %get3A_78] {strides = array<i32>} : memref<14x1024xi32, #tpu.memory_space<vmem>>, vector<16xi32>,
    %broadcast_in_dim3A_80 = arith.constant 3.200000e+01 : f32
    %broadcast_in_dim3A_81 = vector.broadcast %broadcast_in_dim3A_80 : f32 to vector<16xf32>
    tpu.vector_store_idx %arg5[%add3A_11, %get3A_79], %broadcast_in_dim3A_81 {add = true} : memref<32x1024xf32, #tpu.memory_space<vmem>>[vector<16xi32>, vector<16xi32>], vector<16xf32>,
    %add3A_82 = arith.constant 0 : i32
    %add3A_83 = arith.addi %mul3A_2, %add3A_82 : i32
    %get3A_84 = arith.constant 9 : i32
    %get3A_85 = arith.index_cast %get3A_84 : i32 to index
    %get3A_86 = arith.index_cast %add3A_83 : i32 to index
    %get3A_87 = tpu.vector_load %arg4[%get3A_85, %get3A_86] {strides = array<i32>} : memref<14x1024xi32, #tpu.memory_space<vmem>>, vector<16xi32>,
    %broadcast_in_dim3A_88 = arith.constant 1.600000e+01 : f32
    %broadcast_in_dim3A_89 = vector.broadcast %broadcast_in_dim3A_88 : f32 to vector<16xf32>
    tpu.vector_store_idx %arg5[%add3A_11, %get3A_87], %broadcast_in_dim3A_89 {add = true} : memref<32x1024xf32, #tpu.memory_space<vmem>>[vector<16xi32>, vector<16xi32>], vector<16xf32>,
    %add3A_90 = arith.constant 0 : i32
    %add3A_91 = arith.addi %mul3A_2, %add3A_90 : i32
    %get3A_92 = arith.constant 10 : i32
    %get3A_93 = arith.index_cast %get3A_92 : i32 to index
    %get3A_94 = arith.index_cast %add3A_91 : i32 to index
    %get3A_95 = tpu.vector_load %arg4[%get3A_93, %get3A_94] {strides = array<i32>} : memref<14x1024xi32, #tpu.memory_space<vmem>>, vector<16xi32>,
    %broadcast_in_dim3A_96 = arith.constant 8.000000e+00 : f32
    %broadcast_in_dim3A_97 = vector.broadcast %broadcast_in_dim3A_96 : f32 to vector<16xf32>
    tpu.vector_store_idx %arg5[%add3A_11, %get3A_95], %broadcast_in_dim3A_97 {add = true} : memref<32x1024xf32, #tpu.memory_space<vmem>>[vector<16xi32>, vector<16xi32>], vector<16xf32>,
    %add3A_98 = arith.constant 0 : i32
    %add3A_99 = arith.addi %mul3A_2, %add3A_98 : i32
    %get3A_100 = arith.constant 11 : i32
    %get3A_101 = arith.index_cast %get3A_100 : i32 to index
    %get3A_102 = arith.index_cast %add3A_99 : i32 to index
    %get3A_103 = tpu.vector_load %arg4[%get3A_101, %get3A_102] {strides = array<i32>} : memref<14x1024xi32, #tpu.memory_space<vmem>>, vector<16xi32>,
    %broadcast_in_dim3A_104 = arith.constant 4.000000e+00 : f32
    %broadcast_in_dim3A_105 = vector.broadcast %broadcast_in_dim3A_104 : f32 to vector<16xf32>
    tpu.vector_store_idx %arg5[%add3A_11, %get3A_103], %broadcast_in_dim3A_105 {add = true} : memref<32x1024xf32, #tpu.memory_space<vmem>>[vector<16xi32>, vector<16xi32>], vector<16xf32>,
    %add3A_106 = arith.constant 0 : i32
    %add3A_107 = arith.addi %mul3A_2, %add3A_106 : i32
    %get3A_108 = arith.constant 12 : i32
    %get3A_109 = arith.index_cast %get3A_108 : i32 to index
    %get3A_110 = arith.index_cast %add3A_107 : i32 to index
    %get3A_111 = tpu.vector_load %arg4[%get3A_109, %get3A_110] {strides = array<i32>} : memref<14x1024xi32, #tpu.memory_space<vmem>>, vector<16xi32>,
    %broadcast_in_dim3A_112 = arith.constant 2.000000e+00 : f32
    %broadcast_in_dim3A_113 = vector.broadcast %broadcast_in_dim3A_112 : f32 to vector<16xf32>
    tpu.vector_store_idx %arg5[%add3A_11, %get3A_111], %broadcast_in_dim3A_113 {add = true} : memref<32x1024xf32, #tpu.memory_space<vmem>>[vector<16xi32>, vector<16xi32>], vector<16xf32>,
    %add3A_114 = arith.constant 0 : i32
    %add3A_115 = arith.addi %mul3A_2, %add3A_114 : i32
    %get3A_116 = arith.constant 13 : i32
    %get3A_117 = arith.index_cast %get3A_116 : i32 to index
    %get3A_118 = arith.index_cast %add3A_115 : i32 to index
    %get3A_119 = tpu.vector_load %arg4[%get3A_117, %get3A_118] {strides = array<i32>} : memref<14x1024xi32, #tpu.memory_space<vmem>>, vector<16xi32>,
    %broadcast_in_dim3A_120 = arith.constant 1.000000e+00 : f32
    %broadcast_in_dim3A_121 = vector.broadcast %broadcast_in_dim3A_120 : f32 to vector<16xf32>
    tpu.vector_store_idx %arg5[%add3A_11, %get3A_119], %broadcast_in_dim3A_121 {add = true} : memref<32x1024xf32, #tpu.memory_space<vmem>>[vector<16xi32>, vector<16xi32>], vector<16xf32>,
    %add3A_122 = arith.constant 16 : i32
    %add3A_123 = vector.broadcast %add3A_122 : i32 to vector<16xi32>
    %add3A_124 = arith.addi %add3A_123, %iota3A : vector<16xi32>
    %add3A_125 = arith.constant 16 : i32
    %add3A_126 = arith.addi %mul3A_2, %add3A_125 : i32
    %get3A_127 = arith.constant 0 : i32
    %get3A_128 = arith.index_cast %get3A_127 : i32 to index
    %get3A_129 = arith.index_cast %add3A_126 : i32 to index
    %get3A_130 = tpu.vector_load %arg4[%get3A_128, %get3A_129] {strides = array<i32>} : memref<14x1024xi32, #tpu.memory_space<vmem>>, vector<16xi32>,
    %broadcast_in_dim3A_131 = arith.constant 8.192000e+03 : f32
    %broadcast_in_dim3A_132 = vector.broadcast %broadcast_in_dim3A_131 : f32 to vector<16xf32>
    tpu.vector_store_idx %arg5[%add3A_124, %get3A_130], %broadcast_in_dim3A_132 {add = true} : memref<32x1024xf32, #tpu.memory_space<vmem>>[vector<16xi32>, vector<16xi32>], vector<16xf32>,
    %add3A_133 = arith.constant 16 : i32
    %add3A_134 = arith.addi %mul3A_2, %add3A_133 : i32
    %get3A_135 = arith.constant 1 : i32
    %get3A_136 = arith.index_cast %get3A_135 : i32 to index
    %get3A_137 = arith.index_cast %add3A_134 : i32 to index
    %get3A_138 = tpu.vector_load %arg4[%get3A_136, %get3A_137] {strides = array<i32>} : memref<14x1024xi32, #tpu.memory_space<vmem>>, vector<16xi32>,
    %broadcast_in_dim3A_139 = arith.constant 4.096000e+03 : f32
    %broadcast_in_dim3A_140 = vector.broadcast %broadcast_in_dim3A_139 : f32 to vector<16xf32>
    tpu.vector_store_idx %arg5[%add3A_124, %get3A_138], %broadcast_in_dim3A_140 {add = true} : memref<32x1024xf32, #tpu.memory_space<vmem>>[vector<16xi32>, vector<16xi32>], vector<16xf32>,
    %add3A_141 = arith.constant 16 : i32
    %add3A_142 = arith.addi %mul3A_2, %add3A_141 : i32
    %get3A_143 = arith.constant 2 : i32
    %get3A_144 = arith.index_cast %get3A_143 : i32 to index
    %get3A_145 = arith.index_cast %add3A_142 : i32 to index
    %get3A_146 = tpu.vector_load %arg4[%get3A_144, %get3A_145] {strides = array<i32>} : memref<14x1024xi32, #tpu.memory_space<vmem>>, vector<16xi32>,
    %broadcast_in_dim3A_147 = arith.constant 2.048000e+03 : f32
    %broadcast_in_dim3A_148 = vector.broadcast %broadcast_in_dim3A_147 : f32 to vector<16xf32>
    tpu.vector_store_idx %arg5[%add3A_124, %get3A_146], %broadcast_in_dim3A_148 {add = true} : memref<32x1024xf32, #tpu.memory_space<vmem>>[vector<16xi32>, vector<16xi32>], vector<16xf32>,
    %add3A_149 = arith.constant 16 : i32
    %add3A_150 = arith.addi %mul3A_2, %add3A_149 : i32
    %get3A_151 = arith.constant 3 : i32
    %get3A_152 = arith.index_cast %get3A_151 : i32 to index
    %get3A_153 = arith.index_cast %add3A_150 : i32 to index
    %get3A_154 = tpu.vector_load %arg4[%get3A_152, %get3A_153] {strides = array<i32>} : memref<14x1024xi32, #tpu.memory_space<vmem>>, vector<16xi32>,
    %broadcast_in_dim3A_155 = arith.constant 1.024000e+03 : f32
    %broadcast_in_dim3A_156 = vector.broadcast %broadcast_in_dim3A_155 : f32 to vector<16xf32>
    tpu.vector_store_idx %arg5[%add3A_124, %get3A_154], %broadcast_in_dim3A_156 {add = true} : memref<32x1024xf32, #tpu.memory_space<vmem>>[vector<16xi32>, vector<16xi32>], vector<16xf32>,
    %add3A_157 = arith.constant 16 : i32
    %add3A_158 = arith.addi %mul3A_2, %add3A_157 : i32
    %get3A_159 = arith.constant 4 : i32
    %get3A_160 = arith.index_cast %get3A_159 : i32 to index
    %get3A_161 = arith.index_cast %add3A_158 : i32 to index
    %get3A_162 = tpu.vector_load %arg4[%get3A_160, %get3A_161] {strides = array<i32>} : memref<14x1024xi32, #tpu.memory_space<vmem>>, vector<16xi32>,
    %broadcast_in_dim3A_163 = arith.constant 5.120000e+02 : f32
    %broadcast_in_dim3A_164 = vector.broadcast %broadcast_in_dim3A_163 : f32 to vector<16xf32>
    tpu.vector_store_idx %arg5[%add3A_124, %get3A_162], %broadcast_in_dim3A_164 {add = true} : memref<32x1024xf32, #tpu.memory_space<vmem>>[vector<16xi32>, vector<16xi32>], vector<16xf32>,
    %add3A_165 = arith.constant 16 : i32
    %add3A_166 = arith.addi %mul3A_2, %add3A_165 : i32
    %get3A_167 = arith.constant 5 : i32
    %get3A_168 = arith.index_cast %get3A_167 : i32 to index
    %get3A_169 = arith.index_cast %add3A_166 : i32 to index
    %get3A_170 = tpu.vector_load %arg4[%get3A_168, %get3A_169] {strides = array<i32>} : memref<14x1024xi32, #tpu.memory_space<vmem>>, vector<16xi32>,
    %broadcast_in_dim3A_171 = arith.constant 2.560000e+02 : f32
    %broadcast_in_dim3A_172 = vector.broadcast %broadcast_in_dim3A_171 : f32 to vector<16xf32>
    tpu.vector_store_idx %arg5[%add3A_124, %get3A_170], %broadcast_in_dim3A_172 {add = true} : memref<32x1024xf32, #tpu.memory_space<vmem>>[vector<16xi32>, vector<16xi32>], vector<16xf32>,
    %add3A_173 = arith.constant 16 : i32
    %add3A_174 = arith.addi %mul3A_2, %add3A_173 : i32
    %get3A_175 = arith.constant 6 : i32
    %get3A_176 = arith.index_cast %get3A_175 : i32 to index
    %get3A_177 = arith.index_cast %add3A_174 : i32 to index
    %get3A_178 = tpu.vector_load %arg4[%get3A_176, %get3A_177] {strides = array<i32>} : memref<14x1024xi32, #tpu.memory_space<vmem>>, vector<16xi32>,
    %broadcast_in_dim3A_179 = arith.constant 1.280000e+02 : f32
    %broadcast_in_dim3A_180 = vector.broadcast %broadcast_in_dim3A_179 : f32 to vector<16xf32>
    tpu.vector_store_idx %arg5[%add3A_124, %get3A_178], %broadcast_in_dim3A_180 {add = true} : memref<32x1024xf32, #tpu.memory_space<vmem>>[vector<16xi32>, vector<16xi32>], vector<16xf32>,
    %add3A_181 = arith.constant 16 : i32
    %add3A_182 = arith.addi %mul3A_2, %add3A_181 : i32
    %get3A_183 = arith.constant 7 : i32
    %get3A_184 = arith.index_cast %get3A_183 : i32 to index
    %get3A_185 = arith.index_cast %add3A_182 : i32 to index
    %get3A_186 = tpu.vector_load %arg4[%get3A_184, %get3A_185] {strides = array<i32>} : memref<14x1024xi32, #tpu.memory_space<vmem>>, vector<16xi32>,
    %broadcast_in_dim3A_187 = arith.constant 6.400000e+01 : f32
    %broadcast_in_dim3A_188 = vector.broadcast %broadcast_in_dim3A_187 : f32 to vector<16xf32>
    tpu.vector_store_idx %arg5[%add3A_124, %get3A_186], %broadcast_in_dim3A_188 {add = true} : memref<32x1024xf32, #tpu.memory_space<vmem>>[vector<16xi32>, vector<16xi32>], vector<16xf32>,
    %add3A_189 = arith.constant 16 : i32
    %add3A_190 = arith.addi %mul3A_2, %add3A_189 : i32
    %get3A_191 = arith.constant 8 : i32
    %get3A_192 = arith.index_cast %get3A_191 : i32 to index
    %get3A_193 = arith.index_cast %add3A_190 : i32 to index
    %get3A_194 = tpu.vector_load %arg4[%get3A_192, %get3A_193] {strides = array<i32>} : memref<14x1024xi32, #tpu.memory_space<vmem>>, vector<16xi32>,
    %broadcast_in_dim3A_195 = arith.constant 3.200000e+01 : f32
    %broadcast_in_dim3A_196 = vector.broadcast %broadcast_in_dim3A_195 : f32 to vector<16xf32>
    tpu.vector_store_idx %arg5[%add3A_124, %get3A_194], %broadcast_in_dim3A_196 {add = true} : memref<32x1024xf32, #tpu.memory_space<vmem>>[vector<16xi32>, vector<16xi32>], vector<16xf32>,
    %add3A_197 = arith.constant 16 : i32
    %add3A_198 = arith.addi %mul3A_2, %add3A_197 : i32
    %get3A_199 = arith.constant 9 : i32
    %get3A_200 = arith.index_cast %get3A_199 : i32 to index
    %get3A_201 = arith.index_cast %add3A_198 : i32 to index
    %get3A_202 = tpu.vector_load %arg4[%get3A_200, %get3A_201] {strides = array<i32>} : memref<14x1024xi32, #tpu.memory_space<vmem>>, vector<16xi32>,
    %broadcast_in_dim3A_203 = arith.constant 1.600000e+01 : f32
    %broadcast_in_dim3A_204 = vector.broadcast %broadcast_in_dim3A_203 : f32 to vector<16xf32>
    tpu.vector_store_idx %arg5[%add3A_124, %get3A_202], %broadcast_in_dim3A_204 {add = true} : memref<32x1024xf32, #tpu.memory_space<vmem>>[vector<16xi32>, vector<16xi32>], vector<16xf32>,
    %add3A_205 = arith.constant 16 : i32
    %add3A_206 = arith.addi %mul3A_2, %add3A_205 : i32
    %get3A_207 = arith.constant 10 : i32
    %get3A_208 = arith.index_cast %get3A_207 : i32 to index
    %get3A_209 = arith.index_cast %add3A_206 : i32 to index
    %get3A_210 = tpu.vector_load %arg4[%get3A_208, %get3A_209] {strides = array<i32>} : memref<14x1024xi32, #tpu.memory_space<vmem>>, vector<16xi32>,
    %broadcast_in_dim3A_211 = arith.constant 8.000000e+00 : f32
    %broadcast_in_dim3A_212 = vector.broadcast %broadcast_in_dim3A_211 : f32 to vector<16xf32>
    tpu.vector_store_idx %arg5[%add3A_124, %get3A_210], %broadcast_in_dim3A_212 {add = true} : memref<32x1024xf32, #tpu.memory_space<vmem>>[vector<16xi32>, vector<16xi32>], vector<16xf32>,
    %add3A_213 = arith.constant 16 : i32
    %add3A_214 = arith.addi %mul3A_2, %add3A_213 : i32
    %get3A_215 = arith.constant 11 : i32
    %get3A_216 = arith.index_cast %get3A_215 : i32 to index
    %get3A_217 = arith.index_cast %add3A_214 : i32 to index
    %get3A_218 = tpu.vector_load %arg4[%get3A_216, %get3A_217] {strides = array<i32>} : memref<14x1024xi32, #tpu.memory_space<vmem>>, vector<16xi32>,
    %broadcast_in_dim3A_219 = arith.constant 4.000000e+00 : f32
    %broadcast_in_dim3A_220 = vector.broadcast %broadcast_in_dim3A_219 : f32 to vector<16xf32>
    tpu.vector_store_idx %arg5[%add3A_124, %get3A_218], %broadcast_in_dim3A_220 {add = true} : memref<32x1024xf32, #tpu.memory_space<vmem>>[vector<16xi32>, vector<16xi32>], vector<16xf32>,
    %add3A_221 = arith.constant 16 : i32
    %add3A_222 = arith.addi %mul3A_2, %add3A_221 : i32
    %get3A_223 = arith.constant 12 : i32
    %get3A_224 = arith.index_cast %get3A_223 : i32 to index
    %get3A_225 = arith.index_cast %add3A_222 : i32 to index
    %get3A_226 = tpu.vector_load %arg4[%get3A_224, %get3A_225] {strides = array<i32>} : memref<14x1024xi32, #tpu.memory_space<vmem>>, vector<16xi32>,
    %broadcast_in_dim3A_227 = arith.constant 2.000000e+00 : f32
    %broadcast_in_dim3A_228 = vector.broadcast %broadcast_in_dim3A_227 : f32 to vector<16xf32>
    tpu.vector_store_idx %arg5[%add3A_124, %get3A_226], %broadcast_in_dim3A_228 {add = true} : memref<32x1024xf32, #tpu.memory_space<vmem>>[vector<16xi32>, vector<16xi32>], vector<16xf32>,
    %add3A_229 = arith.constant 16 : i32
    %add3A_230 = arith.addi %mul3A_2, %add3A_229 : i32
    %get3A_231 = arith.constant 13 : i32
    %get3A_232 = arith.index_cast %get3A_231 : i32 to index
    %get3A_233 = arith.index_cast %add3A_230 : i32 to index
    %get3A_234 = tpu.vector_load %arg4[%get3A_232, %get3A_233] {strides = array<i32>} : memref<14x1024xi32, #tpu.memory_space<vmem>>, vector<16xi32>,
    %broadcast_in_dim3A_235 = arith.constant 1.000000e+00 : f32
    %broadcast_in_dim3A_236 = vector.broadcast %broadcast_in_dim3A_235 : f32 to vector<16xf32>
    tpu.vector_store_idx %arg5[%add3A_124, %get3A_234], %broadcast_in_dim3A_236 {add = true} : memref<32x1024xf32, #tpu.memory_space<vmem>>[vector<16xi32>, vector<16xi32>], vector<16xf32>,
    "tpu.region"() ({
      %run_scoped3A = tpu.sem_alloc : memref<!tpu.dma_semaphore, #tpu.memory_space<semaphore_mem>>
      %dma_start3A = arith.constant 0 : i32
      %dma_start3A_237 = tpu.memref_slice %arg3[%mul3A_2, %dma_start3A] : memref<1024x1024xf32, #tpu.memory_space<hbm>> -> memref<32x1024xf32, #tpu.memory_space<hbm>>
      %dma_start3A_238 = arith.constant 0 : i32
      %dma_start3A_239 = tpu.memref_slice %arg3[%mul3A_2, %dma_start3A_238] : memref<1024x1024xf32, #tpu.memory_space<hbm>> -> memref<32x1024xf32, #tpu.memory_space<hbm>>
      tpu.enqueue_dma source(%arg5 : memref<32x1024xf32, #tpu.memory_space<vmem>>) target(%dma_start3A_239 : memref<32x1024xf32, #tpu.memory_space<hbm>>) target_semaphore(%run_scoped3A : memref<!tpu.dma_semaphore, #tpu.memory_space<semaphore_mem>>)
      %dma_wait3A = arith.constant 0 : i32
      %dma_wait3A_240 = tpu.memref_slice %arg3[%mul3A_2, %dma_wait3A] : memref<1024x1024xf32, #tpu.memory_space<hbm>> -> memref<32x1024xf32, #tpu.memory_space<hbm>>
      %dma_wait3A_241 = arith.constant 0 : i32
      %dma_wait3A_242 = tpu.memref_slice %arg3[%mul3A_2, %dma_wait3A_241] : memref<1024x1024xf32, #tpu.memory_space<hbm>> -> memref<32x1024xf32, #tpu.memory_space<hbm>>
      tpu.wait_dma2 semaphore(%run_scoped3A : memref<!tpu.dma_semaphore, #tpu.memory_space<semaphore_mem>>) src(%arg5 : memref<32x1024xf32, #tpu.memory_space<vmem>>) dst(%dma_wait3A_242 : memref<32x1024xf32, #tpu.memory_space<hbm>>)
      tpu.yield
    }) : () -> ()
    return
  }
}

#map = affine_map<(d0, d1) -> (0, 0)>
module attributes {stable_mosaic.version = 14 : i64} {
  func.func @gather_kernel(%arg0: i32, %arg1: i32, %arg2: memref<1024x16384xf32, #tpu.memory_space<hbm>>, %arg3: memref<512x4096xi16, #tpu.memory_space<hbm>>, %arg4: memref<512x4096xbf16, #tpu.memory_space<hbm>>, %arg5: memref<16384xf32, #tpu.memory_space<vmem>>, %arg6: memref<16384xf32, #tpu.memory_space<vmem>>, %arg7: memref<16x4096xi16, #tpu.memory_space<vmem>>, %arg8: memref<16x4096xbf16, #tpu.memory_space<vmem>>, %arg9: memref<!tpu.dma_semaphore, #tpu.memory_space<semaphore_mem>>, %arg10: memref<!tpu.dma_semaphore, #tpu.memory_space<semaphore_mem>>, %arg11: memref<!tpu.dma_semaphore, #tpu.memory_space<semaphore_mem>>, %arg12: memref<!tpu.dma_semaphore, #tpu.memory_space<semaphore_mem>>) attributes {dimension_semantics = [#tpu.dimension_semantics<core_parallel>, #tpu.dimension_semantics<subcore_parallel>], iteration_bounds = array<i64: 2, 16>, scalar_prefetch = 0 : i64, scratch_operands = 8 : i64, tpu.core_type = #tpu.core_type<sc_vector_subcore>, window_params = [{transform_indices = #map}, {transform_indices = #map}, {transform_indices = #map}]} {
    %mul3A = arith.constant 2 : i32
    %mul3A_0 = arith.muli %arg1, %mul3A : i32
    %add3A = arith.addi %mul3A_0, %arg0 : i32
    %mul3A_1 = arith.constant 16 : i32
    %mul3A_2 = arith.muli %add3A, %mul3A_1 : i32
    %dma_start3A = arith.constant 0 : i32
    %dma_start3A_3 = tpu.memref_slice %arg3[%mul3A_2, %dma_start3A] : memref<512x4096xi16, #tpu.memory_space<hbm>> -> memref<16x4096xi16, #tpu.memory_space<hbm>>
    %dma_start3A_4 = arith.constant 0 : i32
    %dma_start3A_5 = tpu.memref_slice %arg3[%mul3A_2, %dma_start3A_4] : memref<512x4096xi16, #tpu.memory_space<hbm>> -> memref<16x4096xi16, #tpu.memory_space<hbm>>
    tpu.enqueue_dma source(%dma_start3A_5 : memref<16x4096xi16, #tpu.memory_space<hbm>>) target(%arg7 : memref<16x4096xi16, #tpu.memory_space<vmem>>) target_semaphore(%arg11 : memref<!tpu.dma_semaphore, #tpu.memory_space<semaphore_mem>>)
    %mul3A_6 = arith.constant 16 : i32
    %mul3A_7 = arith.muli %add3A, %mul3A_6 : i32
    %add3A_8 = arith.constant 512 : i32
    %add3A_9 = arith.addi %add3A_8, %mul3A_7 : i32
    %add3A_10 = arith.constant 0 : i32
    %add3A_11 = arith.addi %add3A_9, %add3A_10 : i32
    %dma_start3A_12 = arith.constant 0 : i32
    %dma_start3A_13 = tpu.memref_slice %arg2[%add3A_11, %dma_start3A_12] : memref<1024x16384xf32, #tpu.memory_space<hbm>> -> memref<1x16384xf32, #tpu.memory_space<hbm>>
    %dma_start3A_14 = tpu.memref_squeeze %dma_start3A_13 : memref<1x16384xf32, #tpu.memory_space<hbm>> -> memref<16384xf32, #tpu.memory_space<hbm>>
    %dma_start3A_15 = arith.constant 0 : i32
    %dma_start3A_16 = tpu.memref_slice %arg2[%add3A_11, %dma_start3A_15] : memref<1024x16384xf32, #tpu.memory_space<hbm>> -> memref<1x16384xf32, #tpu.memory_space<hbm>>
    %dma_start3A_17 = tpu.memref_squeeze %dma_start3A_16 : memref<1x16384xf32, #tpu.memory_space<hbm>> -> memref<16384xf32, #tpu.memory_space<hbm>>
    tpu.enqueue_dma source(%dma_start3A_17 : memref<16384xf32, #tpu.memory_space<hbm>>) target(%arg5 : memref<16384xf32, #tpu.memory_space<vmem>>) target_semaphore(%arg9 : memref<!tpu.dma_semaphore, #tpu.memory_space<semaphore_mem>>)
    %mul3A_18 = arith.constant 16 : i32
    %mul3A_19 = arith.muli %add3A, %mul3A_18 : i32
    %add3A_20 = arith.constant 512 : i32
    %add3A_21 = arith.addi %add3A_20, %mul3A_19 : i32
    %add3A_22 = arith.constant 1 : i32
    %add3A_23 = arith.addi %add3A_21, %add3A_22 : i32
    %dma_start3A_24 = arith.constant 0 : i32
    %dma_start3A_25 = tpu.memref_slice %arg2[%add3A_23, %dma_start3A_24] : memref<1024x16384xf32, #tpu.memory_space<hbm>> -> memref<1x16384xf32, #tpu.memory_space<hbm>>
    %dma_start3A_26 = tpu.memref_squeeze %dma_start3A_25 : memref<1x16384xf32, #tpu.memory_space<hbm>> -> memref<16384xf32, #tpu.memory_space<hbm>>
    %dma_start3A_27 = arith.constant 0 : i32
    %dma_start3A_28 = tpu.memref_slice %arg2[%add3A_23, %dma_start3A_27] : memref<1024x16384xf32, #tpu.memory_space<hbm>> -> memref<1x16384xf32, #tpu.memory_space<hbm>>
    %dma_start3A_29 = tpu.memref_squeeze %dma_start3A_28 : memref<1x16384xf32, #tpu.memory_space<hbm>> -> memref<16384xf32, #tpu.memory_space<hbm>>
    tpu.enqueue_dma source(%dma_start3A_29 : memref<16384xf32, #tpu.memory_space<hbm>>) target(%arg6 : memref<16384xf32, #tpu.memory_space<vmem>>) target_semaphore(%arg10 : memref<!tpu.dma_semaphore, #tpu.memory_space<semaphore_mem>>)
    %mul3A_30 = arith.constant 16 : i32
    %mul3A_31 = arith.muli %add3A, %mul3A_30 : i32
    %dma_wait3A = arith.constant 0 : i32
    %dma_wait3A_32 = tpu.memref_slice %arg3[%mul3A_31, %dma_wait3A] : memref<512x4096xi16, #tpu.memory_space<hbm>> -> memref<16x4096xi16, #tpu.memory_space<hbm>>
    %dma_wait3A_33 = arith.constant 0 : i32
    %dma_wait3A_34 = tpu.memref_slice %arg3[%mul3A_31, %dma_wait3A_33] : memref<512x4096xi16, #tpu.memory_space<hbm>> -> memref<16x4096xi16, #tpu.memory_space<hbm>>
    tpu.wait_dma2 semaphore(%arg11 : memref<!tpu.dma_semaphore, #tpu.memory_space<semaphore_mem>>) src(%dma_wait3A_34 : memref<16x4096xi16, #tpu.memory_space<hbm>>) dst(%arg7 : memref<16x4096xi16, #tpu.memory_space<vmem>>)
    %mul3A_35 = arith.constant 16 : i32
    %mul3A_36 = arith.muli %add3A, %mul3A_35 : i32
    %add3A_37 = arith.constant 512 : i32
    %add3A_38 = arith.addi %add3A_37, %mul3A_36 : i32
    %add3A_39 = arith.constant 0 : i32
    %add3A_40 = arith.addi %add3A_38, %add3A_39 : i32
    %dma_wait3A_41 = arith.constant 0 : i32
    %dma_wait3A_42 = tpu.memref_slice %arg2[%add3A_40, %dma_wait3A_41] : memref<1024x16384xf32, #tpu.memory_space<hbm>> -> memref<1x16384xf32, #tpu.memory_space<hbm>>
    %dma_wait3A_43 = tpu.memref_squeeze %dma_wait3A_42 : memref<1x16384xf32, #tpu.memory_space<hbm>> -> memref<16384xf32, #tpu.memory_space<hbm>>
    %dma_wait3A_44 = arith.constant 0 : i32
    %dma_wait3A_45 = tpu.memref_slice %arg2[%add3A_40, %dma_wait3A_44] : memref<1024x16384xf32, #tpu.memory_space<hbm>> -> memref<1x16384xf32, #tpu.memory_space<hbm>>
    %dma_wait3A_46 = tpu.memref_squeeze %dma_wait3A_45 : memref<1x16384xf32, #tpu.memory_space<hbm>> -> memref<16384xf32, #tpu.memory_space<hbm>>
    tpu.wait_dma2 semaphore(%arg9 : memref<!tpu.dma_semaphore, #tpu.memory_space<semaphore_mem>>) src(%dma_wait3A_46 : memref<16384xf32, #tpu.memory_space<hbm>>) dst(%arg5 : memref<16384xf32, #tpu.memory_space<vmem>>)
    %scan3A = arith.constant 0 : i32
    %scan3A_47 = arith.constant 0 : i32
    %scan3A_48 = arith.constant 64 : i32
    %scan3A_49 = arith.addi %scan3A_47, %scan3A_48 : i32
    %scan3A_50 = arith.constant 1 : i32
    %scan3A_51 = scf.for %scan3A_516 = %scan3A_47 to %scan3A_49 step %scan3A_50 iter_args(%scan3A_517 = %scan3A) -> (i32)  : i32 {
      %mul3A_518 = arith.constant 64 : i32
      %mul3A_519 = arith.muli %scan3A_516, %mul3A_518 : i32
      %add3A_520 = arith.constant 0 : i32
      %add3A_521 = arith.addi %mul3A_519, %add3A_520 : i32
      %get3A = arith.constant 0 : i32
      %get3A_522 = arith.index_cast %get3A : i32 to index
      %get3A_523 = arith.index_cast %add3A_521 : i32 to index
      %get3A_524 = tpu.vector_load %arg7[%get3A_522, %get3A_523] {strides = array<i32>} : memref<16x4096xi16, #tpu.memory_space<vmem>>, vector<32xi16>,
      %unpack3A = tpu.unpack_subelements %get3A_524, 0 {pack_format = #tpu.pack_format<interleaved>} : vector<32xi16> -> vector<16xi32>
      %unpack3A_525 = tpu.unpack_subelements %get3A_524, 1 {pack_format = #tpu.pack_format<interleaved>} : vector<32xi16> -> vector<16xi32>
      %gather3A = tpu.vector_load_idx %arg5[%unpack3A] : memref<16384xf32, #tpu.memory_space<vmem>>[vector<16xi32>], vector<16xf32>,
      %gather3A_526 = tpu.vector_load_idx %arg5[%unpack3A_525] : memref<16384xf32, #tpu.memory_space<vmem>>[vector<16xi32>], vector<16xf32>,
      %pack3A = tpu.pack_subelements %gather3A, %gather3A_526 {pack_format = #tpu.pack_format<interleaved>, positions = array<i32: 0, 1>} : vector<16xf32>, vector<16xf32> -> vector<32xbf16>
      %add3A_527 = arith.constant 0 : i32
      %add3A_528 = arith.addi %mul3A_519, %add3A_527 : i32
      %swap3A = arith.constant 0 : i32
      %swap3A_529 = arith.index_cast %swap3A : i32 to index
      %swap3A_530 = arith.index_cast %add3A_528 : i32 to index
      %swap3A_531 = tpu.vector_load %arg8[%swap3A_529, %swap3A_530] {strides = array<i32>} : memref<16x4096xbf16, #tpu.memory_space<vmem>>, vector<32xbf16>,
      tpu.vector_store %arg8[%swap3A_529, %swap3A_530], %pack3A {strides = array<i32>} : memref<16x4096xbf16, #tpu.memory_space<vmem>>, vector<32xbf16>,
      %add3A_532 = arith.constant 32 : i32
      %add3A_533 = arith.addi %mul3A_519, %add3A_532 : i32
      %get3A_534 = arith.constant 0 : i32
      %get3A_535 = arith.index_cast %get3A_534 : i32 to index
      %get3A_536 = arith.index_cast %add3A_533 : i32 to index
      %get3A_537 = tpu.vector_load %arg7[%get3A_535, %get3A_536] {strides = array<i32>} : memref<16x4096xi16, #tpu.memory_space<vmem>>, vector<32xi16>,
      %unpack3A_538 = tpu.unpack_subelements %get3A_537, 0 {pack_format = #tpu.pack_format<interleaved>} : vector<32xi16> -> vector<16xi32>
      %unpack3A_539 = tpu.unpack_subelements %get3A_537, 1 {pack_format = #tpu.pack_format<interleaved>} : vector<32xi16> -> vector<16xi32>
      %gather3A_540 = tpu.vector_load_idx %arg5[%unpack3A_538] : memref<16384xf32, #tpu.memory_space<vmem>>[vector<16xi32>], vector<16xf32>,
      %gather3A_541 = tpu.vector_load_idx %arg5[%unpack3A_539] : memref<16384xf32, #tpu.memory_space<vmem>>[vector<16xi32>], vector<16xf32>,
      %pack3A_542 = tpu.pack_subelements %gather3A_540, %gather3A_541 {pack_format = #tpu.pack_format<interleaved>, positions = array<i32: 0, 1>} : vector<16xf32>, vector<16xf32> -> vector<32xbf16>
      %add3A_543 = arith.constant 32 : i32
      %add3A_544 = arith.addi %mul3A_519, %add3A_543 : i32
      %swap3A_545 = arith.constant 0 : i32
      %swap3A_546 = arith.index_cast %swap3A_545 : i32 to index
      %swap3A_547 = arith.index_cast %add3A_544 : i32 to index
      %swap3A_548 = tpu.vector_load %arg8[%swap3A_546, %swap3A_547] {strides = array<i32>} : memref<16x4096xbf16, #tpu.memory_space<vmem>>, vector<32xbf16>,
      tpu.vector_store %arg8[%swap3A_546, %swap3A_547], %pack3A_542 {strides = array<i32>} : memref<16x4096xbf16, #tpu.memory_space<vmem>>, vector<32xbf16>,
      %scan3A_549 = arith.constant 0 : i32
      scf.yield %scan3A_549 : i32
    }
    %scan3A_52 = arith.constant 64 : i32
    %mul3A_53 = arith.constant 16 : i32
    %mul3A_54 = arith.muli %add3A, %mul3A_53 : i32
    %add3A_55 = arith.constant 512 : i32
    %add3A_56 = arith.addi %add3A_55, %mul3A_54 : i32
    %add3A_57 = arith.constant 2 : i32
    %add3A_58 = arith.addi %add3A_56, %add3A_57 : i32
    %dma_start3A_59 = arith.constant 0 : i32
    %dma_start3A_60 = tpu.memref_slice %arg2[%add3A_58, %dma_start3A_59] : memref<1024x16384xf32, #tpu.memory_space<hbm>> -> memref<1x16384xf32, #tpu.memory_space<hbm>>
    %dma_start3A_61 = tpu.memref_squeeze %dma_start3A_60 : memref<1x16384xf32, #tpu.memory_space<hbm>> -> memref<16384xf32, #tpu.memory_space<hbm>>
    %dma_start3A_62 = arith.constant 0 : i32
    %dma_start3A_63 = tpu.memref_slice %arg2[%add3A_58, %dma_start3A_62] : memref<1024x16384xf32, #tpu.memory_space<hbm>> -> memref<1x16384xf32, #tpu.memory_space<hbm>>
    %dma_start3A_64 = tpu.memref_squeeze %dma_start3A_63 : memref<1x16384xf32, #tpu.memory_space<hbm>> -> memref<16384xf32, #tpu.memory_space<hbm>>
    tpu.enqueue_dma source(%dma_start3A_64 : memref<16384xf32, #tpu.memory_space<hbm>>) target(%arg5 : memref<16384xf32, #tpu.memory_space<vmem>>) target_semaphore(%arg9 : memref<!tpu.dma_semaphore, #tpu.memory_space<semaphore_mem>>)
    %mul3A_65 = arith.constant 16 : i32
    %mul3A_66 = arith.muli %add3A, %mul3A_65 : i32
    %add3A_67 = arith.constant 512 : i32
    %add3A_68 = arith.addi %add3A_67, %mul3A_66 : i32
    %add3A_69 = arith.constant 1 : i32
    %add3A_70 = arith.addi %add3A_68, %add3A_69 : i32
    %dma_wait3A_71 = arith.constant 0 : i32
    %dma_wait3A_72 = tpu.memref_slice %arg2[%add3A_70, %dma_wait3A_71] : memref<1024x16384xf32, #tpu.memory_space<hbm>> -> memref<1x16384xf32, #tpu.memory_space<hbm>>
    %dma_wait3A_73 = tpu.memref_squeeze %dma_wait3A_72 : memref<1x16384xf32, #tpu.memory_space<hbm>> -> memref<16384xf32, #tpu.memory_space<hbm>>
    %dma_wait3A_74 = arith.constant 0 : i32
    %dma_wait3A_75 = tpu.memref_slice %arg2[%add3A_70, %dma_wait3A_74] : memref<1024x16384xf32, #tpu.memory_space<hbm>> -> memref<1x16384xf32, #tpu.memory_space<hbm>>
    %dma_wait3A_76 = tpu.memref_squeeze %dma_wait3A_75 : memref<1x16384xf32, #tpu.memory_space<hbm>> -> memref<16384xf32, #tpu.memory_space<hbm>>
    tpu.wait_dma2 semaphore(%arg10 : memref<!tpu.dma_semaphore, #tpu.memory_space<semaphore_mem>>) src(%dma_wait3A_76 : memref<16384xf32, #tpu.memory_space<hbm>>) dst(%arg6 : memref<16384xf32, #tpu.memory_space<vmem>>)
    %scan3A_77 = arith.constant 0 : i32
    %scan3A_78 = arith.constant 0 : i32
    %scan3A_79 = arith.constant 64 : i32
    %scan3A_80 = arith.addi %scan3A_78, %scan3A_79 : i32
    %scan3A_81 = arith.constant 1 : i32
    %scan3A_82 = scf.for %scan3A_516 = %scan3A_78 to %scan3A_80 step %scan3A_81 iter_args(%scan3A_517 = %scan3A_77) -> (i32)  : i32 {
      %mul3A_518 = arith.constant 64 : i32
      %mul3A_519 = arith.muli %scan3A_516, %mul3A_518 : i32
      %add3A_520 = arith.constant 0 : i32
      %add3A_521 = arith.addi %mul3A_519, %add3A_520 : i32
      %get3A = arith.constant 1 : i32
      %get3A_522 = arith.index_cast %get3A : i32 to index
      %get3A_523 = arith.index_cast %add3A_521 : i32 to index
      %get3A_524 = tpu.vector_load %arg7[%get3A_522, %get3A_523] {strides = array<i32>} : memref<16x4096xi16, #tpu.memory_space<vmem>>, vector<32xi16>,
      %unpack3A = tpu.unpack_subelements %get3A_524, 0 {pack_format = #tpu.pack_format<interleaved>} : vector<32xi16> -> vector<16xi32>
      %unpack3A_525 = tpu.unpack_subelements %get3A_524, 1 {pack_format = #tpu.pack_format<interleaved>} : vector<32xi16> -> vector<16xi32>
      %gather3A = tpu.vector_load_idx %arg6[%unpack3A] : memref<16384xf32, #tpu.memory_space<vmem>>[vector<16xi32>], vector<16xf32>,
      %gather3A_526 = tpu.vector_load_idx %arg6[%unpack3A_525] : memref<16384xf32, #tpu.memory_space<vmem>>[vector<16xi32>], vector<16xf32>,
      %pack3A = tpu.pack_subelements %gather3A, %gather3A_526 {pack_format = #tpu.pack_format<interleaved>, positions = array<i32: 0, 1>} : vector<16xf32>, vector<16xf32> -> vector<32xbf16>
      %add3A_527 = arith.constant 0 : i32
      %add3A_528 = arith.addi %mul3A_519, %add3A_527 : i32
      %swap3A = arith.constant 1 : i32
      %swap3A_529 = arith.index_cast %swap3A : i32 to index
      %swap3A_530 = arith.index_cast %add3A_528 : i32 to index
      %swap3A_531 = tpu.vector_load %arg8[%swap3A_529, %swap3A_530] {strides = array<i32>} : memref<16x4096xbf16, #tpu.memory_space<vmem>>, vector<32xbf16>,
      tpu.vector_store %arg8[%swap3A_529, %swap3A_530], %pack3A {strides = array<i32>} : memref<16x4096xbf16, #tpu.memory_space<vmem>>, vector<32xbf16>,
      %add3A_532 = arith.constant 32 : i32
      %add3A_533 = arith.addi %mul3A_519, %add3A_532 : i32
      %get3A_534 = arith.constant 1 : i32
      %get3A_535 = arith.index_cast %get3A_534 : i32 to index
      %get3A_536 = arith.index_cast %add3A_533 : i32 to index
      %get3A_537 = tpu.vector_load %arg7[%get3A_535, %get3A_536] {strides = array<i32>} : memref<16x4096xi16, #tpu.memory_space<vmem>>, vector<32xi16>,
      %unpack3A_538 = tpu.unpack_subelements %get3A_537, 0 {pack_format = #tpu.pack_format<interleaved>} : vector<32xi16> -> vector<16xi32>
      %unpack3A_539 = tpu.unpack_subelements %get3A_537, 1 {pack_format = #tpu.pack_format<interleaved>} : vector<32xi16> -> vector<16xi32>
      %gather3A_540 = tpu.vector_load_idx %arg6[%unpack3A_538] : memref<16384xf32, #tpu.memory_space<vmem>>[vector<16xi32>], vector<16xf32>,
      %gather3A_541 = tpu.vector_load_idx %arg6[%unpack3A_539] : memref<16384xf32, #tpu.memory_space<vmem>>[vector<16xi32>], vector<16xf32>,
      %pack3A_542 = tpu.pack_subelements %gather3A_540, %gather3A_541 {pack_format = #tpu.pack_format<interleaved>, positions = array<i32: 0, 1>} : vector<16xf32>, vector<16xf32> -> vector<32xbf16>
      %add3A_543 = arith.constant 32 : i32
      %add3A_544 = arith.addi %mul3A_519, %add3A_543 : i32
      %swap3A_545 = arith.constant 1 : i32
      %swap3A_546 = arith.index_cast %swap3A_545 : i32 to index
      %swap3A_547 = arith.index_cast %add3A_544 : i32 to index
      %swap3A_548 = tpu.vector_load %arg8[%swap3A_546, %swap3A_547] {strides = array<i32>} : memref<16x4096xbf16, #tpu.memory_space<vmem>>, vector<32xbf16>,
      tpu.vector_store %arg8[%swap3A_546, %swap3A_547], %pack3A_542 {strides = array<i32>} : memref<16x4096xbf16, #tpu.memory_space<vmem>>, vector<32xbf16>,
      %scan3A_549 = arith.constant 0 : i32
      scf.yield %scan3A_549 : i32
    }
    %scan3A_83 = arith.constant 64 : i32
    %mul3A_84 = arith.constant 16 : i32
    %mul3A_85 = arith.muli %add3A, %mul3A_84 : i32
    %add3A_86 = arith.constant 512 : i32
    %add3A_87 = arith.addi %add3A_86, %mul3A_85 : i32
    %add3A_88 = arith.constant 3 : i32
    %add3A_89 = arith.addi %add3A_87, %add3A_88 : i32
    %dma_start3A_90 = arith.constant 0 : i32
    %dma_start3A_91 = tpu.memref_slice %arg2[%add3A_89, %dma_start3A_90] : memref<1024x16384xf32, #tpu.memory_space<hbm>> -> memref<1x16384xf32, #tpu.memory_space<hbm>>
    %dma_start3A_92 = tpu.memref_squeeze %dma_start3A_91 : memref<1x16384xf32, #tpu.memory_space<hbm>> -> memref<16384xf32, #tpu.memory_space<hbm>>
    %dma_start3A_93 = arith.constant 0 : i32
    %dma_start3A_94 = tpu.memref_slice %arg2[%add3A_89, %dma_start3A_93] : memref<1024x16384xf32, #tpu.memory_space<hbm>> -> memref<1x16384xf32, #tpu.memory_space<hbm>>
    %dma_start3A_95 = tpu.memref_squeeze %dma_start3A_94 : memref<1x16384xf32, #tpu.memory_space<hbm>> -> memref<16384xf32, #tpu.memory_space<hbm>>
    tpu.enqueue_dma source(%dma_start3A_95 : memref<16384xf32, #tpu.memory_space<hbm>>) target(%arg6 : memref<16384xf32, #tpu.memory_space<vmem>>) target_semaphore(%arg10 : memref<!tpu.dma_semaphore, #tpu.memory_space<semaphore_mem>>)
    %mul3A_96 = arith.constant 16 : i32
    %mul3A_97 = arith.muli %add3A, %mul3A_96 : i32
    %add3A_98 = arith.constant 512 : i32
    %add3A_99 = arith.addi %add3A_98, %mul3A_97 : i32
    %add3A_100 = arith.constant 2 : i32
    %add3A_101 = arith.addi %add3A_99, %add3A_100 : i32
    %dma_wait3A_102 = arith.constant 0 : i32
    %dma_wait3A_103 = tpu.memref_slice %arg2[%add3A_101, %dma_wait3A_102] : memref<1024x16384xf32, #tpu.memory_space<hbm>> -> memref<1x16384xf32, #tpu.memory_space<hbm>>
    %dma_wait3A_104 = tpu.memref_squeeze %dma_wait3A_103 : memref<1x16384xf32, #tpu.memory_space<hbm>> -> memref<16384xf32, #tpu.memory_space<hbm>>
    %dma_wait3A_105 = arith.constant 0 : i32
    %dma_wait3A_106 = tpu.memref_slice %arg2[%add3A_101, %dma_wait3A_105] : memref<1024x16384xf32, #tpu.memory_space<hbm>> -> memref<1x16384xf32, #tpu.memory_space<hbm>>
    %dma_wait3A_107 = tpu.memref_squeeze %dma_wait3A_106 : memref<1x16384xf32, #tpu.memory_space<hbm>> -> memref<16384xf32, #tpu.memory_space<hbm>>
    tpu.wait_dma2 semaphore(%arg9 : memref<!tpu.dma_semaphore, #tpu.memory_space<semaphore_mem>>) src(%dma_wait3A_107 : memref<16384xf32, #tpu.memory_space<hbm>>) dst(%arg5 : memref<16384xf32, #tpu.memory_space<vmem>>)
    %scan3A_108 = arith.constant 0 : i32
    %scan3A_109 = arith.constant 0 : i32
    %scan3A_110 = arith.constant 64 : i32
    %scan3A_111 = arith.addi %scan3A_109, %scan3A_110 : i32
    %scan3A_112 = arith.constant 1 : i32
    %scan3A_113 = scf.for %scan3A_516 = %scan3A_109 to %scan3A_111 step %scan3A_112 iter_args(%scan3A_517 = %scan3A_108) -> (i32)  : i32 {
      %mul3A_518 = arith.constant 64 : i32
      %mul3A_519 = arith.muli %scan3A_516, %mul3A_518 : i32
      %add3A_520 = arith.constant 0 : i32
      %add3A_521 = arith.addi %mul3A_519, %add3A_520 : i32
      %get3A = arith.constant 2 : i32
      %get3A_522 = arith.index_cast %get3A : i32 to index
      %get3A_523 = arith.index_cast %add3A_521 : i32 to index
      %get3A_524 = tpu.vector_load %arg7[%get3A_522, %get3A_523] {strides = array<i32>} : memref<16x4096xi16, #tpu.memory_space<vmem>>, vector<32xi16>,
      %unpack3A = tpu.unpack_subelements %get3A_524, 0 {pack_format = #tpu.pack_format<interleaved>} : vector<32xi16> -> vector<16xi32>
      %unpack3A_525 = tpu.unpack_subelements %get3A_524, 1 {pack_format = #tpu.pack_format<interleaved>} : vector<32xi16> -> vector<16xi32>
      %gather3A = tpu.vector_load_idx %arg5[%unpack3A] : memref<16384xf32, #tpu.memory_space<vmem>>[vector<16xi32>], vector<16xf32>,
      %gather3A_526 = tpu.vector_load_idx %arg5[%unpack3A_525] : memref<16384xf32, #tpu.memory_space<vmem>>[vector<16xi32>], vector<16xf32>,
      %pack3A = tpu.pack_subelements %gather3A, %gather3A_526 {pack_format = #tpu.pack_format<interleaved>, positions = array<i32: 0, 1>} : vector<16xf32>, vector<16xf32> -> vector<32xbf16>
      %add3A_527 = arith.constant 0 : i32
      %add3A_528 = arith.addi %mul3A_519, %add3A_527 : i32
      %swap3A = arith.constant 2 : i32
      %swap3A_529 = arith.index_cast %swap3A : i32 to index
      %swap3A_530 = arith.index_cast %add3A_528 : i32 to index
      %swap3A_531 = tpu.vector_load %arg8[%swap3A_529, %swap3A_530] {strides = array<i32>} : memref<16x4096xbf16, #tpu.memory_space<vmem>>, vector<32xbf16>,
      tpu.vector_store %arg8[%swap3A_529, %swap3A_530], %pack3A {strides = array<i32>} : memref<16x4096xbf16, #tpu.memory_space<vmem>>, vector<32xbf16>,
      %add3A_532 = arith.constant 32 : i32
      %add3A_533 = arith.addi %mul3A_519, %add3A_532 : i32
      %get3A_534 = arith.constant 2 : i32
      %get3A_535 = arith.index_cast %get3A_534 : i32 to index
      %get3A_536 = arith.index_cast %add3A_533 : i32 to index
      %get3A_537 = tpu.vector_load %arg7[%get3A_535, %get3A_536] {strides = array<i32>} : memref<16x4096xi16, #tpu.memory_space<vmem>>, vector<32xi16>,
      %unpack3A_538 = tpu.unpack_subelements %get3A_537, 0 {pack_format = #tpu.pack_format<interleaved>} : vector<32xi16> -> vector<16xi32>
      %unpack3A_539 = tpu.unpack_subelements %get3A_537, 1 {pack_format = #tpu.pack_format<interleaved>} : vector<32xi16> -> vector<16xi32>
      %gather3A_540 = tpu.vector_load_idx %arg5[%unpack3A_538] : memref<16384xf32, #tpu.memory_space<vmem>>[vector<16xi32>], vector<16xf32>,
      %gather3A_541 = tpu.vector_load_idx %arg5[%unpack3A_539] : memref<16384xf32, #tpu.memory_space<vmem>>[vector<16xi32>], vector<16xf32>,
      %pack3A_542 = tpu.pack_subelements %gather3A_540, %gather3A_541 {pack_format = #tpu.pack_format<interleaved>, positions = array<i32: 0, 1>} : vector<16xf32>, vector<16xf32> -> vector<32xbf16>
      %add3A_543 = arith.constant 32 : i32
      %add3A_544 = arith.addi %mul3A_519, %add3A_543 : i32
      %swap3A_545 = arith.constant 2 : i32
      %swap3A_546 = arith.index_cast %swap3A_545 : i32 to index
      %swap3A_547 = arith.index_cast %add3A_544 : i32 to index
      %swap3A_548 = tpu.vector_load %arg8[%swap3A_546, %swap3A_547] {strides = array<i32>} : memref<16x4096xbf16, #tpu.memory_space<vmem>>, vector<32xbf16>,
      tpu.vector_store %arg8[%swap3A_546, %swap3A_547], %pack3A_542 {strides = array<i32>} : memref<16x4096xbf16, #tpu.memory_space<vmem>>, vector<32xbf16>,
      %scan3A_549 = arith.constant 0 : i32
      scf.yield %scan3A_549 : i32
    }
    %scan3A_114 = arith.constant 64 : i32
    %mul3A_115 = arith.constant 16 : i32
    %mul3A_116 = arith.muli %add3A, %mul3A_115 : i32
    %add3A_117 = arith.constant 512 : i32
    %add3A_118 = arith.addi %add3A_117, %mul3A_116 : i32
    %add3A_119 = arith.constant 4 : i32
    %add3A_120 = arith.addi %add3A_118, %add3A_119 : i32
    %dma_start3A_121 = arith.constant 0 : i32
    %dma_start3A_122 = tpu.memref_slice %arg2[%add3A_120, %dma_start3A_121] : memref<1024x16384xf32, #tpu.memory_space<hbm>> -> memref<1x16384xf32, #tpu.memory_space<hbm>>
    %dma_start3A_123 = tpu.memref_squeeze %dma_start3A_122 : memref<1x16384xf32, #tpu.memory_space<hbm>> -> memref<16384xf32, #tpu.memory_space<hbm>>
    %dma_start3A_124 = arith.constant 0 : i32
    %dma_start3A_125 = tpu.memref_slice %arg2[%add3A_120, %dma_start3A_124] : memref<1024x16384xf32, #tpu.memory_space<hbm>> -> memref<1x16384xf32, #tpu.memory_space<hbm>>
    %dma_start3A_126 = tpu.memref_squeeze %dma_start3A_125 : memref<1x16384xf32, #tpu.memory_space<hbm>> -> memref<16384xf32, #tpu.memory_space<hbm>>
    tpu.enqueue_dma source(%dma_start3A_126 : memref<16384xf32, #tpu.memory_space<hbm>>) target(%arg5 : memref<16384xf32, #tpu.memory_space<vmem>>) target_semaphore(%arg9 : memref<!tpu.dma_semaphore, #tpu.memory_space<semaphore_mem>>)
    %mul3A_127 = arith.constant 16 : i32
    %mul3A_128 = arith.muli %add3A, %mul3A_127 : i32
    %add3A_129 = arith.constant 512 : i32
    %add3A_130 = arith.addi %add3A_129, %mul3A_128 : i32
    %add3A_131 = arith.constant 3 : i32
    %add3A_132 = arith.addi %add3A_130, %add3A_131 : i32
    %dma_wait3A_133 = arith.constant 0 : i32
    %dma_wait3A_134 = tpu.memref_slice %arg2[%add3A_132, %dma_wait3A_133] : memref<1024x16384xf32, #tpu.memory_space<hbm>> -> memref<1x16384xf32, #tpu.memory_space<hbm>>
    %dma_wait3A_135 = tpu.memref_squeeze %dma_wait3A_134 : memref<1x16384xf32, #tpu.memory_space<hbm>> -> memref<16384xf32, #tpu.memory_space<hbm>>
    %dma_wait3A_136 = arith.constant 0 : i32
    %dma_wait3A_137 = tpu.memref_slice %arg2[%add3A_132, %dma_wait3A_136] : memref<1024x16384xf32, #tpu.memory_space<hbm>> -> memref<1x16384xf32, #tpu.memory_space<hbm>>
    %dma_wait3A_138 = tpu.memref_squeeze %dma_wait3A_137 : memref<1x16384xf32, #tpu.memory_space<hbm>> -> memref<16384xf32, #tpu.memory_space<hbm>>
    tpu.wait_dma2 semaphore(%arg10 : memref<!tpu.dma_semaphore, #tpu.memory_space<semaphore_mem>>) src(%dma_wait3A_138 : memref<16384xf32, #tpu.memory_space<hbm>>) dst(%arg6 : memref<16384xf32, #tpu.memory_space<vmem>>)
    %scan3A_139 = arith.constant 0 : i32
    %scan3A_140 = arith.constant 0 : i32
    %scan3A_141 = arith.constant 64 : i32
    %scan3A_142 = arith.addi %scan3A_140, %scan3A_141 : i32
    %scan3A_143 = arith.constant 1 : i32
    %scan3A_144 = scf.for %scan3A_516 = %scan3A_140 to %scan3A_142 step %scan3A_143 iter_args(%scan3A_517 = %scan3A_139) -> (i32)  : i32 {
      %mul3A_518 = arith.constant 64 : i32
      %mul3A_519 = arith.muli %scan3A_516, %mul3A_518 : i32
      %add3A_520 = arith.constant 0 : i32
      %add3A_521 = arith.addi %mul3A_519, %add3A_520 : i32
      %get3A = arith.constant 3 : i32
      %get3A_522 = arith.index_cast %get3A : i32 to index
      %get3A_523 = arith.index_cast %add3A_521 : i32 to index
      %get3A_524 = tpu.vector_load %arg7[%get3A_522, %get3A_523] {strides = array<i32>} : memref<16x4096xi16, #tpu.memory_space<vmem>>, vector<32xi16>,
      %unpack3A = tpu.unpack_subelements %get3A_524, 0 {pack_format = #tpu.pack_format<interleaved>} : vector<32xi16> -> vector<16xi32>
      %unpack3A_525 = tpu.unpack_subelements %get3A_524, 1 {pack_format = #tpu.pack_format<interleaved>} : vector<32xi16> -> vector<16xi32>
      %gather3A = tpu.vector_load_idx %arg6[%unpack3A] : memref<16384xf32, #tpu.memory_space<vmem>>[vector<16xi32>], vector<16xf32>,
      %gather3A_526 = tpu.vector_load_idx %arg6[%unpack3A_525] : memref<16384xf32, #tpu.memory_space<vmem>>[vector<16xi32>], vector<16xf32>,
      %pack3A = tpu.pack_subelements %gather3A, %gather3A_526 {pack_format = #tpu.pack_format<interleaved>, positions = array<i32: 0, 1>} : vector<16xf32>, vector<16xf32> -> vector<32xbf16>
      %add3A_527 = arith.constant 0 : i32
      %add3A_528 = arith.addi %mul3A_519, %add3A_527 : i32
      %swap3A = arith.constant 3 : i32
      %swap3A_529 = arith.index_cast %swap3A : i32 to index
      %swap3A_530 = arith.index_cast %add3A_528 : i32 to index
      %swap3A_531 = tpu.vector_load %arg8[%swap3A_529, %swap3A_530] {strides = array<i32>} : memref<16x4096xbf16, #tpu.memory_space<vmem>>, vector<32xbf16>,
      tpu.vector_store %arg8[%swap3A_529, %swap3A_530], %pack3A {strides = array<i32>} : memref<16x4096xbf16, #tpu.memory_space<vmem>>, vector<32xbf16>,
      %add3A_532 = arith.constant 32 : i32
      %add3A_533 = arith.addi %mul3A_519, %add3A_532 : i32
      %get3A_534 = arith.constant 3 : i32
      %get3A_535 = arith.index_cast %get3A_534 : i32 to index
      %get3A_536 = arith.index_cast %add3A_533 : i32 to index
      %get3A_537 = tpu.vector_load %arg7[%get3A_535, %get3A_536] {strides = array<i32>} : memref<16x4096xi16, #tpu.memory_space<vmem>>, vector<32xi16>,
      %unpack3A_538 = tpu.unpack_subelements %get3A_537, 0 {pack_format = #tpu.pack_format<interleaved>} : vector<32xi16> -> vector<16xi32>
      %unpack3A_539 = tpu.unpack_subelements %get3A_537, 1 {pack_format = #tpu.pack_format<interleaved>} : vector<32xi16> -> vector<16xi32>
      %gather3A_540 = tpu.vector_load_idx %arg6[%unpack3A_538] : memref<16384xf32, #tpu.memory_space<vmem>>[vector<16xi32>], vector<16xf32>,
      %gather3A_541 = tpu.vector_load_idx %arg6[%unpack3A_539] : memref<16384xf32, #tpu.memory_space<vmem>>[vector<16xi32>], vector<16xf32>,
      %pack3A_542 = tpu.pack_subelements %gather3A_540, %gather3A_541 {pack_format = #tpu.pack_format<interleaved>, positions = array<i32: 0, 1>} : vector<16xf32>, vector<16xf32> -> vector<32xbf16>
      %add3A_543 = arith.constant 32 : i32
      %add3A_544 = arith.addi %mul3A_519, %add3A_543 : i32
      %swap3A_545 = arith.constant 3 : i32
      %swap3A_546 = arith.index_cast %swap3A_545 : i32 to index
      %swap3A_547 = arith.index_cast %add3A_544 : i32 to index
      %swap3A_548 = tpu.vector_load %arg8[%swap3A_546, %swap3A_547] {strides = array<i32>} : memref<16x4096xbf16, #tpu.memory_space<vmem>>, vector<32xbf16>,
      tpu.vector_store %arg8[%swap3A_546, %swap3A_547], %pack3A_542 {strides = array<i32>} : memref<16x4096xbf16, #tpu.memory_space<vmem>>, vector<32xbf16>,
      %scan3A_549 = arith.constant 0 : i32
      scf.yield %scan3A_549 : i32
    }
    %scan3A_145 = arith.constant 64 : i32
    %mul3A_146 = arith.constant 16 : i32
    %mul3A_147 = arith.muli %add3A, %mul3A_146 : i32
    %add3A_148 = arith.constant 512 : i32
    %add3A_149 = arith.addi %add3A_148, %mul3A_147 : i32
    %add3A_150 = arith.constant 5 : i32
    %add3A_151 = arith.addi %add3A_149, %add3A_150 : i32
    %dma_start3A_152 = arith.constant 0 : i32
    %dma_start3A_153 = tpu.memref_slice %arg2[%add3A_151, %dma_start3A_152] : memref<1024x16384xf32, #tpu.memory_space<hbm>> -> memref<1x16384xf32, #tpu.memory_space<hbm>>
    %dma_start3A_154 = tpu.memref_squeeze %dma_start3A_153 : memref<1x16384xf32, #tpu.memory_space<hbm>> -> memref<16384xf32, #tpu.memory_space<hbm>>
    %dma_start3A_155 = arith.constant 0 : i32
    %dma_start3A_156 = tpu.memref_slice %arg2[%add3A_151, %dma_start3A_155] : memref<1024x16384xf32, #tpu.memory_space<hbm>> -> memref<1x16384xf32, #tpu.memory_space<hbm>>
    %dma_start3A_157 = tpu.memref_squeeze %dma_start3A_156 : memref<1x16384xf32, #tpu.memory_space<hbm>> -> memref<16384xf32, #tpu.memory_space<hbm>>
    tpu.enqueue_dma source(%dma_start3A_157 : memref<16384xf32, #tpu.memory_space<hbm>>) target(%arg6 : memref<16384xf32, #tpu.memory_space<vmem>>) target_semaphore(%arg10 : memref<!tpu.dma_semaphore, #tpu.memory_space<semaphore_mem>>)
    %mul3A_158 = arith.constant 16 : i32
    %mul3A_159 = arith.muli %add3A, %mul3A_158 : i32
    %add3A_160 = arith.constant 512 : i32
    %add3A_161 = arith.addi %add3A_160, %mul3A_159 : i32
    %add3A_162 = arith.constant 4 : i32
    %add3A_163 = arith.addi %add3A_161, %add3A_162 : i32
    %dma_wait3A_164 = arith.constant 0 : i32
    %dma_wait3A_165 = tpu.memref_slice %arg2[%add3A_163, %dma_wait3A_164] : memref<1024x16384xf32, #tpu.memory_space<hbm>> -> memref<1x16384xf32, #tpu.memory_space<hbm>>
    %dma_wait3A_166 = tpu.memref_squeeze %dma_wait3A_165 : memref<1x16384xf32, #tpu.memory_space<hbm>> -> memref<16384xf32, #tpu.memory_space<hbm>>
    %dma_wait3A_167 = arith.constant 0 : i32
    %dma_wait3A_168 = tpu.memref_slice %arg2[%add3A_163, %dma_wait3A_167] : memref<1024x16384xf32, #tpu.memory_space<hbm>> -> memref<1x16384xf32, #tpu.memory_space<hbm>>
    %dma_wait3A_169 = tpu.memref_squeeze %dma_wait3A_168 : memref<1x16384xf32, #tpu.memory_space<hbm>> -> memref<16384xf32, #tpu.memory_space<hbm>>
    tpu.wait_dma2 semaphore(%arg9 : memref<!tpu.dma_semaphore, #tpu.memory_space<semaphore_mem>>) src(%dma_wait3A_169 : memref<16384xf32, #tpu.memory_space<hbm>>) dst(%arg5 : memref<16384xf32, #tpu.memory_space<vmem>>)
    %scan3A_170 = arith.constant 0 : i32
    %scan3A_171 = arith.constant 0 : i32
    %scan3A_172 = arith.constant 64 : i32
    %scan3A_173 = arith.addi %scan3A_171, %scan3A_172 : i32
    %scan3A_174 = arith.constant 1 : i32
    %scan3A_175 = scf.for %scan3A_516 = %scan3A_171 to %scan3A_173 step %scan3A_174 iter_args(%scan3A_517 = %scan3A_170) -> (i32)  : i32 {
      %mul3A_518 = arith.constant 64 : i32
      %mul3A_519 = arith.muli %scan3A_516, %mul3A_518 : i32
      %add3A_520 = arith.constant 0 : i32
      %add3A_521 = arith.addi %mul3A_519, %add3A_520 : i32
      %get3A = arith.constant 4 : i32
      %get3A_522 = arith.index_cast %get3A : i32 to index
      %get3A_523 = arith.index_cast %add3A_521 : i32 to index
      %get3A_524 = tpu.vector_load %arg7[%get3A_522, %get3A_523] {strides = array<i32>} : memref<16x4096xi16, #tpu.memory_space<vmem>>, vector<32xi16>,
      %unpack3A = tpu.unpack_subelements %get3A_524, 0 {pack_format = #tpu.pack_format<interleaved>} : vector<32xi16> -> vector<16xi32>
      %unpack3A_525 = tpu.unpack_subelements %get3A_524, 1 {pack_format = #tpu.pack_format<interleaved>} : vector<32xi16> -> vector<16xi32>
      %gather3A = tpu.vector_load_idx %arg5[%unpack3A] : memref<16384xf32, #tpu.memory_space<vmem>>[vector<16xi32>], vector<16xf32>,
      %gather3A_526 = tpu.vector_load_idx %arg5[%unpack3A_525] : memref<16384xf32, #tpu.memory_space<vmem>>[vector<16xi32>], vector<16xf32>,
      %pack3A = tpu.pack_subelements %gather3A, %gather3A_526 {pack_format = #tpu.pack_format<interleaved>, positions = array<i32: 0, 1>} : vector<16xf32>, vector<16xf32> -> vector<32xbf16>
      %add3A_527 = arith.constant 0 : i32
      %add3A_528 = arith.addi %mul3A_519, %add3A_527 : i32
      %swap3A = arith.constant 4 : i32
      %swap3A_529 = arith.index_cast %swap3A : i32 to index
      %swap3A_530 = arith.index_cast %add3A_528 : i32 to index
      %swap3A_531 = tpu.vector_load %arg8[%swap3A_529, %swap3A_530] {strides = array<i32>} : memref<16x4096xbf16, #tpu.memory_space<vmem>>, vector<32xbf16>,
      tpu.vector_store %arg8[%swap3A_529, %swap3A_530], %pack3A {strides = array<i32>} : memref<16x4096xbf16, #tpu.memory_space<vmem>>, vector<32xbf16>,
      %add3A_532 = arith.constant 32 : i32
      %add3A_533 = arith.addi %mul3A_519, %add3A_532 : i32
      %get3A_534 = arith.constant 4 : i32
      %get3A_535 = arith.index_cast %get3A_534 : i32 to index
      %get3A_536 = arith.index_cast %add3A_533 : i32 to index
      %get3A_537 = tpu.vector_load %arg7[%get3A_535, %get3A_536] {strides = array<i32>} : memref<16x4096xi16, #tpu.memory_space<vmem>>, vector<32xi16>,
      %unpack3A_538 = tpu.unpack_subelements %get3A_537, 0 {pack_format = #tpu.pack_format<interleaved>} : vector<32xi16> -> vector<16xi32>
      %unpack3A_539 = tpu.unpack_subelements %get3A_537, 1 {pack_format = #tpu.pack_format<interleaved>} : vector<32xi16> -> vector<16xi32>
      %gather3A_540 = tpu.vector_load_idx %arg5[%unpack3A_538] : memref<16384xf32, #tpu.memory_space<vmem>>[vector<16xi32>], vector<16xf32>,
      %gather3A_541 = tpu.vector_load_idx %arg5[%unpack3A_539] : memref<16384xf32, #tpu.memory_space<vmem>>[vector<16xi32>], vector<16xf32>,
      %pack3A_542 = tpu.pack_subelements %gather3A_540, %gather3A_541 {pack_format = #tpu.pack_format<interleaved>, positions = array<i32: 0, 1>} : vector<16xf32>, vector<16xf32> -> vector<32xbf16>
      %add3A_543 = arith.constant 32 : i32
      %add3A_544 = arith.addi %mul3A_519, %add3A_543 : i32
      %swap3A_545 = arith.constant 4 : i32
      %swap3A_546 = arith.index_cast %swap3A_545 : i32 to index
      %swap3A_547 = arith.index_cast %add3A_544 : i32 to index
      %swap3A_548 = tpu.vector_load %arg8[%swap3A_546, %swap3A_547] {strides = array<i32>} : memref<16x4096xbf16, #tpu.memory_space<vmem>>, vector<32xbf16>,
      tpu.vector_store %arg8[%swap3A_546, %swap3A_547], %pack3A_542 {strides = array<i32>} : memref<16x4096xbf16, #tpu.memory_space<vmem>>, vector<32xbf16>,
      %scan3A_549 = arith.constant 0 : i32
      scf.yield %scan3A_549 : i32
    }
    %scan3A_176 = arith.constant 64 : i32
    %mul3A_177 = arith.constant 16 : i32
    %mul3A_178 = arith.muli %add3A, %mul3A_177 : i32
    %add3A_179 = arith.constant 512 : i32
    %add3A_180 = arith.addi %add3A_179, %mul3A_178 : i32
    %add3A_181 = arith.constant 6 : i32
    %add3A_182 = arith.addi %add3A_180, %add3A_181 : i32
    %dma_start3A_183 = arith.constant 0 : i32
    %dma_start3A_184 = tpu.memref_slice %arg2[%add3A_182, %dma_start3A_183] : memref<1024x16384xf32, #tpu.memory_space<hbm>> -> memref<1x16384xf32, #tpu.memory_space<hbm>>
    %dma_start3A_185 = tpu.memref_squeeze %dma_start3A_184 : memref<1x16384xf32, #tpu.memory_space<hbm>> -> memref<16384xf32, #tpu.memory_space<hbm>>
    %dma_start3A_186 = arith.constant 0 : i32
    %dma_start3A_187 = tpu.memref_slice %arg2[%add3A_182, %dma_start3A_186] : memref<1024x16384xf32, #tpu.memory_space<hbm>> -> memref<1x16384xf32, #tpu.memory_space<hbm>>
    %dma_start3A_188 = tpu.memref_squeeze %dma_start3A_187 : memref<1x16384xf32, #tpu.memory_space<hbm>> -> memref<16384xf32, #tpu.memory_space<hbm>>
    tpu.enqueue_dma source(%dma_start3A_188 : memref<16384xf32, #tpu.memory_space<hbm>>) target(%arg5 : memref<16384xf32, #tpu.memory_space<vmem>>) target_semaphore(%arg9 : memref<!tpu.dma_semaphore, #tpu.memory_space<semaphore_mem>>)
    %mul3A_189 = arith.constant 16 : i32
    %mul3A_190 = arith.muli %add3A, %mul3A_189 : i32
    %add3A_191 = arith.constant 512 : i32
    %add3A_192 = arith.addi %add3A_191, %mul3A_190 : i32
    %add3A_193 = arith.constant 5 : i32
    %add3A_194 = arith.addi %add3A_192, %add3A_193 : i32
    %dma_wait3A_195 = arith.constant 0 : i32
    %dma_wait3A_196 = tpu.memref_slice %arg2[%add3A_194, %dma_wait3A_195] : memref<1024x16384xf32, #tpu.memory_space<hbm>> -> memref<1x16384xf32, #tpu.memory_space<hbm>>
    %dma_wait3A_197 = tpu.memref_squeeze %dma_wait3A_196 : memref<1x16384xf32, #tpu.memory_space<hbm>> -> memref<16384xf32, #tpu.memory_space<hbm>>
    %dma_wait3A_198 = arith.constant 0 : i32
    %dma_wait3A_199 = tpu.memref_slice %arg2[%add3A_194, %dma_wait3A_198] : memref<1024x16384xf32, #tpu.memory_space<hbm>> -> memref<1x16384xf32, #tpu.memory_space<hbm>>
    %dma_wait3A_200 = tpu.memref_squeeze %dma_wait3A_199 : memref<1x16384xf32, #tpu.memory_space<hbm>> -> memref<16384xf32, #tpu.memory_space<hbm>>
    tpu.wait_dma2 semaphore(%arg10 : memref<!tpu.dma_semaphore, #tpu.memory_space<semaphore_mem>>) src(%dma_wait3A_200 : memref<16384xf32, #tpu.memory_space<hbm>>) dst(%arg6 : memref<16384xf32, #tpu.memory_space<vmem>>)
    %scan3A_201 = arith.constant 0 : i32
    %scan3A_202 = arith.constant 0 : i32
    %scan3A_203 = arith.constant 64 : i32
    %scan3A_204 = arith.addi %scan3A_202, %scan3A_203 : i32
    %scan3A_205 = arith.constant 1 : i32
    %scan3A_206 = scf.for %scan3A_516 = %scan3A_202 to %scan3A_204 step %scan3A_205 iter_args(%scan3A_517 = %scan3A_201) -> (i32)  : i32 {
      %mul3A_518 = arith.constant 64 : i32
      %mul3A_519 = arith.muli %scan3A_516, %mul3A_518 : i32
      %add3A_520 = arith.constant 0 : i32
      %add3A_521 = arith.addi %mul3A_519, %add3A_520 : i32
      %get3A = arith.constant 5 : i32
      %get3A_522 = arith.index_cast %get3A : i32 to index
      %get3A_523 = arith.index_cast %add3A_521 : i32 to index
      %get3A_524 = tpu.vector_load %arg7[%get3A_522, %get3A_523] {strides = array<i32>} : memref<16x4096xi16, #tpu.memory_space<vmem>>, vector<32xi16>,
      %unpack3A = tpu.unpack_subelements %get3A_524, 0 {pack_format = #tpu.pack_format<interleaved>} : vector<32xi16> -> vector<16xi32>
      %unpack3A_525 = tpu.unpack_subelements %get3A_524, 1 {pack_format = #tpu.pack_format<interleaved>} : vector<32xi16> -> vector<16xi32>
      %gather3A = tpu.vector_load_idx %arg6[%unpack3A] : memref<16384xf32, #tpu.memory_space<vmem>>[vector<16xi32>], vector<16xf32>,
      %gather3A_526 = tpu.vector_load_idx %arg6[%unpack3A_525] : memref<16384xf32, #tpu.memory_space<vmem>>[vector<16xi32>], vector<16xf32>,
      %pack3A = tpu.pack_subelements %gather3A, %gather3A_526 {pack_format = #tpu.pack_format<interleaved>, positions = array<i32: 0, 1>} : vector<16xf32>, vector<16xf32> -> vector<32xbf16>
      %add3A_527 = arith.constant 0 : i32
      %add3A_528 = arith.addi %mul3A_519, %add3A_527 : i32
      %swap3A = arith.constant 5 : i32
      %swap3A_529 = arith.index_cast %swap3A : i32 to index
      %swap3A_530 = arith.index_cast %add3A_528 : i32 to index
      %swap3A_531 = tpu.vector_load %arg8[%swap3A_529, %swap3A_530] {strides = array<i32>} : memref<16x4096xbf16, #tpu.memory_space<vmem>>, vector<32xbf16>,
      tpu.vector_store %arg8[%swap3A_529, %swap3A_530], %pack3A {strides = array<i32>} : memref<16x4096xbf16, #tpu.memory_space<vmem>>, vector<32xbf16>,
      %add3A_532 = arith.constant 32 : i32
      %add3A_533 = arith.addi %mul3A_519, %add3A_532 : i32
      %get3A_534 = arith.constant 5 : i32
      %get3A_535 = arith.index_cast %get3A_534 : i32 to index
      %get3A_536 = arith.index_cast %add3A_533 : i32 to index
      %get3A_537 = tpu.vector_load %arg7[%get3A_535, %get3A_536] {strides = array<i32>} : memref<16x4096xi16, #tpu.memory_space<vmem>>, vector<32xi16>,
      %unpack3A_538 = tpu.unpack_subelements %get3A_537, 0 {pack_format = #tpu.pack_format<interleaved>} : vector<32xi16> -> vector<16xi32>
      %unpack3A_539 = tpu.unpack_subelements %get3A_537, 1 {pack_format = #tpu.pack_format<interleaved>} : vector<32xi16> -> vector<16xi32>
      %gather3A_540 = tpu.vector_load_idx %arg6[%unpack3A_538] : memref<16384xf32, #tpu.memory_space<vmem>>[vector<16xi32>], vector<16xf32>,
      %gather3A_541 = tpu.vector_load_idx %arg6[%unpack3A_539] : memref<16384xf32, #tpu.memory_space<vmem>>[vector<16xi32>], vector<16xf32>,
      %pack3A_542 = tpu.pack_subelements %gather3A_540, %gather3A_541 {pack_format = #tpu.pack_format<interleaved>, positions = array<i32: 0, 1>} : vector<16xf32>, vector<16xf32> -> vector<32xbf16>
      %add3A_543 = arith.constant 32 : i32
      %add3A_544 = arith.addi %mul3A_519, %add3A_543 : i32
      %swap3A_545 = arith.constant 5 : i32
      %swap3A_546 = arith.index_cast %swap3A_545 : i32 to index
      %swap3A_547 = arith.index_cast %add3A_544 : i32 to index
      %swap3A_548 = tpu.vector_load %arg8[%swap3A_546, %swap3A_547] {strides = array<i32>} : memref<16x4096xbf16, #tpu.memory_space<vmem>>, vector<32xbf16>,
      tpu.vector_store %arg8[%swap3A_546, %swap3A_547], %pack3A_542 {strides = array<i32>} : memref<16x4096xbf16, #tpu.memory_space<vmem>>, vector<32xbf16>,
      %scan3A_549 = arith.constant 0 : i32
      scf.yield %scan3A_549 : i32
    }
    %scan3A_207 = arith.constant 64 : i32
    %mul3A_208 = arith.constant 16 : i32
    %mul3A_209 = arith.muli %add3A, %mul3A_208 : i32
    %add3A_210 = arith.constant 512 : i32
    %add3A_211 = arith.addi %add3A_210, %mul3A_209 : i32
    %add3A_212 = arith.constant 7 : i32
    %add3A_213 = arith.addi %add3A_211, %add3A_212 : i32
    %dma_start3A_214 = arith.constant 0 : i32
    %dma_start3A_215 = tpu.memref_slice %arg2[%add3A_213, %dma_start3A_214] : memref<1024x16384xf32, #tpu.memory_space<hbm>> -> memref<1x16384xf32, #tpu.memory_space<hbm>>
    %dma_start3A_216 = tpu.memref_squeeze %dma_start3A_215 : memref<1x16384xf32, #tpu.memory_space<hbm>> -> memref<16384xf32, #tpu.memory_space<hbm>>
    %dma_start3A_217 = arith.constant 0 : i32
    %dma_start3A_218 = tpu.memref_slice %arg2[%add3A_213, %dma_start3A_217] : memref<1024x16384xf32, #tpu.memory_space<hbm>> -> memref<1x16384xf32, #tpu.memory_space<hbm>>
    %dma_start3A_219 = tpu.memref_squeeze %dma_start3A_218 : memref<1x16384xf32, #tpu.memory_space<hbm>> -> memref<16384xf32, #tpu.memory_space<hbm>>
    tpu.enqueue_dma source(%dma_start3A_219 : memref<16384xf32, #tpu.memory_space<hbm>>) target(%arg6 : memref<16384xf32, #tpu.memory_space<vmem>>) target_semaphore(%arg10 : memref<!tpu.dma_semaphore, #tpu.memory_space<semaphore_mem>>)
    %mul3A_220 = arith.constant 16 : i32
    %mul3A_221 = arith.muli %add3A, %mul3A_220 : i32
    %add3A_222 = arith.constant 512 : i32
    %add3A_223 = arith.addi %add3A_222, %mul3A_221 : i32
    %add3A_224 = arith.constant 6 : i32
    %add3A_225 = arith.addi %add3A_223, %add3A_224 : i32
    %dma_wait3A_226 = arith.constant 0 : i32
    %dma_wait3A_227 = tpu.memref_slice %arg2[%add3A_225, %dma_wait3A_226] : memref<1024x16384xf32, #tpu.memory_space<hbm>> -> memref<1x16384xf32, #tpu.memory_space<hbm>>
    %dma_wait3A_228 = tpu.memref_squeeze %dma_wait3A_227 : memref<1x16384xf32, #tpu.memory_space<hbm>> -> memref<16384xf32, #tpu.memory_space<hbm>>
    %dma_wait3A_229 = arith.constant 0 : i32
    %dma_wait3A_230 = tpu.memref_slice %arg2[%add3A_225, %dma_wait3A_229] : memref<1024x16384xf32, #tpu.memory_space<hbm>> -> memref<1x16384xf32, #tpu.memory_space<hbm>>
    %dma_wait3A_231 = tpu.memref_squeeze %dma_wait3A_230 : memref<1x16384xf32, #tpu.memory_space<hbm>> -> memref<16384xf32, #tpu.memory_space<hbm>>
    tpu.wait_dma2 semaphore(%arg9 : memref<!tpu.dma_semaphore, #tpu.memory_space<semaphore_mem>>) src(%dma_wait3A_231 : memref<16384xf32, #tpu.memory_space<hbm>>) dst(%arg5 : memref<16384xf32, #tpu.memory_space<vmem>>)
    %scan3A_232 = arith.constant 0 : i32
    %scan3A_233 = arith.constant 0 : i32
    %scan3A_234 = arith.constant 64 : i32
    %scan3A_235 = arith.addi %scan3A_233, %scan3A_234 : i32
    %scan3A_236 = arith.constant 1 : i32
    %scan3A_237 = scf.for %scan3A_516 = %scan3A_233 to %scan3A_235 step %scan3A_236 iter_args(%scan3A_517 = %scan3A_232) -> (i32)  : i32 {
      %mul3A_518 = arith.constant 64 : i32
      %mul3A_519 = arith.muli %scan3A_516, %mul3A_518 : i32
      %add3A_520 = arith.constant 0 : i32
      %add3A_521 = arith.addi %mul3A_519, %add3A_520 : i32
      %get3A = arith.constant 6 : i32
      %get3A_522 = arith.index_cast %get3A : i32 to index
      %get3A_523 = arith.index_cast %add3A_521 : i32 to index
      %get3A_524 = tpu.vector_load %arg7[%get3A_522, %get3A_523] {strides = array<i32>} : memref<16x4096xi16, #tpu.memory_space<vmem>>, vector<32xi16>,
      %unpack3A = tpu.unpack_subelements %get3A_524, 0 {pack_format = #tpu.pack_format<interleaved>} : vector<32xi16> -> vector<16xi32>
      %unpack3A_525 = tpu.unpack_subelements %get3A_524, 1 {pack_format = #tpu.pack_format<interleaved>} : vector<32xi16> -> vector<16xi32>
      %gather3A = tpu.vector_load_idx %arg5[%unpack3A] : memref<16384xf32, #tpu.memory_space<vmem>>[vector<16xi32>], vector<16xf32>,
      %gather3A_526 = tpu.vector_load_idx %arg5[%unpack3A_525] : memref<16384xf32, #tpu.memory_space<vmem>>[vector<16xi32>], vector<16xf32>,
      %pack3A = tpu.pack_subelements %gather3A, %gather3A_526 {pack_format = #tpu.pack_format<interleaved>, positions = array<i32: 0, 1>} : vector<16xf32>, vector<16xf32> -> vector<32xbf16>
      %add3A_527 = arith.constant 0 : i32
      %add3A_528 = arith.addi %mul3A_519, %add3A_527 : i32
      %swap3A = arith.constant 6 : i32
      %swap3A_529 = arith.index_cast %swap3A : i32 to index
      %swap3A_530 = arith.index_cast %add3A_528 : i32 to index
      %swap3A_531 = tpu.vector_load %arg8[%swap3A_529, %swap3A_530] {strides = array<i32>} : memref<16x4096xbf16, #tpu.memory_space<vmem>>, vector<32xbf16>,
      tpu.vector_store %arg8[%swap3A_529, %swap3A_530], %pack3A {strides = array<i32>} : memref<16x4096xbf16, #tpu.memory_space<vmem>>, vector<32xbf16>,
      %add3A_532 = arith.constant 32 : i32
      %add3A_533 = arith.addi %mul3A_519, %add3A_532 : i32
      %get3A_534 = arith.constant 6 : i32
      %get3A_535 = arith.index_cast %get3A_534 : i32 to index
      %get3A_536 = arith.index_cast %add3A_533 : i32 to index
      %get3A_537 = tpu.vector_load %arg7[%get3A_535, %get3A_536] {strides = array<i32>} : memref<16x4096xi16, #tpu.memory_space<vmem>>, vector<32xi16>,
      %unpack3A_538 = tpu.unpack_subelements %get3A_537, 0 {pack_format = #tpu.pack_format<interleaved>} : vector<32xi16> -> vector<16xi32>
      %unpack3A_539 = tpu.unpack_subelements %get3A_537, 1 {pack_format = #tpu.pack_format<interleaved>} : vector<32xi16> -> vector<16xi32>
      %gather3A_540 = tpu.vector_load_idx %arg5[%unpack3A_538] : memref<16384xf32, #tpu.memory_space<vmem>>[vector<16xi32>], vector<16xf32>,
      %gather3A_541 = tpu.vector_load_idx %arg5[%unpack3A_539] : memref<16384xf32, #tpu.memory_space<vmem>>[vector<16xi32>], vector<16xf32>,
      %pack3A_542 = tpu.pack_subelements %gather3A_540, %gather3A_541 {pack_format = #tpu.pack_format<interleaved>, positions = array<i32: 0, 1>} : vector<16xf32>, vector<16xf32> -> vector<32xbf16>
      %add3A_543 = arith.constant 32 : i32
      %add3A_544 = arith.addi %mul3A_519, %add3A_543 : i32
      %swap3A_545 = arith.constant 6 : i32
      %swap3A_546 = arith.index_cast %swap3A_545 : i32 to index
      %swap3A_547 = arith.index_cast %add3A_544 : i32 to index
      %swap3A_548 = tpu.vector_load %arg8[%swap3A_546, %swap3A_547] {strides = array<i32>} : memref<16x4096xbf16, #tpu.memory_space<vmem>>, vector<32xbf16>,
      tpu.vector_store %arg8[%swap3A_546, %swap3A_547], %pack3A_542 {strides = array<i32>} : memref<16x4096xbf16, #tpu.memory_space<vmem>>, vector<32xbf16>,
      %scan3A_549 = arith.constant 0 : i32
      scf.yield %scan3A_549 : i32
    }
    %scan3A_238 = arith.constant 64 : i32
    %mul3A_239 = arith.constant 16 : i32
    %mul3A_240 = arith.muli %add3A, %mul3A_239 : i32
    %add3A_241 = arith.constant 512 : i32
    %add3A_242 = arith.addi %add3A_241, %mul3A_240 : i32
    %add3A_243 = arith.constant 8 : i32
    %add3A_244 = arith.addi %add3A_242, %add3A_243 : i32
    %dma_start3A_245 = arith.constant 0 : i32
    %dma_start3A_246 = tpu.memref_slice %arg2[%add3A_244, %dma_start3A_245] : memref<1024x16384xf32, #tpu.memory_space<hbm>> -> memref<1x16384xf32, #tpu.memory_space<hbm>>
    %dma_start3A_247 = tpu.memref_squeeze %dma_start3A_246 : memref<1x16384xf32, #tpu.memory_space<hbm>> -> memref<16384xf32, #tpu.memory_space<hbm>>
    %dma_start3A_248 = arith.constant 0 : i32
    %dma_start3A_249 = tpu.memref_slice %arg2[%add3A_244, %dma_start3A_248] : memref<1024x16384xf32, #tpu.memory_space<hbm>> -> memref<1x16384xf32, #tpu.memory_space<hbm>>
    %dma_start3A_250 = tpu.memref_squeeze %dma_start3A_249 : memref<1x16384xf32, #tpu.memory_space<hbm>> -> memref<16384xf32, #tpu.memory_space<hbm>>
    tpu.enqueue_dma source(%dma_start3A_250 : memref<16384xf32, #tpu.memory_space<hbm>>) target(%arg5 : memref<16384xf32, #tpu.memory_space<vmem>>) target_semaphore(%arg9 : memref<!tpu.dma_semaphore, #tpu.memory_space<semaphore_mem>>)
    %mul3A_251 = arith.constant 16 : i32
    %mul3A_252 = arith.muli %add3A, %mul3A_251 : i32
    %add3A_253 = arith.constant 512 : i32
    %add3A_254 = arith.addi %add3A_253, %mul3A_252 : i32
    %add3A_255 = arith.constant 7 : i32
    %add3A_256 = arith.addi %add3A_254, %add3A_255 : i32
    %dma_wait3A_257 = arith.constant 0 : i32
    %dma_wait3A_258 = tpu.memref_slice %arg2[%add3A_256, %dma_wait3A_257] : memref<1024x16384xf32, #tpu.memory_space<hbm>> -> memref<1x16384xf32, #tpu.memory_space<hbm>>
    %dma_wait3A_259 = tpu.memref_squeeze %dma_wait3A_258 : memref<1x16384xf32, #tpu.memory_space<hbm>> -> memref<16384xf32, #tpu.memory_space<hbm>>
    %dma_wait3A_260 = arith.constant 0 : i32
    %dma_wait3A_261 = tpu.memref_slice %arg2[%add3A_256, %dma_wait3A_260] : memref<1024x16384xf32, #tpu.memory_space<hbm>> -> memref<1x16384xf32, #tpu.memory_space<hbm>>
    %dma_wait3A_262 = tpu.memref_squeeze %dma_wait3A_261 : memref<1x16384xf32, #tpu.memory_space<hbm>> -> memref<16384xf32, #tpu.memory_space<hbm>>
    tpu.wait_dma2 semaphore(%arg10 : memref<!tpu.dma_semaphore, #tpu.memory_space<semaphore_mem>>) src(%dma_wait3A_262 : memref<16384xf32, #tpu.memory_space<hbm>>) dst(%arg6 : memref<16384xf32, #tpu.memory_space<vmem>>)
    %scan3A_263 = arith.constant 0 : i32
    %scan3A_264 = arith.constant 0 : i32
    %scan3A_265 = arith.constant 64 : i32
    %scan3A_266 = arith.addi %scan3A_264, %scan3A_265 : i32
    %scan3A_267 = arith.constant 1 : i32
    %scan3A_268 = scf.for %scan3A_516 = %scan3A_264 to %scan3A_266 step %scan3A_267 iter_args(%scan3A_517 = %scan3A_263) -> (i32)  : i32 {
      %mul3A_518 = arith.constant 64 : i32
      %mul3A_519 = arith.muli %scan3A_516, %mul3A_518 : i32
      %add3A_520 = arith.constant 0 : i32
      %add3A_521 = arith.addi %mul3A_519, %add3A_520 : i32
      %get3A = arith.constant 7 : i32
      %get3A_522 = arith.index_cast %get3A : i32 to index
      %get3A_523 = arith.index_cast %add3A_521 : i32 to index
      %get3A_524 = tpu.vector_load %arg7[%get3A_522, %get3A_523] {strides = array<i32>} : memref<16x4096xi16, #tpu.memory_space<vmem>>, vector<32xi16>,
      %unpack3A = tpu.unpack_subelements %get3A_524, 0 {pack_format = #tpu.pack_format<interleaved>} : vector<32xi16> -> vector<16xi32>
      %unpack3A_525 = tpu.unpack_subelements %get3A_524, 1 {pack_format = #tpu.pack_format<interleaved>} : vector<32xi16> -> vector<16xi32>
      %gather3A = tpu.vector_load_idx %arg6[%unpack3A] : memref<16384xf32, #tpu.memory_space<vmem>>[vector<16xi32>], vector<16xf32>,
      %gather3A_526 = tpu.vector_load_idx %arg6[%unpack3A_525] : memref<16384xf32, #tpu.memory_space<vmem>>[vector<16xi32>], vector<16xf32>,
      %pack3A = tpu.pack_subelements %gather3A, %gather3A_526 {pack_format = #tpu.pack_format<interleaved>, positions = array<i32: 0, 1>} : vector<16xf32>, vector<16xf32> -> vector<32xbf16>
      %add3A_527 = arith.constant 0 : i32
      %add3A_528 = arith.addi %mul3A_519, %add3A_527 : i32
      %swap3A = arith.constant 7 : i32
      %swap3A_529 = arith.index_cast %swap3A : i32 to index
      %swap3A_530 = arith.index_cast %add3A_528 : i32 to index
      %swap3A_531 = tpu.vector_load %arg8[%swap3A_529, %swap3A_530] {strides = array<i32>} : memref<16x4096xbf16, #tpu.memory_space<vmem>>, vector<32xbf16>,
      tpu.vector_store %arg8[%swap3A_529, %swap3A_530], %pack3A {strides = array<i32>} : memref<16x4096xbf16, #tpu.memory_space<vmem>>, vector<32xbf16>,
      %add3A_532 = arith.constant 32 : i32
      %add3A_533 = arith.addi %mul3A_519, %add3A_532 : i32
      %get3A_534 = arith.constant 7 : i32
      %get3A_535 = arith.index_cast %get3A_534 : i32 to index
      %get3A_536 = arith.index_cast %add3A_533 : i32 to index
      %get3A_537 = tpu.vector_load %arg7[%get3A_535, %get3A_536] {strides = array<i32>} : memref<16x4096xi16, #tpu.memory_space<vmem>>, vector<32xi16>,
      %unpack3A_538 = tpu.unpack_subelements %get3A_537, 0 {pack_format = #tpu.pack_format<interleaved>} : vector<32xi16> -> vector<16xi32>
      %unpack3A_539 = tpu.unpack_subelements %get3A_537, 1 {pack_format = #tpu.pack_format<interleaved>} : vector<32xi16> -> vector<16xi32>
      %gather3A_540 = tpu.vector_load_idx %arg6[%unpack3A_538] : memref<16384xf32, #tpu.memory_space<vmem>>[vector<16xi32>], vector<16xf32>,
      %gather3A_541 = tpu.vector_load_idx %arg6[%unpack3A_539] : memref<16384xf32, #tpu.memory_space<vmem>>[vector<16xi32>], vector<16xf32>,
      %pack3A_542 = tpu.pack_subelements %gather3A_540, %gather3A_541 {pack_format = #tpu.pack_format<interleaved>, positions = array<i32: 0, 1>} : vector<16xf32>, vector<16xf32> -> vector<32xbf16>
      %add3A_543 = arith.constant 32 : i32
      %add3A_544 = arith.addi %mul3A_519, %add3A_543 : i32
      %swap3A_545 = arith.constant 7 : i32
      %swap3A_546 = arith.index_cast %swap3A_545 : i32 to index
      %swap3A_547 = arith.index_cast %add3A_544 : i32 to index
      %swap3A_548 = tpu.vector_load %arg8[%swap3A_546, %swap3A_547] {strides = array<i32>} : memref<16x4096xbf16, #tpu.memory_space<vmem>>, vector<32xbf16>,
      tpu.vector_store %arg8[%swap3A_546, %swap3A_547], %pack3A_542 {strides = array<i32>} : memref<16x4096xbf16, #tpu.memory_space<vmem>>, vector<32xbf16>,
      %scan3A_549 = arith.constant 0 : i32
      scf.yield %scan3A_549 : i32
    }
    %scan3A_269 = arith.constant 64 : i32
    %mul3A_270 = arith.constant 16 : i32
    %mul3A_271 = arith.muli %add3A, %mul3A_270 : i32
    %add3A_272 = arith.constant 512 : i32
    %add3A_273 = arith.addi %add3A_272, %mul3A_271 : i32
    %add3A_274 = arith.constant 9 : i32
    %add3A_275 = arith.addi %add3A_273, %add3A_274 : i32
    %dma_start3A_276 = arith.constant 0 : i32
    %dma_start3A_277 = tpu.memref_slice %arg2[%add3A_275, %dma_start3A_276] : memref<1024x16384xf32, #tpu.memory_space<hbm>> -> memref<1x16384xf32, #tpu.memory_space<hbm>>
    %dma_start3A_278 = tpu.memref_squeeze %dma_start3A_277 : memref<1x16384xf32, #tpu.memory_space<hbm>> -> memref<16384xf32, #tpu.memory_space<hbm>>
    %dma_start3A_279 = arith.constant 0 : i32
    %dma_start3A_280 = tpu.memref_slice %arg2[%add3A_275, %dma_start3A_279] : memref<1024x16384xf32, #tpu.memory_space<hbm>> -> memref<1x16384xf32, #tpu.memory_space<hbm>>
    %dma_start3A_281 = tpu.memref_squeeze %dma_start3A_280 : memref<1x16384xf32, #tpu.memory_space<hbm>> -> memref<16384xf32, #tpu.memory_space<hbm>>
    tpu.enqueue_dma source(%dma_start3A_281 : memref<16384xf32, #tpu.memory_space<hbm>>) target(%arg6 : memref<16384xf32, #tpu.memory_space<vmem>>) target_semaphore(%arg10 : memref<!tpu.dma_semaphore, #tpu.memory_space<semaphore_mem>>)
    %mul3A_282 = arith.constant 16 : i32
    %mul3A_283 = arith.muli %add3A, %mul3A_282 : i32
    %add3A_284 = arith.constant 512 : i32
    %add3A_285 = arith.addi %add3A_284, %mul3A_283 : i32
    %add3A_286 = arith.constant 8 : i32
    %add3A_287 = arith.addi %add3A_285, %add3A_286 : i32
    %dma_wait3A_288 = arith.constant 0 : i32
    %dma_wait3A_289 = tpu.memref_slice %arg2[%add3A_287, %dma_wait3A_288] : memref<1024x16384xf32, #tpu.memory_space<hbm>> -> memref<1x16384xf32, #tpu.memory_space<hbm>>
    %dma_wait3A_290 = tpu.memref_squeeze %dma_wait3A_289 : memref<1x16384xf32, #tpu.memory_space<hbm>> -> memref<16384xf32, #tpu.memory_space<hbm>>
    %dma_wait3A_291 = arith.constant 0 : i32
    %dma_wait3A_292 = tpu.memref_slice %arg2[%add3A_287, %dma_wait3A_291] : memref<1024x16384xf32, #tpu.memory_space<hbm>> -> memref<1x16384xf32, #tpu.memory_space<hbm>>
    %dma_wait3A_293 = tpu.memref_squeeze %dma_wait3A_292 : memref<1x16384xf32, #tpu.memory_space<hbm>> -> memref<16384xf32, #tpu.memory_space<hbm>>
    tpu.wait_dma2 semaphore(%arg9 : memref<!tpu.dma_semaphore, #tpu.memory_space<semaphore_mem>>) src(%dma_wait3A_293 : memref<16384xf32, #tpu.memory_space<hbm>>) dst(%arg5 : memref<16384xf32, #tpu.memory_space<vmem>>)
    %scan3A_294 = arith.constant 0 : i32
    %scan3A_295 = arith.constant 0 : i32
    %scan3A_296 = arith.constant 64 : i32
    %scan3A_297 = arith.addi %scan3A_295, %scan3A_296 : i32
    %scan3A_298 = arith.constant 1 : i32
    %scan3A_299 = scf.for %scan3A_516 = %scan3A_295 to %scan3A_297 step %scan3A_298 iter_args(%scan3A_517 = %scan3A_294) -> (i32)  : i32 {
      %mul3A_518 = arith.constant 64 : i32
      %mul3A_519 = arith.muli %scan3A_516, %mul3A_518 : i32
      %add3A_520 = arith.constant 0 : i32
      %add3A_521 = arith.addi %mul3A_519, %add3A_520 : i32
      %get3A = arith.constant 8 : i32
      %get3A_522 = arith.index_cast %get3A : i32 to index
      %get3A_523 = arith.index_cast %add3A_521 : i32 to index
      %get3A_524 = tpu.vector_load %arg7[%get3A_522, %get3A_523] {strides = array<i32>} : memref<16x4096xi16, #tpu.memory_space<vmem>>, vector<32xi16>,
      %unpack3A = tpu.unpack_subelements %get3A_524, 0 {pack_format = #tpu.pack_format<interleaved>} : vector<32xi16> -> vector<16xi32>
      %unpack3A_525 = tpu.unpack_subelements %get3A_524, 1 {pack_format = #tpu.pack_format<interleaved>} : vector<32xi16> -> vector<16xi32>
      %gather3A = tpu.vector_load_idx %arg5[%unpack3A] : memref<16384xf32, #tpu.memory_space<vmem>>[vector<16xi32>], vector<16xf32>,
      %gather3A_526 = tpu.vector_load_idx %arg5[%unpack3A_525] : memref<16384xf32, #tpu.memory_space<vmem>>[vector<16xi32>], vector<16xf32>,
      %pack3A = tpu.pack_subelements %gather3A, %gather3A_526 {pack_format = #tpu.pack_format<interleaved>, positions = array<i32: 0, 1>} : vector<16xf32>, vector<16xf32> -> vector<32xbf16>
      %add3A_527 = arith.constant 0 : i32
      %add3A_528 = arith.addi %mul3A_519, %add3A_527 : i32
      %swap3A = arith.constant 8 : i32
      %swap3A_529 = arith.index_cast %swap3A : i32 to index
      %swap3A_530 = arith.index_cast %add3A_528 : i32 to index
      %swap3A_531 = tpu.vector_load %arg8[%swap3A_529, %swap3A_530] {strides = array<i32>} : memref<16x4096xbf16, #tpu.memory_space<vmem>>, vector<32xbf16>,
      tpu.vector_store %arg8[%swap3A_529, %swap3A_530], %pack3A {strides = array<i32>} : memref<16x4096xbf16, #tpu.memory_space<vmem>>, vector<32xbf16>,
      %add3A_532 = arith.constant 32 : i32
      %add3A_533 = arith.addi %mul3A_519, %add3A_532 : i32
      %get3A_534 = arith.constant 8 : i32
      %get3A_535 = arith.index_cast %get3A_534 : i32 to index
      %get3A_536 = arith.index_cast %add3A_533 : i32 to index
      %get3A_537 = tpu.vector_load %arg7[%get3A_535, %get3A_536] {strides = array<i32>} : memref<16x4096xi16, #tpu.memory_space<vmem>>, vector<32xi16>,
      %unpack3A_538 = tpu.unpack_subelements %get3A_537, 0 {pack_format = #tpu.pack_format<interleaved>} : vector<32xi16> -> vector<16xi32>
      %unpack3A_539 = tpu.unpack_subelements %get3A_537, 1 {pack_format = #tpu.pack_format<interleaved>} : vector<32xi16> -> vector<16xi32>
      %gather3A_540 = tpu.vector_load_idx %arg5[%unpack3A_538] : memref<16384xf32, #tpu.memory_space<vmem>>[vector<16xi32>], vector<16xf32>,
      %gather3A_541 = tpu.vector_load_idx %arg5[%unpack3A_539] : memref<16384xf32, #tpu.memory_space<vmem>>[vector<16xi32>], vector<16xf32>,
      %pack3A_542 = tpu.pack_subelements %gather3A_540, %gather3A_541 {pack_format = #tpu.pack_format<interleaved>, positions = array<i32: 0, 1>} : vector<16xf32>, vector<16xf32> -> vector<32xbf16>
      %add3A_543 = arith.constant 32 : i32
      %add3A_544 = arith.addi %mul3A_519, %add3A_543 : i32
      %swap3A_545 = arith.constant 8 : i32
      %swap3A_546 = arith.index_cast %swap3A_545 : i32 to index
      %swap3A_547 = arith.index_cast %add3A_544 : i32 to index
      %swap3A_548 = tpu.vector_load %arg8[%swap3A_546, %swap3A_547] {strides = array<i32>} : memref<16x4096xbf16, #tpu.memory_space<vmem>>, vector<32xbf16>,
      tpu.vector_store %arg8[%swap3A_546, %swap3A_547], %pack3A_542 {strides = array<i32>} : memref<16x4096xbf16, #tpu.memory_space<vmem>>, vector<32xbf16>,
      %scan3A_549 = arith.constant 0 : i32
      scf.yield %scan3A_549 : i32
    }
    %scan3A_300 = arith.constant 64 : i32
    %mul3A_301 = arith.constant 16 : i32
    %mul3A_302 = arith.muli %add3A, %mul3A_301 : i32
    %add3A_303 = arith.constant 512 : i32
    %add3A_304 = arith.addi %add3A_303, %mul3A_302 : i32
    %add3A_305 = arith.constant 10 : i32
    %add3A_306 = arith.addi %add3A_304, %add3A_305 : i32
    %dma_start3A_307 = arith.constant 0 : i32
    %dma_start3A_308 = tpu.memref_slice %arg2[%add3A_306, %dma_start3A_307] : memref<1024x16384xf32, #tpu.memory_space<hbm>> -> memref<1x16384xf32, #tpu.memory_space<hbm>>
    %dma_start3A_309 = tpu.memref_squeeze %dma_start3A_308 : memref<1x16384xf32, #tpu.memory_space<hbm>> -> memref<16384xf32, #tpu.memory_space<hbm>>
    %dma_start3A_310 = arith.constant 0 : i32
    %dma_start3A_311 = tpu.memref_slice %arg2[%add3A_306, %dma_start3A_310] : memref<1024x16384xf32, #tpu.memory_space<hbm>> -> memref<1x16384xf32, #tpu.memory_space<hbm>>
    %dma_start3A_312 = tpu.memref_squeeze %dma_start3A_311 : memref<1x16384xf32, #tpu.memory_space<hbm>> -> memref<16384xf32, #tpu.memory_space<hbm>>
    tpu.enqueue_dma source(%dma_start3A_312 : memref<16384xf32, #tpu.memory_space<hbm>>) target(%arg5 : memref<16384xf32, #tpu.memory_space<vmem>>) target_semaphore(%arg9 : memref<!tpu.dma_semaphore, #tpu.memory_space<semaphore_mem>>)
    %mul3A_313 = arith.constant 16 : i32
    %mul3A_314 = arith.muli %add3A, %mul3A_313 : i32
    %add3A_315 = arith.constant 512 : i32
    %add3A_316 = arith.addi %add3A_315, %mul3A_314 : i32
    %add3A_317 = arith.constant 9 : i32
    %add3A_318 = arith.addi %add3A_316, %add3A_317 : i32
    %dma_wait3A_319 = arith.constant 0 : i32
    %dma_wait3A_320 = tpu.memref_slice %arg2[%add3A_318, %dma_wait3A_319] : memref<1024x16384xf32, #tpu.memory_space<hbm>> -> memref<1x16384xf32, #tpu.memory_space<hbm>>
    %dma_wait3A_321 = tpu.memref_squeeze %dma_wait3A_320 : memref<1x16384xf32, #tpu.memory_space<hbm>> -> memref<16384xf32, #tpu.memory_space<hbm>>
    %dma_wait3A_322 = arith.constant 0 : i32
    %dma_wait3A_323 = tpu.memref_slice %arg2[%add3A_318, %dma_wait3A_322] : memref<1024x16384xf32, #tpu.memory_space<hbm>> -> memref<1x16384xf32, #tpu.memory_space<hbm>>
    %dma_wait3A_324 = tpu.memref_squeeze %dma_wait3A_323 : memref<1x16384xf32, #tpu.memory_space<hbm>> -> memref<16384xf32, #tpu.memory_space<hbm>>
    tpu.wait_dma2 semaphore(%arg10 : memref<!tpu.dma_semaphore, #tpu.memory_space<semaphore_mem>>) src(%dma_wait3A_324 : memref<16384xf32, #tpu.memory_space<hbm>>) dst(%arg6 : memref<16384xf32, #tpu.memory_space<vmem>>)
    %scan3A_325 = arith.constant 0 : i32
    %scan3A_326 = arith.constant 0 : i32
    %scan3A_327 = arith.constant 64 : i32
    %scan3A_328 = arith.addi %scan3A_326, %scan3A_327 : i32
    %scan3A_329 = arith.constant 1 : i32
    %scan3A_330 = scf.for %scan3A_516 = %scan3A_326 to %scan3A_328 step %scan3A_329 iter_args(%scan3A_517 = %scan3A_325) -> (i32)  : i32 {
      %mul3A_518 = arith.constant 64 : i32
      %mul3A_519 = arith.muli %scan3A_516, %mul3A_518 : i32
      %add3A_520 = arith.constant 0 : i32
      %add3A_521 = arith.addi %mul3A_519, %add3A_520 : i32
      %get3A = arith.constant 9 : i32
      %get3A_522 = arith.index_cast %get3A : i32 to index
      %get3A_523 = arith.index_cast %add3A_521 : i32 to index
      %get3A_524 = tpu.vector_load %arg7[%get3A_522, %get3A_523] {strides = array<i32>} : memref<16x4096xi16, #tpu.memory_space<vmem>>, vector<32xi16>,
      %unpack3A = tpu.unpack_subelements %get3A_524, 0 {pack_format = #tpu.pack_format<interleaved>} : vector<32xi16> -> vector<16xi32>
      %unpack3A_525 = tpu.unpack_subelements %get3A_524, 1 {pack_format = #tpu.pack_format<interleaved>} : vector<32xi16> -> vector<16xi32>
      %gather3A = tpu.vector_load_idx %arg6[%unpack3A] : memref<16384xf32, #tpu.memory_space<vmem>>[vector<16xi32>], vector<16xf32>,
      %gather3A_526 = tpu.vector_load_idx %arg6[%unpack3A_525] : memref<16384xf32, #tpu.memory_space<vmem>>[vector<16xi32>], vector<16xf32>,
      %pack3A = tpu.pack_subelements %gather3A, %gather3A_526 {pack_format = #tpu.pack_format<interleaved>, positions = array<i32: 0, 1>} : vector<16xf32>, vector<16xf32> -> vector<32xbf16>
      %add3A_527 = arith.constant 0 : i32
      %add3A_528 = arith.addi %mul3A_519, %add3A_527 : i32
      %swap3A = arith.constant 9 : i32
      %swap3A_529 = arith.index_cast %swap3A : i32 to index
      %swap3A_530 = arith.index_cast %add3A_528 : i32 to index
      %swap3A_531 = tpu.vector_load %arg8[%swap3A_529, %swap3A_530] {strides = array<i32>} : memref<16x4096xbf16, #tpu.memory_space<vmem>>, vector<32xbf16>,
      tpu.vector_store %arg8[%swap3A_529, %swap3A_530], %pack3A {strides = array<i32>} : memref<16x4096xbf16, #tpu.memory_space<vmem>>, vector<32xbf16>,
      %add3A_532 = arith.constant 32 : i32
      %add3A_533 = arith.addi %mul3A_519, %add3A_532 : i32
      %get3A_534 = arith.constant 9 : i32
      %get3A_535 = arith.index_cast %get3A_534 : i32 to index
      %get3A_536 = arith.index_cast %add3A_533 : i32 to index
      %get3A_537 = tpu.vector_load %arg7[%get3A_535, %get3A_536] {strides = array<i32>} : memref<16x4096xi16, #tpu.memory_space<vmem>>, vector<32xi16>,
      %unpack3A_538 = tpu.unpack_subelements %get3A_537, 0 {pack_format = #tpu.pack_format<interleaved>} : vector<32xi16> -> vector<16xi32>
      %unpack3A_539 = tpu.unpack_subelements %get3A_537, 1 {pack_format = #tpu.pack_format<interleaved>} : vector<32xi16> -> vector<16xi32>
      %gather3A_540 = tpu.vector_load_idx %arg6[%unpack3A_538] : memref<16384xf32, #tpu.memory_space<vmem>>[vector<16xi32>], vector<16xf32>,
      %gather3A_541 = tpu.vector_load_idx %arg6[%unpack3A_539] : memref<16384xf32, #tpu.memory_space<vmem>>[vector<16xi32>], vector<16xf32>,
      %pack3A_542 = tpu.pack_subelements %gather3A_540, %gather3A_541 {pack_format = #tpu.pack_format<interleaved>, positions = array<i32: 0, 1>} : vector<16xf32>, vector<16xf32> -> vector<32xbf16>
      %add3A_543 = arith.constant 32 : i32
      %add3A_544 = arith.addi %mul3A_519, %add3A_543 : i32
      %swap3A_545 = arith.constant 9 : i32
      %swap3A_546 = arith.index_cast %swap3A_545 : i32 to index
      %swap3A_547 = arith.index_cast %add3A_544 : i32 to index
      %swap3A_548 = tpu.vector_load %arg8[%swap3A_546, %swap3A_547] {strides = array<i32>} : memref<16x4096xbf16, #tpu.memory_space<vmem>>, vector<32xbf16>,
      tpu.vector_store %arg8[%swap3A_546, %swap3A_547], %pack3A_542 {strides = array<i32>} : memref<16x4096xbf16, #tpu.memory_space<vmem>>, vector<32xbf16>,
      %scan3A_549 = arith.constant 0 : i32
      scf.yield %scan3A_549 : i32
    }
    %scan3A_331 = arith.constant 64 : i32
    %mul3A_332 = arith.constant 16 : i32
    %mul3A_333 = arith.muli %add3A, %mul3A_332 : i32
    %add3A_334 = arith.constant 512 : i32
    %add3A_335 = arith.addi %add3A_334, %mul3A_333 : i32
    %add3A_336 = arith.constant 11 : i32
    %add3A_337 = arith.addi %add3A_335, %add3A_336 : i32
    %dma_start3A_338 = arith.constant 0 : i32
    %dma_start3A_339 = tpu.memref_slice %arg2[%add3A_337, %dma_start3A_338] : memref<1024x16384xf32, #tpu.memory_space<hbm>> -> memref<1x16384xf32, #tpu.memory_space<hbm>>
    %dma_start3A_340 = tpu.memref_squeeze %dma_start3A_339 : memref<1x16384xf32, #tpu.memory_space<hbm>> -> memref<16384xf32, #tpu.memory_space<hbm>>
    %dma_start3A_341 = arith.constant 0 : i32
    %dma_start3A_342 = tpu.memref_slice %arg2[%add3A_337, %dma_start3A_341] : memref<1024x16384xf32, #tpu.memory_space<hbm>> -> memref<1x16384xf32, #tpu.memory_space<hbm>>
    %dma_start3A_343 = tpu.memref_squeeze %dma_start3A_342 : memref<1x16384xf32, #tpu.memory_space<hbm>> -> memref<16384xf32, #tpu.memory_space<hbm>>
    tpu.enqueue_dma source(%dma_start3A_343 : memref<16384xf32, #tpu.memory_space<hbm>>) target(%arg6 : memref<16384xf32, #tpu.memory_space<vmem>>) target_semaphore(%arg10 : memref<!tpu.dma_semaphore, #tpu.memory_space<semaphore_mem>>)
    %mul3A_344 = arith.constant 16 : i32
    %mul3A_345 = arith.muli %add3A, %mul3A_344 : i32
    %add3A_346 = arith.constant 512 : i32
    %add3A_347 = arith.addi %add3A_346, %mul3A_345 : i32
    %add3A_348 = arith.constant 10 : i32
    %add3A_349 = arith.addi %add3A_347, %add3A_348 : i32
    %dma_wait3A_350 = arith.constant 0 : i32
    %dma_wait3A_351 = tpu.memref_slice %arg2[%add3A_349, %dma_wait3A_350] : memref<1024x16384xf32, #tpu.memory_space<hbm>> -> memref<1x16384xf32, #tpu.memory_space<hbm>>
    %dma_wait3A_352 = tpu.memref_squeeze %dma_wait3A_351 : memref<1x16384xf32, #tpu.memory_space<hbm>> -> memref<16384xf32, #tpu.memory_space<hbm>>
    %dma_wait3A_353 = arith.constant 0 : i32
    %dma_wait3A_354 = tpu.memref_slice %arg2[%add3A_349, %dma_wait3A_353] : memref<1024x16384xf32, #tpu.memory_space<hbm>> -> memref<1x16384xf32, #tpu.memory_space<hbm>>
    %dma_wait3A_355 = tpu.memref_squeeze %dma_wait3A_354 : memref<1x16384xf32, #tpu.memory_space<hbm>> -> memref<16384xf32, #tpu.memory_space<hbm>>
    tpu.wait_dma2 semaphore(%arg9 : memref<!tpu.dma_semaphore, #tpu.memory_space<semaphore_mem>>) src(%dma_wait3A_355 : memref<16384xf32, #tpu.memory_space<hbm>>) dst(%arg5 : memref<16384xf32, #tpu.memory_space<vmem>>)
    %scan3A_356 = arith.constant 0 : i32
    %scan3A_357 = arith.constant 0 : i32
    %scan3A_358 = arith.constant 64 : i32
    %scan3A_359 = arith.addi %scan3A_357, %scan3A_358 : i32
    %scan3A_360 = arith.constant 1 : i32
    %scan3A_361 = scf.for %scan3A_516 = %scan3A_357 to %scan3A_359 step %scan3A_360 iter_args(%scan3A_517 = %scan3A_356) -> (i32)  : i32 {
      %mul3A_518 = arith.constant 64 : i32
      %mul3A_519 = arith.muli %scan3A_516, %mul3A_518 : i32
      %add3A_520 = arith.constant 0 : i32
      %add3A_521 = arith.addi %mul3A_519, %add3A_520 : i32
      %get3A = arith.constant 10 : i32
      %get3A_522 = arith.index_cast %get3A : i32 to index
      %get3A_523 = arith.index_cast %add3A_521 : i32 to index
      %get3A_524 = tpu.vector_load %arg7[%get3A_522, %get3A_523] {strides = array<i32>} : memref<16x4096xi16, #tpu.memory_space<vmem>>, vector<32xi16>,
      %unpack3A = tpu.unpack_subelements %get3A_524, 0 {pack_format = #tpu.pack_format<interleaved>} : vector<32xi16> -> vector<16xi32>
      %unpack3A_525 = tpu.unpack_subelements %get3A_524, 1 {pack_format = #tpu.pack_format<interleaved>} : vector<32xi16> -> vector<16xi32>
      %gather3A = tpu.vector_load_idx %arg5[%unpack3A] : memref<16384xf32, #tpu.memory_space<vmem>>[vector<16xi32>], vector<16xf32>,
      %gather3A_526 = tpu.vector_load_idx %arg5[%unpack3A_525] : memref<16384xf32, #tpu.memory_space<vmem>>[vector<16xi32>], vector<16xf32>,
      %pack3A = tpu.pack_subelements %gather3A, %gather3A_526 {pack_format = #tpu.pack_format<interleaved>, positions = array<i32: 0, 1>} : vector<16xf32>, vector<16xf32> -> vector<32xbf16>
      %add3A_527 = arith.constant 0 : i32
      %add3A_528 = arith.addi %mul3A_519, %add3A_527 : i32
      %swap3A = arith.constant 10 : i32
      %swap3A_529 = arith.index_cast %swap3A : i32 to index
      %swap3A_530 = arith.index_cast %add3A_528 : i32 to index
      %swap3A_531 = tpu.vector_load %arg8[%swap3A_529, %swap3A_530] {strides = array<i32>} : memref<16x4096xbf16, #tpu.memory_space<vmem>>, vector<32xbf16>,
      tpu.vector_store %arg8[%swap3A_529, %swap3A_530], %pack3A {strides = array<i32>} : memref<16x4096xbf16, #tpu.memory_space<vmem>>, vector<32xbf16>,
      %add3A_532 = arith.constant 32 : i32
      %add3A_533 = arith.addi %mul3A_519, %add3A_532 : i32
      %get3A_534 = arith.constant 10 : i32
      %get3A_535 = arith.index_cast %get3A_534 : i32 to index
      %get3A_536 = arith.index_cast %add3A_533 : i32 to index
      %get3A_537 = tpu.vector_load %arg7[%get3A_535, %get3A_536] {strides = array<i32>} : memref<16x4096xi16, #tpu.memory_space<vmem>>, vector<32xi16>,
      %unpack3A_538 = tpu.unpack_subelements %get3A_537, 0 {pack_format = #tpu.pack_format<interleaved>} : vector<32xi16> -> vector<16xi32>
      %unpack3A_539 = tpu.unpack_subelements %get3A_537, 1 {pack_format = #tpu.pack_format<interleaved>} : vector<32xi16> -> vector<16xi32>
      %gather3A_540 = tpu.vector_load_idx %arg5[%unpack3A_538] : memref<16384xf32, #tpu.memory_space<vmem>>[vector<16xi32>], vector<16xf32>,
      %gather3A_541 = tpu.vector_load_idx %arg5[%unpack3A_539] : memref<16384xf32, #tpu.memory_space<vmem>>[vector<16xi32>], vector<16xf32>,
      %pack3A_542 = tpu.pack_subelements %gather3A_540, %gather3A_541 {pack_format = #tpu.pack_format<interleaved>, positions = array<i32: 0, 1>} : vector<16xf32>, vector<16xf32> -> vector<32xbf16>
      %add3A_543 = arith.constant 32 : i32
      %add3A_544 = arith.addi %mul3A_519, %add3A_543 : i32
      %swap3A_545 = arith.constant 10 : i32
      %swap3A_546 = arith.index_cast %swap3A_545 : i32 to index
      %swap3A_547 = arith.index_cast %add3A_544 : i32 to index
      %swap3A_548 = tpu.vector_load %arg8[%swap3A_546, %swap3A_547] {strides = array<i32>} : memref<16x4096xbf16, #tpu.memory_space<vmem>>, vector<32xbf16>,
      tpu.vector_store %arg8[%swap3A_546, %swap3A_547], %pack3A_542 {strides = array<i32>} : memref<16x4096xbf16, #tpu.memory_space<vmem>>, vector<32xbf16>,
      %scan3A_549 = arith.constant 0 : i32
      scf.yield %scan3A_549 : i32
    }
    %scan3A_362 = arith.constant 64 : i32
    %mul3A_363 = arith.constant 16 : i32
    %mul3A_364 = arith.muli %add3A, %mul3A_363 : i32
    %add3A_365 = arith.constant 512 : i32
    %add3A_366 = arith.addi %add3A_365, %mul3A_364 : i32
    %add3A_367 = arith.constant 12 : i32
    %add3A_368 = arith.addi %add3A_366, %add3A_367 : i32
    %dma_start3A_369 = arith.constant 0 : i32
    %dma_start3A_370 = tpu.memref_slice %arg2[%add3A_368, %dma_start3A_369] : memref<1024x16384xf32, #tpu.memory_space<hbm>> -> memref<1x16384xf32, #tpu.memory_space<hbm>>
    %dma_start3A_371 = tpu.memref_squeeze %dma_start3A_370 : memref<1x16384xf32, #tpu.memory_space<hbm>> -> memref<16384xf32, #tpu.memory_space<hbm>>
    %dma_start3A_372 = arith.constant 0 : i32
    %dma_start3A_373 = tpu.memref_slice %arg2[%add3A_368, %dma_start3A_372] : memref<1024x16384xf32, #tpu.memory_space<hbm>> -> memref<1x16384xf32, #tpu.memory_space<hbm>>
    %dma_start3A_374 = tpu.memref_squeeze %dma_start3A_373 : memref<1x16384xf32, #tpu.memory_space<hbm>> -> memref<16384xf32, #tpu.memory_space<hbm>>
    tpu.enqueue_dma source(%dma_start3A_374 : memref<16384xf32, #tpu.memory_space<hbm>>) target(%arg5 : memref<16384xf32, #tpu.memory_space<vmem>>) target_semaphore(%arg9 : memref<!tpu.dma_semaphore, #tpu.memory_space<semaphore_mem>>)
    %mul3A_375 = arith.constant 16 : i32
    %mul3A_376 = arith.muli %add3A, %mul3A_375 : i32
    %add3A_377 = arith.constant 512 : i32
    %add3A_378 = arith.addi %add3A_377, %mul3A_376 : i32
    %add3A_379 = arith.constant 11 : i32
    %add3A_380 = arith.addi %add3A_378, %add3A_379 : i32
    %dma_wait3A_381 = arith.constant 0 : i32
    %dma_wait3A_382 = tpu.memref_slice %arg2[%add3A_380, %dma_wait3A_381] : memref<1024x16384xf32, #tpu.memory_space<hbm>> -> memref<1x16384xf32, #tpu.memory_space<hbm>>
    %dma_wait3A_383 = tpu.memref_squeeze %dma_wait3A_382 : memref<1x16384xf32, #tpu.memory_space<hbm>> -> memref<16384xf32, #tpu.memory_space<hbm>>
    %dma_wait3A_384 = arith.constant 0 : i32
    %dma_wait3A_385 = tpu.memref_slice %arg2[%add3A_380, %dma_wait3A_384] : memref<1024x16384xf32, #tpu.memory_space<hbm>> -> memref<1x16384xf32, #tpu.memory_space<hbm>>
    %dma_wait3A_386 = tpu.memref_squeeze %dma_wait3A_385 : memref<1x16384xf32, #tpu.memory_space<hbm>> -> memref<16384xf32, #tpu.memory_space<hbm>>
    tpu.wait_dma2 semaphore(%arg10 : memref<!tpu.dma_semaphore, #tpu.memory_space<semaphore_mem>>) src(%dma_wait3A_386 : memref<16384xf32, #tpu.memory_space<hbm>>) dst(%arg6 : memref<16384xf32, #tpu.memory_space<vmem>>)
    %scan3A_387 = arith.constant 0 : i32
    %scan3A_388 = arith.constant 0 : i32
    %scan3A_389 = arith.constant 64 : i32
    %scan3A_390 = arith.addi %scan3A_388, %scan3A_389 : i32
    %scan3A_391 = arith.constant 1 : i32
    %scan3A_392 = scf.for %scan3A_516 = %scan3A_388 to %scan3A_390 step %scan3A_391 iter_args(%scan3A_517 = %scan3A_387) -> (i32)  : i32 {
      %mul3A_518 = arith.constant 64 : i32
      %mul3A_519 = arith.muli %scan3A_516, %mul3A_518 : i32
      %add3A_520 = arith.constant 0 : i32
      %add3A_521 = arith.addi %mul3A_519, %add3A_520 : i32
      %get3A = arith.constant 11 : i32
      %get3A_522 = arith.index_cast %get3A : i32 to index
      %get3A_523 = arith.index_cast %add3A_521 : i32 to index
      %get3A_524 = tpu.vector_load %arg7[%get3A_522, %get3A_523] {strides = array<i32>} : memref<16x4096xi16, #tpu.memory_space<vmem>>, vector<32xi16>,
      %unpack3A = tpu.unpack_subelements %get3A_524, 0 {pack_format = #tpu.pack_format<interleaved>} : vector<32xi16> -> vector<16xi32>
      %unpack3A_525 = tpu.unpack_subelements %get3A_524, 1 {pack_format = #tpu.pack_format<interleaved>} : vector<32xi16> -> vector<16xi32>
      %gather3A = tpu.vector_load_idx %arg6[%unpack3A] : memref<16384xf32, #tpu.memory_space<vmem>>[vector<16xi32>], vector<16xf32>,
      %gather3A_526 = tpu.vector_load_idx %arg6[%unpack3A_525] : memref<16384xf32, #tpu.memory_space<vmem>>[vector<16xi32>], vector<16xf32>,
      %pack3A = tpu.pack_subelements %gather3A, %gather3A_526 {pack_format = #tpu.pack_format<interleaved>, positions = array<i32: 0, 1>} : vector<16xf32>, vector<16xf32> -> vector<32xbf16>
      %add3A_527 = arith.constant 0 : i32
      %add3A_528 = arith.addi %mul3A_519, %add3A_527 : i32
      %swap3A = arith.constant 11 : i32
      %swap3A_529 = arith.index_cast %swap3A : i32 to index
      %swap3A_530 = arith.index_cast %add3A_528 : i32 to index
      %swap3A_531 = tpu.vector_load %arg8[%swap3A_529, %swap3A_530] {strides = array<i32>} : memref<16x4096xbf16, #tpu.memory_space<vmem>>, vector<32xbf16>,
      tpu.vector_store %arg8[%swap3A_529, %swap3A_530], %pack3A {strides = array<i32>} : memref<16x4096xbf16, #tpu.memory_space<vmem>>, vector<32xbf16>,
      %add3A_532 = arith.constant 32 : i32
      %add3A_533 = arith.addi %mul3A_519, %add3A_532 : i32
      %get3A_534 = arith.constant 11 : i32
      %get3A_535 = arith.index_cast %get3A_534 : i32 to index
      %get3A_536 = arith.index_cast %add3A_533 : i32 to index
      %get3A_537 = tpu.vector_load %arg7[%get3A_535, %get3A_536] {strides = array<i32>} : memref<16x4096xi16, #tpu.memory_space<vmem>>, vector<32xi16>,
      %unpack3A_538 = tpu.unpack_subelements %get3A_537, 0 {pack_format = #tpu.pack_format<interleaved>} : vector<32xi16> -> vector<16xi32>
      %unpack3A_539 = tpu.unpack_subelements %get3A_537, 1 {pack_format = #tpu.pack_format<interleaved>} : vector<32xi16> -> vector<16xi32>
      %gather3A_540 = tpu.vector_load_idx %arg6[%unpack3A_538] : memref<16384xf32, #tpu.memory_space<vmem>>[vector<16xi32>], vector<16xf32>,
      %gather3A_541 = tpu.vector_load_idx %arg6[%unpack3A_539] : memref<16384xf32, #tpu.memory_space<vmem>>[vector<16xi32>], vector<16xf32>,
      %pack3A_542 = tpu.pack_subelements %gather3A_540, %gather3A_541 {pack_format = #tpu.pack_format<interleaved>, positions = array<i32: 0, 1>} : vector<16xf32>, vector<16xf32> -> vector<32xbf16>
      %add3A_543 = arith.constant 32 : i32
      %add3A_544 = arith.addi %mul3A_519, %add3A_543 : i32
      %swap3A_545 = arith.constant 11 : i32
      %swap3A_546 = arith.index_cast %swap3A_545 : i32 to index
      %swap3A_547 = arith.index_cast %add3A_544 : i32 to index
      %swap3A_548 = tpu.vector_load %arg8[%swap3A_546, %swap3A_547] {strides = array<i32>} : memref<16x4096xbf16, #tpu.memory_space<vmem>>, vector<32xbf16>,
      tpu.vector_store %arg8[%swap3A_546, %swap3A_547], %pack3A_542 {strides = array<i32>} : memref<16x4096xbf16, #tpu.memory_space<vmem>>, vector<32xbf16>,
      %scan3A_549 = arith.constant 0 : i32
      scf.yield %scan3A_549 : i32
    }
    %scan3A_393 = arith.constant 64 : i32
    %mul3A_394 = arith.constant 16 : i32
    %mul3A_395 = arith.muli %add3A, %mul3A_394 : i32
    %add3A_396 = arith.constant 512 : i32
    %add3A_397 = arith.addi %add3A_396, %mul3A_395 : i32
    %add3A_398 = arith.constant 13 : i32
    %add3A_399 = arith.addi %add3A_397, %add3A_398 : i32
    %dma_start3A_400 = arith.constant 0 : i32
    %dma_start3A_401 = tpu.memref_slice %arg2[%add3A_399, %dma_start3A_400] : memref<1024x16384xf32, #tpu.memory_space<hbm>> -> memref<1x16384xf32, #tpu.memory_space<hbm>>
    %dma_start3A_402 = tpu.memref_squeeze %dma_start3A_401 : memref<1x16384xf32, #tpu.memory_space<hbm>> -> memref<16384xf32, #tpu.memory_space<hbm>>
    %dma_start3A_403 = arith.constant 0 : i32
    %dma_start3A_404 = tpu.memref_slice %arg2[%add3A_399, %dma_start3A_403] : memref<1024x16384xf32, #tpu.memory_space<hbm>> -> memref<1x16384xf32, #tpu.memory_space<hbm>>
    %dma_start3A_405 = tpu.memref_squeeze %dma_start3A_404 : memref<1x16384xf32, #tpu.memory_space<hbm>> -> memref<16384xf32, #tpu.memory_space<hbm>>
    tpu.enqueue_dma source(%dma_start3A_405 : memref<16384xf32, #tpu.memory_space<hbm>>) target(%arg6 : memref<16384xf32, #tpu.memory_space<vmem>>) target_semaphore(%arg10 : memref<!tpu.dma_semaphore, #tpu.memory_space<semaphore_mem>>)
    %mul3A_406 = arith.constant 16 : i32
    %mul3A_407 = arith.muli %add3A, %mul3A_406 : i32
    %add3A_408 = arith.constant 512 : i32
    %add3A_409 = arith.addi %add3A_408, %mul3A_407 : i32
    %add3A_410 = arith.constant 12 : i32
    %add3A_411 = arith.addi %add3A_409, %add3A_410 : i32
    %dma_wait3A_412 = arith.constant 0 : i32
    %dma_wait3A_413 = tpu.memref_slice %arg2[%add3A_411, %dma_wait3A_412] : memref<1024x16384xf32, #tpu.memory_space<hbm>> -> memref<1x16384xf32, #tpu.memory_space<hbm>>
    %dma_wait3A_414 = tpu.memref_squeeze %dma_wait3A_413 : memref<1x16384xf32, #tpu.memory_space<hbm>> -> memref<16384xf32, #tpu.memory_space<hbm>>
    %dma_wait3A_415 = arith.constant 0 : i32
    %dma_wait3A_416 = tpu.memref_slice %arg2[%add3A_411, %dma_wait3A_415] : memref<1024x16384xf32, #tpu.memory_space<hbm>> -> memref<1x16384xf32, #tpu.memory_space<hbm>>
    %dma_wait3A_417 = tpu.memref_squeeze %dma_wait3A_416 : memref<1x16384xf32, #tpu.memory_space<hbm>> -> memref<16384xf32, #tpu.memory_space<hbm>>
    tpu.wait_dma2 semaphore(%arg9 : memref<!tpu.dma_semaphore, #tpu.memory_space<semaphore_mem>>) src(%dma_wait3A_417 : memref<16384xf32, #tpu.memory_space<hbm>>) dst(%arg5 : memref<16384xf32, #tpu.memory_space<vmem>>)
    %scan3A_418 = arith.constant 0 : i32
    %scan3A_419 = arith.constant 0 : i32
    %scan3A_420 = arith.constant 64 : i32
    %scan3A_421 = arith.addi %scan3A_419, %scan3A_420 : i32
    %scan3A_422 = arith.constant 1 : i32
    %scan3A_423 = scf.for %scan3A_516 = %scan3A_419 to %scan3A_421 step %scan3A_422 iter_args(%scan3A_517 = %scan3A_418) -> (i32)  : i32 {
      %mul3A_518 = arith.constant 64 : i32
      %mul3A_519 = arith.muli %scan3A_516, %mul3A_518 : i32
      %add3A_520 = arith.constant 0 : i32
      %add3A_521 = arith.addi %mul3A_519, %add3A_520 : i32
      %get3A = arith.constant 12 : i32
      %get3A_522 = arith.index_cast %get3A : i32 to index
      %get3A_523 = arith.index_cast %add3A_521 : i32 to index
      %get3A_524 = tpu.vector_load %arg7[%get3A_522, %get3A_523] {strides = array<i32>} : memref<16x4096xi16, #tpu.memory_space<vmem>>, vector<32xi16>,
      %unpack3A = tpu.unpack_subelements %get3A_524, 0 {pack_format = #tpu.pack_format<interleaved>} : vector<32xi16> -> vector<16xi32>
      %unpack3A_525 = tpu.unpack_subelements %get3A_524, 1 {pack_format = #tpu.pack_format<interleaved>} : vector<32xi16> -> vector<16xi32>
      %gather3A = tpu.vector_load_idx %arg5[%unpack3A] : memref<16384xf32, #tpu.memory_space<vmem>>[vector<16xi32>], vector<16xf32>,
      %gather3A_526 = tpu.vector_load_idx %arg5[%unpack3A_525] : memref<16384xf32, #tpu.memory_space<vmem>>[vector<16xi32>], vector<16xf32>,
      %pack3A = tpu.pack_subelements %gather3A, %gather3A_526 {pack_format = #tpu.pack_format<interleaved>, positions = array<i32: 0, 1>} : vector<16xf32>, vector<16xf32> -> vector<32xbf16>
      %add3A_527 = arith.constant 0 : i32
      %add3A_528 = arith.addi %mul3A_519, %add3A_527 : i32
      %swap3A = arith.constant 12 : i32
      %swap3A_529 = arith.index_cast %swap3A : i32 to index
      %swap3A_530 = arith.index_cast %add3A_528 : i32 to index
      %swap3A_531 = tpu.vector_load %arg8[%swap3A_529, %swap3A_530] {strides = array<i32>} : memref<16x4096xbf16, #tpu.memory_space<vmem>>, vector<32xbf16>,
      tpu.vector_store %arg8[%swap3A_529, %swap3A_530], %pack3A {strides = array<i32>} : memref<16x4096xbf16, #tpu.memory_space<vmem>>, vector<32xbf16>,
      %add3A_532 = arith.constant 32 : i32
      %add3A_533 = arith.addi %mul3A_519, %add3A_532 : i32
      %get3A_534 = arith.constant 12 : i32
      %get3A_535 = arith.index_cast %get3A_534 : i32 to index
      %get3A_536 = arith.index_cast %add3A_533 : i32 to index
      %get3A_537 = tpu.vector_load %arg7[%get3A_535, %get3A_536] {strides = array<i32>} : memref<16x4096xi16, #tpu.memory_space<vmem>>, vector<32xi16>,
      %unpack3A_538 = tpu.unpack_subelements %get3A_537, 0 {pack_format = #tpu.pack_format<interleaved>} : vector<32xi16> -> vector<16xi32>
      %unpack3A_539 = tpu.unpack_subelements %get3A_537, 1 {pack_format = #tpu.pack_format<interleaved>} : vector<32xi16> -> vector<16xi32>
      %gather3A_540 = tpu.vector_load_idx %arg5[%unpack3A_538] : memref<16384xf32, #tpu.memory_space<vmem>>[vector<16xi32>], vector<16xf32>,
      %gather3A_541 = tpu.vector_load_idx %arg5[%unpack3A_539] : memref<16384xf32, #tpu.memory_space<vmem>>[vector<16xi32>], vector<16xf32>,
      %pack3A_542 = tpu.pack_subelements %gather3A_540, %gather3A_541 {pack_format = #tpu.pack_format<interleaved>, positions = array<i32: 0, 1>} : vector<16xf32>, vector<16xf32> -> vector<32xbf16>
      %add3A_543 = arith.constant 32 : i32
      %add3A_544 = arith.addi %mul3A_519, %add3A_543 : i32
      %swap3A_545 = arith.constant 12 : i32
      %swap3A_546 = arith.index_cast %swap3A_545 : i32 to index
      %swap3A_547 = arith.index_cast %add3A_544 : i32 to index
      %swap3A_548 = tpu.vector_load %arg8[%swap3A_546, %swap3A_547] {strides = array<i32>} : memref<16x4096xbf16, #tpu.memory_space<vmem>>, vector<32xbf16>,
      tpu.vector_store %arg8[%swap3A_546, %swap3A_547], %pack3A_542 {strides = array<i32>} : memref<16x4096xbf16, #tpu.memory_space<vmem>>, vector<32xbf16>,
      %scan3A_549 = arith.constant 0 : i32
      scf.yield %scan3A_549 : i32
    }
    %scan3A_424 = arith.constant 64 : i32
    %mul3A_425 = arith.constant 16 : i32
    %mul3A_426 = arith.muli %add3A, %mul3A_425 : i32
    %add3A_427 = arith.constant 512 : i32
    %add3A_428 = arith.addi %add3A_427, %mul3A_426 : i32
    %add3A_429 = arith.constant 14 : i32
    %add3A_430 = arith.addi %add3A_428, %add3A_429 : i32
    %dma_start3A_431 = arith.constant 0 : i32
    %dma_start3A_432 = tpu.memref_slice %arg2[%add3A_430, %dma_start3A_431] : memref<1024x16384xf32, #tpu.memory_space<hbm>> -> memref<1x16384xf32, #tpu.memory_space<hbm>>
    %dma_start3A_433 = tpu.memref_squeeze %dma_start3A_432 : memref<1x16384xf32, #tpu.memory_space<hbm>> -> memref<16384xf32, #tpu.memory_space<hbm>>
    %dma_start3A_434 = arith.constant 0 : i32
    %dma_start3A_435 = tpu.memref_slice %arg2[%add3A_430, %dma_start3A_434] : memref<1024x16384xf32, #tpu.memory_space<hbm>> -> memref<1x16384xf32, #tpu.memory_space<hbm>>
    %dma_start3A_436 = tpu.memref_squeeze %dma_start3A_435 : memref<1x16384xf32, #tpu.memory_space<hbm>> -> memref<16384xf32, #tpu.memory_space<hbm>>
    tpu.enqueue_dma source(%dma_start3A_436 : memref<16384xf32, #tpu.memory_space<hbm>>) target(%arg5 : memref<16384xf32, #tpu.memory_space<vmem>>) target_semaphore(%arg9 : memref<!tpu.dma_semaphore, #tpu.memory_space<semaphore_mem>>)
    %mul3A_437 = arith.constant 16 : i32
    %mul3A_438 = arith.muli %add3A, %mul3A_437 : i32
    %add3A_439 = arith.constant 512 : i32
    %add3A_440 = arith.addi %add3A_439, %mul3A_438 : i32
    %add3A_441 = arith.constant 13 : i32
    %add3A_442 = arith.addi %add3A_440, %add3A_441 : i32
    %dma_wait3A_443 = arith.constant 0 : i32
    %dma_wait3A_444 = tpu.memref_slice %arg2[%add3A_442, %dma_wait3A_443] : memref<1024x16384xf32, #tpu.memory_space<hbm>> -> memref<1x16384xf32, #tpu.memory_space<hbm>>
    %dma_wait3A_445 = tpu.memref_squeeze %dma_wait3A_444 : memref<1x16384xf32, #tpu.memory_space<hbm>> -> memref<16384xf32, #tpu.memory_space<hbm>>
    %dma_wait3A_446 = arith.constant 0 : i32
    %dma_wait3A_447 = tpu.memref_slice %arg2[%add3A_442, %dma_wait3A_446] : memref<1024x16384xf32, #tpu.memory_space<hbm>> -> memref<1x16384xf32, #tpu.memory_space<hbm>>
    %dma_wait3A_448 = tpu.memref_squeeze %dma_wait3A_447 : memref<1x16384xf32, #tpu.memory_space<hbm>> -> memref<16384xf32, #tpu.memory_space<hbm>>
    tpu.wait_dma2 semaphore(%arg10 : memref<!tpu.dma_semaphore, #tpu.memory_space<semaphore_mem>>) src(%dma_wait3A_448 : memref<16384xf32, #tpu.memory_space<hbm>>) dst(%arg6 : memref<16384xf32, #tpu.memory_space<vmem>>)
    %scan3A_449 = arith.constant 0 : i32
    %scan3A_450 = arith.constant 0 : i32
    %scan3A_451 = arith.constant 64 : i32
    %scan3A_452 = arith.addi %scan3A_450, %scan3A_451 : i32
    %scan3A_453 = arith.constant 1 : i32
    %scan3A_454 = scf.for %scan3A_516 = %scan3A_450 to %scan3A_452 step %scan3A_453 iter_args(%scan3A_517 = %scan3A_449) -> (i32)  : i32 {
      %mul3A_518 = arith.constant 64 : i32
      %mul3A_519 = arith.muli %scan3A_516, %mul3A_518 : i32
      %add3A_520 = arith.constant 0 : i32
      %add3A_521 = arith.addi %mul3A_519, %add3A_520 : i32
      %get3A = arith.constant 13 : i32
      %get3A_522 = arith.index_cast %get3A : i32 to index
      %get3A_523 = arith.index_cast %add3A_521 : i32 to index
      %get3A_524 = tpu.vector_load %arg7[%get3A_522, %get3A_523] {strides = array<i32>} : memref<16x4096xi16, #tpu.memory_space<vmem>>, vector<32xi16>,
      %unpack3A = tpu.unpack_subelements %get3A_524, 0 {pack_format = #tpu.pack_format<interleaved>} : vector<32xi16> -> vector<16xi32>
      %unpack3A_525 = tpu.unpack_subelements %get3A_524, 1 {pack_format = #tpu.pack_format<interleaved>} : vector<32xi16> -> vector<16xi32>
      %gather3A = tpu.vector_load_idx %arg6[%unpack3A] : memref<16384xf32, #tpu.memory_space<vmem>>[vector<16xi32>], vector<16xf32>,
      %gather3A_526 = tpu.vector_load_idx %arg6[%unpack3A_525] : memref<16384xf32, #tpu.memory_space<vmem>>[vector<16xi32>], vector<16xf32>,
      %pack3A = tpu.pack_subelements %gather3A, %gather3A_526 {pack_format = #tpu.pack_format<interleaved>, positions = array<i32: 0, 1>} : vector<16xf32>, vector<16xf32> -> vector<32xbf16>
      %add3A_527 = arith.constant 0 : i32
      %add3A_528 = arith.addi %mul3A_519, %add3A_527 : i32
      %swap3A = arith.constant 13 : i32
      %swap3A_529 = arith.index_cast %swap3A : i32 to index
      %swap3A_530 = arith.index_cast %add3A_528 : i32 to index
      %swap3A_531 = tpu.vector_load %arg8[%swap3A_529, %swap3A_530] {strides = array<i32>} : memref<16x4096xbf16, #tpu.memory_space<vmem>>, vector<32xbf16>,
      tpu.vector_store %arg8[%swap3A_529, %swap3A_530], %pack3A {strides = array<i32>} : memref<16x4096xbf16, #tpu.memory_space<vmem>>, vector<32xbf16>,
      %add3A_532 = arith.constant 32 : i32
      %add3A_533 = arith.addi %mul3A_519, %add3A_532 : i32
      %get3A_534 = arith.constant 13 : i32
      %get3A_535 = arith.index_cast %get3A_534 : i32 to index
      %get3A_536 = arith.index_cast %add3A_533 : i32 to index
      %get3A_537 = tpu.vector_load %arg7[%get3A_535, %get3A_536] {strides = array<i32>} : memref<16x4096xi16, #tpu.memory_space<vmem>>, vector<32xi16>,
      %unpack3A_538 = tpu.unpack_subelements %get3A_537, 0 {pack_format = #tpu.pack_format<interleaved>} : vector<32xi16> -> vector<16xi32>
      %unpack3A_539 = tpu.unpack_subelements %get3A_537, 1 {pack_format = #tpu.pack_format<interleaved>} : vector<32xi16> -> vector<16xi32>
      %gather3A_540 = tpu.vector_load_idx %arg6[%unpack3A_538] : memref<16384xf32, #tpu.memory_space<vmem>>[vector<16xi32>], vector<16xf32>,
      %gather3A_541 = tpu.vector_load_idx %arg6[%unpack3A_539] : memref<16384xf32, #tpu.memory_space<vmem>>[vector<16xi32>], vector<16xf32>,
      %pack3A_542 = tpu.pack_subelements %gather3A_540, %gather3A_541 {pack_format = #tpu.pack_format<interleaved>, positions = array<i32: 0, 1>} : vector<16xf32>, vector<16xf32> -> vector<32xbf16>
      %add3A_543 = arith.constant 32 : i32
      %add3A_544 = arith.addi %mul3A_519, %add3A_543 : i32
      %swap3A_545 = arith.constant 13 : i32
      %swap3A_546 = arith.index_cast %swap3A_545 : i32 to index
      %swap3A_547 = arith.index_cast %add3A_544 : i32 to index
      %swap3A_548 = tpu.vector_load %arg8[%swap3A_546, %swap3A_547] {strides = array<i32>} : memref<16x4096xbf16, #tpu.memory_space<vmem>>, vector<32xbf16>,
      tpu.vector_store %arg8[%swap3A_546, %swap3A_547], %pack3A_542 {strides = array<i32>} : memref<16x4096xbf16, #tpu.memory_space<vmem>>, vector<32xbf16>,
      %scan3A_549 = arith.constant 0 : i32
      scf.yield %scan3A_549 : i32
    }
    %scan3A_455 = arith.constant 64 : i32
    %mul3A_456 = arith.constant 16 : i32
    %mul3A_457 = arith.muli %add3A, %mul3A_456 : i32
    %add3A_458 = arith.constant 512 : i32
    %add3A_459 = arith.addi %add3A_458, %mul3A_457 : i32
    %add3A_460 = arith.constant 15 : i32
    %add3A_461 = arith.addi %add3A_459, %add3A_460 : i32
    %dma_start3A_462 = arith.constant 0 : i32
    %dma_start3A_463 = tpu.memref_slice %arg2[%add3A_461, %dma_start3A_462] : memref<1024x16384xf32, #tpu.memory_space<hbm>> -> memref<1x16384xf32, #tpu.memory_space<hbm>>
    %dma_start3A_464 = tpu.memref_squeeze %dma_start3A_463 : memref<1x16384xf32, #tpu.memory_space<hbm>> -> memref<16384xf32, #tpu.memory_space<hbm>>
    %dma_start3A_465 = arith.constant 0 : i32
    %dma_start3A_466 = tpu.memref_slice %arg2[%add3A_461, %dma_start3A_465] : memref<1024x16384xf32, #tpu.memory_space<hbm>> -> memref<1x16384xf32, #tpu.memory_space<hbm>>
    %dma_start3A_467 = tpu.memref_squeeze %dma_start3A_466 : memref<1x16384xf32, #tpu.memory_space<hbm>> -> memref<16384xf32, #tpu.memory_space<hbm>>
    tpu.enqueue_dma source(%dma_start3A_467 : memref<16384xf32, #tpu.memory_space<hbm>>) target(%arg6 : memref<16384xf32, #tpu.memory_space<vmem>>) target_semaphore(%arg10 : memref<!tpu.dma_semaphore, #tpu.memory_space<semaphore_mem>>)
    %mul3A_468 = arith.constant 16 : i32
    %mul3A_469 = arith.muli %add3A, %mul3A_468 : i32
    %add3A_470 = arith.constant 512 : i32
    %add3A_471 = arith.addi %add3A_470, %mul3A_469 : i32
    %add3A_472 = arith.constant 14 : i32
    %add3A_473 = arith.addi %add3A_471, %add3A_472 : i32
    %dma_wait3A_474 = arith.constant 0 : i32
    %dma_wait3A_475 = tpu.memref_slice %arg2[%add3A_473, %dma_wait3A_474] : memref<1024x16384xf32, #tpu.memory_space<hbm>> -> memref<1x16384xf32, #tpu.memory_space<hbm>>
    %dma_wait3A_476 = tpu.memref_squeeze %dma_wait3A_475 : memref<1x16384xf32, #tpu.memory_space<hbm>> -> memref<16384xf32, #tpu.memory_space<hbm>>
    %dma_wait3A_477 = arith.constant 0 : i32
    %dma_wait3A_478 = tpu.memref_slice %arg2[%add3A_473, %dma_wait3A_477] : memref<1024x16384xf32, #tpu.memory_space<hbm>> -> memref<1x16384xf32, #tpu.memory_space<hbm>>
    %dma_wait3A_479 = tpu.memref_squeeze %dma_wait3A_478 : memref<1x16384xf32, #tpu.memory_space<hbm>> -> memref<16384xf32, #tpu.memory_space<hbm>>
    tpu.wait_dma2 semaphore(%arg9 : memref<!tpu.dma_semaphore, #tpu.memory_space<semaphore_mem>>) src(%dma_wait3A_479 : memref<16384xf32, #tpu.memory_space<hbm>>) dst(%arg5 : memref<16384xf32, #tpu.memory_space<vmem>>)
    %scan3A_480 = arith.constant 0 : i32
    %scan3A_481 = arith.constant 0 : i32
    %scan3A_482 = arith.constant 64 : i32
    %scan3A_483 = arith.addi %scan3A_481, %scan3A_482 : i32
    %scan3A_484 = arith.constant 1 : i32
    %scan3A_485 = scf.for %scan3A_516 = %scan3A_481 to %scan3A_483 step %scan3A_484 iter_args(%scan3A_517 = %scan3A_480) -> (i32)  : i32 {
      %mul3A_518 = arith.constant 64 : i32
      %mul3A_519 = arith.muli %scan3A_516, %mul3A_518 : i32
      %add3A_520 = arith.constant 0 : i32
      %add3A_521 = arith.addi %mul3A_519, %add3A_520 : i32
      %get3A = arith.constant 14 : i32
      %get3A_522 = arith.index_cast %get3A : i32 to index
      %get3A_523 = arith.index_cast %add3A_521 : i32 to index
      %get3A_524 = tpu.vector_load %arg7[%get3A_522, %get3A_523] {strides = array<i32>} : memref<16x4096xi16, #tpu.memory_space<vmem>>, vector<32xi16>,
      %unpack3A = tpu.unpack_subelements %get3A_524, 0 {pack_format = #tpu.pack_format<interleaved>} : vector<32xi16> -> vector<16xi32>
      %unpack3A_525 = tpu.unpack_subelements %get3A_524, 1 {pack_format = #tpu.pack_format<interleaved>} : vector<32xi16> -> vector<16xi32>
      %gather3A = tpu.vector_load_idx %arg5[%unpack3A] : memref<16384xf32, #tpu.memory_space<vmem>>[vector<16xi32>], vector<16xf32>,
      %gather3A_526 = tpu.vector_load_idx %arg5[%unpack3A_525] : memref<16384xf32, #tpu.memory_space<vmem>>[vector<16xi32>], vector<16xf32>,
      %pack3A = tpu.pack_subelements %gather3A, %gather3A_526 {pack_format = #tpu.pack_format<interleaved>, positions = array<i32: 0, 1>} : vector<16xf32>, vector<16xf32> -> vector<32xbf16>
      %add3A_527 = arith.constant 0 : i32
      %add3A_528 = arith.addi %mul3A_519, %add3A_527 : i32
      %swap3A = arith.constant 14 : i32
      %swap3A_529 = arith.index_cast %swap3A : i32 to index
      %swap3A_530 = arith.index_cast %add3A_528 : i32 to index
      %swap3A_531 = tpu.vector_load %arg8[%swap3A_529, %swap3A_530] {strides = array<i32>} : memref<16x4096xbf16, #tpu.memory_space<vmem>>, vector<32xbf16>,
      tpu.vector_store %arg8[%swap3A_529, %swap3A_530], %pack3A {strides = array<i32>} : memref<16x4096xbf16, #tpu.memory_space<vmem>>, vector<32xbf16>,
      %add3A_532 = arith.constant 32 : i32
      %add3A_533 = arith.addi %mul3A_519, %add3A_532 : i32
      %get3A_534 = arith.constant 14 : i32
      %get3A_535 = arith.index_cast %get3A_534 : i32 to index
      %get3A_536 = arith.index_cast %add3A_533 : i32 to index
      %get3A_537 = tpu.vector_load %arg7[%get3A_535, %get3A_536] {strides = array<i32>} : memref<16x4096xi16, #tpu.memory_space<vmem>>, vector<32xi16>,
      %unpack3A_538 = tpu.unpack_subelements %get3A_537, 0 {pack_format = #tpu.pack_format<interleaved>} : vector<32xi16> -> vector<16xi32>
      %unpack3A_539 = tpu.unpack_subelements %get3A_537, 1 {pack_format = #tpu.pack_format<interleaved>} : vector<32xi16> -> vector<16xi32>
      %gather3A_540 = tpu.vector_load_idx %arg5[%unpack3A_538] : memref<16384xf32, #tpu.memory_space<vmem>>[vector<16xi32>], vector<16xf32>,
      %gather3A_541 = tpu.vector_load_idx %arg5[%unpack3A_539] : memref<16384xf32, #tpu.memory_space<vmem>>[vector<16xi32>], vector<16xf32>,
      %pack3A_542 = tpu.pack_subelements %gather3A_540, %gather3A_541 {pack_format = #tpu.pack_format<interleaved>, positions = array<i32: 0, 1>} : vector<16xf32>, vector<16xf32> -> vector<32xbf16>
      %add3A_543 = arith.constant 32 : i32
      %add3A_544 = arith.addi %mul3A_519, %add3A_543 : i32
      %swap3A_545 = arith.constant 14 : i32
      %swap3A_546 = arith.index_cast %swap3A_545 : i32 to index
      %swap3A_547 = arith.index_cast %add3A_544 : i32 to index
      %swap3A_548 = tpu.vector_load %arg8[%swap3A_546, %swap3A_547] {strides = array<i32>} : memref<16x4096xbf16, #tpu.memory_space<vmem>>, vector<32xbf16>,
      tpu.vector_store %arg8[%swap3A_546, %swap3A_547], %pack3A_542 {strides = array<i32>} : memref<16x4096xbf16, #tpu.memory_space<vmem>>, vector<32xbf16>,
      %scan3A_549 = arith.constant 0 : i32
      scf.yield %scan3A_549 : i32
    }
    %scan3A_486 = arith.constant 64 : i32
    %mul3A_487 = arith.constant 16 : i32
    %mul3A_488 = arith.muli %add3A, %mul3A_487 : i32
    %add3A_489 = arith.constant 512 : i32
    %add3A_490 = arith.addi %add3A_489, %mul3A_488 : i32
    %add3A_491 = arith.constant 15 : i32
    %add3A_492 = arith.addi %add3A_490, %add3A_491 : i32
    %dma_wait3A_493 = arith.constant 0 : i32
    %dma_wait3A_494 = tpu.memref_slice %arg2[%add3A_492, %dma_wait3A_493] : memref<1024x16384xf32, #tpu.memory_space<hbm>> -> memref<1x16384xf32, #tpu.memory_space<hbm>>
    %dma_wait3A_495 = tpu.memref_squeeze %dma_wait3A_494 : memref<1x16384xf32, #tpu.memory_space<hbm>> -> memref<16384xf32, #tpu.memory_space<hbm>>
    %dma_wait3A_496 = arith.constant 0 : i32
    %dma_wait3A_497 = tpu.memref_slice %arg2[%add3A_492, %dma_wait3A_496] : memref<1024x16384xf32, #tpu.memory_space<hbm>> -> memref<1x16384xf32, #tpu.memory_space<hbm>>
    %dma_wait3A_498 = tpu.memref_squeeze %dma_wait3A_497 : memref<1x16384xf32, #tpu.memory_space<hbm>> -> memref<16384xf32, #tpu.memory_space<hbm>>
    tpu.wait_dma2 semaphore(%arg10 : memref<!tpu.dma_semaphore, #tpu.memory_space<semaphore_mem>>) src(%dma_wait3A_498 : memref<16384xf32, #tpu.memory_space<hbm>>) dst(%arg6 : memref<16384xf32, #tpu.memory_space<vmem>>)
    %scan3A_499 = arith.constant 0 : i32
    %scan3A_500 = arith.constant 0 : i32
    %scan3A_501 = arith.constant 64 : i32
    %scan3A_502 = arith.addi %scan3A_500, %scan3A_501 : i32
    %scan3A_503 = arith.constant 1 : i32
    %scan3A_504 = scf.for %scan3A_516 = %scan3A_500 to %scan3A_502 step %scan3A_503 iter_args(%scan3A_517 = %scan3A_499) -> (i32)  : i32 {
      %mul3A_518 = arith.constant 64 : i32
      %mul3A_519 = arith.muli %scan3A_516, %mul3A_518 : i32
      %add3A_520 = arith.constant 0 : i32
      %add3A_521 = arith.addi %mul3A_519, %add3A_520 : i32
      %get3A = arith.constant 15 : i32
      %get3A_522 = arith.index_cast %get3A : i32 to index
      %get3A_523 = arith.index_cast %add3A_521 : i32 to index
      %get3A_524 = tpu.vector_load %arg7[%get3A_522, %get3A_523] {strides = array<i32>} : memref<16x4096xi16, #tpu.memory_space<vmem>>, vector<32xi16>,
      %unpack3A = tpu.unpack_subelements %get3A_524, 0 {pack_format = #tpu.pack_format<interleaved>} : vector<32xi16> -> vector<16xi32>
      %unpack3A_525 = tpu.unpack_subelements %get3A_524, 1 {pack_format = #tpu.pack_format<interleaved>} : vector<32xi16> -> vector<16xi32>
      %gather3A = tpu.vector_load_idx %arg6[%unpack3A] : memref<16384xf32, #tpu.memory_space<vmem>>[vector<16xi32>], vector<16xf32>,
      %gather3A_526 = tpu.vector_load_idx %arg6[%unpack3A_525] : memref<16384xf32, #tpu.memory_space<vmem>>[vector<16xi32>], vector<16xf32>,
      %pack3A = tpu.pack_subelements %gather3A, %gather3A_526 {pack_format = #tpu.pack_format<interleaved>, positions = array<i32: 0, 1>} : vector<16xf32>, vector<16xf32> -> vector<32xbf16>
      %add3A_527 = arith.constant 0 : i32
      %add3A_528 = arith.addi %mul3A_519, %add3A_527 : i32
      %swap3A = arith.constant 15 : i32
      %swap3A_529 = arith.index_cast %swap3A : i32 to index
      %swap3A_530 = arith.index_cast %add3A_528 : i32 to index
      %swap3A_531 = tpu.vector_load %arg8[%swap3A_529, %swap3A_530] {strides = array<i32>} : memref<16x4096xbf16, #tpu.memory_space<vmem>>, vector<32xbf16>,
      tpu.vector_store %arg8[%swap3A_529, %swap3A_530], %pack3A {strides = array<i32>} : memref<16x4096xbf16, #tpu.memory_space<vmem>>, vector<32xbf16>,
      %add3A_532 = arith.constant 32 : i32
      %add3A_533 = arith.addi %mul3A_519, %add3A_532 : i32
      %get3A_534 = arith.constant 15 : i32
      %get3A_535 = arith.index_cast %get3A_534 : i32 to index
      %get3A_536 = arith.index_cast %add3A_533 : i32 to index
      %get3A_537 = tpu.vector_load %arg7[%get3A_535, %get3A_536] {strides = array<i32>} : memref<16x4096xi16, #tpu.memory_space<vmem>>, vector<32xi16>,
      %unpack3A_538 = tpu.unpack_subelements %get3A_537, 0 {pack_format = #tpu.pack_format<interleaved>} : vector<32xi16> -> vector<16xi32>
      %unpack3A_539 = tpu.unpack_subelements %get3A_537, 1 {pack_format = #tpu.pack_format<interleaved>} : vector<32xi16> -> vector<16xi32>
      %gather3A_540 = tpu.vector_load_idx %arg6[%unpack3A_538] : memref<16384xf32, #tpu.memory_space<vmem>>[vector<16xi32>], vector<16xf32>,
      %gather3A_541 = tpu.vector_load_idx %arg6[%unpack3A_539] : memref<16384xf32, #tpu.memory_space<vmem>>[vector<16xi32>], vector<16xf32>,
      %pack3A_542 = tpu.pack_subelements %gather3A_540, %gather3A_541 {pack_format = #tpu.pack_format<interleaved>, positions = array<i32: 0, 1>} : vector<16xf32>, vector<16xf32> -> vector<32xbf16>
      %add3A_543 = arith.constant 32 : i32
      %add3A_544 = arith.addi %mul3A_519, %add3A_543 : i32
      %swap3A_545 = arith.constant 15 : i32
      %swap3A_546 = arith.index_cast %swap3A_545 : i32 to index
      %swap3A_547 = arith.index_cast %add3A_544 : i32 to index
      %swap3A_548 = tpu.vector_load %arg8[%swap3A_546, %swap3A_547] {strides = array<i32>} : memref<16x4096xbf16, #tpu.memory_space<vmem>>, vector<32xbf16>,
      tpu.vector_store %arg8[%swap3A_546, %swap3A_547], %pack3A_542 {strides = array<i32>} : memref<16x4096xbf16, #tpu.memory_space<vmem>>, vector<32xbf16>,
      %scan3A_549 = arith.constant 0 : i32
      scf.yield %scan3A_549 : i32
    }
    %scan3A_505 = arith.constant 64 : i32
    %mul3A_506 = arith.constant 16 : i32
    %mul3A_507 = arith.muli %add3A, %mul3A_506 : i32
    %dma_start3A_508 = arith.constant 0 : i32
    %dma_start3A_509 = tpu.memref_slice %arg4[%mul3A_507, %dma_start3A_508] : memref<512x4096xbf16, #tpu.memory_space<hbm>> -> memref<16x4096xbf16, #tpu.memory_space<hbm>>
    %dma_start3A_510 = arith.constant 0 : i32
    %dma_start3A_511 = tpu.memref_slice %arg4[%mul3A_507, %dma_start3A_510] : memref<512x4096xbf16, #tpu.memory_space<hbm>> -> memref<16x4096xbf16, #tpu.memory_space<hbm>>
    tpu.enqueue_dma source(%arg8 : memref<16x4096xbf16, #tpu.memory_space<vmem>>) target(%dma_start3A_511 : memref<16x4096xbf16, #tpu.memory_space<hbm>>) target_semaphore(%arg12 : memref<!tpu.dma_semaphore, #tpu.memory_space<semaphore_mem>>)
    %dma_wait3A_512 = arith.constant 0 : i32
    %dma_wait3A_513 = tpu.memref_slice %arg4[%mul3A_507, %dma_wait3A_512] : memref<512x4096xbf16, #tpu.memory_space<hbm>> -> memref<16x4096xbf16, #tpu.memory_space<hbm>>
    %dma_wait3A_514 = arith.constant 0 : i32
    %dma_wait3A_515 = tpu.memref_slice %arg4[%mul3A_507, %dma_wait3A_514] : memref<512x4096xbf16, #tpu.memory_space<hbm>> -> memref<16x4096xbf16, #tpu.memory_space<hbm>>
    tpu.wait_dma2 semaphore(%arg12 : memref<!tpu.dma_semaphore, #tpu.memory_space<semaphore_mem>>) src(%arg8 : memref<16x4096xbf16, #tpu.memory_space<vmem>>) dst(%dma_wait3A_515 : memref<16x4096xbf16, #tpu.memory_space<hbm>>)
    return
  }
}

module attributes {stable_mosaic.version = 14 : i64} {
  func.func @body(%arg0: i32, %arg1: memref<512x1024xf32, #tpu.memory_space<vmem>>, %arg2: memref<1024x1024xbf16, #tpu.memory_space<vmem>>, %arg3: memref<512x1024xi16, #tpu.memory_space<vmem>>) attributes {dimension_semantics = [#tpu.dimension_semantics<arbitrary>], iteration_bounds = array<i64: 4>, scalar_prefetch = 0 : i64, scratch_operands = 0 : i64, tpu.core_type = #tpu.core_type<tc>, window_params = [{transform_indices = @transform_0, window_bounds = array<i64: 512, 1024>}, {transform_indices = @transform_1, window_bounds = array<i64: 1024, 1024>}, {transform_indices = @transform_2, window_bounds = array<i64: 512, 1024>}]} {
    %get3A = arith.constant 0 : index
    %get3A_0 = arith.constant 0 : index
    %get3A_1 = vector.load %arg2[%get3A, %get3A_0] : memref<1024x1024xbf16, #tpu.memory_space<vmem>>, vector<1024x1024xbf16>
    %get3A_2 = arith.constant 0 : index
    %get3A_3 = arith.constant 0 : index
    %get3A_4 = vector.load %arg1[%get3A_2, %get3A_3] : memref<512x1024xf32, #tpu.memory_space<vmem>>, vector<512x1024xf32>
    %mul3A = arith.constant 7.812500e-03 : f32
    %mul3A_5 = vector.broadcast %mul3A : f32 to vector<512x1024xf32>
    %mul3A_6 = arith.mulf %get3A_4, %mul3A_5 : vector<512x1024xf32>
    %floor3A = math.floor %mul3A_6 : vector<512x1024xf32>
    %mul3A_7 = arith.constant 1.280000e+02 : f32
    %mul3A_8 = vector.broadcast %mul3A_7 : f32 to vector<512x1024xf32>
    %mul3A_9 = arith.mulf %floor3A, %mul3A_8 : vector<512x1024xf32>
    %sub3A = arith.subf %get3A_4, %mul3A_9 : vector<512x1024xf32>
    %convert_element_type3A = arith.truncf %floor3A : vector<512x1024xf32> to vector<512x1024xbf16>
    %dot_general3A = arith.constant dense<0.000000e+00> : vector<512x1024xf32>
    %dot_general3A_10 = tpu.matmul %convert_element_type3A, %get3A_1, %dot_general3A {dimension_numbers = #tpu.dot_dimension_numbers<[1], [1], [0], [0], [0, 0, 1, 0], [], []>, transpose_lhs_hint = false} : vector<512x1024xbf16>, vector<1024x1024xbf16>, vector<512x1024xf32> -> vector<512x1024xf32>
    %convert_element_type3A_11 = arith.truncf %sub3A : vector<512x1024xf32> to vector<512x1024xbf16>
    %dot_general3A_12 = arith.constant dense<0.000000e+00> : vector<512x1024xf32>
    %dot_general3A_13 = tpu.matmul %convert_element_type3A_11, %get3A_1, %dot_general3A_12 {dimension_numbers = #tpu.dot_dimension_numbers<[1], [1], [0], [0], [0, 0, 1, 0], [], []>, transpose_lhs_hint = false} : vector<512x1024xbf16>, vector<1024x1024xbf16>, vector<512x1024xf32> -> vector<512x1024xf32>
    %mul3A_14 = arith.constant 1.280000e+02 : f32
    %mul3A_15 = vector.broadcast %mul3A_14 : f32 to vector<512x1024xf32>
    %mul3A_16 = arith.mulf %dot_general3A_10, %mul3A_15 : vector<512x1024xf32>
    %add3A = arith.addf %mul3A_16, %dot_general3A_13 : vector<512x1024xf32>
    %convert_element_type3A_17 = arith.fptosi %add3A : vector<512x1024xf32> to vector<512x1024xi16>
    %swap3A = arith.constant 0 : index
    %swap3A_18 = arith.constant 0 : index
    %swap3A_19 = vector.load %arg3[%swap3A, %swap3A_18] : memref<512x1024xi16, #tpu.memory_space<vmem>>, vector<512x1024xi16>
    tpu.vector_store %arg3[%swap3A, %swap3A_18], %convert_element_type3A_17 {strides = array<i32>} : memref<512x1024xi16, #tpu.memory_space<vmem>>, vector<512x1024xi16>,
    return
  }
  func.func @transform_0(%arg0: i32) -> (i32, i32) {
    %c1_i32 = arith.constant 1 : i32
    %c0_i32 = arith.constant 0 : i32
    %c0_i32_0 = arith.constant 0 : i32
    return %c1_i32, %c0_i32 : i32, i32
  }
  func.func @transform_1(%arg0: i32) -> (i32, i32) {
    %c0_i32 = arith.constant 0 : i32
    %c0_i32_0 = arith.constant 0 : i32
    return %arg0, %c0_i32 : i32, i32
  }
  func.func @transform_2(%arg0: i32) -> (i32, i32) {
    %c0_i32 = arith.constant 0 : i32
    %c0_i32_0 = arith.constant 0 : i32
    return %c0_i32, %arg0 : i32, i32
  }
}

module attributes {stable_mosaic.version = 14 : i64} {
  func.func @body(%arg0: i32, %arg1: memref<512x1024xf32, #tpu.memory_space<vmem>>, %arg2: memref<1024x1024xbf16, #tpu.memory_space<vmem>>, %arg3: memref<512x1024xi16, #tpu.memory_space<vmem>>) attributes {dimension_semantics = [#tpu.dimension_semantics<arbitrary>], iteration_bounds = array<i64: 4>, scalar_prefetch = 0 : i64, scratch_operands = 0 : i64, tpu.core_type = #tpu.core_type<tc>, window_params = [{transform_indices = @transform_0, window_bounds = array<i64: 512, 1024>}, {transform_indices = @transform_1, window_bounds = array<i64: 1024, 1024>}, {transform_indices = @transform_2, window_bounds = array<i64: 512, 1024>}]} {
    %get3A = arith.constant 0 : index
    %get3A_0 = arith.constant 0 : index
    %get3A_1 = vector.load %arg2[%get3A, %get3A_0] : memref<1024x1024xbf16, #tpu.memory_space<vmem>>, vector<1024x1024xbf16>
    %get3A_2 = arith.constant 0 : index
    %get3A_3 = arith.constant 0 : index
    %get3A_4 = vector.load %arg1[%get3A_2, %get3A_3] : memref<512x1024xf32, #tpu.memory_space<vmem>>, vector<512x1024xf32>
    %mul3A = arith.constant 7.812500e-03 : f32
    %mul3A_5 = vector.broadcast %mul3A : f32 to vector<512x1024xf32>
    %mul3A_6 = arith.mulf %get3A_4, %mul3A_5 : vector<512x1024xf32>
    %floor3A = math.floor %mul3A_6 : vector<512x1024xf32>
    %mul3A_7 = arith.constant 1.280000e+02 : f32
    %mul3A_8 = vector.broadcast %mul3A_7 : f32 to vector<512x1024xf32>
    %mul3A_9 = arith.mulf %floor3A, %mul3A_8 : vector<512x1024xf32>
    %sub3A = arith.subf %get3A_4, %mul3A_9 : vector<512x1024xf32>
    %convert_element_type3A = arith.truncf %floor3A : vector<512x1024xf32> to vector<512x1024xbf16>
    %dot_general3A = arith.constant dense<0.000000e+00> : vector<512x1024xf32>
    %dot_general3A_10 = tpu.matmul %convert_element_type3A, %get3A_1, %dot_general3A {dimension_numbers = #tpu.dot_dimension_numbers<[1], [1], [0], [0], [0, 0, 1, 0], [], []>, transpose_lhs_hint = false} : vector<512x1024xbf16>, vector<1024x1024xbf16>, vector<512x1024xf32> -> vector<512x1024xf32>
    %convert_element_type3A_11 = arith.truncf %sub3A : vector<512x1024xf32> to vector<512x1024xbf16>
    %dot_general3A_12 = arith.constant dense<0.000000e+00> : vector<512x1024xf32>
    %dot_general3A_13 = tpu.matmul %convert_element_type3A_11, %get3A_1, %dot_general3A_12 {dimension_numbers = #tpu.dot_dimension_numbers<[1], [1], [0], [0], [0, 0, 1, 0], [], []>, transpose_lhs_hint = false} : vector<512x1024xbf16>, vector<1024x1024xbf16>, vector<512x1024xf32> -> vector<512x1024xf32>
    %mul3A_14 = arith.constant 1.280000e+02 : f32
    %mul3A_15 = vector.broadcast %mul3A_14 : f32 to vector<512x1024xf32>
    %mul3A_16 = arith.mulf %dot_general3A_10, %mul3A_15 : vector<512x1024xf32>
    %add3A = arith.addf %mul3A_16, %dot_general3A_13 : vector<512x1024xf32>
    %convert_element_type3A_17 = arith.fptosi %add3A : vector<512x1024xf32> to vector<512x1024xi16>
    %swap3A = arith.constant 0 : index
    %swap3A_18 = arith.constant 0 : index
    %swap3A_19 = vector.load %arg3[%swap3A, %swap3A_18] : memref<512x1024xi16, #tpu.memory_space<vmem>>, vector<512x1024xi16>
    tpu.vector_store %arg3[%swap3A, %swap3A_18], %convert_element_type3A_17 {strides = array<i32>} : memref<512x1024xi16, #tpu.memory_space<vmem>>, vector<512x1024xi16>,
    return
  }
  func.func @transform_0(%arg0: i32) -> (i32, i32) {
    %c0_i32 = arith.constant 0 : i32
    %c0_i32_0 = arith.constant 0 : i32
    %c0_i32_1 = arith.constant 0 : i32
    return %c0_i32, %c0_i32_0 : i32, i32
  }
  func.func @transform_1(%arg0: i32) -> (i32, i32) {
    %c0_i32 = arith.constant 0 : i32
    %c0_i32_0 = arith.constant 0 : i32
    return %arg0, %c0_i32 : i32, i32
  }
  func.func @transform_2(%arg0: i32) -> (i32, i32) {
    %c0_i32 = arith.constant 0 : i32
    %c0_i32_0 = arith.constant 0 : i32
    return %c0_i32, %arg0 : i32, i32
  }
}

module attributes {stable_mosaic.version = 14 : i64} {
  func.func @body(%arg0: i32, %arg1: memref<1024x1024xi32, #tpu.memory_space<vmem>>, %arg2: memref<1024x1024xbf16, #tpu.memory_space<vmem>>) attributes {dimension_semantics = [#tpu.dimension_semantics<arbitrary>], iteration_bounds = array<i64: 4>, scalar_prefetch = 0 : i64, scratch_operands = 0 : i64, tpu.core_type = #tpu.core_type<tc>, window_params = [{transform_indices = @transform_0, window_bounds = array<i64: 1024, 1024>}, {transform_indices = @transform_1, window_bounds = array<i64: 1024, 1024>}]} {
    %get3A = arith.constant 0 : index
    %get3A_0 = arith.constant 0 : index
    %get3A_1 = vector.load %arg1[%get3A, %get3A_0] : memref<1024x1024xi32, #tpu.memory_space<vmem>>, vector<1024x1024xi32>
    %ne3A = arith.constant 0 : i32
    %ne3A_2 = vector.broadcast %ne3A : i32 to vector<1024x1024xi32>
    %ne3A_3 = arith.cmpi ne, %get3A_1, %ne3A_2 : vector<1024x1024xi32>
    %convert_element_type3A = arith.extui %ne3A_3 : vector<1024x1024xi1> to vector<1024x1024xi32>
    %convert_element_type3A_4 = arith.sitofp %convert_element_type3A : vector<1024x1024xi32> to vector<1024x1024xf32>
    %convert_element_type3A_5 = arith.truncf %convert_element_type3A_4 : vector<1024x1024xf32> to vector<1024x1024xbf16>
    %swap3A = arith.constant 0 : index
    %swap3A_6 = arith.constant 0 : index
    %swap3A_7 = vector.load %arg2[%swap3A, %swap3A_6] : memref<1024x1024xbf16, #tpu.memory_space<vmem>>, vector<1024x1024xbf16>
    tpu.vector_store %arg2[%swap3A, %swap3A_6], %convert_element_type3A_5 {strides = array<i32>} : memref<1024x1024xbf16, #tpu.memory_space<vmem>>, vector<1024x1024xbf16>,
    return
  }
  func.func @transform_0(%arg0: i32) -> (i32, i32) {
    %c0_i32 = arith.constant 0 : i32
    %c0_i32_0 = arith.constant 0 : i32
    return %arg0, %c0_i32 : i32, i32
  }
  func.func @transform_1(%arg0: i32) -> (i32, i32) {
    %c0_i32 = arith.constant 0 : i32
    %c0_i32_0 = arith.constant 0 : i32
    return %arg0, %c0_i32 : i32, i32
  }
}

module attributes {stable_mosaic.version = 14 : i64} {
  func.func @body(%arg0: i32, %arg1: i32, %arg2: memref<512x512xbf16, #tpu.memory_space<vmem>>, %arg3: memref<512x512xf32, #tpu.memory_space<vmem>>) attributes {dimension_semantics = [#tpu.dimension_semantics<arbitrary>, #tpu.dimension_semantics<arbitrary>], iteration_bounds = array<i64: 8, 1>, scalar_prefetch = 0 : i64, scratch_operands = 0 : i64, tpu.core_type = #tpu.core_type<tc>, window_params = [{transform_indices = @transform_0, window_bounds = array<i64: 512, 512>}, {transform_indices = @transform_1, window_bounds = array<i64: 512, 512>}]} {
    %get3A = arith.constant 0 : index
    %get3A_0 = arith.constant 0 : index
    %get3A_1 = vector.load %arg2[%get3A, %get3A_0] : memref<512x512xbf16, #tpu.memory_space<vmem>>, vector<512x512xbf16>
    %convert_element_type3A = arith.extf %get3A_1 : vector<512x512xbf16> to vector<512x512xf32>
    %transpose3A = tpu.transpose %convert_element_type3A, [1, 0] : vector<512x512xf32> -> vector<512x512xf32>
    %swap3A = arith.constant 0 : index
    %swap3A_2 = arith.constant 0 : index
    %swap3A_3 = vector.load %arg3[%swap3A, %swap3A_2] : memref<512x512xf32, #tpu.memory_space<vmem>>, vector<512x512xf32>
    tpu.vector_store %arg3[%swap3A, %swap3A_2], %transpose3A {strides = array<i32>} : memref<512x512xf32, #tpu.memory_space<vmem>>, vector<512x512xf32>,
    return
  }
  func.func @transform_0(%arg0: i32, %arg1: i32) -> (i32, i32) {
    %c0_i32 = arith.constant 0 : i32
    return %arg1, %arg0 : i32, i32
  }
  func.func @transform_1(%arg0: i32, %arg1: i32) -> (i32, i32) {
    %add3A = arith.constant 0 : i32
    %add3A_0 = arith.addi %add3A, %arg1 : i32
    %c0_i32 = arith.constant 0 : i32
    return %arg0, %add3A_0 : i32, i32
  }
}

module attributes {stable_mosaic.version = 14 : i64} {
  func.func @body(%arg0: i32, %arg1: i32, %arg2: memref<512x512xbf16, #tpu.memory_space<vmem>>, %arg3: memref<4096x1024xf32, #tpu.memory_space<hbm>>, %arg4: memref<512x512xf32, #tpu.memory_space<vmem>>) attributes {dimension_semantics = [#tpu.dimension_semantics<arbitrary>, #tpu.dimension_semantics<arbitrary>], iteration_bounds = array<i64: 8, 1>, scalar_prefetch = 0 : i64, scratch_operands = 0 : i64, tpu.core_type = #tpu.core_type<tc>, window_params = [{transform_indices = @transform_0, window_bounds = array<i64: 512, 512>}, {}, {transform_indices = @transform_2, window_bounds = array<i64: 512, 512>}]} {
    %get3A = arith.constant 0 : index
    %get3A_0 = arith.constant 0 : index
    %get3A_1 = vector.load %arg2[%get3A, %get3A_0] : memref<512x512xbf16, #tpu.memory_space<vmem>>, vector<512x512xbf16>
    %convert_element_type3A = arith.extf %get3A_1 : vector<512x512xbf16> to vector<512x512xf32>
    %transpose3A = tpu.transpose %convert_element_type3A, [1, 0] : vector<512x512xf32> -> vector<512x512xf32>
    %swap3A = arith.constant 0 : index
    %swap3A_2 = arith.constant 0 : index
    %swap3A_3 = vector.load %arg4[%swap3A, %swap3A_2] : memref<512x512xf32, #tpu.memory_space<vmem>>, vector<512x512xf32>
    tpu.vector_store %arg4[%swap3A, %swap3A_2], %transpose3A {strides = array<i32>} : memref<512x512xf32, #tpu.memory_space<vmem>>, vector<512x512xf32>,
    return
  }
  func.func @transform_0(%arg0: i32, %arg1: i32) -> (i32, i32) {
    %c0_i32 = arith.constant 0 : i32
    return %arg1, %arg0 : i32, i32
  }
  func.func @transform_2(%arg0: i32, %arg1: i32) -> (i32, i32) {
    %add3A = arith.constant 1 : i32
    %add3A_0 = arith.addi %add3A, %arg1 : i32
    %c0_i32 = arith.constant 0 : i32
    return %arg0, %add3A_0 : i32, i32
  }
}

</mosaic_0001>

<sc_bundles>
// kernel: kernel.10.cloned.1.call-start
scs
__scs_entry_jumppad:
0x0: {  	(pc) =	sbr.rel $0x88, $3  }
0x1: {  	(tag) =	ssettag $0x0;
	lr =	simm.s32 $0x1  }
0x2: {  	[smem:$0x3F9E] =	sst lr;
	_ =	strace $0xD0000000  }
0x3: {  	_ = 	snop  }
0x4: {  	_ = 	snop  }
0x5: {  	_ = 	snop  }
0x6: {  	_ = 	snop  }
0x7: {  	_ = 	snop  }
__scs_overlays_trampoline_lowered:
0x8: {  	[smem:$0x3FAD] =	sst s0  }
0x9: {  	[smem:$0x3FAE] =	sst s1  }
0xa: {  	[smem:$0x3FAF] =	sst s2  }
0xb: {  	[smem:$0x3FB0] =	sst s3  }
0xc: {  	[smem:$0x3FB1] =	sst s4  }
0xd: {  	[smem:$0x3FB2] =	sst s5  }
0xe: {  	[smem:$0x3FB3] =	sst s6  }
0xf: {  	[smem:$0x3FB4] =	sst s7  }
0x10: {  	[smem:$0x3FB5] =	sst s8  }
0x11: {  	[smem:$0x3FB6] =	sst s9;
	s0 =	simm.s32 @!p0 $0x0  }
0x12: {  	s1 =	sld [smem:$0x3F9C];
	s0 =	simm.s32 @p0 $0x1  }
0x13: {  	[smem:$0x3FB7] =	sst s0;
	s0 =	simm.s32 @!p1 $0x0  }
0x14: {  	s2 =	sld [smem:$0x3F9B];
	s0 =	simm.s32 @p1 $0x1  }
0x15: {  	[smem:$0x3FB8] =	sst s0;
	s0 =	simm.s32 @!p2 $0x0  }
0x16: {  	s3 =	sld [smem:$0x3FDB];
	s0 =	simm.s32 @p2 $0x1  }
0x17: {  	s4 =	simm.s32 $0x1BF5;
	[smem:$0x3FBA] =	sst s0  }
0x18: {  	s0 =	sld [smem:$0x3F9D];
	_ =	swait.ge [sflag:s4], $0x0  }
0x19: {  	s7 =	sld [smem:$0x3F9E]  }
0x1a: {  	s8 =	sadd.s32 $0xFFFFE003, lr  }
0x1b: {  	s9 =	sadd.s32 $0xFFFFFEF7, lr;
	s5 =	simm.s32 $0xFFFFFFFF;
	p2 =	slt.u32 s8, $0xFFFFF086  }
0x1c: {  	p1 =	slt.u32 s9, $0xF7A;
	s5 =	simm.s32 @!p2 $0x0  }
0x1d: {  	s5 =	simm.s32 @p1 $0x1;
	p0 =	seq.s32 s7, s2  }
0x1e: {  	s7 =	smul.u32 @!p0 $0xF7A, s2;
	p2 =	seq.s32 @!p0 s5, $0x0  }
0x1f: {  	s9 =	smul.u32 $0xF7A, s1;
	s8 =	simm.s32 @!p0 $0x1BF5;
	p2 =	por !p2, p0  }
0x20: {  	[sflag:s8] =	ssyncset.s32 @!p0 $0xFFFFF086;
	s6 =	sadd.s32 @!p0 s3, s7;
	s7 =	simm.s32 @!p0 $0x108  }
0x21: {  	s3 =	sadd.s32 s3, s9;
	s6 =	sadd.s32 @!p0 $0x88, s6;
	s7 =	simm.s32 @p2 $0x1082  }
0x22: {  	[simem:s7], [sflag:s8] =	dma.local @!p0 [hbm:s6], $0xF7A  }
0x23: {  	s9 =	sor.u32 $0xD0000000, s2;
	s6 =	simm.s32 $0x108;
	_ =	swait.ge @!p0 [sflag:s8], $0x0  }
0x24: {  	s3 =	sadd.s32 $0x88, s3;
	s6 =	simm.s32 @!p1 $0x1082;
	[sflag:s4] =	ssyncset.s32 $0xFFFFF086  }
0x25: {  	[simem:s6], [sflag:s4] =	dma.local [hbm:s3], $0xF7A  }
0x26: {  	[smem:$0x3F9E] =	sst s1;
	(tag) =	ssettag s2;
	_ =	strace s9  }
0x27: {  	s1 =	sld [smem:$0x3FAE]  }
0x28: {  	s2 =	sld [smem:$0x3FAF]  }
0x29: {  	s4 =	sld [smem:$0x3FB1]  }
0x2a: {  	p0 =	seq.s32 s5, $0x0;
	s5 =	sld [smem:$0x3FB2]  }
0x2b: {  	s6 =	sld [smem:$0x3FB3]  }
0x2c: {  	s7 =	sld [smem:$0x3FB4]  }
0x2d: {  	s3 =	simm.s32 $0x108;
	s8 =	sld [smem:$0x3FB5]  }
0x2e: {  	s3 =	simm.s32 @!p0 $0x1082;
	s9 =	sld [smem:$0x3FB6]  }
0x2f: {  	lr =	sadd.s32 s0, s3;
	s0 =	sld [smem:$0x3FAD]  }
0x30: {  	s3 =	sld [smem:$0x3FB0]  }
0x31: {  	[smem:$0x3FB9] =	sst s10  }
0x32: {  	s10 =	sld [smem:$0x3FB7];
	_ =	sdelay $0x3  }
0x33: {  	p0 =	seq.s32 s10, $0x1;
	s10 =	sld [smem:$0x3FB9];
	_ =	sdelay $0x3  }
0x34: {  	[smem:$0x3FB9] =	sst s10  }
0x35: {  	s10 =	sld [smem:$0x3FB8];
	_ =	sdelay $0x3  }
0x36: {  	p1 =	seq.s32 s10, $0x1;
	s10 =	sld [smem:$0x3FB9];
	_ =	sdelay $0x3  }
0x37: {  	[smem:$0x3FB9] =	sst s10  }
0x38: {  	s10 =	sld [smem:$0x3FBA]  }
0x39: {  	_ = 	snop;
	(pc) =	sbr.ind lr, $3  }
0x3a: {  	_ = 	snop  }
0x3b: {  	_ = 	snop  }
0x3c: {  	p2 =	seq.s32 s10, $0x1;
	s10 =	sld [smem:$0x3FB9]  }
0x3d: {  	_ =	shalt  }
0x3e: {  	_ =	shalt  }
0x3f: {  	_ =	shalt  }
0x40: {  	_ =	shalt  }
0x41: {  	_ =	shalt  }
0x42: {  	_ =	shalt  }
0x43: {  	_ =	shalt  }
0x44: {  	_ =	shalt  }
0x45: {  	_ =	shalt  }
0x46: {  	_ =	shalt  }
0x47: {  	_ =	shalt  }
0x48: {  	_ =	shalt  }
0x49: {  	_ =	shalt  }
0x4a: {  	_ =	shalt  }
0x4b: {  	_ =	shalt  }
0x4c: {  	_ =	shalt  }
0x4d: {  	_ =	shalt  }
0x4e: {  	_ =	shalt  }
0x4f: {  	_ =	shalt  }
0x50: {  	_ =	shalt  }
0x51: {  	_ =	shalt  }
0x52: {  	_ =	shalt  }
0x53: {  	_ =	shalt  }
0x54: {  	_ =	shalt  }
0x55: {  	_ =	shalt  }
0x56: {  	_ =	shalt  }
0x57: {  	_ =	shalt  }
0x58: {  	_ =	shalt  }
0x59: {  	_ =	shalt  }
0x5a: {  	_ =	shalt  }
0x5b: {  	_ =	shalt  }
0x5c: {  	_ =	shalt  }
0x5d: {  	_ =	shalt  }
0x5e: {  	_ =	shalt  }
0x5f: {  	_ =	shalt  }
0x60: {  	_ =	shalt  }
0x61: {  	_ =	shalt  }
0x62: {  	_ =	shalt  }
0x63: {  	_ =	shalt  }
0x64: {  	_ =	shalt  }
0x65: {  	_ =	shalt  }
0x66: {  	_ =	shalt  }
0x67: {  	_ =	shalt  }
0x68: {  	_ =	shalt  }
0x69: {  	_ =	shalt  }
0x6a: {  	_ =	shalt  }
0x6b: {  	_ =	shalt  }
0x6c: {  	_ =	shalt  }
0x6d: {  	_ =	shalt  }
0x6e: {  	_ =	shalt  }
0x6f: {  	_ =	shalt  }
0x70: {  	_ =	shalt  }
0x71: {  	_ =	shalt  }
0x72: {  	_ =	shalt  }
0x73: {  	_ =	shalt  }
0x74: {  	_ =	shalt  }
0x75: {  	_ =	shalt  }
0x76: {  	_ =	shalt  }
0x77: {  	_ =	shalt  }
0x78: {  	_ =	shalt  }
0x79: {  	_ =	shalt  }
0x7a: {  	_ =	shalt  }
0x7b: {  	_ =	shalt  }
0x7c: {  	_ =	shalt  }
0x7d: {  	_ =	shalt  }
0x7e: {  	_ =	shalt  }
0x7f: {  	_ =	shalt  }
0x80: {  	_ =	shalt  }
0x81: {  	_ =	shalt  }
0x82: {  	_ =	shalt  }
0x83: {  	_ =	shalt  }
0x84: {  	_ =	shalt  }
0x85: {  	_ =	shalt  }
0x86: {  	_ =	shalt  }
0x87: {  	_ =	shalt  }
.Lfunc_end0:
.L_simem_size_0:
called_computation_lowered:
.L_overlay_start_0:
0x88: {  	s2 =	sld [smem:$0x3FD9]  }
0x89: {  	s3 =	sld [smem:$0x3FFE];
	_ =	sdelay $0x1  }
0x8a: {  	s1 =	srdreg.scid  }
0x8b: {  	s0 =	sand.u32 $0x1, s1  }
0x8c: {  	s18 =	sshll.u32 s0, $0xA;
	s2 =	sadd.s32 s3, s2  }
0x8d: {  	s2 =	sadd.s32 s2, s18  }
0x8e: {  	[smem:$0x3FC5] =	sst s2  }
0x8f: {  	_ = 	snop  }
0x90: {  	s2 =	sld [smem:$0x3FC8]  }
0x91: {  	s19 =	sld [smem:$0x3FD0];
	(tm) =	ssettm $0x1  }
0x92: {  	s4 =	sld [smem:$0x3FFB];
	_ =	sdelay $0x3  }
0x93: {  	_ =	strace s4  }
0x94: {  	s4 =	sld [smem:$0x3FFC];
	_ =	sdelay $0x3  }
0x95: {  	_ =	strace s4  }
0x96: {  	s4 =	sld [smem:$0x3FFD];
	_ =	sdelay $0x3  }
0x97: {  	_ =	strace s4  }
0x98: {  	_ =	strace $0x8FFFFFFF  }
0x99: {  	s20 =	sld [smem:$0x3FDB];
	_ =	sdelay $0x1  }
0x9a: {  	s5 =	simm.s32 $_scs_section_size  }
0x9b: {  	s6 =	simm.s32 $_size__tile_overlayer_lowered;
	s7 =	simm.s32 $_tile_overlayer_lowered  }
0x9c: {  	s23 =	simm.s32 $0x1BFF;
	s22 =	sshll.u32 s7, $0x1;
	s4 =	sadd.s32 s5, s20  }
0x9d: {  	s8 =	simm.s32 $0x0;
	s21 =	sshll.u32 s6, $0x1;
	s6 =	sadd.s32 s22, s4  }
0x9e: {  	[timem:s8], [sflag:s23] =	dma.local [hbm:s6], s21  }
0x9f: {  	_ =	swait.ge [sflag:s23], s21  }
0xa0: {  	s5 =	ssub.s32 $0x0, s21;
	[sflag:s23] =	ssyncset.done $0x0  }
0xa1: {  	[sflag:s23] =	ssyncadd.s32 s5;
	_ =	sdelay $0x1  }
0xa2: {  	s24 =	simm.s32 $0x1B8B  }
0xa3: {  	_ =	swait.ge [sflag:s24], $0x1  }
0xa4: {  	[sflag:s24] =	ssyncset.done $0x0  }
0xa5: {  	s25 =	simm.s32 $0x1B8E;
	[sflag:s24] =	ssyncadd.s32 $0xFFFFFFFF  }
0xa6: {  	s26 =	simm.s32 $execute0_lowered;
	[smem:$0x3FD2] =	sst s25  }
0xa7: {  	s5 =	sshll.u32 s26, $0x1;
	_ =	strace $0x80000046;
	[dreg:$0x1] =	wrdreg $0xFFFFFFFF  }
0xa8: {  	s28 =	simm.s32 $_size_execute0_lowered;
	s4 =	sadd.s32 s4, s5;
	[dreg:$0x0] =	wrdreg $0x0  }
0xa9: {  	s5 =	sshll.u32 s28, $0x1;
	[dreg:$0x2] =	wrdreg s4  }
0xaa: {  	[dreg:$0x3] =	wrdreg s5  }
0xab: {  	[dreg:$0x4] =	wrdreg $0xC0  }
0xac: {  	_ =	task [dreg:s8], $0x5FFFF  }
0xad: {  	[dreg:$0x1] =	wrdreg $0xFFFFFFFF  }
0xae: {  	[dreg:$0x0] =	wrdreg $0x60  }
0xaf: {  	[dreg:$0x2] =	wrdreg s2  }
0xb0: {  	[dreg:$0x3] =	wrdreg s19  }
0xb1: {  	[dreg:$0x4] =	wrdreg $0x9  }
0xb2: {  	_ =	task.clear_ibuf [dreg:s8], $0x5FFFF;
	_ =	strace $0x90000046  }
0xb3: {  	s29 =	simm.s32 $0x9;
	_ =	strace $0x80000048  }
0xb4: {  	_ =	swait.ge [sflag:s29], $0x1  }
0xb5: {  	[sflag:s29] =	ssyncadd.s32 $0xFFFFFFFF  }
0xb6: {  	_ =	strace $0x90000048  }
0xb7: {  	_ =	sfence  }
0xb8: {  	s30 =	sld [smem:$0x0];
	_ =	sdelay $0x2  }
0xb9: {  	s31 =	sshll.u32 s1, $0xD;
	s1 =	sshrl.u32 s1, $0x2  }
0xba: {  	s3 =	sand.u32 $0x4000, s31;
	s1 =	sadd.s32 s1, s30  }
0xbb: {  	s0 =	sor.u32 s3, s0;
	s1 =	sshll.u32 s1, $0x11  }
0xbc: {  	s0 =	sor.u32 s1, s0  }
0xbd: {  	s0 =	sadd.s32 $0x8F2B, s0  }
0xbe: {  	[sflag:s0] =	ssyncadd.remote.s32 $0x1  }
0xbf: {  	_ =	sfence.sel $0xFFFF  }
0xc0: {  	[dreg:$0x0] =	wrdreg $0xFFFFFFFF;
	(pc) =	sbr.abs _section_cstart, $3  }
0xc1: {  	[dreg:$0x1] =	wrdreg $0xFFFFFFFF  }
0xc2: {  	_ =	task.clear_ibuf [dreg:s8], $0x2FFFF;
	_ =	strace $0x9FFFFFFF  }
0xc3: {  	(tm) =	ssettm $0x7FFFFFFF  }
tec
execute0_lowered:
.L_overlay_start_1:
0x0: {  	(tag) =	ssettag $0x1  }
0x1: {  	v0 =	vimm.s32 $0x2380;
	vm2 =	vcmask $0x300  }
0x2: {  	vm3 =	vcmask $0x704;
	vm4 =	vcmask $0xB08;
	vm5 =	vcmask $0xF0C  }
0x3: {  	vm6 =	vcmask $0x1310;
	vm8 =	vcmask $0x1714;
	vm7 =	vcmask $0x1B18  }
0x4: {  	s0 =	rddreg [dreg:$0x0];
	vm0 =	vcmask $0x1F1C;
	v1 =	vimm.s32 $0x6380;
	vm1 =	vcmask $0x2320  }
0x5: {  	s22 =	rddreg [dreg:$0x1];
	vm12 =	vcmask $0x2F2C;
	vm13 =	vcmask $0x3330;
	vm14 =	vcmask $0x3734  }
0x6: {  	s1 =	srdreg.scid;
	s2 =	stileid.u32;
	s3 =	simm.s32 $0x0;
	vm15 =	vcmask $0x3B38;
	v5 =	vimm.f32 $1.024000000e+03;
	v0 =	vsel vm2, $0x0, v0  }
0x7: {  	v7 =	vimm.f32 $2.560000000e+02;
	s25 =	simm.s32 $0x4000;
	s26 =	simm.s32 $0x0;
	s1 =	sand.u32 $0x1, s1;
	v1 =	vsel vm2, $0x4000, v1;
	v0 =	vsel vm3, $0x80, v0  }
0x8: {  	v9 =	vimm.f32 $6.400000000e+01;
	s2 =	sshll.u32 s2, $0x6;
	s4 =	sshll.u32 s1, $0x5;
	s1 =	ssub.s32 $0x2, s1;
	v1 =	vsel vm3, $0x4080, v1;
	v0 =	vsel vm4, $0x100, v0  }
0x9: {  	v11 =	vimm.f32 $1.600000000e+01;
	[smem:$0x7FF] =	sst s3;
	s21 =	sor.u32 s4, s2;
	s28 =	sshrl.u32 s1, $0x1;
	v1 =	vsel vm4, $0x4100, v1;
	v0 =	vsel vm5, $0x180, v0  }
0xa: {  	v13 =	vimm.f32 $4.000000000e+00;
	_ =	strace $0x80000047;
	s13 =	sshll.u32 s21, $0x3;
	s1 =	ssub.s32 s1, s28;
	v1 =	vsel vm5, $0x4180, v1;
	v0 =	vsel vm6, $0x200, v0  }
0xb: {  	v15 =	vimm.f32 $1.000000000e+00;
	s29 =	sand.u32 $0x60, s21;
	s31 =	sshll.u32 s21, $0x7;
	s14 =	sand.u32 $0x1C00, s13;
	v1 =	vsel vm6, $0x4200, v1;
	v0 =	vsel vm8, $0x280, v0  }
0xc: {  	vm2 =	vcmask $0x2724;
	s6 =	sor.u32 s29, s13;
	s24 =	sor.u32 $0x10, s29;
	s22 =	sadd.s32 s22, s31;
	v1 =	vsel vm8, $0x4280, v1;
	v0 =	vsel vm7, $0x300, v0  }
0xd: {  	vm3 =	vcmask $0x2B28;
	s4 =	sor.u32 s29, s14;
	s16 =	sor.u32 $0x2000, s14;
	s5 =	sor.u32 $0x300, s6;
	v3 =	vsel vm7, $0x4300, v1;
	v0 =	vsel vm0, $0x380, v0  }
0xe: {  	s6 =	sor.u32 $0x380, s6;
	s17 =	sor.u32 $0x2080, s14;
	s18 =	sor.u32 $0x2100, s14;
	v4 =	vsel vm0, $0x4380, v3;
	v3 =	vimm.f32 $4.096000000e+03;
	v0 =	vsel vm1, $0x2000, v0  }
0xf: {  	s19 =	sor.u32 $0x2180, s14;
	s20 =	sor.u32 $0x2200, s14;
	s23 =	sor.u32 $0x2280, s14;
	v6 =	vsel vm1, $0x6000, v4;
	v4 =	vimm.f32 $2.048000000e+03;
	v0 =	vsel vm2, $0x2080, v0  }
0x10: {  	s30 =	sor.u32 s13, s24;
	s13 =	sor.u32 s24, s14;
	s7 =	sor.u32 s29, s16;
	v8 =	vsel vm2, $0x6080, v6;
	v6 =	vimm.f32 $5.120000000e+02;
	v0 =	vsel vm3, $0x2100, v0  }
0x11: {  	s8 =	sor.u32 s29, s17;
	s9 =	sor.u32 s29, s18;
	s10 =	sor.u32 s29, s19;
	v10 =	vsel vm3, $0x6100, v8;
	v8 =	vimm.f32 $1.280000000e+02;
	v0 =	vsel vm12, $0x2180, v0  }
0x12: {  	s11 =	sor.u32 s29, s20;
	s12 =	sor.u32 s29, s23;
	s14 =	sor.u32 $0x300, s30;
	v12 =	vsel vm12, $0x6180, v10;
	v10 =	vimm.f32 $3.200000000e+01;
	v0 =	vsel vm13, $0x2200, v0  }
0x13: {  	s15 =	sor.u32 $0x380, s30;
	s16 =	sor.u32 s24, s16;
	s17 =	sor.u32 s24, s17;
	v14 =	vsel vm13, $0x6200, v12;
	v12 =	vimm.f32 $8.000000000e+00;
	v2 =	vsel vm14, $0x2280, v0  }
0x14: {  	s18 =	sor.u32 s24, s18;
	s19 =	sor.u32 s24, s19;
	s20 =	sor.u32 s24, s20;
	v0 =	vimm.f32 $0.0e+00;
	v16 =	vsel vm14, $0x6280, v14;
	v14 =	vimm.f32 $2.000000000e+00  }
0x15: {  	s21 =	sor.u32 s24, s23;
	s23 =	smax.u32 s1, $0x1;
	s24 =	simm.s32 $0x1;
	v1 =	vsel vm15, $0x2300, v2;
	v2 =	vimm.f32 $8.192000000e+03;
	v16 =	vsel vm15, $0x6300, v16  }
.LBB2_1:
0x16: {  	[tilespmem:s3], [sflag:$0x1] =	stream.linear.gather [hbm4b:s0+s3], $0x4000, $0x38;
	[tilespmem:$0xC000] =	vst v63  }
0x17: {  	s1 =	sand.u32 $0x7000, s3;
	s2 =	simm.s32 $0x0;
	s28 =	simm.s32 $0x0  }
0x18: {  	_ =	swait.ge [sflag:s24], $0x4000;
	s2 =	sand.u32 $0x6000, s2;
	s1 =	sshrl.u32 s1, $0x2  }
0x19: {  	s28 =	sand.u32 $0x380, s28;
	[sflag:s24] =	ssyncset.done $0x0;
	s1 =	sor.u32 s1, s2  }
0x1a: {  	[sflag:s24] =	ssyncadd.s32 $0xFFFFC000;
	s28 =	sor.u32 s28, s1  }
0x1b: {  	[tilespmem:s28+$0x4070] =	vst v0  }
0x1c: {  	[tilespmem:s28+$0x4000] =	vst v0  }
0x1d: {  	[tilespmem:s28+$0x4010] =	vst v0  }
0x1e: {  	s31 =	simm.s32 $0x10;
	s29 =	simm.s32 $0x1000;
	[tilespmem:s28+$0x4020] =	vst v0  }
0x1f: {  	s30 =	simm.s32 $0x2;
	s2 =	simm.s32 $0x80;
	s1 =	sand.u32 $0x7000, s29;
	[tilespmem:s28+$0x4030] =	vst v0  }
.LBB2_2:
0x20: {  	p0 =	sne.s32 s30, $0xFF;
	s2 =	sand.u32 $0x6000, s2;
	s1 =	sshrl.u32 s1, $0x2;
	[tilespmem:s28+$0x4040] =	vst v0  }
0x21: {  	s31 =	sand.u32 $0x380, s31;
	s1 =	sor.u32 s1, s2;
	[tilespmem:s28+$0x4050] =	vst v0  }
0x22: {  	[tilespmem:s28+$0x4060] =	vst v0;
	s28 =	sor.u32 s31, s1  }
.Ltmp0:
0x23: {  	[tilespmem:s28+$0x4070] =	vst v0;
	(pc) =	sbr.rel @p0 .LBB2_2-.Ltmp0, $4  }
0x24: {  	[tilespmem:s28+$0x4000] =	vst v0  }
0x25: {  	[tilespmem:s28+$0x4010] =	vst v0  }
0x26: {  	s29 =	sadd.s32 $0x1000, s29;
	s31 =	sshll.u32 s30, $0x4;
	[tilespmem:s28+$0x4020] =	vst v0  }
0x27: {  	s2 =	sshll.u32 s30, $0x7;
	s1 =	sand.u32 $0x7000, s29;
	s30 =	sadd.s32 $0x1, s30;
	[tilespmem:s28+$0x4030] =	vst v0  }
0x28: {  	s2 =	sand.u32 $0x6000, s2;
	s1 =	sshrl.u32 s1, $0x2;
	[tilespmem:s28+$0x4040] =	vst v0  }
0x29: {  	s31 =	sand.u32 $0x380, s31;
	[tilespmem:s28+$0x4050] =	vst v0;
	s1 =	sor.u32 s1, s2  }
0x2a: {  	[tilespmem:s28+$0x4060] =	vst v0;
	s1 =	sor.u32 s31, s1  }
0x2b: {  	[tilespmem:s1+$0x4070] =	vst v0  }
0x2c: {  	[tilespmem:s1+$0x4000] =	vst v0  }
0x2d: {  	[tilespmem:s1+$0x4010] =	vst v0  }
0x2e: {  	[tilespmem:s1+$0x4020] =	vst v0  }
0x2f: {  	[tilespmem:s1+$0x4030] =	vst v0  }
0x30: {  	[tilespmem:s1+$0x4040] =	vst v0  }
0x31: {  	[tilespmem:s1+$0x4050] =	vst v0  }
0x32: {  	[tilespmem:s1+$0x4060] =	vst v0  }
0x33: {  	v17 =	vld [tilespmem:s4+$0x0];
	_ =	sdelay $0x4  }
0x34: {  	v18 =	vshll.u32 v17, $0x3  }
0x35: {  	v17 =	vand.u32 $0x7F, v17;
	v18 =	vand.u32 $0xFFFFFC00, v18  }
0x36: {  	v17 =	vor.u32 v17, v18  }
0x37: {  	v17 =	vadd.s32 v1, v17;
	_ =	sdelay $0x4  }
0x38: {  	[tilespmem:v17+s25+$0x0] =	vst.idx.add.f32.msk $0xffff, v2  }
0x39: {  	v17 =	vld [tilespmem:s4+$0x80];
	_ =	sdelay $0x4  }
0x3a: {  	v18 =	vshll.u32 v17, $0x3  }
0x3b: {  	v17 =	vand.u32 $0x7F, v17;
	v18 =	vand.u32 $0xFFFFFC00, v18  }
0x3c: {  	v17 =	vor.u32 v17, v18  }
0x3d: {  	v17 =	vadd.s32 v1, v17;
	_ =	sdelay $0x4  }
0x3e: {  	[tilespmem:v17+s25+$0x0] =	vst.idx.add.f32.msk $0xffff, v3  }
0x3f: {  	v17 =	vld [tilespmem:s4+$0x100];
	_ =	sdelay $0x4  }
0x40: {  	v18 =	vshll.u32 v17, $0x3  }
0x41: {  	v17 =	vand.u32 $0x7F, v17;
	v18 =	vand.u32 $0xFFFFFC00, v18  }
0x42: {  	v17 =	vor.u32 v17, v18  }
0x43: {  	v17 =	vadd.s32 v1, v17;
	_ =	sdelay $0x4  }
0x44: {  	[tilespmem:v17+s25+$0x0] =	vst.idx.add.f32.msk $0xffff, v4  }
0x45: {  	v17 =	vld [tilespmem:s4+$0x180];
	_ =	sdelay $0x4  }
0x46: {  	v18 =	vshll.u32 v17, $0x3  }
0x47: {  	v17 =	vand.u32 $0x7F, v17;
	v18 =	vand.u32 $0xFFFFFC00, v18  }
0x48: {  	v17 =	vor.u32 v17, v18  }
0x49: {  	v17 =	vadd.s32 v1, v17;
	_ =	sdelay $0x4  }
0x4a: {  	[tilespmem:v17+s25+$0x0] =	vst.idx.add.f32.msk $0xffff, v5  }
0x4b: {  	v17 =	vld [tilespmem:s4+$0x200];
	_ =	sdelay $0x4  }
0x4c: {  	v18 =	vshll.u32 v17, $0x3  }
0x4d: {  	v17 =	vand.u32 $0x7F, v17;
	v18 =	vand.u32 $0xFFFFFC00, v18  }
0x4e: {  	v17 =	vor.u32 v17, v18  }
0x4f: {  	v17 =	vadd.s32 v1, v17;
	_ =	sdelay $0x4  }
0x50: {  	[tilespmem:v17+s25+$0x0] =	vst.idx.add.f32.msk $0xffff, v6  }
0x51: {  	v17 =	vld [tilespmem:s4+$0x280];
	_ =	sdelay $0x4  }
0x52: {  	v18 =	vshll.u32 v17, $0x3  }
0x53: {  	v17 =	vand.u32 $0x7F, v17;
	v18 =	vand.u32 $0xFFFFFC00, v18  }
0x54: {  	v17 =	vor.u32 v17, v18  }
0x55: {  	v17 =	vadd.s32 v1, v17;
	_ =	sdelay $0x4  }
0x56: {  	[tilespmem:v17+s25+$0x0] =	vst.idx.add.f32.msk $0xffff, v7  }
0x57: {  	v17 =	vld [tilespmem:s5+$0x0];
	_ =	sdelay $0x4  }
0x58: {  	v18 =	vshll.u32 v17, $0x3  }
0x59: {  	v17 =	vand.u32 $0x7F, v17;
	v18 =	vand.u32 $0xFFFFFC00, v18  }
0x5a: {  	v17 =	vor.u32 v17, v18  }
0x5b: {  	v17 =	vadd.s32 v1, v17;
	_ =	sdelay $0x4  }
0x5c: {  	[tilespmem:v17+s25+$0x0] =	vst.idx.add.f32.msk $0xffff, v8  }
0x5d: {  	v17 =	vld [tilespmem:s6+$0x0];
	_ =	sdelay $0x4  }
0x5e: {  	v18 =	vshll.u32 v17, $0x3  }
0x5f: {  	v17 =	vand.u32 $0x7F, v17;
	v18 =	vand.u32 $0xFFFFFC00, v18  }
0x60: {  	v17 =	vor.u32 v17, v18  }
0x61: {  	v17 =	vadd.s32 v1, v17;
	_ =	sdelay $0x4  }
0x62: {  	[tilespmem:v17+s25+$0x0] =	vst.idx.add.f32.msk $0xffff, v9  }
0x63: {  	v17 =	vld [tilespmem:s7+$0x0];
	_ =	sdelay $0x4  }
0x64: {  	v18 =	vshll.u32 v17, $0x3  }
0x65: {  	v17 =	vand.u32 $0x7F, v17;
	v18 =	vand.u32 $0xFFFFFC00, v18  }
0x66: {  	v17 =	vor.u32 v17, v18  }
0x67: {  	v17 =	vadd.s32 v1, v17;
	_ =	sdelay $0x4  }
0x68: {  	[tilespmem:v17+s25+$0x0] =	vst.idx.add.f32.msk $0xffff, v10  }
0x69: {  	v17 =	vld [tilespmem:s8+$0x0];
	_ =	sdelay $0x4  }
0x6a: {  	v18 =	vshll.u32 v17, $0x3  }
0x6b: {  	v17 =	vand.u32 $0x7F, v17;
	v18 =	vand.u32 $0xFFFFFC00, v18  }
0x6c: {  	v17 =	vor.u32 v17, v18  }
0x6d: {  	v17 =	vadd.s32 v1, v17;
	_ =	sdelay $0x4  }
0x6e: {  	[tilespmem:v17+s25+$0x0] =	vst.idx.add.f32.msk $0xffff, v11  }
0x6f: {  	v17 =	vld [tilespmem:s9+$0x0];
	_ =	sdelay $0x4  }
0x70: {  	v18 =	vshll.u32 v17, $0x3  }
0x71: {  	v17 =	vand.u32 $0x7F, v17;
	v18 =	vand.u32 $0xFFFFFC00, v18  }
0x72: {  	v17 =	vor.u32 v17, v18  }
0x73: {  	v17 =	vadd.s32 v1, v17;
	_ =	sdelay $0x4  }
0x74: {  	[tilespmem:v17+s25+$0x0] =	vst.idx.add.f32.msk $0xffff, v12  }
0x75: {  	v17 =	vld [tilespmem:s10+$0x0];
	_ =	sdelay $0x4  }
0x76: {  	v18 =	vshll.u32 v17, $0x3  }
0x77: {  	v17 =	vand.u32 $0x7F, v17;
	v18 =	vand.u32 $0xFFFFFC00, v18  }
0x78: {  	v17 =	vor.u32 v17, v18  }
0x79: {  	v17 =	vadd.s32 v1, v17;
	_ =	sdelay $0x4  }
0x7a: {  	[tilespmem:v17+s25+$0x0] =	vst.idx.add.f32.msk $0xffff, v13  }
0x7b: {  	v17 =	vld [tilespmem:s11+$0x0];
	_ =	sdelay $0x4  }
0x7c: {  	v18 =	vshll.u32 v17, $0x3  }
0x7d: {  	v17 =	vand.u32 $0x7F, v17;
	v18 =	vand.u32 $0xFFFFFC00, v18  }
0x7e: {  	v17 =	vor.u32 v17, v18  }
0x7f: {  	v17 =	vadd.s32 v1, v17;
	_ =	sdelay $0x4  }
0x80: {  	[tilespmem:v17+s25+$0x0] =	vst.idx.add.f32.msk $0xffff, v14  }
0x81: {  	v17 =	vld [tilespmem:s12+$0x0];
	_ =	sdelay $0x4  }
0x82: {  	v18 =	vshll.u32 v17, $0x3  }
0x83: {  	v17 =	vand.u32 $0x7F, v17;
	v18 =	vand.u32 $0xFFFFFC00, v18  }
0x84: {  	v17 =	vor.u32 v17, v18  }
0x85: {  	v17 =	vadd.s32 v1, v17;
	_ =	sdelay $0x4  }
0x86: {  	[tilespmem:v17+s25+$0x0] =	vst.idx.add.f32.msk $0xffff, v15  }
0x87: {  	v17 =	vld [tilespmem:s13+$0x0];
	_ =	sdelay $0x4  }
0x88: {  	v18 =	vshll.u32 v17, $0x3  }
0x89: {  	v17 =	vand.u32 $0x7F, v17;
	v18 =	vand.u32 $0xFFFFFC00, v18  }
0x8a: {  	v17 =	vor.u32 v17, v18  }
0x8b: {  	v17 =	vadd.s32 v16, v17;
	_ =	sdelay $0x4  }
0x8c: {  	[tilespmem:v17+s25+$0x0] =	vst.idx.add.f32.msk $0xffff, v2  }
0x8d: {  	v17 =	vld [tilespmem:s13+$0x80];
	_ =	sdelay $0x4  }
0x8e: {  	v18 =	vshll.u32 v17, $0x3  }
0x8f: {  	v17 =	vand.u32 $0x7F, v17;
	v18 =	vand.u32 $0xFFFFFC00, v18  }
0x90: {  	v17 =	vor.u32 v17, v18  }
0x91: {  	v17 =	vadd.s32 v16, v17;
	_ =	sdelay $0x4  }
0x92: {  	[tilespmem:v17+s25+$0x0] =	vst.idx.add.f32.msk $0xffff, v3  }
0x93: {  	v17 =	vld [tilespmem:s13+$0x100];
	_ =	sdelay $0x4  }
0x94: {  	v18 =	vshll.u32 v17, $0x3  }
0x95: {  	v17 =	vand.u32 $0x7F, v17;
	v18 =	vand.u32 $0xFFFFFC00, v18  }
0x96: {  	v17 =	vor.u32 v17, v18  }
0x97: {  	v17 =	vadd.s32 v16, v17;
	_ =	sdelay $0x4  }
0x98: {  	[tilespmem:v17+s25+$0x0] =	vst.idx.add.f32.msk $0xffff, v4  }
0x99: {  	v17 =	vld [tilespmem:s13+$0x180];
	_ =	sdelay $0x4  }
0x9a: {  	v18 =	vshll.u32 v17, $0x3  }
0x9b: {  	v17 =	vand.u32 $0x7F, v17;
	v18 =	vand.u32 $0xFFFFFC00, v18  }
0x9c: {  	v17 =	vor.u32 v17, v18  }
0x9d: {  	v17 =	vadd.s32 v16, v17;
	_ =	sdelay $0x4  }
0x9e: {  	[tilespmem:v17+s25+$0x0] =	vst.idx.add.f32.msk $0xffff, v5  }
0x9f: {  	v17 =	vld [tilespmem:s13+$0x200];
	_ =	sdelay $0x4  }
0xa0: {  	v18 =	vshll.u32 v17, $0x3  }
0xa1: {  	v17 =	vand.u32 $0x7F, v17;
	v18 =	vand.u32 $0xFFFFFC00, v18  }
0xa2: {  	v17 =	vor.u32 v17, v18  }
0xa3: {  	v17 =	vadd.s32 v16, v17;
	_ =	sdelay $0x4  }
0xa4: {  	[tilespmem:v17+s25+$0x0] =	vst.idx.add.f32.msk $0xffff, v6  }
0xa5: {  	v17 =	vld [tilespmem:s13+$0x280];
	_ =	sdelay $0x4  }
0xa6: {  	v18 =	vshll.u32 v17, $0x3  }
0xa7: {  	v17 =	vand.u32 $0x7F, v17;
	v18 =	vand.u32 $0xFFFFFC00, v18  }
0xa8: {  	v17 =	vor.u32 v17, v18  }
0xa9: {  	v17 =	vadd.s32 v16, v17;
	_ =	sdelay $0x4  }
0xaa: {  	[tilespmem:v17+s25+$0x0] =	vst.idx.add.f32.msk $0xffff, v7  }
0xab: {  	v17 =	vld [tilespmem:s14+$0x0];
	_ =	sdelay $0x4  }
0xac: {  	v18 =	vshll.u32 v17, $0x3  }
0xad: {  	v17 =	vand.u32 $0x7F, v17;
	v18 =	vand.u32 $0xFFFFFC00, v18  }
0xae: {  	v17 =	vor.u32 v17, v18  }
0xaf: {  	v17 =	vadd.s32 v16, v17;
	_ =	sdelay $0x4  }
0xb0: {  	[tilespmem:v17+s25+$0x0] =	vst.idx.add.f32.msk $0xffff, v8  }
0xb1: {  	v17 =	vld [tilespmem:s15+$0x0];
	_ =	sdelay $0x4  }
0xb2: {  	v18 =	vshll.u32 v17, $0x3  }
0xb3: {  	v17 =	vand.u32 $0x7F, v17;
	v18 =	vand.u32 $0xFFFFFC00, v18  }
0xb4: {  	v17 =	vor.u32 v17, v18  }
0xb5: {  	v17 =	vadd.s32 v16, v17;
	_ =	sdelay $0x4  }
0xb6: {  	[tilespmem:v17+s25+$0x0] =	vst.idx.add.f32.msk $0xffff, v9  }
0xb7: {  	v17 =	vld [tilespmem:s16+$0x0];
	_ =	sdelay $0x4  }
0xb8: {  	v18 =	vshll.u32 v17, $0x3  }
0xb9: {  	v17 =	vand.u32 $0x7F, v17;
	v18 =	vand.u32 $0xFFFFFC00, v18  }
0xba: {  	v17 =	vor.u32 v17, v18  }
0xbb: {  	v17 =	vadd.s32 v16, v17;
	_ =	sdelay $0x4  }
0xbc: {  	[tilespmem:v17+s25+$0x0] =	vst.idx.add.f32.msk $0xffff, v10  }
0xbd: {  	v17 =	vld [tilespmem:s17+$0x0];
	_ =	sdelay $0x4  }
0xbe: {  	v18 =	vshll.u32 v17, $0x3  }
0xbf: {  	v17 =	vand.u32 $0x7F, v17;
	v18 =	vand.u32 $0xFFFFFC00, v18  }
0xc0: {  	v17 =	vor.u32 v17, v18  }
0xc1: {  	v17 =	vadd.s32 v16, v17;
	_ =	sdelay $0x4  }
0xc2: {  	[tilespmem:v17+s25+$0x0] =	vst.idx.add.f32.msk $0xffff, v11  }
0xc3: {  	v17 =	vld [tilespmem:s18+$0x0];
	_ =	sdelay $0x4  }
0xc4: {  	v18 =	vshll.u32 v17, $0x3  }
0xc5: {  	v17 =	vand.u32 $0x7F, v17;
	v18 =	vand.u32 $0xFFFFFC00, v18  }
0xc6: {  	v17 =	vor.u32 v17, v18  }
0xc7: {  	v17 =	vadd.s32 v16, v17;
	_ =	sdelay $0x4  }
0xc8: {  	[tilespmem:v17+s25+$0x0] =	vst.idx.add.f32.msk $0xffff, v12  }
0xc9: {  	v17 =	vld [tilespmem:s19+$0x0];
	_ =	sdelay $0x4  }
0xca: {  	v18 =	vshll.u32 v17, $0x3  }
0xcb: {  	v17 =	vand.u32 $0x7F, v17;
	v18 =	vand.u32 $0xFFFFFC00, v18  }
0xcc: {  	v17 =	vor.u32 v17, v18  }
0xcd: {  	v17 =	vadd.s32 v16, v17;
	_ =	sdelay $0x4  }
0xce: {  	[tilespmem:v17+s25+$0x0] =	vst.idx.add.f32.msk $0xffff, v13  }
0xcf: {  	v17 =	vld [tilespmem:s20+$0x0];
	_ =	sdelay $0x4  }
0xd0: {  	v18 =	vshll.u32 v17, $0x3  }
0xd1: {  	v17 =	vand.u32 $0x7F, v17;
	v18 =	vand.u32 $0xFFFFFC00, v18  }
0xd2: {  	v17 =	vor.u32 v17, v18  }
0xd3: {  	v17 =	vadd.s32 v16, v17;
	_ =	sdelay $0x4  }
0xd4: {  	[tilespmem:v17+s25+$0x0] =	vst.idx.add.f32.msk $0xffff, v14  }
0xd5: {  	v17 =	vld [tilespmem:s21+$0x0];
	_ =	sdelay $0x4  }
0xd6: {  	v18 =	vshll.u32 v17, $0x3  }
0xd7: {  	v17 =	vand.u32 $0x7F, v17;
	v18 =	vand.u32 $0xFFFFFC00, v18  }
0xd8: {  	v17 =	vor.u32 v17, v18  }
0xd9: {  	v17 =	vadd.s32 v16, v17;
	_ =	sdelay $0x2  }
0xda: {  	s26 =	sadd.s32 $0x1, s26  }
0xdb: {  	p0 =	sne.s32 s26, s23  }
.Ltmp1:
0xdc: {  	[tilespmem:v17+s25+$0x0] =	vst.idx.add.f32.msk $0xffff, v15;
	(pc) =	sbr.rel @p0 .LBB2_1-.Ltmp1, $4  }
0xdd: {  	[hbm4b:s22+s3] =	stream.linear.scatter [tilespmem:s25], [sflag:$0x1], $0x8000, $0x38;
	[tilespmem:$0xC000] =	vst v63  }
0xde: {  	_ =	swait.ge [sflag:s24], $0x8000  }
0xdf: {  	[sflag:s24] =	ssyncset.done $0x0  }
0xe0: {  	[sflag:s24] =	ssyncadd.s32 $0xFFFF8000  }
0xe1: {  	_ =	sfence.sel $0x180000  }
0xe2: {  	[bflag:$0x0] =	sbarrier.arrive $0xFFFF  }
0xe3: {  	_ =	strace $0x90000047  }
0xe4: {  	s0 =	stileid.u32;
	[bflag:$0x2] =	sbarrier.arrive $0xFFFF  }
0xe5: {  	p0 =	sne.s32 s0, $0x0;
	s0 =	rddreg [dreg:$0x2]  }
0xe6: {  	s0 =	sadd.s32 @!p0 $0x100000, s0  }
0xe7: {  	[sflag:s0] =	ssyncadd.tile.s32 @!p0 $0x1;
	_ =	shalt  }
.Lfunc_end2:
_tile_overlayer_lowered:
.L_overlay_start_2:
0xe8: {  	(tag) =	ssettag $0x2  }
0xe9: {  	s0 =	rddreg [dreg:$0x0];
	s2 =	stileid.u32  }
0xea: {  	s1 =	rddreg [dreg:$0x1];
	p0 =	sne.s32 s2, $0x0  }
0xeb: {  	s3 =	rddreg [dreg:$0x2];
	[bflag:$0x3] =	sbarrier.arrive $0xFFFF;
	s2 =	simm.s32 @!p0 $0x1C01  }
0xec: {  	[timem:s3], [sflag:s2] =	dma.local @!p0 [hbm:s0], s1  }
0xed: {  	s0 =	simm.s32 @!p0 $0x1  }
0xee: {  	_ =	swait.ge @!p0 [sflag:s0], s1  }
0xef: {  	s1 =	ssub.s32 @!p0 $0x0, s1;
	[sflag:s0] =	ssyncset.done @!p0 $0x0  }
0xf0: {  	[sflag:s0] =	ssyncadd.s32 @!p0 s1  }
0xf1: {  	[bflag:$0x3] =	sbarrier.arrive $0xFFFF  }
0xf2: {  	_ =	shalt  }

// kernel: kernel.13.cloned.1.call-start
scs
__scs_entry_jumppad:
0x0: {  	(pc) =	sbr.rel $0x88, $3  }
0x1: {  	(tag) =	ssettag $0x0;
	lr =	simm.s32 $0x1  }
0x2: {  	[smem:$0x3F9E] =	sst lr;
	_ =	strace $0xD0000000  }
0x3: {  	_ = 	snop  }
0x4: {  	_ = 	snop  }
0x5: {  	_ = 	snop  }
0x6: {  	_ = 	snop  }
0x7: {  	_ = 	snop  }
__scs_overlays_trampoline_lowered:
0x8: {  	[smem:$0x3FAD] =	sst s0  }
0x9: {  	[smem:$0x3FAE] =	sst s1  }
0xa: {  	[smem:$0x3FAF] =	sst s2  }
0xb: {  	[smem:$0x3FB0] =	sst s3  }
0xc: {  	[smem:$0x3FB1] =	sst s4  }
0xd: {  	[smem:$0x3FB2] =	sst s5  }
0xe: {  	[smem:$0x3FB3] =	sst s6  }
0xf: {  	[smem:$0x3FB4] =	sst s7  }
0x10: {  	[smem:$0x3FB5] =	sst s8  }
0x11: {  	[smem:$0x3FB6] =	sst s9;
	s0 =	simm.s32 @!p0 $0x0  }
0x12: {  	s1 =	sld [smem:$0x3F9C];
	s0 =	simm.s32 @p0 $0x1  }
0x13: {  	[smem:$0x3FB7] =	sst s0;
	s0 =	simm.s32 @!p1 $0x0  }
0x14: {  	s2 =	sld [smem:$0x3F9B];
	s0 =	simm.s32 @p1 $0x1  }
0x15: {  	[smem:$0x3FB8] =	sst s0;
	s0 =	simm.s32 @!p2 $0x0  }
0x16: {  	s3 =	sld [smem:$0x3FDB];
	s0 =	simm.s32 @p2 $0x1  }
0x17: {  	s4 =	simm.s32 $0x1BF5;
	[smem:$0x3FBA] =	sst s0  }
0x18: {  	s0 =	sld [smem:$0x3F9D];
	_ =	swait.ge [sflag:s4], $0x0  }
0x19: {  	s7 =	sld [smem:$0x3F9E]  }
0x1a: {  	s8 =	sadd.s32 $0xFFFFE003, lr  }
0x1b: {  	s9 =	sadd.s32 $0xFFFFFEF7, lr;
	s5 =	simm.s32 $0xFFFFFFFF;
	p2 =	slt.u32 s8, $0xFFFFF086  }
0x1c: {  	p1 =	slt.u32 s9, $0xF7A;
	s5 =	simm.s32 @!p2 $0x0  }
0x1d: {  	s5 =	simm.s32 @p1 $0x1;
	p0 =	seq.s32 s7, s2  }
0x1e: {  	s7 =	smul.u32 @!p0 $0xF7A, s2;
	p2 =	seq.s32 @!p0 s5, $0x0  }
0x1f: {  	s9 =	smul.u32 $0xF7A, s1;
	s8 =	simm.s32 @!p0 $0x1BF5;
	p2 =	por !p2, p0  }
0x20: {  	[sflag:s8] =	ssyncset.s32 @!p0 $0xFFFFF086;
	s6 =	sadd.s32 @!p0 s3, s7;
	s7 =	simm.s32 @!p0 $0x108  }
0x21: {  	s3 =	sadd.s32 s3, s9;
	s6 =	sadd.s32 @!p0 $0x88, s6;
	s7 =	simm.s32 @p2 $0x1082  }
0x22: {  	[simem:s7], [sflag:s8] =	dma.local @!p0 [hbm:s6], $0xF7A  }
0x23: {  	s9 =	sor.u32 $0xD0000000, s2;
	s6 =	simm.s32 $0x108;
	_ =	swait.ge @!p0 [sflag:s8], $0x0  }
0x24: {  	s3 =	sadd.s32 $0x88, s3;
	s6 =	simm.s32 @!p1 $0x1082;
	[sflag:s4] =	ssyncset.s32 $0xFFFFF086  }
0x25: {  	[simem:s6], [sflag:s4] =	dma.local [hbm:s3], $0xF7A  }
0x26: {  	[smem:$0x3F9E] =	sst s1;
	(tag) =	ssettag s2;
	_ =	strace s9  }
0x27: {  	s1 =	sld [smem:$0x3FAE]  }
0x28: {  	s2 =	sld [smem:$0x3FAF]  }
0x29: {  	s4 =	sld [smem:$0x3FB1]  }
0x2a: {  	p0 =	seq.s32 s5, $0x0;
	s5 =	sld [smem:$0x3FB2]  }
0x2b: {  	s6 =	sld [smem:$0x3FB3]  }
0x2c: {  	s7 =	sld [smem:$0x3FB4]  }
0x2d: {  	s3 =	simm.s32 $0x108;
	s8 =	sld [smem:$0x3FB5]  }
0x2e: {  	s3 =	simm.s32 @!p0 $0x1082;
	s9 =	sld [smem:$0x3FB6]  }
0x2f: {  	lr =	sadd.s32 s0, s3;
	s0 =	sld [smem:$0x3FAD]  }
0x30: {  	s3 =	sld [smem:$0x3FB0]  }
0x31: {  	[smem:$0x3FB9] =	sst s10  }
0x32: {  	s10 =	sld [smem:$0x3FB7];
	_ =	sdelay $0x3  }
0x33: {  	p0 =	seq.s32 s10, $0x1;
	s10 =	sld [smem:$0x3FB9];
	_ =	sdelay $0x3  }
0x34: {  	[smem:$0x3FB9] =	sst s10  }
0x35: {  	s10 =	sld [smem:$0x3FB8];
	_ =	sdelay $0x3  }
0x36: {  	p1 =	seq.s32 s10, $0x1;
	s10 =	sld [smem:$0x3FB9];
	_ =	sdelay $0x3  }
0x37: {  	[smem:$0x3FB9] =	sst s10  }
0x38: {  	s10 =	sld [smem:$0x3FBA]  }
0x39: {  	_ = 	snop;
	(pc) =	sbr.ind lr, $3  }
0x3a: {  	_ = 	snop  }
0x3b: {  	_ = 	snop  }
0x3c: {  	p2 =	seq.s32 s10, $0x1;
	s10 =	sld [smem:$0x3FB9]  }
0x3d: {  	_ =	shalt  }
0x3e: {  	_ =	shalt  }
0x3f: {  	_ =	shalt  }
0x40: {  	_ =	shalt  }
0x41: {  	_ =	shalt  }
0x42: {  	_ =	shalt  }
0x43: {  	_ =	shalt  }
0x44: {  	_ =	shalt  }
0x45: {  	_ =	shalt  }
0x46: {  	_ =	shalt  }
0x47: {  	_ =	shalt  }
0x48: {  	_ =	shalt  }
0x49: {  	_ =	shalt  }
0x4a: {  	_ =	shalt  }
0x4b: {  	_ =	shalt  }
0x4c: {  	_ =	shalt  }
0x4d: {  	_ =	shalt  }
0x4e: {  	_ =	shalt  }
0x4f: {  	_ =	shalt  }
0x50: {  	_ =	shalt  }
0x51: {  	_ =	shalt  }
0x52: {  	_ =	shalt  }
0x53: {  	_ =	shalt  }
0x54: {  	_ =	shalt  }
0x55: {  	_ =	shalt  }
0x56: {  	_ =	shalt  }
0x57: {  	_ =	shalt  }
0x58: {  	_ =	shalt  }
0x59: {  	_ =	shalt  }
0x5a: {  	_ =	shalt  }
0x5b: {  	_ =	shalt  }
0x5c: {  	_ =	shalt  }
0x5d: {  	_ =	shalt  }
0x5e: {  	_ =	shalt  }
0x5f: {  	_ =	shalt  }
0x60: {  	_ =	shalt  }
0x61: {  	_ =	shalt  }
0x62: {  	_ =	shalt  }
0x63: {  	_ =	shalt  }
0x64: {  	_ =	shalt  }
0x65: {  	_ =	shalt  }
0x66: {  	_ =	shalt  }
0x67: {  	_ =	shalt  }
0x68: {  	_ =	shalt  }
0x69: {  	_ =	shalt  }
0x6a: {  	_ =	shalt  }
0x6b: {  	_ =	shalt  }
0x6c: {  	_ =	shalt  }
0x6d: {  	_ =	shalt  }
0x6e: {  	_ =	shalt  }
0x6f: {  	_ =	shalt  }
0x70: {  	_ =	shalt  }
0x71: {  	_ =	shalt  }
0x72: {  	_ =	shalt  }
0x73: {  	_ =	shalt  }
0x74: {  	_ =	shalt  }
0x75: {  	_ =	shalt  }
0x76: {  	_ =	shalt  }
0x77: {  	_ =	shalt  }
0x78: {  	_ =	shalt  }
0x79: {  	_ =	shalt  }
0x7a: {  	_ =	shalt  }
0x7b: {  	_ =	shalt  }
0x7c: {  	_ =	shalt  }
0x7d: {  	_ =	shalt  }
0x7e: {  	_ =	shalt  }
0x7f: {  	_ =	shalt  }
0x80: {  	_ =	shalt  }
0x81: {  	_ =	shalt  }
0x82: {  	_ =	shalt  }
0x83: {  	_ =	shalt  }
0x84: {  	_ =	shalt  }
0x85: {  	_ =	shalt  }
0x86: {  	_ =	shalt  }
0x87: {  	_ =	shalt  }
.Lfunc_end0:
.L_simem_size_0:
called_computation.1_lowered:
.L_overlay_start_0:
0x88: {  	s2 =	sld [smem:$0x3FD9]  }
0x89: {  	s3 =	sld [smem:$0x3FFE];
	_ =	sdelay $0x1  }
0x8a: {  	s1 =	srdreg.scid  }
0x8b: {  	s0 =	sand.u32 $0x1, s1  }
0x8c: {  	s17 =	sshll.u32 s0, $0xA;
	s2 =	sadd.s32 s3, s2  }
0x8d: {  	s2 =	sadd.s32 s2, s17  }
0x8e: {  	[smem:$0x3FC5] =	sst s2  }
0x8f: {  	_ = 	snop  }
0x90: {  	s2 =	sld [smem:$0x3FC7]  }
0x91: {  	s18 =	sld [smem:$0x3FD0];
	(tm) =	ssettm $0x1  }
0x92: {  	s4 =	sld [smem:$0x3FFB];
	_ =	sdelay $0x3  }
0x93: {  	_ =	strace s4  }
0x94: {  	s4 =	sld [smem:$0x3FFC];
	_ =	sdelay $0x3  }
0x95: {  	_ =	strace s4  }
0x96: {  	s4 =	sld [smem:$0x3FFD];
	_ =	sdelay $0x3  }
0x97: {  	_ =	strace s4  }
0x98: {  	_ =	strace $0x8FFFFFFF  }
0x99: {  	s19 =	sld [smem:$0x3FDB];
	_ =	sdelay $0x1  }
0x9a: {  	s5 =	simm.s32 $_scs_section_size  }
0x9b: {  	s6 =	simm.s32 $_size__tile_overlayer_lowered;
	s7 =	simm.s32 $_tile_overlayer_lowered  }
0x9c: {  	s22 =	simm.s32 $0x1BFF;
	s21 =	sshll.u32 s7, $0x1;
	s4 =	sadd.s32 s5, s19  }
0x9d: {  	s8 =	simm.s32 $0x0;
	s20 =	sshll.u32 s6, $0x1;
	s6 =	sadd.s32 s21, s4  }
0x9e: {  	[timem:s8], [sflag:s22] =	dma.local [hbm:s6], s20  }
0x9f: {  	_ =	swait.ge [sflag:s22], s20  }
0xa0: {  	s5 =	ssub.s32 $0x0, s20;
	[sflag:s22] =	ssyncset.done $0x0  }
0xa1: {  	[sflag:s22] =	ssyncadd.s32 s5;
	_ =	sdelay $0x1  }
0xa2: {  	s23 =	simm.s32 $0x1B8B  }
0xa3: {  	_ =	swait.ge [sflag:s23], $0x1  }
0xa4: {  	[sflag:s23] =	ssyncset.done $0x0  }
0xa5: {  	s25 =	simm.s32 $0x1B8E;
	s24 =	sld [smem:$0x3FFE];
	[sflag:s23] =	ssyncadd.s32 $0xFFFFFFFF  }
0xa6: {  	s26 =	simm.s32 $execute0_lowered;
	[smem:$0x3FD2] =	sst s25  }
0xa7: {  	s6 =	sshll.u32 s26, $0x1;
	_ =	strace $0x80000049;
	[dreg:$0x1] =	wrdreg $0xFFFFFFFF  }
0xa8: {  	s28 =	simm.s32 $_size_execute0_lowered;
	s4 =	sadd.s32 s4, s6;
	[dreg:$0x0] =	wrdreg $0x0  }
0xa9: {  	s6 =	sshll.u32 s28, $0x1;
	[dreg:$0x2] =	wrdreg s4  }
0xaa: {  	[dreg:$0x3] =	wrdreg s6  }
0xab: {  	[dreg:$0x4] =	wrdreg $0xC0  }
0xac: {  	_ =	task [dreg:s8], $0x5FFFF  }
0xad: {  	[dreg:$0x1] =	wrdreg $0xFFFFFFFF  }
0xae: {  	[dreg:$0x0] =	wrdreg $0x60  }
0xaf: {  	[dreg:$0x2] =	wrdreg s2  }
0xb0: {  	[dreg:$0x3] =	wrdreg s18  }
0xb1: {  	[dreg:$0x4] =	wrdreg s24  }
0xb2: {  	[dreg:$0x5] =	wrdreg $0x9  }
0xb3: {  	_ =	task.clear_ibuf [dreg:s8], $0x6FFFF;
	_ =	strace $0x90000049  }
0xb4: {  	s29 =	simm.s32 $0x9;
	_ =	strace $0x8000004B  }
0xb5: {  	_ =	swait.ge [sflag:s29], $0x1  }
0xb6: {  	[sflag:s29] =	ssyncadd.s32 $0xFFFFFFFF  }
0xb7: {  	_ =	strace $0x9000004B  }
0xb8: {  	_ =	sfence  }
0xb9: {  	s30 =	sld [smem:$0x0];
	_ =	sdelay $0x2  }
0xba: {  	s31 =	sshll.u32 s1, $0xD;
	s1 =	sshrl.u32 s1, $0x2  }
0xbb: {  	s3 =	sand.u32 $0x4000, s31;
	s1 =	sadd.s32 s1, s30  }
0xbc: {  	s0 =	sor.u32 s3, s0;
	s1 =	sshll.u32 s1, $0x11  }
0xbd: {  	s0 =	sor.u32 s1, s0  }
0xbe: {  	s0 =	sadd.s32 $0x8F2B, s0  }
0xbf: {  	[sflag:s0] =	ssyncadd.remote.s32 $0x1  }
0xc0: {  	_ =	sfence.sel $0xFFFF  }
0xc1: {  	[dreg:$0x0] =	wrdreg $0xFFFFFFFF;
	(pc) =	sbr.abs _section_cstart, $3  }
0xc2: {  	[dreg:$0x1] =	wrdreg $0xFFFFFFFF  }
0xc3: {  	_ =	task.clear_ibuf [dreg:s8], $0x2FFFF;
	_ =	strace $0x9FFFFFFF  }
0xc4: {  	(tm) =	ssettm $0x7FFFFFFF  }
0xc5: {  	_ =	shalt  }
tec
execute0_lowered:
.L_overlay_start_1:
0x0: {  	(tag) =	ssettag $0x1  }
0x1: {  	s0 =	rddreg [dreg:$0x0]  }
0x2: {  	s1 =	rddreg [dreg:$0x1]  }
0x3: {  	s3 =	rddreg [dreg:$0x2];
	s4 =	srdreg.scid  }
0x4: {  	s2 =	simm.s32 $0x0;
	s5 =	stileid.u32;
	s28 =	simm.s32 $0x1  }
0x5: {  	s29 =	simm.s32 $0x2;
	s30 =	simm.s32 $0x4;
	s4 =	sand.u32 $0x1, s4  }
0x6: {  	s31 =	simm.s32 $0x0;
	s5 =	sshll.u32 s5, $0x5;
	s6 =	sshll.u32 s4, $0x4  }
0x7: {  	[smem:$0x7FF] =	sst s2;
	s4 =	ssub.s32 $0x2, s4;
	s5 =	sor.u32 s6, s5  }
0x8: {  	_ =	strace $0x8000004A;
	s7 =	sshrl.u32 s4, $0x1;
	s6 =	sshll.u32 s5, $0x8  }
0x9: {  	s5 =	sshll.u32 s5, $0xB;
	s7 =	ssub.s32 s4, s7;
	s20 =	sadd.s32 s6, s3  }
0xa: {  	s3 =	sadd.s32 s0, s5;
	s4 =	sadd.s32 s1, s6;
	s21 =	smax.u32 s7, $0x1  }
0xb: {  	s0 =	sadd.s32 $0x10, s3;
	s22 =	sadd.s32 $0x20, s3;
	s23 =	sadd.s32 $0x30, s3  }
0xc: {  	s24 =	sadd.s32 $0x40, s3;
	s25 =	sadd.s32 $0x50, s3;
	s26 =	sadd.s32 $0x60, s3  }
0xd: {  	s11 =	sadd.s32 $0x70, s3;
	s12 =	sadd.s32 $0x4000, s3;
	[dreg:$0x4] =	wrdreg s0  }
0xe: {  	s13 =	sadd.s32 $0x4010, s3;
	s14 =	sadd.s32 $0x4020, s3;
	[dreg:$0x5] =	wrdreg s22  }
0xf: {  	s15 =	sadd.s32 $0x4030, s3;
	s16 =	sadd.s32 $0x4040, s3;
	[dreg:$0x6] =	wrdreg s23  }
0x10: {  	s17 =	sadd.s32 $0x4050, s3;
	s18 =	sadd.s32 $0x4060, s3;
	[dreg:$0x7] =	wrdreg s24  }
0x11: {  	s19 =	sadd.s32 $0x4070, s3;
	s20 =	sadd.s32 $0x1600, s20;
	[dreg:$0x8] =	wrdreg s25  }
0x12: {  	[dreg:$0x9] =	wrdreg s26;
	s22 =	simm.s32 $0x200;
	s23 =	simm.s32 $0x4000  }
0x13: {  	s24 =	simm.s32 $0x80;
	s25 =	simm.s32 $0x400;
	s26 =	simm.s32 $0x3  }
.LBB2_1:
0x14: {  	s0 =	simm.s32 $0x8000  }
0x15: {  	s1 =	simm.s32 $0x40;
	s6 =	sadd.s32 $0x0, s4;
	s5 =	simm.s32 $0x8400  }
.LBB2_2:
0x16: {  	[tilespmem:s0], [sflag:$0x3] =	stream.strided.gather [hbm4b:s6+s22], $0x400, s23, s22, $0x38;
	[tilespmem:$0x18000] =	vst v63  }
0x17: {  	s6 =	smov.u32 s1;
	s0 =	smov.u32 s5;
	p0 =	sne.s32 s1, $0x7C0  }
.Ltmp0:
0x18: {  	s1 =	sadd.s32 $0x40, s1;
	(pc) =	sbr.rel @p0 .LBB2_2-.Ltmp0, $2  }
0x19: {  	_ =	sdelay $0x2  }
0x1a: {  	s5 =	sadd.s32 $0x400, s5;
	s6 =	sadd.s32 s6, s4  }
0x1b: {  	[tilespmem:s0], [sflag:$0x3] =	stream.strided.gather [hbm4b:s6+s22], $0x400, s23, s22, $0x38;
	[tilespmem:$0x18000] =	vst v63  }
0x1c: {  	s8 =	simm.s32 $0x0  }
0x1d: {  	[tilespmem:s8], [sflag:$0x1] =	stream.strided.gather [hbm4b:s3+s24], $0x4000, s25, s24, $0x38;
	[tilespmem:$0x18000] =	vst v63  }
0x1e: {  	s1 =	rddreg [dreg:$0x4]  }
0x1f: {  	[tilespmem:s23], [sflag:$0x2] =	stream.strided.gather [hbm4b:s1+s24], $0x4000, s25, s24, $0x38;
	[tilespmem:$0x18000] =	vst v63  }
0x20: {  	_ =	swait.ge [sflag:s26], $0x8000  }
0x21: {  	[sflag:s26] =	ssyncset.done $0x0  }
0x22: {  	[sflag:s26] =	ssyncadd.s32 $0xFFFF8000  }
0x23: {  	s9 =	sand.u32 $0xF800, s8;
	s0 =	sand.u32 $0x80, s8;
	_ =	swait.ge [sflag:s28], $0x4000  }
0x24: {  	s0 =	sor.u32 s0, s9;
	[sflag:s28] =	ssyncset.done $0x0  }
0x25: {  	s1 =	sshrl.u32 s0, $0x1;
	[sflag:s28] =	ssyncadd.s32 $0xFFFFC000  }
0x26: {  	v0 =	vld [tilespmem:s1+$0x8000];
	_ =	sdelay $0x4  }
0x27: {  	v1 =	vunpack.i.l.s16.s32 v0  }
0x28: {  	v0 =	vunpack.i.u.s16.s32 v0;
	_ =	sdelay $0x3  }
0x29: {  	v1 =	vld.idx.msk [tilespmem:v1+s2+$0x0], $0xffff  }
0x2a: {  	v0 =	vld.idx.msk [tilespmem:v0+s2+$0x0], $0xffff;
	_ =	sdelay $0x4  }
0x2b: {  	s0 =	sor.u32 $0x40, s0;
	v0 =	vpack.i.f32.bf16 v0, v1  }
0x2c: {  	s6 =	sshrl.u32 s0, $0x1;
	[tilespmem:s1+$0x10000] =	vst v0  }
0x2d: {  	v0 =	vld [tilespmem:s6+$0x8000];
	_ =	sdelay $0x4  }
0x2e: {  	v1 =	vunpack.i.l.s16.s32 v0  }
0x2f: {  	v2 =	vunpack.i.u.s16.s32 v0;
	_ =	sdelay $0x3  }
0x30: {  	v0 =	vld.idx.msk [tilespmem:v1+s2+$0x0], $0xffff  }
0x31: {  	v1 =	vld.idx.msk [tilespmem:v2+s2+$0x0], $0xffff  }
0x32: {  	s10 =	simm.s32 $0x400;
	s7 =	simm.s32 $0x100  }
0x33: {  	s5 =	simm.s32 $0x800;
	s0 =	simm.s32 $0x80;
	s1 =	sand.u32 $0xF800, s10  }
.LBB2_4:
0x34: {  	s8 =	sand.u32 $0xF800, s5  }
0x35: {  	s9 =	sand.u32 $0x80, s0;
	s0 =	smov.u32 s7;
	s10 =	sadd.s32 $0x80, s7  }
0x36: {  	p0 =	sne.s32 s7, $0x1F80;
	v0 =	vpack.i.f32.bf16 v1, v0;
	s7 =	sor.u32 s9, s1;
	s1 =	smov.u32 s8  }
0x37: {  	s8 =	sshrl.u32 s7, $0x1;
	s7 =	sor.u32 $0x40, s7;
	[tilespmem:s6+$0x10000] =	vst v0  }
0x38: {  	v0 =	vld [tilespmem:s8+$0x8000];
	_ =	sdelay $0x4  }
0x39: {  	v1 =	vunpack.i.u.s16.s32 v0;
	v0 =	vunpack.i.l.s16.s32 v0;
	_ =	sdelay $0x4  }
0x3a: {  	v0 =	vld.idx.msk [tilespmem:v0+s2+$0x0], $0xffff  }
0x3b: {  	v1 =	vld.idx.msk [tilespmem:v1+s2+$0x0], $0xffff;
	_ =	sdelay $0x5  }
0x3c: {  	s6 =	sshrl.u32 s7, $0x1;
	v0 =	vpack.i.f32.bf16 v1, v0  }
0x3d: {  	[tilespmem:s8+$0x10000] =	vst v0  }
0x3e: {  	v0 =	vld [tilespmem:s6+$0x8000];
	_ =	sdelay $0x4  }
0x3f: {  	v1 =	vunpack.i.u.s16.s32 v0;
	v0 =	vunpack.i.l.s16.s32 v0;
	_ =	sdelay $0x4  }
0x40: {  	v0 =	vld.idx.msk [tilespmem:v0+s2+$0x0], $0xffff  }
.Ltmp1:
0x41: {  	v1 =	vld.idx.msk [tilespmem:v1+s2+$0x0], $0xffff;
	(pc) =	sbr.rel @p0 .LBB2_4-.Ltmp1, $2  }
0x42: {  	_ =	sdelay $0x2  }
0x43: {  	s5 =	sadd.s32 $0x400, s5;
	s7 =	smov.u32 s10  }
0x44: {  	s0 =	sand.u32 $0x80, s0  }
0x45: {  	v0 =	vpack.i.f32.bf16 v1, v0;
	s0 =	sor.u32 s0, s1  }
0x46: {  	[tilespmem:s6+$0x10000] =	vst v0;
	s1 =	sshrl.u32 s0, $0x1  }
0x47: {  	v0 =	vld [tilespmem:s1+$0x8000];
	_ =	sdelay $0x4  }
0x48: {  	v1 =	vunpack.i.l.s16.s32 v0  }
0x49: {  	v0 =	vunpack.i.u.s16.s32 v0;
	_ =	sdelay $0x3  }
0x4a: {  	v1 =	vld.idx.msk [tilespmem:v1+s2+$0x0], $0xffff  }
0x4b: {  	v0 =	vld.idx.msk [tilespmem:v0+s2+$0x0], $0xffff;
	_ =	sdelay $0x4  }
0x4c: {  	s0 =	sor.u32 $0x40, s0;
	v0 =	vpack.i.f32.bf16 v0, v1  }
0x4d: {  	s0 =	sshrl.u32 s0, $0x1;
	[tilespmem:s1+$0x10000] =	vst v0  }
0x4e: {  	v0 =	vld [tilespmem:s0+$0x8000];
	_ =	sdelay $0x4  }
0x4f: {  	v1 =	vunpack.i.l.s16.s32 v0  }
0x50: {  	v0 =	vunpack.i.u.s16.s32 v0;
	_ =	sdelay $0x3  }
0x51: {  	v1 =	vld.idx.msk [tilespmem:v1+s2+$0x0], $0xffff  }
0x52: {  	v0 =	vld.idx.msk [tilespmem:v0+s2+$0x0], $0xffff;
	_ =	sdelay $0x4  }
0x53: {  	v0 =	vpack.i.f32.bf16 v0, v1  }
0x54: {  	s7 =	simm.s32 $0x0;
	s8 =	rddreg [dreg:$0x5];
	[tilespmem:s0+$0x10000] =	vst v0  }
0x55: {  	[tilespmem:s7], [sflag:$0x1] =	stream.strided.gather [hbm4b:s8+s24], $0x4000, s25, s24, $0x38;
	[tilespmem:$0x18000] =	vst v63  }
0x56: {  	s9 =	sand.u32 $0xF800, s7;
	s0 =	sand.u32 $0x80, s7;
	_ =	swait.ge [sflag:s29], $0x4000  }
0x57: {  	s0 =	sor.u32 s9, s0;
	[sflag:s29] =	ssyncset.done $0x0  }
0x58: {  	s1 =	sshrl.u32 s0, $0x1;
	[sflag:s29] =	ssyncadd.s32 $0xFFFFC000  }
0x59: {  	v0 =	vld [tilespmem:s1+$0x8000];
	_ =	sdelay $0x4  }
0x5a: {  	v1 =	vunpack.i.l.s16.s32 v0  }
0x5b: {  	v0 =	vunpack.i.u.s16.s32 v0;
	_ =	sdelay $0x3  }
0x5c: {  	v1 =	vld.idx.msk [tilespmem:v1+s23+$0x0], $0xffff  }
0x5d: {  	v0 =	vld.idx.msk [tilespmem:v0+s23+$0x0], $0xffff;
	_ =	sdelay $0x4  }
0x5e: {  	s0 =	sor.u32 $0x40, s0;
	v0 =	vpack.i.f32.bf16 v0, v1  }
0x5f: {  	s6 =	sshrl.u32 s0, $0x1;
	[tilespmem:s1+$0x10000] =	vst v0  }
0x60: {  	v0 =	vld [tilespmem:s6+$0x8000];
	_ =	sdelay $0x4  }
0x61: {  	v1 =	vunpack.i.l.s16.s32 v0  }
0x62: {  	v2 =	vunpack.i.u.s16.s32 v0;
	_ =	sdelay $0x3  }
0x63: {  	v0 =	vld.idx.msk [tilespmem:v1+s23+$0x0], $0xffff  }
0x64: {  	v1 =	vld.idx.msk [tilespmem:v2+s23+$0x0], $0xffff  }
0x65: {  	s10 =	simm.s32 $0x400;
	s5 =	simm.s32 $0x800  }
0x66: {  	s7 =	simm.s32 $0x100;
	s0 =	simm.s32 $0x80;
	s1 =	sand.u32 $0xF800, s10  }
.LBB2_6:
0x67: {  	s8 =	sand.u32 $0xF800, s5  }
0x68: {  	s9 =	sand.u32 $0x80, s0;
	s0 =	smov.u32 s7;
	s10 =	sadd.s32 $0x80, s7  }
0x69: {  	p0 =	sne.s32 s7, $0x1F80;
	v0 =	vpack.i.f32.bf16 v1, v0;
	s7 =	sor.u32 s1, s9;
	s1 =	smov.u32 s8  }
0x6a: {  	s8 =	sshrl.u32 s7, $0x1;
	s7 =	sor.u32 $0x40, s7;
	[tilespmem:s6+$0x10000] =	vst v0  }
0x6b: {  	v0 =	vld [tilespmem:s8+$0x8000];
	_ =	sdelay $0x4  }
0x6c: {  	v1 =	vunpack.i.u.s16.s32 v0;
	v0 =	vunpack.i.l.s16.s32 v0;
	_ =	sdelay $0x4  }
0x6d: {  	v0 =	vld.idx.msk [tilespmem:v0+s23+$0x0], $0xffff  }
0x6e: {  	v1 =	vld.idx.msk [tilespmem:v1+s23+$0x0], $0xffff;
	_ =	sdelay $0x5  }
0x6f: {  	s6 =	sshrl.u32 s7, $0x1;
	v0 =	vpack.i.f32.bf16 v1, v0  }
0x70: {  	[tilespmem:s8+$0x10000] =	vst v0  }
0x71: {  	v0 =	vld [tilespmem:s6+$0x8000];
	_ =	sdelay $0x4  }
0x72: {  	v1 =	vunpack.i.u.s16.s32 v0;
	v0 =	vunpack.i.l.s16.s32 v0;
	_ =	sdelay $0x4  }
0x73: {  	v0 =	vld.idx.msk [tilespmem:v0+s23+$0x0], $0xffff  }
.Ltmp2:
0x74: {  	v1 =	vld.idx.msk [tilespmem:v1+s23+$0x0], $0xffff;
	(pc) =	sbr.rel @p0 .LBB2_6-.Ltmp2, $2  }
0x75: {  	_ =	sdelay $0x2  }
0x76: {  	s5 =	sadd.s32 $0x400, s5;
	s7 =	smov.u32 s10  }
0x77: {  	s0 =	sand.u32 $0x80, s0  }
0x78: {  	v0 =	vpack.i.f32.bf16 v1, v0;
	s0 =	sor.u32 s1, s0  }
0x79: {  	[tilespmem:s6+$0x10000] =	vst v0;
	s1 =	sshrl.u32 s0, $0x1  }
0x7a: {  	v0 =	vld [tilespmem:s1+$0x8000];
	_ =	sdelay $0x4  }
0x7b: {  	v1 =	vunpack.i.l.s16.s32 v0  }
0x7c: {  	v0 =	vunpack.i.u.s16.s32 v0;
	_ =	sdelay $0x3  }
0x7d: {  	v1 =	vld.idx.msk [tilespmem:v1+s23+$0x0], $0xffff  }
0x7e: {  	v0 =	vld.idx.msk [tilespmem:v0+s23+$0x0], $0xffff;
	_ =	sdelay $0x4  }
0x7f: {  	s0 =	sor.u32 $0x40, s0;
	v0 =	vpack.i.f32.bf16 v0, v1  }
0x80: {  	s0 =	sshrl.u32 s0, $0x1;
	[tilespmem:s1+$0x10000] =	vst v0  }
0x81: {  	v0 =	vld [tilespmem:s0+$0x8000];
	_ =	sdelay $0x4  }
0x82: {  	v1 =	vunpack.i.l.s16.s32 v0  }
0x83: {  	v0 =	vunpack.i.u.s16.s32 v0;
	_ =	sdelay $0x3  }
0x84: {  	v1 =	vld.idx.msk [tilespmem:v1+s23+$0x0], $0xffff  }
0x85: {  	v0 =	vld.idx.msk [tilespmem:v0+s23+$0x0], $0xffff;
	_ =	sdelay $0x4  }
0x86: {  	s9 =	simm.s32 $0x0;
	v0 =	vpack.i.f32.bf16 v0, v1  }
0x87: {  	s8 =	rddreg [dreg:$0x6];
	s10 =	sand.u32 $0xF800, s9;
	[tilespmem:s0+$0x10000] =	vst v0;
	s0 =	sand.u32 $0x80, s9  }
0x88: {  	[tilespmem:s23], [sflag:$0x2] =	stream.strided.gather [hbm4b:s8+s24], $0x4000, s25, s24, $0x38;
	[tilespmem:$0x18000] =	vst v63  }
0x89: {  	s0 =	sor.u32 s0, s10;
	_ =	swait.ge [sflag:s28], $0x4000  }
0x8a: {  	s1 =	sor.u32 $0x100, s0;
	[sflag:s28] =	ssyncset.done $0x0  }
0x8b: {  	s1 =	sshrl.u32 s1, $0x1;
	[sflag:s28] =	ssyncadd.s32 $0xFFFFC000  }
0x8c: {  	v0 =	vld [tilespmem:s1+$0x8000];
	_ =	sdelay $0x4  }
0x8d: {  	v1 =	vunpack.i.l.s16.s32 v0  }
0x8e: {  	v0 =	vunpack.i.u.s16.s32 v0;
	_ =	sdelay $0x3  }
0x8f: {  	v1 =	vld.idx.msk [tilespmem:v1+s2+$0x0], $0xffff  }
0x90: {  	v0 =	vld.idx.msk [tilespmem:v0+s2+$0x0], $0xffff;
	_ =	sdelay $0x4  }
0x91: {  	s0 =	sor.u32 $0x140, s0;
	v0 =	vpack.i.f32.bf16 v0, v1  }
0x92: {  	s5 =	sshrl.u32 s0, $0x1;
	[tilespmem:s1+$0x10000] =	vst v0  }
0x93: {  	v0 =	vld [tilespmem:s5+$0x8000];
	_ =	sdelay $0x4  }
0x94: {  	v1 =	vunpack.i.l.s16.s32 v0  }
0x95: {  	v2 =	vunpack.i.u.s16.s32 v0;
	_ =	sdelay $0x3  }
0x96: {  	v0 =	vld.idx.msk [tilespmem:v1+s2+$0x0], $0xffff  }
0x97: {  	v1 =	vld.idx.msk [tilespmem:v2+s2+$0x0], $0xffff  }
0x98: {  	s7 =	simm.s32 $0x80;
	s0 =	simm.s32 $0x400  }
0x99: {  	s7 =	sand.u32 $0x80, s7;
	s6 =	sand.u32 $0xF800, s0;
	s1 =	simm.s32 $0x100  }
.LBB2_8:
0x9a: {  	p0 =	sne.s32 s1, $0x1F80  }
0x9b: {  	s6 =	sor.u32 s7, s6;
	s7 =	smov.u32 s1;
	s1 =	sadd.s32 $0x80, s1  }
0x9c: {  	v0 =	vpack.i.f32.bf16 v1, v0;
	s8 =	sor.u32 $0x100, s6;
	s6 =	sor.u32 $0x140, s6  }
0x9d: {  	s8 =	sshrl.u32 s8, $0x1;
	[tilespmem:s5+$0x10000] =	vst v0  }
0x9e: {  	v0 =	vld [tilespmem:s8+$0x8000];
	_ =	sdelay $0x4  }
0x9f: {  	v1 =	vunpack.i.u.s16.s32 v0;
	v0 =	vunpack.i.l.s16.s32 v0;
	_ =	sdelay $0x4  }
0xa0: {  	v0 =	vld.idx.msk [tilespmem:v0+s2+$0x0], $0xffff  }
0xa1: {  	v1 =	vld.idx.msk [tilespmem:v1+s2+$0x0], $0xffff;
	_ =	sdelay $0x5  }
0xa2: {  	s5 =	sshrl.u32 s6, $0x1;
	v0 =	vpack.i.f32.bf16 v1, v0  }
0xa3: {  	[tilespmem:s8+$0x10000] =	vst v0  }
0xa4: {  	v0 =	vld [tilespmem:s5+$0x8000];
	_ =	sdelay $0x4  }
0xa5: {  	v1 =	vunpack.i.u.s16.s32 v0;
	v0 =	vunpack.i.l.s16.s32 v0;
	_ =	sdelay $0x4  }
0xa6: {  	v0 =	vld.idx.msk [tilespmem:v0+s2+$0x0], $0xffff  }
.Ltmp3:
0xa7: {  	v1 =	vld.idx.msk [tilespmem:v1+s2+$0x0], $0xffff;
	(pc) =	sbr.rel @p0 .LBB2_8-.Ltmp3, $3  }
0xa8: {  	_ =	sdelay $0x1  }
0xa9: {  	s0 =	sadd.s32 $0x400, s0  }
0xaa: {  	s7 =	sand.u32 $0x80, s7;
	s6 =	sand.u32 $0xF800, s0  }
0xab: {  	s0 =	sor.u32 s7, s6  }
0xac: {  	v0 =	vpack.i.f32.bf16 v1, v0;
	s1 =	sor.u32 $0x100, s0  }
0xad: {  	[tilespmem:s5+$0x10000] =	vst v0;
	s1 =	sshrl.u32 s1, $0x1  }
0xae: {  	v0 =	vld [tilespmem:s1+$0x8000];
	_ =	sdelay $0x4  }
0xaf: {  	v1 =	vunpack.i.l.s16.s32 v0  }
0xb0: {  	v0 =	vunpack.i.u.s16.s32 v0;
	_ =	sdelay $0x3  }
0xb1: {  	v1 =	vld.idx.msk [tilespmem:v1+s2+$0x0], $0xffff  }
0xb2: {  	v0 =	vld.idx.msk [tilespmem:v0+s2+$0x0], $0xffff;
	_ =	sdelay $0x4  }
0xb3: {  	s0 =	sor.u32 $0x140, s0;
	v0 =	vpack.i.f32.bf16 v0, v1  }
0xb4: {  	s0 =	sshrl.u32 s0, $0x1;
	[tilespmem:s1+$0x10000] =	vst v0  }
0xb5: {  	v0 =	vld [tilespmem:s0+$0x8000];
	_ =	sdelay $0x4  }
0xb6: {  	v1 =	vunpack.i.l.s16.s32 v0  }
0xb7: {  	v0 =	vunpack.i.u.s16.s32 v0;
	_ =	sdelay $0x3  }
0xb8: {  	v1 =	vld.idx.msk [tilespmem:v1+s2+$0x0], $0xffff  }
0xb9: {  	v0 =	vld.idx.msk [tilespmem:v0+s2+$0x0], $0xffff;
	_ =	sdelay $0x4  }
0xba: {  	s7 =	simm.s32 $0x0;
	v0 =	vpack.i.f32.bf16 v0, v1  }
0xbb: {  	s8 =	rddreg [dreg:$0x7];
	s9 =	sand.u32 $0xF800, s7;
	[tilespmem:s0+$0x10000] =	vst v0;
	s0 =	sand.u32 $0x80, s7  }
0xbc: {  	[tilespmem:s7], [sflag:$0x1] =	stream.strided.gather [hbm4b:s8+s24], $0x4000, s25, s24, $0x38;
	[tilespmem:$0x18000] =	vst v63  }
0xbd: {  	s0 =	sor.u32 s0, s9;
	_ =	swait.ge [sflag:s29], $0x4000  }
0xbe: {  	s1 =	sor.u32 $0x100, s0;
	[sflag:s29] =	ssyncset.done $0x0  }
0xbf: {  	s1 =	sshrl.u32 s1, $0x1;
	[sflag:s29] =	ssyncadd.s32 $0xFFFFC000  }
0xc0: {  	v0 =	vld [tilespmem:s1+$0x8000];
	_ =	sdelay $0x4  }
0xc1: {  	v1 =	vunpack.i.l.s16.s32 v0  }
0xc2: {  	v0 =	vunpack.i.u.s16.s32 v0;
	_ =	sdelay $0x3  }
0xc3: {  	v1 =	vld.idx.msk [tilespmem:v1+s23+$0x0], $0xffff  }
0xc4: {  	v0 =	vld.idx.msk [tilespmem:v0+s23+$0x0], $0xffff;
	_ =	sdelay $0x4  }
0xc5: {  	s0 =	sor.u32 $0x140, s0;
	v0 =	vpack.i.f32.bf16 v0, v1  }
0xc6: {  	s5 =	sshrl.u32 s0, $0x1;
	[tilespmem:s1+$0x10000] =	vst v0  }
0xc7: {  	v0 =	vld [tilespmem:s5+$0x8000];
	_ =	sdelay $0x4  }
0xc8: {  	v1 =	vunpack.i.l.s16.s32 v0  }
0xc9: {  	v2 =	vunpack.i.u.s16.s32 v0;
	_ =	sdelay $0x3  }
0xca: {  	v0 =	vld.idx.msk [tilespmem:v1+s23+$0x0], $0xffff  }
0xcb: {  	v1 =	vld.idx.msk [tilespmem:v2+s23+$0x0], $0xffff  }
0xcc: {  	s10 =	simm.s32 $0x80;
	s0 =	simm.s32 $0x400  }
0xcd: {  	s7 =	sand.u32 $0x80, s10;
	s6 =	sand.u32 $0xF800, s0;
	s1 =	simm.s32 $0x100  }
.LBB2_10:
0xce: {  	p0 =	sne.s32 s1, $0x1F80  }
0xcf: {  	s6 =	sor.u32 s7, s6;
	s7 =	smov.u32 s1;
	s1 =	sadd.s32 $0x80, s1  }
0xd0: {  	v0 =	vpack.i.f32.bf16 v1, v0;
	s8 =	sor.u32 $0x100, s6;
	s6 =	sor.u32 $0x140, s6  }
0xd1: {  	s8 =	sshrl.u32 s8, $0x1;
	[tilespmem:s5+$0x10000] =	vst v0  }
0xd2: {  	v0 =	vld [tilespmem:s8+$0x8000];
	_ =	sdelay $0x4  }
0xd3: {  	v1 =	vunpack.i.u.s16.s32 v0;
	v0 =	vunpack.i.l.s16.s32 v0;
	_ =	sdelay $0x4  }
0xd4: {  	v0 =	vld.idx.msk [tilespmem:v0+s23+$0x0], $0xffff  }
0xd5: {  	v1 =	vld.idx.msk [tilespmem:v1+s23+$0x0], $0xffff;
	_ =	sdelay $0x5  }
0xd6: {  	s5 =	sshrl.u32 s6, $0x1;
	v0 =	vpack.i.f32.bf16 v1, v0  }
0xd7: {  	[tilespmem:s8+$0x10000] =	vst v0  }
0xd8: {  	v0 =	vld [tilespmem:s5+$0x8000];
	_ =	sdelay $0x4  }
0xd9: {  	v1 =	vunpack.i.u.s16.s32 v0;
	v0 =	vunpack.i.l.s16.s32 v0;
	_ =	sdelay $0x4  }
0xda: {  	v0 =	vld.idx.msk [tilespmem:v0+s23+$0x0], $0xffff  }
.Ltmp4:
0xdb: {  	v1 =	vld.idx.msk [tilespmem:v1+s23+$0x0], $0xffff;
	(pc) =	sbr.rel @p0 .LBB2_10-.Ltmp4, $3  }
0xdc: {  	_ =	sdelay $0x1  }
0xdd: {  	s0 =	sadd.s32 $0x400, s0  }
0xde: {  	s7 =	sand.u32 $0x80, s7;
	s6 =	sand.u32 $0xF800, s0  }
0xdf: {  	s0 =	sor.u32 s7, s6  }
0xe0: {  	v0 =	vpack.i.f32.bf16 v1, v0;
	s1 =	sor.u32 $0x100, s0  }
0xe1: {  	[tilespmem:s5+$0x10000] =	vst v0;
	s1 =	sshrl.u32 s1, $0x1  }
0xe2: {  	v0 =	vld [tilespmem:s1+$0x8000];
	_ =	sdelay $0x4  }
0xe3: {  	v1 =	vunpack.i.l.s16.s32 v0  }
0xe4: {  	v0 =	vunpack.i.u.s16.s32 v0;
	_ =	sdelay $0x3  }
0xe5: {  	v1 =	vld.idx.msk [tilespmem:v1+s23+$0x0], $0xffff  }
0xe6: {  	v0 =	vld.idx.msk [tilespmem:v0+s23+$0x0], $0xffff;
	_ =	sdelay $0x4  }
0xe7: {  	s0 =	sor.u32 $0x140, s0;
	v0 =	vpack.i.f32.bf16 v0, v1  }
0xe8: {  	s0 =	sshrl.u32 s0, $0x1;
	[tilespmem:s1+$0x10000] =	vst v0  }
0xe9: {  	v0 =	vld [tilespmem:s0+$0x8000];
	_ =	sdelay $0x4  }
0xea: {  	v1 =	vunpack.i.l.s16.s32 v0  }
0xeb: {  	v0 =	vunpack.i.u.s16.s32 v0;
	_ =	sdelay $0x3  }
0xec: {  	v1 =	vld.idx.msk [tilespmem:v1+s23+$0x0], $0xffff  }
0xed: {  	v0 =	vld.idx.msk [tilespmem:v0+s23+$0x0], $0xffff;
	_ =	sdelay $0x4  }
0xee: {  	s8 =	simm.s32 $0x0;
	v0 =	vpack.i.f32.bf16 v0, v1  }
0xef: {  	s7 =	rddreg [dreg:$0x8];
	s9 =	sand.u32 $0xF800, s8;
	[tilespmem:s0+$0x10000] =	vst v0;
	s0 =	sand.u32 $0x80, s8  }
0xf0: {  	[tilespmem:s23], [sflag:$0x2] =	stream.strided.gather [hbm4b:s7+s24], $0x4000, s25, s24, $0x38;
	[tilespmem:$0x18000] =	vst v63  }
0xf1: {  	s0 =	sor.u32 s0, s9;
	_ =	swait.ge [sflag:s28], $0x4000  }
0xf2: {  	s1 =	sor.u32 $0x200, s0;
	[sflag:s28] =	ssyncset.done $0x0  }
0xf3: {  	s1 =	sshrl.u32 s1, $0x1;
	[sflag:s28] =	ssyncadd.s32 $0xFFFFC000  }
0xf4: {  	v0 =	vld [tilespmem:s1+$0x8000];
	_ =	sdelay $0x4  }
0xf5: {  	v1 =	vunpack.i.l.s16.s32 v0  }
0xf6: {  	v0 =	vunpack.i.u.s16.s32 v0;
	_ =	sdelay $0x3  }
0xf7: {  	v1 =	vld.idx.msk [tilespmem:v1+s2+$0x0], $0xffff  }
0xf8: {  	v0 =	vld.idx.msk [tilespmem:v0+s2+$0x0], $0xffff;
	_ =	sdelay $0x4  }
0xf9: {  	s0 =	sor.u32 $0x240, s0;
	v0 =	vpack.i.f32.bf16 v0, v1  }
0xfa: {  	s5 =	sshrl.u32 s0, $0x1;
	[tilespmem:s1+$0x10000] =	vst v0  }
0xfb: {  	v0 =	vld [tilespmem:s5+$0x8000];
	_ =	sdelay $0x4  }
0xfc: {  	v1 =	vunpack.i.l.s16.s32 v0  }
0xfd: {  	v2 =	vunpack.i.u.s16.s32 v0;
	_ =	sdelay $0x3  }
0xfe: {  	v0 =	vld.idx.msk [tilespmem:v1+s2+$0x0], $0xffff  }
0xff: {  	v1 =	vld.idx.msk [tilespmem:v2+s2+$0x0], $0xffff  }
0x100: {  	s10 =	simm.s32 $0x80;
	s0 =	simm.s32 $0x400  }
0x101: {  	s7 =	sand.u32 $0x80, s10;
	s6 =	sand.u32 $0xF800, s0;
	s1 =	simm.s32 $0x100  }
.LBB2_12:
0x102: {  	p0 =	sne.s32 s1, $0x1F80  }
0x103: {  	s6 =	sor.u32 s7, s6;
	s7 =	smov.u32 s1;
	s1 =	sadd.s32 $0x80, s1  }
0x104: {  	v0 =	vpack.i.f32.bf16 v1, v0;
	s8 =	sor.u32 $0x200, s6;
	s6 =	sor.u32 $0x240, s6  }
0x105: {  	s8 =	sshrl.u32 s8, $0x1;
	[tilespmem:s5+$0x10000] =	vst v0  }
0x106: {  	v0 =	vld [tilespmem:s8+$0x8000];
	_ =	sdelay $0x4  }
0x107: {  	v1 =	vunpack.i.u.s16.s32 v0;
	v0 =	vunpack.i.l.s16.s32 v0;
	_ =	sdelay $0x4  }
0x108: {  	v0 =	vld.idx.msk [tilespmem:v0+s2+$0x0], $0xffff  }
0x109: {  	v1 =	vld.idx.msk [tilespmem:v1+s2+$0x0], $0xffff;
	_ =	sdelay $0x5  }
0x10a: {  	s5 =	sshrl.u32 s6, $0x1;
	v0 =	vpack.i.f32.bf16 v1, v0  }
0x10b: {  	[tilespmem:s8+$0x10000] =	vst v0  }
0x10c: {  	v0 =	vld [tilespmem:s5+$0x8000];
	_ =	sdelay $0x4  }
0x10d: {  	v1 =	vunpack.i.u.s16.s32 v0;
	v0 =	vunpack.i.l.s16.s32 v0;
	_ =	sdelay $0x4  }
0x10e: {  	v0 =	vld.idx.msk [tilespmem:v0+s2+$0x0], $0xffff  }
.Ltmp5:
0x10f: {  	v1 =	vld.idx.msk [tilespmem:v1+s2+$0x0], $0xffff;
	(pc) =	sbr.rel @p0 .LBB2_12-.Ltmp5, $3  }
0x110: {  	_ =	sdelay $0x1  }
0x111: {  	s0 =	sadd.s32 $0x400, s0  }
0x112: {  	s7 =	sand.u32 $0x80, s7;
	s6 =	sand.u32 $0xF800, s0  }
0x113: {  	s0 =	sor.u32 s7, s6  }
0x114: {  	v0 =	vpack.i.f32.bf16 v1, v0;
	s1 =	sor.u32 $0x200, s0  }
0x115: {  	[tilespmem:s5+$0x10000] =	vst v0;
	s1 =	sshrl.u32 s1, $0x1  }
0x116: {  	v0 =	vld [tilespmem:s1+$0x8000];
	_ =	sdelay $0x4  }
0x117: {  	v1 =	vunpack.i.l.s16.s32 v0  }
0x118: {  	v0 =	vunpack.i.u.s16.s32 v0;
	_ =	sdelay $0x3  }
0x119: {  	v1 =	vld.idx.msk [tilespmem:v1+s2+$0x0], $0xffff  }
0x11a: {  	v0 =	vld.idx.msk [tilespmem:v0+s2+$0x0], $0xffff;
	_ =	sdelay $0x4  }
0x11b: {  	s0 =	sor.u32 $0x240, s0;
	v0 =	vpack.i.f32.bf16 v0, v1  }
0x11c: {  	s0 =	sshrl.u32 s0, $0x1;
	[tilespmem:s1+$0x10000] =	vst v0  }
0x11d: {  	v0 =	vld [tilespmem:s0+$0x8000];
	_ =	sdelay $0x4  }
0x11e: {  	v1 =	vunpack.i.l.s16.s32 v0  }
0x11f: {  	v0 =	vunpack.i.u.s16.s32 v0;
	_ =	sdelay $0x3  }
0x120: {  	v1 =	vld.idx.msk [tilespmem:v1+s2+$0x0], $0xffff  }
0x121: {  	v0 =	vld.idx.msk [tilespmem:v0+s2+$0x0], $0xffff;
	_ =	sdelay $0x4  }
0x122: {  	s7 =	simm.s32 $0x0;
	v0 =	vpack.i.f32.bf16 v0, v1  }
0x123: {  	s8 =	rddreg [dreg:$0x9];
	s9 =	sand.u32 $0xF800, s7;
	[tilespmem:s0+$0x10000] =	vst v0;
	s0 =	sand.u32 $0x80, s7  }
0x124: {  	[tilespmem:s7], [sflag:$0x1] =	stream.strided.gather [hbm4b:s8+s24], $0x4000, s25, s24, $0x38;
	[tilespmem:$0x18000] =	vst v63  }
0x125: {  	s0 =	sor.u32 s0, s9;
	_ =	swait.ge [sflag:s29], $0x4000  }
0x126: {  	s1 =	sor.u32 $0x200, s0;
	[sflag:s29] =	ssyncset.done $0x0  }
0x127: {  	s1 =	sshrl.u32 s1, $0x1;
	[sflag:s29] =	ssyncadd.s32 $0xFFFFC000  }
0x128: {  	v0 =	vld [tilespmem:s1+$0x8000];
	_ =	sdelay $0x4  }
0x129: {  	v1 =	vunpack.i.l.s16.s32 v0  }
0x12a: {  	v0 =	vunpack.i.u.s16.s32 v0;
	_ =	sdelay $0x3  }
0x12b: {  	v1 =	vld.idx.msk [tilespmem:v1+s23+$0x0], $0xffff  }
0x12c: {  	v0 =	vld.idx.msk [tilespmem:v0+s23+$0x0], $0xffff;
	_ =	sdelay $0x4  }
0x12d: {  	s0 =	sor.u32 $0x240, s0;
	v0 =	vpack.i.f32.bf16 v0, v1  }
0x12e: {  	s5 =	sshrl.u32 s0, $0x1;
	[tilespmem:s1+$0x10000] =	vst v0  }
0x12f: {  	v0 =	vld [tilespmem:s5+$0x8000];
	_ =	sdelay $0x4  }
0x130: {  	v1 =	vunpack.i.l.s16.s32 v0  }
0x131: {  	v2 =	vunpack.i.u.s16.s32 v0;
	_ =	sdelay $0x3  }
0x132: {  	v0 =	vld.idx.msk [tilespmem:v1+s23+$0x0], $0xffff  }
0x133: {  	v1 =	vld.idx.msk [tilespmem:v2+s23+$0x0], $0xffff  }
0x134: {  	s10 =	simm.s32 $0x80;
	s0 =	simm.s32 $0x400  }
0x135: {  	s7 =	sand.u32 $0x80, s10;
	s6 =	sand.u32 $0xF800, s0;
	s1 =	simm.s32 $0x100  }
.LBB2_14:
0x136: {  	p0 =	sne.s32 s1, $0x1F80  }
0x137: {  	s6 =	sor.u32 s7, s6;
	s7 =	smov.u32 s1;
	s1 =	sadd.s32 $0x80, s1  }
0x138: {  	v0 =	vpack.i.f32.bf16 v1, v0;
	s8 =	sor.u32 $0x200, s6;
	s6 =	sor.u32 $0x240, s6  }
0x139: {  	s8 =	sshrl.u32 s8, $0x1;
	[tilespmem:s5+$0x10000] =	vst v0  }
0x13a: {  	v0 =	vld [tilespmem:s8+$0x8000];
	_ =	sdelay $0x4  }
0x13b: {  	v1 =	vunpack.i.u.s16.s32 v0;
	v0 =	vunpack.i.l.s16.s32 v0;
	_ =	sdelay $0x4  }
0x13c: {  	v0 =	vld.idx.msk [tilespmem:v0+s23+$0x0], $0xffff  }
0x13d: {  	v1 =	vld.idx.msk [tilespmem:v1+s23+$0x0], $0xffff;
	_ =	sdelay $0x5  }
0x13e: {  	s5 =	sshrl.u32 s6, $0x1;
	v0 =	vpack.i.f32.bf16 v1, v0  }
0x13f: {  	[tilespmem:s8+$0x10000] =	vst v0  }
0x140: {  	v0 =	vld [tilespmem:s5+$0x8000];
	_ =	sdelay $0x4  }
0x141: {  	v1 =	vunpack.i.u.s16.s32 v0;
	v0 =	vunpack.i.l.s16.s32 v0;
	_ =	sdelay $0x4  }
0x142: {  	v0 =	vld.idx.msk [tilespmem:v0+s23+$0x0], $0xffff  }
.Ltmp6:
0x143: {  	v1 =	vld.idx.msk [tilespmem:v1+s23+$0x0], $0xffff;
	(pc) =	sbr.rel @p0 .LBB2_14-.Ltmp6, $3  }
0x144: {  	_ =	sdelay $0x1  }
0x145: {  	s0 =	sadd.s32 $0x400, s0  }
0x146: {  	s7 =	sand.u32 $0x80, s7;
	s6 =	sand.u32 $0xF800, s0  }
0x147: {  	s0 =	sor.u32 s7, s6  }
0x148: {  	v0 =	vpack.i.f32.bf16 v1, v0;
	s1 =	sor.u32 $0x200, s0  }
0x149: {  	[tilespmem:s5+$0x10000] =	vst v0;
	s1 =	sshrl.u32 s1, $0x1  }
0x14a: {  	v0 =	vld [tilespmem:s1+$0x8000];
	_ =	sdelay $0x4  }
0x14b: {  	v1 =	vunpack.i.l.s16.s32 v0  }
0x14c: {  	v0 =	vunpack.i.u.s16.s32 v0;
	_ =	sdelay $0x3  }
0x14d: {  	v1 =	vld.idx.msk [tilespmem:v1+s23+$0x0], $0xffff  }
0x14e: {  	v0 =	vld.idx.msk [tilespmem:v0+s23+$0x0], $0xffff;
	_ =	sdelay $0x4  }
0x14f: {  	s0 =	sor.u32 $0x240, s0;
	v0 =	vpack.i.f32.bf16 v0, v1  }
0x150: {  	s0 =	sshrl.u32 s0, $0x1;
	[tilespmem:s1+$0x10000] =	vst v0  }
0x151: {  	v0 =	vld [tilespmem:s0+$0x8000];
	_ =	sdelay $0x4  }
0x152: {  	v1 =	vunpack.i.l.s16.s32 v0  }
0x153: {  	v0 =	vunpack.i.u.s16.s32 v0;
	_ =	sdelay $0x3  }
0x154: {  	v1 =	vld.idx.msk [tilespmem:v1+s23+$0x0], $0xffff  }
0x155: {  	v0 =	vld.idx.msk [tilespmem:v0+s23+$0x0], $0xffff;
	_ =	sdelay $0x4  }
0x156: {  	s8 =	simm.s32 $0x0;
	v0 =	vpack.i.f32.bf16 v0, v1  }
0x157: {  	s9 =	sand.u32 $0xF800, s8;
	[tilespmem:s0+$0x10000] =	vst v0;
	s0 =	sand.u32 $0x80, s8  }
0x158: {  	[tilespmem:s23], [sflag:$0x2] =	stream.strided.gather [hbm4b:s11+s24], $0x4000, s25, s24, $0x38;
	[tilespmem:$0x18000] =	vst v63  }
0x159: {  	s0 =	sor.u32 s0, s9;
	_ =	swait.ge [sflag:s28], $0x4000  }
0x15a: {  	s1 =	sor.u32 $0x300, s0;
	[sflag:s28] =	ssyncset.done $0x0  }
0x15b: {  	s1 =	sshrl.u32 s1, $0x1;
	[sflag:s28] =	ssyncadd.s32 $0xFFFFC000  }
0x15c: {  	v0 =	vld [tilespmem:s1+$0x8000];
	_ =	sdelay $0x4  }
0x15d: {  	v1 =	vunpack.i.l.s16.s32 v0  }
0x15e: {  	v0 =	vunpack.i.u.s16.s32 v0;
	_ =	sdelay $0x3  }
0x15f: {  	v1 =	vld.idx.msk [tilespmem:v1+s2+$0x0], $0xffff  }
0x160: {  	v0 =	vld.idx.msk [tilespmem:v0+s2+$0x0], $0xffff;
	_ =	sdelay $0x4  }
0x161: {  	s0 =	sor.u32 $0x340, s0;
	v0 =	vpack.i.f32.bf16 v0, v1  }
0x162: {  	s5 =	sshrl.u32 s0, $0x1;
	[tilespmem:s1+$0x10000] =	vst v0  }
0x163: {  	v0 =	vld [tilespmem:s5+$0x8000];
	_ =	sdelay $0x4  }
0x164: {  	v1 =	vunpack.i.l.s16.s32 v0  }
0x165: {  	v2 =	vunpack.i.u.s16.s32 v0;
	_ =	sdelay $0x3  }
0x166: {  	v0 =	vld.idx.msk [tilespmem:v1+s2+$0x0], $0xffff  }
0x167: {  	v1 =	vld.idx.msk [tilespmem:v2+s2+$0x0], $0xffff  }
0x168: {  	s10 =	simm.s32 $0x80;
	s0 =	simm.s32 $0x400  }
0x169: {  	s7 =	sand.u32 $0x80, s10;
	s6 =	sand.u32 $0xF800, s0;
	s1 =	simm.s32 $0x100  }
.LBB2_16:
0x16a: {  	p0 =	sne.s32 s1, $0x1F80  }
0x16b: {  	s6 =	sor.u32 s7, s6;
	s7 =	smov.u32 s1;
	s1 =	sadd.s32 $0x80, s1  }
0x16c: {  	v0 =	vpack.i.f32.bf16 v1, v0;
	s8 =	sor.u32 $0x300, s6;
	s6 =	sor.u32 $0x340, s6  }
0x16d: {  	s8 =	sshrl.u32 s8, $0x1;
	[tilespmem:s5+$0x10000] =	vst v0  }
0x16e: {  	v0 =	vld [tilespmem:s8+$0x8000];
	_ =	sdelay $0x4  }
0x16f: {  	v1 =	vunpack.i.u.s16.s32 v0;
	v0 =	vunpack.i.l.s16.s32 v0;
	_ =	sdelay $0x4  }
0x170: {  	v0 =	vld.idx.msk [tilespmem:v0+s2+$0x0], $0xffff  }
0x171: {  	v1 =	vld.idx.msk [tilespmem:v1+s2+$0x0], $0xffff;
	_ =	sdelay $0x5  }
0x172: {  	s5 =	sshrl.u32 s6, $0x1;
	v0 =	vpack.i.f32.bf16 v1, v0  }
0x173: {  	[tilespmem:s8+$0x10000] =	vst v0  }
0x174: {  	v0 =	vld [tilespmem:s5+$0x8000];
	_ =	sdelay $0x4  }
0x175: {  	v1 =	vunpack.i.u.s16.s32 v0;
	v0 =	vunpack.i.l.s16.s32 v0;
	_ =	sdelay $0x4  }
0x176: {  	v0 =	vld.idx.msk [tilespmem:v0+s2+$0x0], $0xffff  }
.Ltmp7:
0x177: {  	v1 =	vld.idx.msk [tilespmem:v1+s2+$0x0], $0xffff;
	(pc) =	sbr.rel @p0 .LBB2_16-.Ltmp7, $3  }
0x178: {  	_ =	sdelay $0x1  }
0x179: {  	s0 =	sadd.s32 $0x400, s0  }
0x17a: {  	s7 =	sand.u32 $0x80, s7;
	s6 =	sand.u32 $0xF800, s0  }
0x17b: {  	s0 =	sor.u32 s7, s6  }
0x17c: {  	v0 =	vpack.i.f32.bf16 v1, v0;
	s1 =	sor.u32 $0x300, s0  }
0x17d: {  	[tilespmem:s5+$0x10000] =	vst v0;
	s1 =	sshrl.u32 s1, $0x1  }
0x17e: {  	v0 =	vld [tilespmem:s1+$0x8000];
	_ =	sdelay $0x4  }
0x17f: {  	v1 =	vunpack.i.l.s16.s32 v0  }
0x180: {  	v0 =	vunpack.i.u.s16.s32 v0;
	_ =	sdelay $0x3  }
0x181: {  	v1 =	vld.idx.msk [tilespmem:v1+s2+$0x0], $0xffff  }
0x182: {  	v0 =	vld.idx.msk [tilespmem:v0+s2+$0x0], $0xffff;
	_ =	sdelay $0x4  }
0x183: {  	s0 =	sor.u32 $0x340, s0;
	v0 =	vpack.i.f32.bf16 v0, v1  }
0x184: {  	s0 =	sshrl.u32 s0, $0x1;
	[tilespmem:s1+$0x10000] =	vst v0  }
0x185: {  	v0 =	vld [tilespmem:s0+$0x8000];
	_ =	sdelay $0x4  }
0x186: {  	v1 =	vunpack.i.l.s16.s32 v0  }
0x187: {  	v0 =	vunpack.i.u.s16.s32 v0;
	_ =	sdelay $0x3  }
0x188: {  	v1 =	vld.idx.msk [tilespmem:v1+s2+$0x0], $0xffff  }
0x189: {  	v0 =	vld.idx.msk [tilespmem:v0+s2+$0x0], $0xffff;
	_ =	sdelay $0x4  }
0x18a: {  	s8 =	simm.s32 $0x0;
	v0 =	vpack.i.f32.bf16 v0, v1  }
0x18b: {  	s9 =	sand.u32 $0xF800, s8;
	[tilespmem:s0+$0x10000] =	vst v0;
	s0 =	sand.u32 $0x80, s8  }
0x18c: {  	[tilespmem:s8], [sflag:$0x1] =	stream.strided.gather [hbm4b:s12+s24], $0x4000, s25, s24, $0x38;
	[tilespmem:$0x18000] =	vst v63  }
0x18d: {  	s0 =	sor.u32 s0, s9;
	_ =	swait.ge [sflag:s29], $0x4000  }
0x18e: {  	s1 =	sor.u32 $0x300, s0;
	[sflag:s29] =	ssyncset.done $0x0  }
0x18f: {  	s1 =	sshrl.u32 s1, $0x1;
	[sflag:s29] =	ssyncadd.s32 $0xFFFFC000  }
0x190: {  	v0 =	vld [tilespmem:s1+$0x8000];
	_ =	sdelay $0x4  }
0x191: {  	v1 =	vunpack.i.l.s16.s32 v0  }
0x192: {  	v0 =	vunpack.i.u.s16.s32 v0;
	_ =	sdelay $0x3  }
0x193: {  	v1 =	vld.idx.msk [tilespmem:v1+s23+$0x0], $0xffff  }
0x194: {  	v0 =	vld.idx.msk [tilespmem:v0+s23+$0x0], $0xffff;
	_ =	sdelay $0x4  }
0x195: {  	s0 =	sor.u32 $0x340, s0;
	v0 =	vpack.i.f32.bf16 v0, v1  }
0x196: {  	s5 =	sshrl.u32 s0, $0x1;
	[tilespmem:s1+$0x10000] =	vst v0  }
0x197: {  	v0 =	vld [tilespmem:s5+$0x8000];
	_ =	sdelay $0x4  }
0x198: {  	v1 =	vunpack.i.l.s16.s32 v0  }
0x199: {  	v2 =	vunpack.i.u.s16.s32 v0;
	_ =	sdelay $0x3  }
0x19a: {  	v0 =	vld.idx.msk [tilespmem:v1+s23+$0x0], $0xffff  }
0x19b: {  	v1 =	vld.idx.msk [tilespmem:v2+s23+$0x0], $0xffff  }
0x19c: {  	s10 =	simm.s32 $0x80;
	s0 =	simm.s32 $0x400  }
0x19d: {  	s7 =	sand.u32 $0x80, s10;
	s6 =	sand.u32 $0xF800, s0;
	s1 =	simm.s32 $0x100  }
.LBB2_18:
0x19e: {  	p0 =	sne.s32 s1, $0x1F80  }
0x19f: {  	s6 =	sor.u32 s7, s6;
	s7 =	smov.u32 s1;
	s1 =	sadd.s32 $0x80, s1  }
0x1a0: {  	v0 =	vpack.i.f32.bf16 v1, v0;
	s8 =	sor.u32 $0x300, s6;
	s6 =	sor.u32 $0x340, s6  }
0x1a1: {  	s8 =	sshrl.u32 s8, $0x1;
	[tilespmem:s5+$0x10000] =	vst v0  }
0x1a2: {  	v0 =	vld [tilespmem:s8+$0x8000];
	_ =	sdelay $0x4  }
0x1a3: {  	v1 =	vunpack.i.u.s16.s32 v0;
	v0 =	vunpack.i.l.s16.s32 v0;
	_ =	sdelay $0x4  }
0x1a4: {  	v0 =	vld.idx.msk [tilespmem:v0+s23+$0x0], $0xffff  }
0x1a5: {  	v1 =	vld.idx.msk [tilespmem:v1+s23+$0x0], $0xffff;
	_ =	sdelay $0x5  }
0x1a6: {  	s5 =	sshrl.u32 s6, $0x1;
	v0 =	vpack.i.f32.bf16 v1, v0  }
0x1a7: {  	[tilespmem:s8+$0x10000] =	vst v0  }
0x1a8: {  	v0 =	vld [tilespmem:s5+$0x8000];
	_ =	sdelay $0x4  }
0x1a9: {  	v1 =	vunpack.i.u.s16.s32 v0;
	v0 =	vunpack.i.l.s16.s32 v0;
	_ =	sdelay $0x4  }
0x1aa: {  	v0 =	vld.idx.msk [tilespmem:v0+s23+$0x0], $0xffff  }
.Ltmp8:
0x1ab: {  	v1 =	vld.idx.msk [tilespmem:v1+s23+$0x0], $0xffff;
	(pc) =	sbr.rel @p0 .LBB2_18-.Ltmp8, $3  }
0x1ac: {  	_ =	sdelay $0x1  }
0x1ad: {  	s0 =	sadd.s32 $0x400, s0  }
0x1ae: {  	s7 =	sand.u32 $0x80, s7;
	s6 =	sand.u32 $0xF800, s0  }
0x1af: {  	s0 =	sor.u32 s7, s6  }
0x1b0: {  	v0 =	vpack.i.f32.bf16 v1, v0;
	s1 =	sor.u32 $0x300, s0  }
0x1b1: {  	[tilespmem:s5+$0x10000] =	vst v0;
	s1 =	sshrl.u32 s1, $0x1  }
0x1b2: {  	v0 =	vld [tilespmem:s1+$0x8000];
	_ =	sdelay $0x4  }
0x1b3: {  	v1 =	vunpack.i.l.s16.s32 v0  }
0x1b4: {  	v0 =	vunpack.i.u.s16.s32 v0;
	_ =	sdelay $0x3  }
0x1b5: {  	v1 =	vld.idx.msk [tilespmem:v1+s23+$0x0], $0xffff  }
0x1b6: {  	v0 =	vld.idx.msk [tilespmem:v0+s23+$0x0], $0xffff;
	_ =	sdelay $0x4  }
0x1b7: {  	s0 =	sor.u32 $0x340, s0;
	v0 =	vpack.i.f32.bf16 v0, v1  }
0x1b8: {  	s0 =	sshrl.u32 s0, $0x1;
	[tilespmem:s1+$0x10000] =	vst v0  }
0x1b9: {  	v0 =	vld [tilespmem:s0+$0x8000];
	_ =	sdelay $0x4  }
0x1ba: {  	v1 =	vunpack.i.l.s16.s32 v0  }
0x1bb: {  	v0 =	vunpack.i.u.s16.s32 v0;
	_ =	sdelay $0x3  }
0x1bc: {  	v1 =	vld.idx.msk [tilespmem:v1+s23+$0x0], $0xffff  }
0x1bd: {  	v0 =	vld.idx.msk [tilespmem:v0+s23+$0x0], $0xffff;
	_ =	sdelay $0x4  }
0x1be: {  	v0 =	vpack.i.f32.bf16 v0, v1  }
0x1bf: {  	p0 =	por $0x0, $0x0;
	[tilespmem:s0+$0x10000] =	vst v0;
	s0 =	simm.s32 $0x1  }
0x1c0: {  	[tilespmem:s23], [sflag:$0x2] =	stream.strided.gather [hbm4b:s13+s24], $0x4000, s25, s24, $0x38;
	[tilespmem:$0x18000] =	vst v63  }
0x1c1: {  	s0 =	simm.s32 @!p0 $0x0  }
0x1c2: {  	s0 =	sshll.u32 s0, $0x7  }
0x1c3: {  	_ =	swait.ge [sflag:s28], $0x4000;
	s0 =	sadd.s32 $0x0, s0  }
0x1c4: {  	[sflag:s28] =	ssyncset.done $0x0;
	s10 =	sor.u32 $0x400, s0  }
0x1c5: {  	[sflag:s28] =	ssyncadd.s32 $0xFFFFC000;
	s1 =	sshra.s32 s10, $0x1  }
0x1c6: {  	v0 =	vld [tilespmem:s1+$0x8000];
	_ =	sdelay $0x4  }
0x1c7: {  	v1 =	vunpack.i.l.s16.s32 v0  }
0x1c8: {  	v0 =	vunpack.i.u.s16.s32 v0;
	_ =	sdelay $0x3  }
0x1c9: {  	v1 =	vld.idx.msk [tilespmem:v1+s2+$0x0], $0xffff  }
0x1ca: {  	v0 =	vld.idx.msk [tilespmem:v0+s2+$0x0], $0xffff;
	_ =	sdelay $0x4  }
0x1cb: {  	s0 =	sor.u32 $0x440, s0;
	v0 =	vpack.i.f32.bf16 v0, v1  }
0x1cc: {  	s5 =	sshra.s32 s0, $0x1;
	[tilespmem:s1+$0x10000] =	vst v0  }
0x1cd: {  	v0 =	vld [tilespmem:s5+$0x8000];
	_ =	sdelay $0x4  }
0x1ce: {  	v1 =	vunpack.i.l.s16.s32 v0  }
0x1cf: {  	v2 =	vunpack.i.u.s16.s32 v0;
	_ =	sdelay $0x3  }
0x1d0: {  	v0 =	vld.idx.msk [tilespmem:v1+s2+$0x0], $0xffff  }
0x1d1: {  	v1 =	vld.idx.msk [tilespmem:v2+s2+$0x0], $0xffff  }
0x1d2: {  	p0 =	por !p0, !p0;
	s1 =	simm.s32 $0x1  }
0x1d3: {  	s1 =	simm.s32 @!p0 $0x0  }
0x1d4: {  	s0 =	simm.s32 $0x100;
	s6 =	sshll.u32 s1, $0x7;
	s1 =	simm.s32 $0x400  }
.LBB2_20:
0x1d5: {  	p1 =	sne.s32 s0, $0x1F80;
	s0 =	sadd.s32 $0x80, s0;
	s6 =	sadd.s32 s6, s1  }
0x1d6: {  	v0 =	vpack.i.f32.bf16 v1, v0;
	s7 =	sor.u32 $0x400, s6;
	s6 =	sor.u32 $0x440, s6  }
0x1d7: {  	s7 =	sshra.s32 s7, $0x1;
	[tilespmem:s5+$0x10000] =	vst v0  }
0x1d8: {  	v0 =	vld [tilespmem:s7+$0x8000];
	_ =	sdelay $0x4  }
0x1d9: {  	v1 =	vunpack.i.u.s16.s32 v0;
	v0 =	vunpack.i.l.s16.s32 v0;
	_ =	sdelay $0x4  }
0x1da: {  	v0 =	vld.idx.msk [tilespmem:v0+s2+$0x0], $0xffff  }
0x1db: {  	v1 =	vld.idx.msk [tilespmem:v1+s2+$0x0], $0xffff;
	_ =	sdelay $0x5  }
0x1dc: {  	s5 =	sshra.s32 s6, $0x1;
	v0 =	vpack.i.f32.bf16 v1, v0  }
0x1dd: {  	[tilespmem:s7+$0x10000] =	vst v0  }
0x1de: {  	v0 =	vld [tilespmem:s5+$0x8000];
	_ =	sdelay $0x4  }
0x1df: {  	v1 =	vunpack.i.u.s16.s32 v0;
	v0 =	vunpack.i.l.s16.s32 v0;
	_ =	sdelay $0x4  }
0x1e0: {  	v0 =	vld.idx.msk [tilespmem:v0+s2+$0x0], $0xffff  }
.Ltmp9:
0x1e1: {  	v1 =	vld.idx.msk [tilespmem:v1+s2+$0x0], $0xffff;
	(pc) =	sbr.rel @p1 .LBB2_20-.Ltmp9, $4  }
0x1e2: {  	_ = 	snop  }
0x1e3: {  	p0 =	por !p0, !p0;
	s6 =	simm.s32 $0x1  }
0x1e4: {  	s6 =	simm.s32 @!p0 $0x0  }
0x1e5: {  	s1 =	sadd.s32 $0x400, s1;
	s6 =	sshll.u32 s6, $0x7  }
0x1e6: {  	s0 =	sadd.s32 s6, s1  }
0x1e7: {  	v0 =	vpack.i.f32.bf16 v1, v0;
	s1 =	sor.u32 $0x400, s0  }
0x1e8: {  	[tilespmem:s5+$0x10000] =	vst v0;
	s1 =	sshra.s32 s1, $0x1  }
0x1e9: {  	v0 =	vld [tilespmem:s1+$0x8000];
	_ =	sdelay $0x4  }
0x1ea: {  	v1 =	vunpack.i.l.s16.s32 v0  }
0x1eb: {  	v0 =	vunpack.i.u.s16.s32 v0;
	_ =	sdelay $0x3  }
0x1ec: {  	v1 =	vld.idx.msk [tilespmem:v1+s2+$0x0], $0xffff  }
0x1ed: {  	v0 =	vld.idx.msk [tilespmem:v0+s2+$0x0], $0xffff;
	_ =	sdelay $0x4  }
0x1ee: {  	s0 =	sor.u32 $0x440, s0;
	v0 =	vpack.i.f32.bf16 v0, v1  }
0x1ef: {  	s0 =	sshra.s32 s0, $0x1;
	[tilespmem:s1+$0x10000] =	vst v0  }
0x1f0: {  	v0 =	vld [tilespmem:s0+$0x8000];
	_ =	sdelay $0x4  }
0x1f1: {  	v1 =	vunpack.i.l.s16.s32 v0  }
0x1f2: {  	v0 =	vunpack.i.u.s16.s32 v0;
	_ =	sdelay $0x3  }
0x1f3: {  	v1 =	vld.idx.msk [tilespmem:v1+s2+$0x0], $0xffff  }
0x1f4: {  	v0 =	vld.idx.msk [tilespmem:v0+s2+$0x0], $0xffff;
	_ =	sdelay $0x4  }
0x1f5: {  	v0 =	vpack.i.f32.bf16 v0, v1  }
0x1f6: {  	s9 =	simm.s32 $0x0;
	p0 =	por $0x0, $0x0;
	[tilespmem:s0+$0x10000] =	vst v0;
	s0 =	simm.s32 $0x1  }
0x1f7: {  	[tilespmem:s9], [sflag:$0x1] =	stream.strided.gather [hbm4b:s14+s24], $0x4000, s25, s24, $0x38;
	[tilespmem:$0x18000] =	vst v63  }
0x1f8: {  	s0 =	simm.s32 @!p0 $0x0  }
0x1f9: {  	s0 =	sshll.u32 s0, $0x7  }
0x1fa: {  	_ =	swait.ge [sflag:s29], $0x4000;
	s0 =	sadd.s32 $0x0, s0  }
0x1fb: {  	[sflag:s29] =	ssyncset.done $0x0;
	s10 =	sor.u32 $0x400, s0  }
0x1fc: {  	[sflag:s29] =	ssyncadd.s32 $0xFFFFC000;
	s1 =	sshra.s32 s10, $0x1  }
0x1fd: {  	v0 =	vld [tilespmem:s1+$0x8000];
	_ =	sdelay $0x4  }
0x1fe: {  	v1 =	vunpack.i.l.s16.s32 v0  }
0x1ff: {  	v0 =	vunpack.i.u.s16.s32 v0;
	_ =	sdelay $0x3  }
0x200: {  	v1 =	vld.idx.msk [tilespmem:v1+s23+$0x0], $0xffff  }
0x201: {  	v0 =	vld.idx.msk [tilespmem:v0+s23+$0x0], $0xffff;
	_ =	sdelay $0x4  }
0x202: {  	s0 =	sor.u32 $0x440, s0;
	v0 =	vpack.i.f32.bf16 v0, v1  }
0x203: {  	s5 =	sshra.s32 s0, $0x1;
	[tilespmem:s1+$0x10000] =	vst v0  }
0x204: {  	v0 =	vld [tilespmem:s5+$0x8000];
	_ =	sdelay $0x4  }
0x205: {  	v1 =	vunpack.i.l.s16.s32 v0  }
0x206: {  	v2 =	vunpack.i.u.s16.s32 v0;
	_ =	sdelay $0x3  }
0x207: {  	v0 =	vld.idx.msk [tilespmem:v1+s23+$0x0], $0xffff  }
0x208: {  	v1 =	vld.idx.msk [tilespmem:v2+s23+$0x0], $0xffff  }
0x209: {  	p0 =	por !p0, !p0;
	s1 =	simm.s32 $0x1  }
0x20a: {  	s1 =	simm.s32 @!p0 $0x0  }
0x20b: {  	s0 =	simm.s32 $0x100;
	s6 =	sshll.u32 s1, $0x7;
	s1 =	simm.s32 $0x400  }
.LBB2_22:
0x20c: {  	p1 =	sne.s32 s0, $0x1F80;
	s0 =	sadd.s32 $0x80, s0;
	s6 =	sadd.s32 s6, s1  }
0x20d: {  	v0 =	vpack.i.f32.bf16 v1, v0;
	s7 =	sor.u32 $0x400, s6;
	s6 =	sor.u32 $0x440, s6  }
0x20e: {  	s7 =	sshra.s32 s7, $0x1;
	[tilespmem:s5+$0x10000] =	vst v0  }
0x20f: {  	v0 =	vld [tilespmem:s7+$0x8000];
	_ =	sdelay $0x4  }
0x210: {  	v1 =	vunpack.i.u.s16.s32 v0;
	v0 =	vunpack.i.l.s16.s32 v0;
	_ =	sdelay $0x4  }
0x211: {  	v0 =	vld.idx.msk [tilespmem:v0+s23+$0x0], $0xffff  }
0x212: {  	v1 =	vld.idx.msk [tilespmem:v1+s23+$0x0], $0xffff;
	_ =	sdelay $0x5  }
0x213: {  	s5 =	sshra.s32 s6, $0x1;
	v0 =	vpack.i.f32.bf16 v1, v0  }
0x214: {  	[tilespmem:s7+$0x10000] =	vst v0  }
0x215: {  	v0 =	vld [tilespmem:s5+$0x8000];
	_ =	sdelay $0x4  }
0x216: {  	v1 =	vunpack.i.u.s16.s32 v0;
	v0 =	vunpack.i.l.s16.s32 v0;
	_ =	sdelay $0x4  }
0x217: {  	v0 =	vld.idx.msk [tilespmem:v0+s23+$0x0], $0xffff  }
.Ltmp10:
0x218: {  	v1 =	vld.idx.msk [tilespmem:v1+s23+$0x0], $0xffff;
	(pc) =	sbr.rel @p1 .LBB2_22-.Ltmp10, $4  }
0x219: {  	_ = 	snop  }
0x21a: {  	p0 =	por !p0, !p0;
	s6 =	simm.s32 $0x1  }
0x21b: {  	s6 =	simm.s32 @!p0 $0x0  }
0x21c: {  	s1 =	sadd.s32 $0x400, s1;
	s6 =	sshll.u32 s6, $0x7  }
0x21d: {  	s0 =	sadd.s32 s6, s1  }
0x21e: {  	v0 =	vpack.i.f32.bf16 v1, v0;
	s1 =	sor.u32 $0x400, s0  }
0x21f: {  	[tilespmem:s5+$0x10000] =	vst v0;
	s1 =	sshra.s32 s1, $0x1  }
0x220: {  	v0 =	vld [tilespmem:s1+$0x8000];
	_ =	sdelay $0x4  }
0x221: {  	v1 =	vunpack.i.l.s16.s32 v0  }
0x222: {  	v0 =	vunpack.i.u.s16.s32 v0;
	_ =	sdelay $0x3  }
0x223: {  	v1 =	vld.idx.msk [tilespmem:v1+s23+$0x0], $0xffff  }
0x224: {  	v0 =	vld.idx.msk [tilespmem:v0+s23+$0x0], $0xffff;
	_ =	sdelay $0x4  }
0x225: {  	s0 =	sor.u32 $0x440, s0;
	v0 =	vpack.i.f32.bf16 v0, v1  }
0x226: {  	s0 =	sshra.s32 s0, $0x1;
	[tilespmem:s1+$0x10000] =	vst v0  }
0x227: {  	v0 =	vld [tilespmem:s0+$0x8000];
	_ =	sdelay $0x4  }
0x228: {  	v1 =	vunpack.i.l.s16.s32 v0  }
0x229: {  	v0 =	vunpack.i.u.s16.s32 v0;
	_ =	sdelay $0x3  }
0x22a: {  	v1 =	vld.idx.msk [tilespmem:v1+s23+$0x0], $0xffff  }
0x22b: {  	v0 =	vld.idx.msk [tilespmem:v0+s23+$0x0], $0xffff;
	_ =	sdelay $0x4  }
0x22c: {  	v0 =	vpack.i.f32.bf16 v0, v1  }
0x22d: {  	p0 =	por $0x0, $0x0;
	[tilespmem:s0+$0x10000] =	vst v0;
	s0 =	simm.s32 $0x1  }
0x22e: {  	[tilespmem:s23], [sflag:$0x2] =	stream.strided.gather [hbm4b:s15+s24], $0x4000, s25, s24, $0x38;
	[tilespmem:$0x18000] =	vst v63  }
0x22f: {  	s0 =	simm.s32 @!p0 $0x0  }
0x230: {  	s0 =	sshll.u32 s0, $0x7  }
0x231: {  	_ =	swait.ge [sflag:s28], $0x4000;
	s0 =	sadd.s32 $0x0, s0  }
0x232: {  	[sflag:s28] =	ssyncset.done $0x0;
	s10 =	sor.u32 $0x500, s0  }
0x233: {  	[sflag:s28] =	ssyncadd.s32 $0xFFFFC000;
	s1 =	sshra.s32 s10, $0x1  }
0x234: {  	v0 =	vld [tilespmem:s1+$0x8000];
	_ =	sdelay $0x4  }
0x235: {  	v1 =	vunpack.i.l.s16.s32 v0  }
0x236: {  	v0 =	vunpack.i.u.s16.s32 v0;
	_ =	sdelay $0x3  }
0x237: {  	v1 =	vld.idx.msk [tilespmem:v1+s2+$0x0], $0xffff  }
0x238: {  	v0 =	vld.idx.msk [tilespmem:v0+s2+$0x0], $0xffff;
	_ =	sdelay $0x4  }
0x239: {  	s0 =	sor.u32 $0x540, s0;
	v0 =	vpack.i.f32.bf16 v0, v1  }
0x23a: {  	s5 =	sshra.s32 s0, $0x1;
	[tilespmem:s1+$0x10000] =	vst v0  }
0x23b: {  	v0 =	vld [tilespmem:s5+$0x8000];
	_ =	sdelay $0x4  }
0x23c: {  	v1 =	vunpack.i.l.s16.s32 v0  }
0x23d: {  	v2 =	vunpack.i.u.s16.s32 v0;
	_ =	sdelay $0x3  }
0x23e: {  	v0 =	vld.idx.msk [tilespmem:v1+s2+$0x0], $0xffff  }
0x23f: {  	v1 =	vld.idx.msk [tilespmem:v2+s2+$0x0], $0xffff  }
0x240: {  	p0 =	por !p0, !p0;
	s1 =	simm.s32 $0x1  }
0x241: {  	s1 =	simm.s32 @!p0 $0x0  }
0x242: {  	s0 =	simm.s32 $0x100;
	s6 =	sshll.u32 s1, $0x7;
	s1 =	simm.s32 $0x400  }
.LBB2_24:
0x243: {  	p1 =	sne.s32 s0, $0x1F80;
	s0 =	sadd.s32 $0x80, s0;
	s6 =	sadd.s32 s6, s1  }
0x244: {  	v0 =	vpack.i.f32.bf16 v1, v0;
	s7 =	sor.u32 $0x500, s6;
	s6 =	sor.u32 $0x540, s6  }
0x245: {  	s7 =	sshra.s32 s7, $0x1;
	[tilespmem:s5+$0x10000] =	vst v0  }
0x246: {  	v0 =	vld [tilespmem:s7+$0x8000];
	_ =	sdelay $0x4  }
0x247: {  	v1 =	vunpack.i.u.s16.s32 v0;
	v0 =	vunpack.i.l.s16.s32 v0;
	_ =	sdelay $0x4  }
0x248: {  	v0 =	vld.idx.msk [tilespmem:v0+s2+$0x0], $0xffff  }
0x249: {  	v1 =	vld.idx.msk [tilespmem:v1+s2+$0x0], $0xffff;
	_ =	sdelay $0x5  }
0x24a: {  	s5 =	sshra.s32 s6, $0x1;
	v0 =	vpack.i.f32.bf16 v1, v0  }
0x24b: {  	[tilespmem:s7+$0x10000] =	vst v0  }
0x24c: {  	v0 =	vld [tilespmem:s5+$0x8000];
	_ =	sdelay $0x4  }
0x24d: {  	v1 =	vunpack.i.u.s16.s32 v0;
	v0 =	vunpack.i.l.s16.s32 v0;
	_ =	sdelay $0x4  }
0x24e: {  	v0 =	vld.idx.msk [tilespmem:v0+s2+$0x0], $0xffff  }
.Ltmp11:
0x24f: {  	v1 =	vld.idx.msk [tilespmem:v1+s2+$0x0], $0xffff;
	(pc) =	sbr.rel @p1 .LBB2_24-.Ltmp11, $4  }
0x250: {  	_ = 	snop  }
0x251: {  	p0 =	por !p0, !p0;
	s6 =	simm.s32 $0x1  }
0x252: {  	s6 =	simm.s32 @!p0 $0x0  }
0x253: {  	s1 =	sadd.s32 $0x400, s1;
	s6 =	sshll.u32 s6, $0x7  }
0x254: {  	s0 =	sadd.s32 s6, s1  }
0x255: {  	v0 =	vpack.i.f32.bf16 v1, v0;
	s1 =	sor.u32 $0x500, s0  }
0x256: {  	[tilespmem:s5+$0x10000] =	vst v0;
	s1 =	sshra.s32 s1, $0x1  }
0x257: {  	v0 =	vld [tilespmem:s1+$0x8000];
	_ =	sdelay $0x4  }
0x258: {  	v1 =	vunpack.i.l.s16.s32 v0  }
0x259: {  	v0 =	vunpack.i.u.s16.s32 v0;
	_ =	sdelay $0x3  }
0x25a: {  	v1 =	vld.idx.msk [tilespmem:v1+s2+$0x0], $0xffff  }
0x25b: {  	v0 =	vld.idx.msk [tilespmem:v0+s2+$0x0], $0xffff;
	_ =	sdelay $0x4  }
0x25c: {  	s0 =	sor.u32 $0x540, s0;
	v0 =	vpack.i.f32.bf16 v0, v1  }
0x25d: {  	s0 =	sshra.s32 s0, $0x1;
	[tilespmem:s1+$0x10000] =	vst v0  }
0x25e: {  	v0 =	vld [tilespmem:s0+$0x8000];
	_ =	sdelay $0x4  }
0x25f: {  	v1 =	vunpack.i.l.s16.s32 v0  }
0x260: {  	v0 =	vunpack.i.u.s16.s32 v0;
	_ =	sdelay $0x3  }
0x261: {  	v1 =	vld.idx.msk [tilespmem:v1+s2+$0x0], $0xffff  }
0x262: {  	v0 =	vld.idx.msk [tilespmem:v0+s2+$0x0], $0xffff;
	_ =	sdelay $0x4  }
0x263: {  	v0 =	vpack.i.f32.bf16 v0, v1  }
0x264: {  	s9 =	simm.s32 $0x0;
	p0 =	por $0x0, $0x0;
	[tilespmem:s0+$0x10000] =	vst v0;
	s0 =	simm.s32 $0x1  }
0x265: {  	[tilespmem:s9], [sflag:$0x1] =	stream.strided.gather [hbm4b:s16+s24], $0x4000, s25, s24, $0x38;
	[tilespmem:$0x18000] =	vst v63  }
0x266: {  	s0 =	simm.s32 @!p0 $0x0  }
0x267: {  	s0 =	sshll.u32 s0, $0x7  }
0x268: {  	_ =	swait.ge [sflag:s29], $0x4000;
	s0 =	sadd.s32 $0x0, s0  }
0x269: {  	[sflag:s29] =	ssyncset.done $0x0;
	s10 =	sor.u32 $0x500, s0  }
0x26a: {  	[sflag:s29] =	ssyncadd.s32 $0xFFFFC000;
	s1 =	sshra.s32 s10, $0x1  }
0x26b: {  	v0 =	vld [tilespmem:s1+$0x8000];
	_ =	sdelay $0x4  }
0x26c: {  	v1 =	vunpack.i.l.s16.s32 v0  }
0x26d: {  	v0 =	vunpack.i.u.s16.s32 v0;
	_ =	sdelay $0x3  }
0x26e: {  	v1 =	vld.idx.msk [tilespmem:v1+s23+$0x0], $0xffff  }
0x26f: {  	v0 =	vld.idx.msk [tilespmem:v0+s23+$0x0], $0xffff;
	_ =	sdelay $0x4  }
0x270: {  	s0 =	sor.u32 $0x540, s0;
	v0 =	vpack.i.f32.bf16 v0, v1  }
0x271: {  	s5 =	sshra.s32 s0, $0x1;
	[tilespmem:s1+$0x10000] =	vst v0  }
0x272: {  	v0 =	vld [tilespmem:s5+$0x8000];
	_ =	sdelay $0x4  }
0x273: {  	v1 =	vunpack.i.l.s16.s32 v0  }
0x274: {  	v2 =	vunpack.i.u.s16.s32 v0;
	_ =	sdelay $0x3  }
0x275: {  	v0 =	vld.idx.msk [tilespmem:v1+s23+$0x0], $0xffff  }
0x276: {  	v1 =	vld.idx.msk [tilespmem:v2+s23+$0x0], $0xffff  }
0x277: {  	p0 =	por !p0, !p0;
	s1 =	simm.s32 $0x1  }
0x278: {  	s1 =	simm.s32 @!p0 $0x0  }
0x279: {  	s0 =	simm.s32 $0x100;
	s6 =	sshll.u32 s1, $0x7;
	s1 =	simm.s32 $0x400  }
.LBB2_26:
0x27a: {  	p1 =	sne.s32 s0, $0x1F80;
	s0 =	sadd.s32 $0x80, s0;
	s6 =	sadd.s32 s6, s1  }
0x27b: {  	v0 =	vpack.i.f32.bf16 v1, v0;
	s7 =	sor.u32 $0x500, s6;
	s6 =	sor.u32 $0x540, s6  }
0x27c: {  	s7 =	sshra.s32 s7, $0x1;
	[tilespmem:s5+$0x10000] =	vst v0  }
0x27d: {  	v0 =	vld [tilespmem:s7+$0x8000];
	_ =	sdelay $0x4  }
0x27e: {  	v1 =	vunpack.i.u.s16.s32 v0;
	v0 =	vunpack.i.l.s16.s32 v0;
	_ =	sdelay $0x4  }
0x27f: {  	v0 =	vld.idx.msk [tilespmem:v0+s23+$0x0], $0xffff  }
0x280: {  	v1 =	vld.idx.msk [tilespmem:v1+s23+$0x0], $0xffff;
	_ =	sdelay $0x5  }
0x281: {  	s5 =	sshra.s32 s6, $0x1;
	v0 =	vpack.i.f32.bf16 v1, v0  }
0x282: {  	[tilespmem:s7+$0x10000] =	vst v0  }
0x283: {  	v0 =	vld [tilespmem:s5+$0x8000];
	_ =	sdelay $0x4  }
0x284: {  	v1 =	vunpack.i.u.s16.s32 v0;
	v0 =	vunpack.i.l.s16.s32 v0;
	_ =	sdelay $0x4  }
0x285: {  	v0 =	vld.idx.msk [tilespmem:v0+s23+$0x0], $0xffff  }
.Ltmp12:
0x286: {  	v1 =	vld.idx.msk [tilespmem:v1+s23+$0x0], $0xffff;
	(pc) =	sbr.rel @p1 .LBB2_26-.Ltmp12, $4  }
0x287: {  	_ = 	snop  }
0x288: {  	p0 =	por !p0, !p0;
	s6 =	simm.s32 $0x1  }
0x289: {  	s6 =	simm.s32 @!p0 $0x0  }
0x28a: {  	s1 =	sadd.s32 $0x400, s1;
	s6 =	sshll.u32 s6, $0x7  }
0x28b: {  	s0 =	sadd.s32 s6, s1  }
0x28c: {  	v0 =	vpack.i.f32.bf16 v1, v0;
	s1 =	sor.u32 $0x500, s0  }
0x28d: {  	[tilespmem:s5+$0x10000] =	vst v0;
	s1 =	sshra.s32 s1, $0x1  }
0x28e: {  	v0 =	vld [tilespmem:s1+$0x8000];
	_ =	sdelay $0x4  }
0x28f: {  	v1 =	vunpack.i.l.s16.s32 v0  }
0x290: {  	v0 =	vunpack.i.u.s16.s32 v0;
	_ =	sdelay $0x3  }
0x291: {  	v1 =	vld.idx.msk [tilespmem:v1+s23+$0x0], $0xffff  }
0x292: {  	v0 =	vld.idx.msk [tilespmem:v0+s23+$0x0], $0xffff;
	_ =	sdelay $0x4  }
0x293: {  	s0 =	sor.u32 $0x540, s0;
	v0 =	vpack.i.f32.bf16 v0, v1  }
0x294: {  	s0 =	sshra.s32 s0, $0x1;
	[tilespmem:s1+$0x10000] =	vst v0  }
0x295: {  	v0 =	vld [tilespmem:s0+$0x8000];
	_ =	sdelay $0x4  }
0x296: {  	v1 =	vunpack.i.l.s16.s32 v0  }
0x297: {  	v0 =	vunpack.i.u.s16.s32 v0;
	_ =	sdelay $0x3  }
0x298: {  	v1 =	vld.idx.msk [tilespmem:v1+s23+$0x0], $0xffff  }
0x299: {  	v0 =	vld.idx.msk [tilespmem:v0+s23+$0x0], $0xffff;
	_ =	sdelay $0x4  }
0x29a: {  	v0 =	vpack.i.f32.bf16 v0, v1  }
0x29b: {  	p0 =	por $0x0, $0x0;
	[tilespmem:s0+$0x10000] =	vst v0;
	s0 =	simm.s32 $0x1  }
0x29c: {  	[tilespmem:s23], [sflag:$0x2] =	stream.strided.gather [hbm4b:s17+s24], $0x4000, s25, s24, $0x38;
	[tilespmem:$0x18000] =	vst v63  }
0x29d: {  	s0 =	simm.s32 @!p0 $0x0  }
0x29e: {  	s0 =	sshll.u32 s0, $0x7  }
0x29f: {  	_ =	swait.ge [sflag:s28], $0x4000;
	s0 =	sadd.s32 $0x0, s0  }
0x2a0: {  	[sflag:s28] =	ssyncset.done $0x0;
	s10 =	sor.u32 $0x600, s0  }
0x2a1: {  	[sflag:s28] =	ssyncadd.s32 $0xFFFFC000;
	s1 =	sshra.s32 s10, $0x1  }
0x2a2: {  	v0 =	vld [tilespmem:s1+$0x8000];
	_ =	sdelay $0x4  }
0x2a3: {  	v1 =	vunpack.i.l.s16.s32 v0  }
0x2a4: {  	v0 =	vunpack.i.u.s16.s32 v0;
	_ =	sdelay $0x3  }
0x2a5: {  	v1 =	vld.idx.msk [tilespmem:v1+s2+$0x0], $0xffff  }
0x2a6: {  	v0 =	vld.idx.msk [tilespmem:v0+s2+$0x0], $0xffff;
	_ =	sdelay $0x4  }
0x2a7: {  	s0 =	sor.u32 $0x640, s0;
	v0 =	vpack.i.f32.bf16 v0, v1  }
0x2a8: {  	s5 =	sshra.s32 s0, $0x1;
	[tilespmem:s1+$0x10000] =	vst v0  }
0x2a9: {  	v0 =	vld [tilespmem:s5+$0x8000];
	_ =	sdelay $0x4  }
0x2aa: {  	v1 =	vunpack.i.l.s16.s32 v0  }
0x2ab: {  	v2 =	vunpack.i.u.s16.s32 v0;
	_ =	sdelay $0x3  }
0x2ac: {  	v0 =	vld.idx.msk [tilespmem:v1+s2+$0x0], $0xffff  }
0x2ad: {  	v1 =	vld.idx.msk [tilespmem:v2+s2+$0x0], $0xffff  }
0x2ae: {  	p0 =	por !p0, !p0;
	s1 =	simm.s32 $0x1  }
0x2af: {  	s1 =	simm.s32 @!p0 $0x0  }
0x2b0: {  	s0 =	simm.s32 $0x100;
	s6 =	sshll.u32 s1, $0x7;
	s1 =	simm.s32 $0x400  }
.LBB2_28:
0x2b1: {  	p1 =	sne.s32 s0, $0x1F80;
	s0 =	sadd.s32 $0x80, s0;
	s6 =	sadd.s32 s6, s1  }
0x2b2: {  	v0 =	vpack.i.f32.bf16 v1, v0;
	s7 =	sor.u32 $0x600, s6;
	s6 =	sor.u32 $0x640, s6  }
0x2b3: {  	s7 =	sshra.s32 s7, $0x1;
	[tilespmem:s5+$0x10000] =	vst v0  }
0x2b4: {  	v0 =	vld [tilespmem:s7+$0x8000];
	_ =	sdelay $0x4  }
0x2b5: {  	v1 =	vunpack.i.u.s16.s32 v0;
	v0 =	vunpack.i.l.s16.s32 v0;
	_ =	sdelay $0x4  }
0x2b6: {  	v0 =	vld.idx.msk [tilespmem:v0+s2+$0x0], $0xffff  }
0x2b7: {  	v1 =	vld.idx.msk [tilespmem:v1+s2+$0x0], $0xffff;
	_ =	sdelay $0x5  }
0x2b8: {  	s5 =	sshra.s32 s6, $0x1;
	v0 =	vpack.i.f32.bf16 v1, v0  }
0x2b9: {  	[tilespmem:s7+$0x10000] =	vst v0  }
0x2ba: {  	v0 =	vld [tilespmem:s5+$0x8000];
	_ =	sdelay $0x4  }
0x2bb: {  	v1 =	vunpack.i.u.s16.s32 v0;
	v0 =	vunpack.i.l.s16.s32 v0;
	_ =	sdelay $0x4  }
0x2bc: {  	v0 =	vld.idx.msk [tilespmem:v0+s2+$0x0], $0xffff  }
.Ltmp13:
0x2bd: {  	v1 =	vld.idx.msk [tilespmem:v1+s2+$0x0], $0xffff;
	(pc) =	sbr.rel @p1 .LBB2_28-.Ltmp13, $4  }
0x2be: {  	_ = 	snop  }
0x2bf: {  	p0 =	por !p0, !p0;
	s6 =	simm.s32 $0x1  }
0x2c0: {  	s6 =	simm.s32 @!p0 $0x0  }
0x2c1: {  	s1 =	sadd.s32 $0x400, s1;
	s6 =	sshll.u32 s6, $0x7  }
0x2c2: {  	s0 =	sadd.s32 s6, s1  }
0x2c3: {  	v0 =	vpack.i.f32.bf16 v1, v0;
	s1 =	sor.u32 $0x600, s0  }
0x2c4: {  	[tilespmem:s5+$0x10000] =	vst v0;
	s1 =	sshra.s32 s1, $0x1  }
0x2c5: {  	v0 =	vld [tilespmem:s1+$0x8000];
	_ =	sdelay $0x4  }
0x2c6: {  	v1 =	vunpack.i.l.s16.s32 v0  }
0x2c7: {  	v0 =	vunpack.i.u.s16.s32 v0;
	_ =	sdelay $0x3  }
0x2c8: {  	v1 =	vld.idx.msk [tilespmem:v1+s2+$0x0], $0xffff  }
0x2c9: {  	v0 =	vld.idx.msk [tilespmem:v0+s2+$0x0], $0xffff;
	_ =	sdelay $0x4  }
0x2ca: {  	s0 =	sor.u32 $0x640, s0;
	v0 =	vpack.i.f32.bf16 v0, v1  }
0x2cb: {  	s0 =	sshra.s32 s0, $0x1;
	[tilespmem:s1+$0x10000] =	vst v0  }
0x2cc: {  	v0 =	vld [tilespmem:s0+$0x8000];
	_ =	sdelay $0x4  }
0x2cd: {  	v1 =	vunpack.i.l.s16.s32 v0  }
0x2ce: {  	v0 =	vunpack.i.u.s16.s32 v0;
	_ =	sdelay $0x3  }
0x2cf: {  	v1 =	vld.idx.msk [tilespmem:v1+s2+$0x0], $0xffff  }
0x2d0: {  	v0 =	vld.idx.msk [tilespmem:v0+s2+$0x0], $0xffff;
	_ =	sdelay $0x4  }
0x2d1: {  	v0 =	vpack.i.f32.bf16 v0, v1  }
0x2d2: {  	s9 =	simm.s32 $0x0;
	p0 =	por $0x0, $0x0;
	[tilespmem:s0+$0x10000] =	vst v0;
	s0 =	simm.s32 $0x1  }
0x2d3: {  	[tilespmem:s9], [sflag:$0x1] =	stream.strided.gather [hbm4b:s18+s24], $0x4000, s25, s24, $0x38;
	[tilespmem:$0x18000] =	vst v63  }
0x2d4: {  	s0 =	simm.s32 @!p0 $0x0  }
0x2d5: {  	s0 =	sshll.u32 s0, $0x7  }
0x2d6: {  	_ =	swait.ge [sflag:s29], $0x4000;
	s0 =	sadd.s32 $0x0, s0  }
0x2d7: {  	[sflag:s29] =	ssyncset.done $0x0;
	s10 =	sor.u32 $0x600, s0  }
0x2d8: {  	[sflag:s29] =	ssyncadd.s32 $0xFFFFC000;
	s1 =	sshra.s32 s10, $0x1  }
0x2d9: {  	v0 =	vld [tilespmem:s1+$0x8000];
	_ =	sdelay $0x4  }
0x2da: {  	v1 =	vunpack.i.l.s16.s32 v0  }
0x2db: {  	v0 =	vunpack.i.u.s16.s32 v0;
	_ =	sdelay $0x3  }
0x2dc: {  	v1 =	vld.idx.msk [tilespmem:v1+s23+$0x0], $0xffff  }
0x2dd: {  	v0 =	vld.idx.msk [tilespmem:v0+s23+$0x0], $0xffff;
	_ =	sdelay $0x4  }
0x2de: {  	s0 =	sor.u32 $0x640, s0;
	v0 =	vpack.i.f32.bf16 v0, v1  }
0x2df: {  	s5 =	sshra.s32 s0, $0x1;
	[tilespmem:s1+$0x10000] =	vst v0  }
0x2e0: {  	v0 =	vld [tilespmem:s5+$0x8000];
	_ =	sdelay $0x4  }
0x2e1: {  	v1 =	vunpack.i.l.s16.s32 v0  }
0x2e2: {  	v2 =	vunpack.i.u.s16.s32 v0;
	_ =	sdelay $0x3  }
0x2e3: {  	v0 =	vld.idx.msk [tilespmem:v1+s23+$0x0], $0xffff  }
0x2e4: {  	v1 =	vld.idx.msk [tilespmem:v2+s23+$0x0], $0xffff  }
0x2e5: {  	p0 =	por !p0, !p0;
	s1 =	simm.s32 $0x1  }
0x2e6: {  	s1 =	simm.s32 @!p0 $0x0  }
0x2e7: {  	s0 =	simm.s32 $0x100;
	s6 =	sshll.u32 s1, $0x7;
	s1 =	simm.s32 $0x400  }
.LBB2_30:
0x2e8: {  	p1 =	sne.s32 s0, $0x1F80;
	s0 =	sadd.s32 $0x80, s0;
	s6 =	sadd.s32 s6, s1  }
0x2e9: {  	v0 =	vpack.i.f32.bf16 v1, v0;
	s7 =	sor.u32 $0x600, s6;
	s6 =	sor.u32 $0x640, s6  }
0x2ea: {  	s7 =	sshra.s32 s7, $0x1;
	[tilespmem:s5+$0x10000] =	vst v0  }
0x2eb: {  	v0 =	vld [tilespmem:s7+$0x8000];
	_ =	sdelay $0x4  }
0x2ec: {  	v1 =	vunpack.i.u.s16.s32 v0;
	v0 =	vunpack.i.l.s16.s32 v0;
	_ =	sdelay $0x4  }
0x2ed: {  	v0 =	vld.idx.msk [tilespmem:v0+s23+$0x0], $0xffff  }
0x2ee: {  	v1 =	vld.idx.msk [tilespmem:v1+s23+$0x0], $0xffff;
	_ =	sdelay $0x5  }
0x2ef: {  	s5 =	sshra.s32 s6, $0x1;
	v0 =	vpack.i.f32.bf16 v1, v0  }
0x2f0: {  	[tilespmem:s7+$0x10000] =	vst v0  }
0x2f1: {  	v0 =	vld [tilespmem:s5+$0x8000];
	_ =	sdelay $0x4  }
0x2f2: {  	v1 =	vunpack.i.u.s16.s32 v0;
	v0 =	vunpack.i.l.s16.s32 v0;
	_ =	sdelay $0x4  }
0x2f3: {  	v0 =	vld.idx.msk [tilespmem:v0+s23+$0x0], $0xffff  }
.Ltmp14:
0x2f4: {  	v1 =	vld.idx.msk [tilespmem:v1+s23+$0x0], $0xffff;
	(pc) =	sbr.rel @p1 .LBB2_30-.Ltmp14, $4  }
0x2f5: {  	_ = 	snop  }
0x2f6: {  	p0 =	por !p0, !p0;
	s6 =	simm.s32 $0x1  }
0x2f7: {  	s6 =	simm.s32 @!p0 $0x0  }
0x2f8: {  	s1 =	sadd.s32 $0x400, s1;
	s6 =	sshll.u32 s6, $0x7  }
0x2f9: {  	s0 =	sadd.s32 s6, s1  }
0x2fa: {  	v0 =	vpack.i.f32.bf16 v1, v0;
	s1 =	sor.u32 $0x600, s0  }
0x2fb: {  	[tilespmem:s5+$0x10000] =	vst v0;
	s1 =	sshra.s32 s1, $0x1  }
0x2fc: {  	v0 =	vld [tilespmem:s1+$0x8000];
	_ =	sdelay $0x4  }
0x2fd: {  	v1 =	vunpack.i.l.s16.s32 v0  }
0x2fe: {  	v0 =	vunpack.i.u.s16.s32 v0;
	_ =	sdelay $0x3  }
0x2ff: {  	v1 =	vld.idx.msk [tilespmem:v1+s23+$0x0], $0xffff  }
0x300: {  	v0 =	vld.idx.msk [tilespmem:v0+s23+$0x0], $0xffff;
	_ =	sdelay $0x4  }
0x301: {  	s0 =	sor.u32 $0x640, s0;
	v0 =	vpack.i.f32.bf16 v0, v1  }
0x302: {  	s0 =	sshra.s32 s0, $0x1;
	[tilespmem:s1+$0x10000] =	vst v0  }
0x303: {  	v0 =	vld [tilespmem:s0+$0x8000];
	_ =	sdelay $0x4  }
0x304: {  	v1 =	vunpack.i.l.s16.s32 v0  }
0x305: {  	v0 =	vunpack.i.u.s16.s32 v0;
	_ =	sdelay $0x3  }
0x306: {  	v1 =	vld.idx.msk [tilespmem:v1+s23+$0x0], $0xffff  }
0x307: {  	v0 =	vld.idx.msk [tilespmem:v0+s23+$0x0], $0xffff;
	_ =	sdelay $0x4  }
0x308: {  	v0 =	vpack.i.f32.bf16 v0, v1  }
0x309: {  	p0 =	por $0x0, $0x0;
	[tilespmem:s0+$0x10000] =	vst v0;
	s0 =	simm.s32 $0x1  }
0x30a: {  	[tilespmem:s23], [sflag:$0x2] =	stream.strided.gather [hbm4b:s19+s24], $0x4000, s25, s24, $0x38;
	[tilespmem:$0x18000] =	vst v63  }
0x30b: {  	s0 =	simm.s32 @!p0 $0x0  }
0x30c: {  	s0 =	sshll.u32 s0, $0x7  }
0x30d: {  	_ =	swait.ge [sflag:s28], $0x4000;
	s0 =	sadd.s32 $0x0, s0  }
0x30e: {  	[sflag:s28] =	ssyncset.done $0x0;
	s10 =	sor.u32 $0x700, s0  }
0x30f: {  	[sflag:s28] =	ssyncadd.s32 $0xFFFFC000;
	s1 =	sshra.s32 s10, $0x1  }
0x310: {  	v0 =	vld [tilespmem:s1+$0x8000];
	_ =	sdelay $0x4  }
0x311: {  	v1 =	vunpack.i.l.s16.s32 v0  }
0x312: {  	v0 =	vunpack.i.u.s16.s32 v0;
	_ =	sdelay $0x3  }
0x313: {  	v1 =	vld.idx.msk [tilespmem:v1+s2+$0x0], $0xffff  }
0x314: {  	v0 =	vld.idx.msk [tilespmem:v0+s2+$0x0], $0xffff;
	_ =	sdelay $0x4  }
0x315: {  	s0 =	sor.u32 $0x740, s0;
	v0 =	vpack.i.f32.bf16 v0, v1  }
0x316: {  	s5 =	sshra.s32 s0, $0x1;
	[tilespmem:s1+$0x10000] =	vst v0  }
0x317: {  	v0 =	vld [tilespmem:s5+$0x8000];
	_ =	sdelay $0x4  }
0x318: {  	v1 =	vunpack.i.l.s16.s32 v0  }
0x319: {  	v2 =	vunpack.i.u.s16.s32 v0;
	_ =	sdelay $0x3  }
0x31a: {  	v0 =	vld.idx.msk [tilespmem:v1+s2+$0x0], $0xffff  }
0x31b: {  	v1 =	vld.idx.msk [tilespmem:v2+s2+$0x0], $0xffff  }
0x31c: {  	p0 =	por !p0, !p0;
	s1 =	simm.s32 $0x1  }
0x31d: {  	s1 =	simm.s32 @!p0 $0x0  }
0x31e: {  	s0 =	simm.s32 $0x100;
	s6 =	sshll.u32 s1, $0x7;
	s1 =	simm.s32 $0x400  }
.LBB2_32:
0x31f: {  	p1 =	sne.s32 s0, $0x1F80;
	s0 =	sadd.s32 $0x80, s0;
	s6 =	sadd.s32 s6, s1  }
0x320: {  	v0 =	vpack.i.f32.bf16 v1, v0;
	s7 =	sor.u32 $0x700, s6;
	s6 =	sor.u32 $0x740, s6  }
0x321: {  	s7 =	sshra.s32 s7, $0x1;
	[tilespmem:s5+$0x10000] =	vst v0  }
0x322: {  	v0 =	vld [tilespmem:s7+$0x8000];
	_ =	sdelay $0x4  }
0x323: {  	v1 =	vunpack.i.u.s16.s32 v0;
	v0 =	vunpack.i.l.s16.s32 v0;
	_ =	sdelay $0x4  }
0x324: {  	v0 =	vld.idx.msk [tilespmem:v0+s2+$0x0], $0xffff  }
0x325: {  	v1 =	vld.idx.msk [tilespmem:v1+s2+$0x0], $0xffff;
	_ =	sdelay $0x5  }
0x326: {  	s5 =	sshra.s32 s6, $0x1;
	v0 =	vpack.i.f32.bf16 v1, v0  }
0x327: {  	[tilespmem:s7+$0x10000] =	vst v0  }
0x328: {  	v0 =	vld [tilespmem:s5+$0x8000];
	_ =	sdelay $0x4  }
0x329: {  	v1 =	vunpack.i.u.s16.s32 v0;
	v0 =	vunpack.i.l.s16.s32 v0;
	_ =	sdelay $0x4  }
0x32a: {  	v0 =	vld.idx.msk [tilespmem:v0+s2+$0x0], $0xffff  }
.Ltmp15:
0x32b: {  	v1 =	vld.idx.msk [tilespmem:v1+s2+$0x0], $0xffff;
	(pc) =	sbr.rel @p1 .LBB2_32-.Ltmp15, $4  }
0x32c: {  	_ = 	snop  }
0x32d: {  	p0 =	por !p0, !p0;
	s6 =	simm.s32 $0x1  }
0x32e: {  	s6 =	simm.s32 @!p0 $0x0  }
0x32f: {  	s1 =	sadd.s32 $0x400, s1;
	s6 =	sshll.u32 s6, $0x7  }
0x330: {  	s0 =	sadd.s32 s6, s1  }
0x331: {  	v0 =	vpack.i.f32.bf16 v1, v0;
	s1 =	sor.u32 $0x700, s0  }
0x332: {  	[tilespmem:s5+$0x10000] =	vst v0;
	s1 =	sshra.s32 s1, $0x1  }
0x333: {  	v0 =	vld [tilespmem:s1+$0x8000];
	_ =	sdelay $0x4  }
0x334: {  	v1 =	vunpack.i.l.s16.s32 v0  }
0x335: {  	v0 =	vunpack.i.u.s16.s32 v0;
	_ =	sdelay $0x3  }
0x336: {  	v1 =	vld.idx.msk [tilespmem:v1+s2+$0x0], $0xffff  }
0x337: {  	v0 =	vld.idx.msk [tilespmem:v0+s2+$0x0], $0xffff;
	_ =	sdelay $0x4  }
0x338: {  	s0 =	sor.u32 $0x740, s0;
	v0 =	vpack.i.f32.bf16 v0, v1  }
0x339: {  	s0 =	sshra.s32 s0, $0x1;
	[tilespmem:s1+$0x10000] =	vst v0  }
0x33a: {  	v0 =	vld [tilespmem:s0+$0x8000];
	_ =	sdelay $0x4  }
0x33b: {  	v1 =	vunpack.i.l.s16.s32 v0  }
0x33c: {  	v0 =	vunpack.i.u.s16.s32 v0;
	_ =	sdelay $0x3  }
0x33d: {  	v1 =	vld.idx.msk [tilespmem:v1+s2+$0x0], $0xffff  }
0x33e: {  	v0 =	vld.idx.msk [tilespmem:v0+s2+$0x0], $0xffff;
	_ =	sdelay $0x3  }
0x33f: {  	p0 =	por $0x0, $0x0;
	s1 =	simm.s32 $0x1  }
0x340: {  	s1 =	simm.s32 @!p0 $0x0;
	v0 =	vpack.i.f32.bf16 v0, v1  }
0x341: {  	s9 =	sshll.u32 s1, $0x7;
	[tilespmem:s0+$0x10000] =	vst v0  }
0x342: {  	s0 =	sadd.s32 $0x0, s9;
	_ =	swait.ge [sflag:s29], $0x4000  }
0x343: {  	s10 =	sor.u32 $0x700, s0;
	[sflag:s29] =	ssyncset.done $0x0  }
0x344: {  	s1 =	sshra.s32 s10, $0x1;
	[sflag:s29] =	ssyncadd.s32 $0xFFFFC000  }
0x345: {  	v0 =	vld [tilespmem:s1+$0x8000];
	_ =	sdelay $0x4  }
0x346: {  	v1 =	vunpack.i.l.s16.s32 v0  }
0x347: {  	v0 =	vunpack.i.u.s16.s32 v0;
	_ =	sdelay $0x3  }
0x348: {  	v1 =	vld.idx.msk [tilespmem:v1+s23+$0x0], $0xffff  }
0x349: {  	v0 =	vld.idx.msk [tilespmem:v0+s23+$0x0], $0xffff;
	_ =	sdelay $0x4  }
0x34a: {  	s0 =	sor.u32 $0x740, s0;
	v0 =	vpack.i.f32.bf16 v0, v1  }
0x34b: {  	s5 =	sshra.s32 s0, $0x1;
	[tilespmem:s1+$0x10000] =	vst v0  }
0x34c: {  	v0 =	vld [tilespmem:s5+$0x8000];
	_ =	sdelay $0x4  }
0x34d: {  	v1 =	vunpack.i.l.s16.s32 v0  }
0x34e: {  	v2 =	vunpack.i.u.s16.s32 v0;
	_ =	sdelay $0x3  }
0x34f: {  	v0 =	vld.idx.msk [tilespmem:v1+s23+$0x0], $0xffff  }
0x350: {  	v1 =	vld.idx.msk [tilespmem:v2+s23+$0x0], $0xffff  }
0x351: {  	p0 =	por !p0, !p0;
	s1 =	simm.s32 $0x1  }
0x352: {  	s1 =	simm.s32 @!p0 $0x0  }
0x353: {  	s0 =	simm.s32 $0x100;
	s6 =	sshll.u32 s1, $0x7;
	s1 =	simm.s32 $0x400  }
.LBB2_34:
0x354: {  	p1 =	sne.s32 s0, $0x1F80;
	s0 =	sadd.s32 $0x80, s0;
	s6 =	sadd.s32 s6, s1  }
0x355: {  	v0 =	vpack.i.f32.bf16 v1, v0;
	s7 =	sor.u32 $0x700, s6;
	s6 =	sor.u32 $0x740, s6  }
0x356: {  	s7 =	sshra.s32 s7, $0x1;
	[tilespmem:s5+$0x10000] =	vst v0  }
0x357: {  	v0 =	vld [tilespmem:s7+$0x8000];
	_ =	sdelay $0x4  }
0x358: {  	v1 =	vunpack.i.u.s16.s32 v0;
	v0 =	vunpack.i.l.s16.s32 v0;
	_ =	sdelay $0x4  }
0x359: {  	v0 =	vld.idx.msk [tilespmem:v0+s23+$0x0], $0xffff  }
0x35a: {  	v1 =	vld.idx.msk [tilespmem:v1+s23+$0x0], $0xffff;
	_ =	sdelay $0x5  }
0x35b: {  	s5 =	sshra.s32 s6, $0x1;
	v0 =	vpack.i.f32.bf16 v1, v0  }
0x35c: {  	[tilespmem:s7+$0x10000] =	vst v0  }
0x35d: {  	v0 =	vld [tilespmem:s5+$0x8000];
	_ =	sdelay $0x4  }
0x35e: {  	v1 =	vunpack.i.u.s16.s32 v0;
	v0 =	vunpack.i.l.s16.s32 v0;
	_ =	sdelay $0x4  }
0x35f: {  	v0 =	vld.idx.msk [tilespmem:v0+s23+$0x0], $0xffff  }
.Ltmp16:
0x360: {  	v1 =	vld.idx.msk [tilespmem:v1+s23+$0x0], $0xffff;
	(pc) =	sbr.rel @p1 .LBB2_34-.Ltmp16, $4  }
0x361: {  	_ = 	snop  }
0x362: {  	p0 =	por !p0, !p0;
	s6 =	simm.s32 $0x1  }
0x363: {  	s6 =	simm.s32 @!p0 $0x0  }
0x364: {  	s1 =	sadd.s32 $0x400, s1;
	s6 =	sshll.u32 s6, $0x7  }
0x365: {  	s0 =	sadd.s32 s6, s1  }
0x366: {  	v0 =	vpack.i.f32.bf16 v1, v0;
	s1 =	sor.u32 $0x700, s0  }
0x367: {  	[tilespmem:s5+$0x10000] =	vst v0;
	s1 =	sshra.s32 s1, $0x1  }
0x368: {  	v0 =	vld [tilespmem:s1+$0x8000];
	_ =	sdelay $0x4  }
0x369: {  	v62 =	vunpack.i.l.s16.s32 v0  }
0x36a: {  	v0 =	vunpack.i.u.s16.s32 v0;
	_ =	sdelay $0x3  }
0x36b: {  	v1 =	vld.idx.msk [tilespmem:v62+s23+$0x0], $0xffff  }
0x36c: {  	v0 =	vld.idx.msk [tilespmem:v0+s23+$0x0], $0xffff;
	_ =	sdelay $0x4  }
0x36d: {  	s0 =	sor.u32 $0x740, s0;
	v0 =	vpack.i.f32.bf16 v0, v1  }
0x36e: {  	s10 =	sshra.s32 s0, $0x1;
	[tilespmem:s1+$0x10000] =	vst v0  }
0x36f: {  	v0 =	vld [tilespmem:s10+$0x8000];
	_ =	sdelay $0x4  }
0x370: {  	v63 =	vunpack.i.l.s16.s32 v0  }
0x371: {  	v0 =	vunpack.i.u.s16.s32 v0;
	_ =	sdelay $0x3  }
0x372: {  	v1 =	vld.idx.msk [tilespmem:v63+s23+$0x0], $0xffff  }
0x373: {  	v0 =	vld.idx.msk [tilespmem:v0+s23+$0x0], $0xffff;
	_ =	sdelay $0x4  }
0x374: {  	s6 =	sadd.s32 $0x0, s20;
	v0 =	vpack.i.f32.bf16 v0, v1  }
0x375: {  	s5 =	simm.s32 $0x10400;
	s0 =	simm.s32 $0x10000;
	s1 =	simm.s32 $0x40;
	[tilespmem:s10+$0x10000] =	vst v0  }
.LBB2_36:
0x376: {  	[hbm4b:s6+s22] =	stream.strided.scatter [tilespmem:s0], [sflag:$0x4], $0x400, s23, s22, $0x38;
	[tilespmem:$0x18000] =	vst v63  }
0x377: {  	s6 =	smov.u32 s1;
	s0 =	smov.u32 s5;
	p0 =	sne.s32 s1, $0x7C0  }
.Ltmp17:
0x378: {  	s1 =	sadd.s32 $0x40, s1;
	(pc) =	sbr.rel @p0 .LBB2_36-.Ltmp17, $2  }
0x379: {  	_ =	sdelay $0x2  }
0x37a: {  	s5 =	sadd.s32 $0x400, s5;
	s6 =	sadd.s32 s6, s20  }
0x37b: {  	s31 =	sadd.s32 $0x1, s31  }
0x37c: {  	p0 =	sne.s32 s31, s21  }
.Ltmp18:
0x37d: {  	_ = 	snop;
	(pc) =	sbr.rel @p0 .LBB2_1-.Ltmp18, $4  }
0x37e: {  	[hbm4b:s6+s22] =	stream.strided.scatter [tilespmem:s0], [sflag:$0x4], $0x400, s23, s22, $0x38;
	[tilespmem:$0x18000] =	vst v63  }
0x37f: {  	_ =	swait.ge [sflag:s30], $0x8000  }
0x380: {  	[sflag:s30] =	ssyncset.done $0x0  }
0x381: {  	[sflag:s30] =	ssyncadd.s32 $0xFFFF8000  }
0x382: {  	_ =	sfence.sel $0x180000  }
0x383: {  	[bflag:$0x0] =	sbarrier.arrive $0xFFFF  }
0x384: {  	_ =	strace $0x9000004A  }
0x385: {  	s0 =	stileid.u32;
	[bflag:$0x2] =	sbarrier.arrive $0xFFFF  }
0x386: {  	p0 =	sne.s32 s0, $0x0;
	s0 =	rddreg [dreg:$0x3]  }
0x387: {  	s0 =	sadd.s32 @!p0 $0x100000, s0  }
0x388: {  	[sflag:s0] =	ssyncadd.tile.s32 @!p0 $0x1;
	_ =	shalt  }
.Lfunc_end2:
_tile_overlayer_lowered:
.L_overlay_start_2:
0x389: {  	(tag) =	ssettag $0x2  }
0x38a: {  	s0 =	rddreg [dreg:$0x0];
	s2 =	stileid.u32  }
0x38b: {  	s1 =	rddreg [dreg:$0x1];
	p0 =	sne.s32 s2, $0x0  }
0x38c: {  	s3 =	rddreg [dreg:$0x2];
	[bflag:$0x3] =	sbarrier.arrive $0xFFFF;
	s2 =	simm.s32 @!p0 $0x1C05  }
0x38d: {  	[timem:s3], [sflag:s2] =	dma.local @!p0 [hbm:s0], s1  }
0x38e: {  	s0 =	simm.s32 @!p0 $0x5  }
0x38f: {  	_ =	swait.ge @!p0 [sflag:s0], s1  }
0x390: {  	s1 =	ssub.s32 @!p0 $0x0, s1;
	[sflag:s0] =	ssyncset.done @!p0 $0x0  }
0x391: {  	[sflag:s0] =	ssyncadd.s32 @!p0 s1  }
0x392: {  	[bflag:$0x3] =	sbarrier.arrive $0xFFFF  }
0x393: {  	_ =	shalt  }

// kernel: kernel.16.cloned.1.call-start
scs
__scs_entry_jumppad:
0x0: {  	(pc) =	sbr.rel $0x88, $3  }
0x1: {  	(tag) =	ssettag $0x0;
	lr =	simm.s32 $0x1  }
0x2: {  	[smem:$0x3F9E] =	sst lr;
	_ =	strace $0xD0000000  }
0x3: {  	_ = 	snop  }
0x4: {  	_ = 	snop  }
0x5: {  	_ = 	snop  }
0x6: {  	_ = 	snop  }
0x7: {  	_ = 	snop  }
__scs_overlays_trampoline_lowered:
0x8: {  	[smem:$0x3FAD] =	sst s0  }
0x9: {  	[smem:$0x3FAE] =	sst s1  }
0xa: {  	[smem:$0x3FAF] =	sst s2  }
0xb: {  	[smem:$0x3FB0] =	sst s3  }
0xc: {  	[smem:$0x3FB1] =	sst s4  }
0xd: {  	[smem:$0x3FB2] =	sst s5  }
0xe: {  	[smem:$0x3FB3] =	sst s6  }
0xf: {  	[smem:$0x3FB4] =	sst s7  }
0x10: {  	[smem:$0x3FB5] =	sst s8  }
0x11: {  	[smem:$0x3FB6] =	sst s9;
	s0 =	simm.s32 @!p0 $0x0  }
0x12: {  	s1 =	sld [smem:$0x3F9C];
	s0 =	simm.s32 @p0 $0x1  }
0x13: {  	[smem:$0x3FB7] =	sst s0;
	s0 =	simm.s32 @!p1 $0x0  }
0x14: {  	s2 =	sld [smem:$0x3F9B];
	s0 =	simm.s32 @p1 $0x1  }
0x15: {  	[smem:$0x3FB8] =	sst s0;
	s0 =	simm.s32 @!p2 $0x0  }
0x16: {  	s3 =	sld [smem:$0x3FDB];
	s0 =	simm.s32 @p2 $0x1  }
0x17: {  	s4 =	simm.s32 $0x1BF5;
	[smem:$0x3FBA] =	sst s0  }
0x18: {  	s0 =	sld [smem:$0x3F9D];
	_ =	swait.ge [sflag:s4], $0x0  }
0x19: {  	s7 =	sld [smem:$0x3F9E]  }
0x1a: {  	s8 =	sadd.s32 $0xFFFFE003, lr  }
0x1b: {  	s9 =	sadd.s32 $0xFFFFFEF7, lr;
	s5 =	simm.s32 $0xFFFFFFFF;
	p2 =	slt.u32 s8, $0xFFFFF086  }
0x1c: {  	p1 =	slt.u32 s9, $0xF7A;
	s5 =	simm.s32 @!p2 $0x0  }
0x1d: {  	s5 =	simm.s32 @p1 $0x1;
	p0 =	seq.s32 s7, s2  }
0x1e: {  	s7 =	smul.u32 @!p0 $0xF7A, s2;
	p2 =	seq.s32 @!p0 s5, $0x0  }
0x1f: {  	s9 =	smul.u32 $0xF7A, s1;
	s8 =	simm.s32 @!p0 $0x1BF5;
	p2 =	por !p2, p0  }
0x20: {  	[sflag:s8] =	ssyncset.s32 @!p0 $0xFFFFF086;
	s6 =	sadd.s32 @!p0 s3, s7;
	s7 =	simm.s32 @!p0 $0x108  }
0x21: {  	s3 =	sadd.s32 s3, s9;
	s6 =	sadd.s32 @!p0 $0x88, s6;
	s7 =	simm.s32 @p2 $0x1082  }
0x22: {  	[simem:s7], [sflag:s8] =	dma.local @!p0 [hbm:s6], $0xF7A  }
0x23: {  	s9 =	sor.u32 $0xD0000000, s2;
	s6 =	simm.s32 $0x108;
	_ =	swait.ge @!p0 [sflag:s8], $0x0  }
0x24: {  	s3 =	sadd.s32 $0x88, s3;
	s6 =	simm.s32 @!p1 $0x1082;
	[sflag:s4] =	ssyncset.s32 $0xFFFFF086  }
0x25: {  	[simem:s6], [sflag:s4] =	dma.local [hbm:s3], $0xF7A  }
0x26: {  	[smem:$0x3F9E] =	sst s1;
	(tag) =	ssettag s2;
	_ =	strace s9  }
0x27: {  	s1 =	sld [smem:$0x3FAE]  }
0x28: {  	s2 =	sld [smem:$0x3FAF]  }
0x29: {  	s4 =	sld [smem:$0x3FB1]  }
0x2a: {  	p0 =	seq.s32 s5, $0x0;
	s5 =	sld [smem:$0x3FB2]  }
0x2b: {  	s6 =	sld [smem:$0x3FB3]  }
0x2c: {  	s7 =	sld [smem:$0x3FB4]  }
0x2d: {  	s3 =	simm.s32 $0x108;
	s8 =	sld [smem:$0x3FB5]  }
0x2e: {  	s3 =	simm.s32 @!p0 $0x1082;
	s9 =	sld [smem:$0x3FB6]  }
0x2f: {  	lr =	sadd.s32 s0, s3;
	s0 =	sld [smem:$0x3FAD]  }
0x30: {  	s3 =	sld [smem:$0x3FB0]  }
0x31: {  	[smem:$0x3FB9] =	sst s10  }
0x32: {  	s10 =	sld [smem:$0x3FB7];
	_ =	sdelay $0x3  }
0x33: {  	p0 =	seq.s32 s10, $0x1;
	s10 =	sld [smem:$0x3FB9];
	_ =	sdelay $0x3  }
0x34: {  	[smem:$0x3FB9] =	sst s10  }
0x35: {  	s10 =	sld [smem:$0x3FB8];
	_ =	sdelay $0x3  }
0x36: {  	p1 =	seq.s32 s10, $0x1;
	s10 =	sld [smem:$0x3FB9];
	_ =	sdelay $0x3  }
0x37: {  	[smem:$0x3FB9] =	sst s10  }
0x38: {  	s10 =	sld [smem:$0x3FBA]  }
0x39: {  	_ = 	snop;
	(pc) =	sbr.ind lr, $3  }
0x3a: {  	_ = 	snop  }
0x3b: {  	_ = 	snop  }
0x3c: {  	p2 =	seq.s32 s10, $0x1;
	s10 =	sld [smem:$0x3FB9]  }
0x3d: {  	_ =	shalt  }
0x3e: {  	_ =	shalt  }
0x3f: {  	_ =	shalt  }
0x40: {  	_ =	shalt  }
0x41: {  	_ =	shalt  }
0x42: {  	_ =	shalt  }
0x43: {  	_ =	shalt  }
0x44: {  	_ =	shalt  }
0x45: {  	_ =	shalt  }
0x46: {  	_ =	shalt  }
0x47: {  	_ =	shalt  }
0x48: {  	_ =	shalt  }
0x49: {  	_ =	shalt  }
0x4a: {  	_ =	shalt  }
0x4b: {  	_ =	shalt  }
0x4c: {  	_ =	shalt  }
0x4d: {  	_ =	shalt  }
0x4e: {  	_ =	shalt  }
0x4f: {  	_ =	shalt  }
0x50: {  	_ =	shalt  }
0x51: {  	_ =	shalt  }
0x52: {  	_ =	shalt  }
0x53: {  	_ =	shalt  }
0x54: {  	_ =	shalt  }
0x55: {  	_ =	shalt  }
0x56: {  	_ =	shalt  }
0x57: {  	_ =	shalt  }
0x58: {  	_ =	shalt  }
0x59: {  	_ =	shalt  }
0x5a: {  	_ =	shalt  }
0x5b: {  	_ =	shalt  }
0x5c: {  	_ =	shalt  }
0x5d: {  	_ =	shalt  }
0x5e: {  	_ =	shalt  }
0x5f: {  	_ =	shalt  }
0x60: {  	_ =	shalt  }
0x61: {  	_ =	shalt  }
0x62: {  	_ =	shalt  }
0x63: {  	_ =	shalt  }
0x64: {  	_ =	shalt  }
0x65: {  	_ =	shalt  }
0x66: {  	_ =	shalt  }
0x67: {  	_ =	shalt  }
0x68: {  	_ =	shalt  }
0x69: {  	_ =	shalt  }
0x6a: {  	_ =	shalt  }
0x6b: {  	_ =	shalt  }
0x6c: {  	_ =	shalt  }
0x6d: {  	_ =	shalt  }
0x6e: {  	_ =	shalt  }
0x6f: {  	_ =	shalt  }
0x70: {  	_ =	shalt  }
0x71: {  	_ =	shalt  }
0x72: {  	_ =	shalt  }
0x73: {  	_ =	shalt  }
0x74: {  	_ =	shalt  }
0x75: {  	_ =	shalt  }
0x76: {  	_ =	shalt  }
0x77: {  	_ =	shalt  }
0x78: {  	_ =	shalt  }
0x79: {  	_ =	shalt  }
0x7a: {  	_ =	shalt  }
0x7b: {  	_ =	shalt  }
0x7c: {  	_ =	shalt  }
0x7d: {  	_ =	shalt  }
0x7e: {  	_ =	shalt  }
0x7f: {  	_ =	shalt  }
0x80: {  	_ =	shalt  }
0x81: {  	_ =	shalt  }
0x82: {  	_ =	shalt  }
0x83: {  	_ =	shalt  }
0x84: {  	_ =	shalt  }
0x85: {  	_ =	shalt  }
0x86: {  	_ =	shalt  }
0x87: {  	_ =	shalt  }
.Lfunc_end0:
.L_simem_size_0:
called_computation.2_lowered:
.L_overlay_start_0:
0x88: {  	s2 =	sld [smem:$0x3FD9]  }
0x89: {  	s3 =	sld [smem:$0x3FFE];
	_ =	sdelay $0x1  }
0x8a: {  	s1 =	srdreg.scid  }
0x8b: {  	s0 =	sand.u32 $0x1, s1  }
0x8c: {  	s17 =	sshll.u32 s0, $0xA;
	s2 =	sadd.s32 s3, s2  }
0x8d: {  	s2 =	sadd.s32 s2, s17  }
0x8e: {  	[smem:$0x3FC5] =	sst s2  }
0x8f: {  	_ = 	snop  }
0x90: {  	s18 =	sld [smem:$0x3FC7];
	(tm) =	ssettm $0x1  }
0x91: {  	s19 =	sld [smem:$0x3FFB];
	_ =	sdelay $0x3  }
0x92: {  	_ =	strace s19  }
0x93: {  	s2 =	sld [smem:$0x3FFC];
	_ =	sdelay $0x3  }
0x94: {  	_ =	strace s2  }
0x95: {  	s2 =	sld [smem:$0x3FFD];
	_ =	sdelay $0x3  }
0x96: {  	_ =	strace s2  }
0x97: {  	_ =	strace $0x8FFFFFFF  }
0x98: {  	s20 =	sld [smem:$0x3FDB];
	_ =	sdelay $0x1  }
0x99: {  	s4 =	simm.s32 $_scs_section_size  }
0x9a: {  	s5 =	simm.s32 $_size__tile_overlayer_lowered;
	s6 =	simm.s32 $_tile_overlayer_lowered  }
0x9b: {  	s7 =	simm.s32 $0x1BFF;
	s21 =	sshll.u32 s6, $0x1;
	s4 =	sadd.s32 s4, s20  }
0x9c: {  	s22 =	simm.s32 $0x0;
	s5 =	sshll.u32 s5, $0x1;
	s6 =	sadd.s32 s21, s4  }
0x9d: {  	[timem:s22], [sflag:s7] =	dma.local [hbm:s6], s5  }
0x9e: {  	_ =	swait.ge [sflag:s7], s5  }
0x9f: {  	s5 =	ssub.s32 $0x0, s5;
	[sflag:s7] =	ssyncset.done $0x0  }
0xa0: {  	[sflag:s7] =	ssyncadd.s32 s5;
	_ =	sdelay $0x1  }
0xa1: {  	s23 =	simm.s32 $0x1B8B  }
0xa2: {  	_ =	swait.ge [sflag:s23], $0x1  }
0xa3: {  	[sflag:s23] =	ssyncset.done $0x0  }
0xa4: {  	[sflag:s23] =	ssyncadd.s32 $0xFFFFFFFF  }
0xa5: {  	s5 =	sld [smem:$0x0]  }
0xa6: {  	s6 =	sand.u32 $0xFFFFFFFE, s1  }
0xa7: {  	p0 =	sne.s32 s1, s6  }
0xa8: {  	s6 =	sshll.u32 @p0 s6, $0xE  }
0xa9: {  	s6 =	sadd.s32 @p0 $0x11B8D, s6;
	s7 =	sshll.u32 @p0 s5, $0x11  }
0xaa: {  	s6 =	sor.u32 @p0 s7, s6  }
0xab: {  	[sflag:s6] =	ssyncadd.remote.s32 @p0 $0x1;
	_ =	sdelay $0x1  }
0xac: {  	s6 =	simm.s32 @p0 $0x1B8D  }
0xad: {  	_ =	swait.eq @p0 [sflag:s6], $0x1  }
0xae: {  	[sflag:s6] =	ssyncadd.s32 @p0 $0xFFFFFFFF  }
0xaf: {  	s7 =	sshll.u32 @!p0 s1, $0xE  }
0xb0: {  	s7 =	sor.u32 @!p0 $0x4000, s7;
	s6 =	simm.s32 @!p0 $0x1B8D  }
0xb1: {  	s5 =	sshll.u32 @!p0 s5, $0x11;
	s7 =	sadd.s32 @!p0 $0x11B8D, s7;
	_ =	swait.eq @!p0 [sflag:s6], $0x1  }
0xb2: {  	s5 =	sor.u32 @!p0 s5, s7;
	[sflag:s6] =	ssyncadd.s32 @!p0 $0xFFFFFFFF  }
0xb3: {  	s25 =	simm.s32 $0x1B8E;
	s24 =	sld [smem:$0x3FFE];
	[sflag:s5] =	ssyncadd.remote.s32 @!p0 $0x1  }
0xb4: {  	s26 =	simm.s32 $execute0_lowered;
	[smem:$0x3FD2] =	sst s25  }
0xb5: {  	s6 =	sshll.u32 s26, $0x1;
	_ =	strace $0x8000004C;
	[dreg:$0x1] =	wrdreg $0xFFFFFFFF  }
0xb6: {  	s28 =	simm.s32 $_size_execute0_lowered;
	s4 =	sadd.s32 s4, s6;
	[dreg:$0x0] =	wrdreg $0x0  }
0xb7: {  	s6 =	sshll.u32 s28, $0x1;
	[dreg:$0x2] =	wrdreg s4  }
0xb8: {  	[dreg:$0x3] =	wrdreg s6  }
0xb9: {  	[dreg:$0x4] =	wrdreg $0xC0  }
0xba: {  	_ =	task [dreg:s22], $0x5FFFF  }
0xbb: {  	[dreg:$0x1] =	wrdreg $0xFFFFFFFF  }
0xbc: {  	[dreg:$0x0] =	wrdreg $0x60  }
0xbd: {  	[dreg:$0x2] =	wrdreg s18  }
0xbe: {  	[dreg:$0x3] =	wrdreg s24  }
0xbf: {  	[dreg:$0x4] =	wrdreg $0xA  }
0xc0: {  	_ =	task.clear_ibuf [dreg:s22], $0x5FFFF;
	_ =	strace $0x9000004C  }
0xc1: {  	s29 =	simm.s32 $0xA;
	_ =	strace $0x8000004E  }
0xc2: {  	_ =	swait.ge [sflag:s29], $0x1  }
0xc3: {  	[sflag:s29] =	ssyncadd.s32 $0xFFFFFFFF  }
0xc4: {  	_ =	strace $0x9000004E  }
0xc5: {  	_ =	sfence  }
0xc6: {  	s30 =	sld [smem:$0x0];
	_ =	sdelay $0x2  }
0xc7: {  	s31 =	sshll.u32 s1, $0xD;
	s1 =	sshrl.u32 s1, $0x2  }
0xc8: {  	s4 =	sand.u32 $0x4000, s31;
	s1 =	sadd.s32 s1, s30  }
0xc9: {  	s0 =	sor.u32 s4, s0;
	s1 =	sshll.u32 s1, $0x11  }
0xca: {  	s0 =	sor.u32 s1, s0  }
0xcb: {  	s0 =	sadd.s32 $0x8F2B, s0  }
0xcc: {  	[sflag:s0] =	ssyncadd.remote.s32 $0x1  }
0xcd: {  	_ =	sfence.sel $0xFFFF  }
0xce: {  	[dreg:$0x0] =	wrdreg $0xFFFFFFFF;
	(pc) =	sbr.abs _section_cstart, $3  }
0xcf: {  	[dreg:$0x1] =	wrdreg $0xFFFFFFFF  }
0xd0: {  	_ =	task.clear_ibuf [dreg:s22], $0x2FFFF;
	_ =	strace $0x9FFFFFFF  }
0xd1: {  	(tm) =	ssettm $0x7FFFFFFF  }
tec
execute0_lowered:
.L_overlay_start_1:
0x0: {  	(tag) =	ssettag $0x1  }
0x1: {  	s0 =	srdreg.scid;
	s1 =	rddreg [dreg:$0x0]  }
0x2: {  	s2 =	stileid.u32;
	s4 =	rddreg [dreg:$0x1]  }
0x3: {  	s28 =	simm.s32 $0x1;
	s29 =	simm.s32 $0x2;
	s0 =	sand.u32 $0x1, s0  }
0x4: {  	s30 =	simm.s32 $0x4;
	s2 =	sshll.u32 s2, $0x5;
	s3 =	sshll.u32 s0, $0x4  }
0x5: {  	s31 =	simm.s32 $0x0;
	s0 =	ssub.s32 $0x2, s0;
	s3 =	sor.u32 s3, s2  }
0x6: {  	s2 =	simm.s32 $0x0;
	s26 =	sshrl.u32 s0, $0x1;
	s20 =	sshll.u32 s3, $0xB  }
0x7: {  	s5 =	sshll.u32 s3, $0x8;
	[smem:$0x7FF] =	sst s2;
	s1 =	sadd.s32 s20, s1  }
0x8: {  	s4 =	sadd.s32 s5, s4;
	_ =	strace $0x8000004D;
	s5 =	sadd.s32 $0x100010, s1  }
0x9: {  	s0 =	ssub.s32 s0, s26;
	s21 =	sadd.s32 $0x100020, s1;
	s22 =	sadd.s32 $0x100030, s1  }
0xa: {  	s26 =	simm.s32 $0x3;
	s23 =	sadd.s32 $0x100040, s1;
	s24 =	sadd.s32 $0x100050, s1  }
0xb: {  	s3 =	sadd.s32 $0x21600, s4;
	s25 =	sadd.s32 $0x100060, s1;
	s10 =	sadd.s32 $0x100000, s1  }
0xc: {  	s11 =	sadd.s32 $0x100070, s1;
	s12 =	sadd.s32 $0x104000, s1;
	[dreg:$0x3] =	wrdreg s5  }
0xd: {  	s13 =	sadd.s32 $0x104010, s1;
	s14 =	sadd.s32 $0x104020, s1;
	[dreg:$0x4] =	wrdreg s21  }
0xe: {  	s15 =	sadd.s32 $0x104030, s1;
	s16 =	sadd.s32 $0x104040, s1;
	[dreg:$0x5] =	wrdreg s22  }
0xf: {  	s17 =	sadd.s32 $0x104050, s1;
	s18 =	sadd.s32 $0x104060, s1;
	[dreg:$0x6] =	wrdreg s23  }
0x10: {  	s19 =	sadd.s32 $0x104070, s1;
	s20 =	sadd.s32 $0x41600, s4;
	[dreg:$0x7] =	wrdreg s24  }
0x11: {  	[dreg:$0x8] =	wrdreg s25;
	s21 =	smax.u32 s0, $0x1;
	s22 =	simm.s32 $0x200  }
0x12: {  	s23 =	simm.s32 $0x4000;
	s24 =	simm.s32 $0x80;
	s25 =	simm.s32 $0x400  }
.LBB2_1:
0x13: {  	s0 =	simm.s32 $0x8000  }
0x14: {  	s1 =	simm.s32 $0x40;
	s5 =	sadd.s32 $0x0, s3;
	s4 =	simm.s32 $0x8400  }
.LBB2_2:
0x15: {  	[tilespmem:s0], [sflag:$0x3] =	stream.strided.gather [hbm4b:s5+s22], $0x400, s23, s22, $0x38;
	[tilespmem:$0x18000] =	vst v63  }
0x16: {  	s5 =	smov.u32 s1;
	s0 =	smov.u32 s4;
	p0 =	sne.s32 s1, $0x7C0  }
.Ltmp0:
0x17: {  	s1 =	sadd.s32 $0x40, s1;
	(pc) =	sbr.rel @p0 .LBB2_2-.Ltmp0, $2  }
0x18: {  	_ =	sdelay $0x2  }
0x19: {  	s4 =	sadd.s32 $0x400, s4;
	s5 =	sadd.s32 s5, s3  }
0x1a: {  	[tilespmem:s0], [sflag:$0x3] =	stream.strided.gather [hbm4b:s5+s22], $0x400, s23, s22, $0x38;
	[tilespmem:$0x18000] =	vst v63  }
0x1b: {  	s7 =	simm.s32 $0x0  }
0x1c: {  	[tilespmem:s7], [sflag:$0x1] =	stream.strided.gather [hbm4b:s10+s24], $0x4000, s25, s24, $0x38;
	[tilespmem:$0x18000] =	vst v63  }
0x1d: {  	s1 =	rddreg [dreg:$0x3]  }
0x1e: {  	[tilespmem:s23], [sflag:$0x2] =	stream.strided.gather [hbm4b:s1+s24], $0x4000, s25, s24, $0x38;
	[tilespmem:$0x18000] =	vst v63  }
0x1f: {  	_ =	swait.ge [sflag:s26], $0x8000  }
0x20: {  	[sflag:s26] =	ssyncset.done $0x0  }
0x21: {  	[sflag:s26] =	ssyncadd.s32 $0xFFFF8000  }
0x22: {  	s8 =	sand.u32 $0xF800, s7;
	s0 =	sand.u32 $0x80, s7;
	_ =	swait.ge [sflag:s28], $0x4000  }
0x23: {  	s0 =	sor.u32 s0, s8;
	[sflag:s28] =	ssyncset.done $0x0  }
0x24: {  	s1 =	sshrl.u32 s0, $0x1;
	[sflag:s28] =	ssyncadd.s32 $0xFFFFC000  }
0x25: {  	v0 =	vld [tilespmem:s1+$0x8000];
	_ =	sdelay $0x4  }
0x26: {  	v1 =	vunpack.i.l.s16.s32 v0  }
0x27: {  	v0 =	vunpack.i.u.s16.s32 v0;
	_ =	sdelay $0x3  }
0x28: {  	v1 =	vld.idx.msk [tilespmem:v1+s2+$0x0], $0xffff  }
0x29: {  	v0 =	vld.idx.msk [tilespmem:v0+s2+$0x0], $0xffff;
	_ =	sdelay $0x4  }
0x2a: {  	s0 =	sor.u32 $0x40, s0;
	v0 =	vpack.i.f32.bf16 v0, v1  }
0x2b: {  	s5 =	sshrl.u32 s0, $0x1;
	[tilespmem:s1+$0x10000] =	vst v0  }
0x2c: {  	v0 =	vld [tilespmem:s5+$0x8000];
	_ =	sdelay $0x4  }
0x2d: {  	v1 =	vunpack.i.l.s16.s32 v0  }
0x2e: {  	v2 =	vunpack.i.u.s16.s32 v0;
	_ =	sdelay $0x3  }
0x2f: {  	v0 =	vld.idx.msk [tilespmem:v1+s2+$0x0], $0xffff  }
0x30: {  	v1 =	vld.idx.msk [tilespmem:v2+s2+$0x0], $0xffff  }
0x31: {  	s9 =	simm.s32 $0x400;
	s6 =	simm.s32 $0x100  }
0x32: {  	s4 =	simm.s32 $0x800;
	s0 =	sand.u32 $0xF800, s9;
	s1 =	simm.s32 $0x80  }
.LBB2_4:
0x33: {  	s7 =	sand.u32 $0xF800, s4  }
0x34: {  	s8 =	sand.u32 $0x80, s1;
	s1 =	smov.u32 s6;
	s9 =	sadd.s32 $0x80, s6  }
0x35: {  	p0 =	sne.s32 s6, $0x1F80;
	v0 =	vpack.i.f32.bf16 v1, v0;
	s6 =	sor.u32 s8, s0;
	s0 =	smov.u32 s7  }
0x36: {  	s7 =	sshrl.u32 s6, $0x1;
	s6 =	sor.u32 $0x40, s6;
	[tilespmem:s5+$0x10000] =	vst v0  }
0x37: {  	v0 =	vld [tilespmem:s7+$0x8000];
	_ =	sdelay $0x4  }
0x38: {  	v1 =	vunpack.i.u.s16.s32 v0;
	v0 =	vunpack.i.l.s16.s32 v0;
	_ =	sdelay $0x4  }
0x39: {  	v0 =	vld.idx.msk [tilespmem:v0+s2+$0x0], $0xffff  }
0x3a: {  	v1 =	vld.idx.msk [tilespmem:v1+s2+$0x0], $0xffff;
	_ =	sdelay $0x5  }
0x3b: {  	s5 =	sshrl.u32 s6, $0x1;
	v0 =	vpack.i.f32.bf16 v1, v0  }
0x3c: {  	[tilespmem:s7+$0x10000] =	vst v0  }
0x3d: {  	v0 =	vld [tilespmem:s5+$0x8000];
	_ =	sdelay $0x4  }
0x3e: {  	v1 =	vunpack.i.u.s16.s32 v0;
	v0 =	vunpack.i.l.s16.s32 v0;
	_ =	sdelay $0x4  }
0x3f: {  	v0 =	vld.idx.msk [tilespmem:v0+s2+$0x0], $0xffff  }
.Ltmp1:
0x40: {  	v1 =	vld.idx.msk [tilespmem:v1+s2+$0x0], $0xffff;
	(pc) =	sbr.rel @p0 .LBB2_4-.Ltmp1, $2  }
0x41: {  	_ =	sdelay $0x2  }
0x42: {  	s4 =	sadd.s32 $0x400, s4;
	s6 =	smov.u32 s9  }
0x43: {  	s1 =	sand.u32 $0x80, s1  }
0x44: {  	v0 =	vpack.i.f32.bf16 v1, v0;
	s0 =	sor.u32 s1, s0  }
0x45: {  	[tilespmem:s5+$0x10000] =	vst v0;
	s1 =	sshrl.u32 s0, $0x1  }
0x46: {  	v0 =	vld [tilespmem:s1+$0x8000];
	_ =	sdelay $0x4  }
0x47: {  	v1 =	vunpack.i.l.s16.s32 v0  }
0x48: {  	v0 =	vunpack.i.u.s16.s32 v0;
	_ =	sdelay $0x3  }
0x49: {  	v1 =	vld.idx.msk [tilespmem:v1+s2+$0x0], $0xffff  }
0x4a: {  	v0 =	vld.idx.msk [tilespmem:v0+s2+$0x0], $0xffff;
	_ =	sdelay $0x4  }
0x4b: {  	s0 =	sor.u32 $0x40, s0;
	v0 =	vpack.i.f32.bf16 v0, v1  }
0x4c: {  	s0 =	sshrl.u32 s0, $0x1;
	[tilespmem:s1+$0x10000] =	vst v0  }
0x4d: {  	v0 =	vld [tilespmem:s0+$0x8000];
	_ =	sdelay $0x4  }
0x4e: {  	v1 =	vunpack.i.l.s16.s32 v0  }
0x4f: {  	v0 =	vunpack.i.u.s16.s32 v0;
	_ =	sdelay $0x3  }
0x50: {  	v1 =	vld.idx.msk [tilespmem:v1+s2+$0x0], $0xffff  }
0x51: {  	v0 =	vld.idx.msk [tilespmem:v0+s2+$0x0], $0xffff;
	_ =	sdelay $0x4  }
0x52: {  	v0 =	vpack.i.f32.bf16 v0, v1  }
0x53: {  	s6 =	simm.s32 $0x0;
	s7 =	rddreg [dreg:$0x4];
	[tilespmem:s0+$0x10000] =	vst v0  }
0x54: {  	[tilespmem:s6], [sflag:$0x1] =	stream.strided.gather [hbm4b:s7+s24], $0x4000, s25, s24, $0x38;
	[tilespmem:$0x18000] =	vst v63  }
0x55: {  	s8 =	sand.u32 $0xF800, s6;
	s0 =	sand.u32 $0x80, s6;
	_ =	swait.ge [sflag:s29], $0x4000  }
0x56: {  	s0 =	sor.u32 s8, s0;
	[sflag:s29] =	ssyncset.done $0x0  }
0x57: {  	s1 =	sshrl.u32 s0, $0x1;
	[sflag:s29] =	ssyncadd.s32 $0xFFFFC000  }
0x58: {  	v0 =	vld [tilespmem:s1+$0x8000];
	_ =	sdelay $0x4  }
0x59: {  	v1 =	vunpack.i.l.s16.s32 v0  }
0x5a: {  	v0 =	vunpack.i.u.s16.s32 v0;
	_ =	sdelay $0x3  }
0x5b: {  	v1 =	vld.idx.msk [tilespmem:v1+s23+$0x0], $0xffff  }
0x5c: {  	v0 =	vld.idx.msk [tilespmem:v0+s23+$0x0], $0xffff;
	_ =	sdelay $0x4  }
0x5d: {  	s0 =	sor.u32 $0x40, s0;
	v0 =	vpack.i.f32.bf16 v0, v1  }
0x5e: {  	s5 =	sshrl.u32 s0, $0x1;
	[tilespmem:s1+$0x10000] =	vst v0  }
0x5f: {  	v0 =	vld [tilespmem:s5+$0x8000];
	_ =	sdelay $0x4  }
0x60: {  	v1 =	vunpack.i.l.s16.s32 v0  }
0x61: {  	v2 =	vunpack.i.u.s16.s32 v0;
	_ =	sdelay $0x3  }
0x62: {  	v0 =	vld.idx.msk [tilespmem:v1+s23+$0x0], $0xffff  }
0x63: {  	v1 =	vld.idx.msk [tilespmem:v2+s23+$0x0], $0xffff  }
0x64: {  	s9 =	simm.s32 $0x400;
	s4 =	simm.s32 $0x800  }
0x65: {  	s6 =	simm.s32 $0x100;
	s0 =	sand.u32 $0xF800, s9;
	s1 =	simm.s32 $0x80  }
.LBB2_6:
0x66: {  	s7 =	sand.u32 $0xF800, s4  }
0x67: {  	s8 =	sand.u32 $0x80, s1;
	s1 =	smov.u32 s6;
	s9 =	sadd.s32 $0x80, s6  }
0x68: {  	p0 =	sne.s32 s6, $0x1F80;
	v0 =	vpack.i.f32.bf16 v1, v0;
	s6 =	sor.u32 s0, s8;
	s0 =	smov.u32 s7  }
0x69: {  	s7 =	sshrl.u32 s6, $0x1;
	s6 =	sor.u32 $0x40, s6;
	[tilespmem:s5+$0x10000] =	vst v0  }
0x6a: {  	v0 =	vld [tilespmem:s7+$0x8000];
	_ =	sdelay $0x4  }
0x6b: {  	v1 =	vunpack.i.u.s16.s32 v0;
	v0 =	vunpack.i.l.s16.s32 v0;
	_ =	sdelay $0x4  }
0x6c: {  	v0 =	vld.idx.msk [tilespmem:v0+s23+$0x0], $0xffff  }
0x6d: {  	v1 =	vld.idx.msk [tilespmem:v1+s23+$0x0], $0xffff;
	_ =	sdelay $0x5  }
0x6e: {  	s5 =	sshrl.u32 s6, $0x1;
	v0 =	vpack.i.f32.bf16 v1, v0  }
0x6f: {  	[tilespmem:s7+$0x10000] =	vst v0  }
0x70: {  	v0 =	vld [tilespmem:s5+$0x8000];
	_ =	sdelay $0x4  }
0x71: {  	v1 =	vunpack.i.u.s16.s32 v0;
	v0 =	vunpack.i.l.s16.s32 v0;
	_ =	sdelay $0x4  }
0x72: {  	v0 =	vld.idx.msk [tilespmem:v0+s23+$0x0], $0xffff  }
.Ltmp2:
0x73: {  	v1 =	vld.idx.msk [tilespmem:v1+s23+$0x0], $0xffff;
	(pc) =	sbr.rel @p0 .LBB2_6-.Ltmp2, $2  }
0x74: {  	_ =	sdelay $0x2  }
0x75: {  	s4 =	sadd.s32 $0x400, s4;
	s6 =	smov.u32 s9  }
0x76: {  	s1 =	sand.u32 $0x80, s1  }
0x77: {  	v0 =	vpack.i.f32.bf16 v1, v0;
	s0 =	sor.u32 s0, s1  }
0x78: {  	[tilespmem:s5+$0x10000] =	vst v0;
	s1 =	sshrl.u32 s0, $0x1  }
0x79: {  	v0 =	vld [tilespmem:s1+$0x8000];
	_ =	sdelay $0x4  }
0x7a: {  	v1 =	vunpack.i.l.s16.s32 v0  }
0x7b: {  	v0 =	vunpack.i.u.s16.s32 v0;
	_ =	sdelay $0x3  }
0x7c: {  	v1 =	vld.idx.msk [tilespmem:v1+s23+$0x0], $0xffff  }
0x7d: {  	v0 =	vld.idx.msk [tilespmem:v0+s23+$0x0], $0xffff;
	_ =	sdelay $0x4  }
0x7e: {  	s0 =	sor.u32 $0x40, s0;
	v0 =	vpack.i.f32.bf16 v0, v1  }
0x7f: {  	s0 =	sshrl.u32 s0, $0x1;
	[tilespmem:s1+$0x10000] =	vst v0  }
0x80: {  	v0 =	vld [tilespmem:s0+$0x8000];
	_ =	sdelay $0x4  }
0x81: {  	v1 =	vunpack.i.l.s16.s32 v0  }
0x82: {  	v0 =	vunpack.i.u.s16.s32 v0;
	_ =	sdelay $0x3  }
0x83: {  	v1 =	vld.idx.msk [tilespmem:v1+s23+$0x0], $0xffff  }
0x84: {  	v0 =	vld.idx.msk [tilespmem:v0+s23+$0x0], $0xffff;
	_ =	sdelay $0x4  }
0x85: {  	s8 =	simm.s32 $0x0;
	v0 =	vpack.i.f32.bf16 v0, v1  }
0x86: {  	s7 =	rddreg [dreg:$0x5];
	s9 =	sand.u32 $0xF800, s8;
	[tilespmem:s0+$0x10000] =	vst v0;
	s0 =	sand.u32 $0x80, s8  }
0x87: {  	[tilespmem:s23], [sflag:$0x2] =	stream.strided.gather [hbm4b:s7+s24], $0x4000, s25, s24, $0x38;
	[tilespmem:$0x18000] =	vst v63  }
0x88: {  	s0 =	sor.u32 s0, s9;
	_ =	swait.ge [sflag:s28], $0x4000  }
0x89: {  	s1 =	sor.u32 $0x100, s0;
	[sflag:s28] =	ssyncset.done $0x0  }
0x8a: {  	s1 =	sshrl.u32 s1, $0x1;
	[sflag:s28] =	ssyncadd.s32 $0xFFFFC000  }
0x8b: {  	v0 =	vld [tilespmem:s1+$0x8000];
	_ =	sdelay $0x4  }
0x8c: {  	v1 =	vunpack.i.l.s16.s32 v0  }
0x8d: {  	v0 =	vunpack.i.u.s16.s32 v0;
	_ =	sdelay $0x3  }
0x8e: {  	v1 =	vld.idx.msk [tilespmem:v1+s2+$0x0], $0xffff  }
0x8f: {  	v0 =	vld.idx.msk [tilespmem:v0+s2+$0x0], $0xffff;
	_ =	sdelay $0x4  }
0x90: {  	s0 =	sor.u32 $0x140, s0;
	v0 =	vpack.i.f32.bf16 v0, v1  }
0x91: {  	s4 =	sshrl.u32 s0, $0x1;
	[tilespmem:s1+$0x10000] =	vst v0  }
0x92: {  	v0 =	vld [tilespmem:s4+$0x8000];
	_ =	sdelay $0x4  }
0x93: {  	v1 =	vunpack.i.l.s16.s32 v0  }
0x94: {  	v2 =	vunpack.i.u.s16.s32 v0;
	_ =	sdelay $0x3  }
0x95: {  	v0 =	vld.idx.msk [tilespmem:v1+s2+$0x0], $0xffff  }
0x96: {  	v1 =	vld.idx.msk [tilespmem:v2+s2+$0x0], $0xffff  }
0x97: {  	s6 =	simm.s32 $0x80;
	s0 =	simm.s32 $0x400  }
0x98: {  	s6 =	sand.u32 $0x80, s6;
	s5 =	sand.u32 $0xF800, s0;
	s1 =	simm.s32 $0x100  }
.LBB2_8:
0x99: {  	p0 =	sne.s32 s1, $0x1F80  }
0x9a: {  	s5 =	sor.u32 s6, s5;
	s6 =	smov.u32 s1;
	s1 =	sadd.s32 $0x80, s1  }
0x9b: {  	v0 =	vpack.i.f32.bf16 v1, v0;
	s7 =	sor.u32 $0x100, s5;
	s5 =	sor.u32 $0x140, s5  }
0x9c: {  	s7 =	sshrl.u32 s7, $0x1;
	[tilespmem:s4+$0x10000] =	vst v0  }
0x9d: {  	v0 =	vld [tilespmem:s7+$0x8000];
	_ =	sdelay $0x4  }
0x9e: {  	v1 =	vunpack.i.u.s16.s32 v0;
	v0 =	vunpack.i.l.s16.s32 v0;
	_ =	sdelay $0x4  }
0x9f: {  	v0 =	vld.idx.msk [tilespmem:v0+s2+$0x0], $0xffff  }
0xa0: {  	v1 =	vld.idx.msk [tilespmem:v1+s2+$0x0], $0xffff;
	_ =	sdelay $0x5  }
0xa1: {  	s4 =	sshrl.u32 s5, $0x1;
	v0 =	vpack.i.f32.bf16 v1, v0  }
0xa2: {  	[tilespmem:s7+$0x10000] =	vst v0  }
0xa3: {  	v0 =	vld [tilespmem:s4+$0x8000];
	_ =	sdelay $0x4  }
0xa4: {  	v1 =	vunpack.i.u.s16.s32 v0;
	v0 =	vunpack.i.l.s16.s32 v0;
	_ =	sdelay $0x4  }
0xa5: {  	v0 =	vld.idx.msk [tilespmem:v0+s2+$0x0], $0xffff  }
.Ltmp3:
0xa6: {  	v1 =	vld.idx.msk [tilespmem:v1+s2+$0x0], $0xffff;
	(pc) =	sbr.rel @p0 .LBB2_8-.Ltmp3, $3  }
0xa7: {  	_ =	sdelay $0x1  }
0xa8: {  	s0 =	sadd.s32 $0x400, s0  }
0xa9: {  	s6 =	sand.u32 $0x80, s6;
	s5 =	sand.u32 $0xF800, s0  }
0xaa: {  	s0 =	sor.u32 s6, s5  }
0xab: {  	v0 =	vpack.i.f32.bf16 v1, v0;
	s1 =	sor.u32 $0x100, s0  }
0xac: {  	[tilespmem:s4+$0x10000] =	vst v0;
	s1 =	sshrl.u32 s1, $0x1  }
0xad: {  	v0 =	vld [tilespmem:s1+$0x8000];
	_ =	sdelay $0x4  }
0xae: {  	v1 =	vunpack.i.l.s16.s32 v0  }
0xaf: {  	v0 =	vunpack.i.u.s16.s32 v0;
	_ =	sdelay $0x3  }
0xb0: {  	v1 =	vld.idx.msk [tilespmem:v1+s2+$0x0], $0xffff  }
0xb1: {  	v0 =	vld.idx.msk [tilespmem:v0+s2+$0x0], $0xffff;
	_ =	sdelay $0x4  }
0xb2: {  	s0 =	sor.u32 $0x140, s0;
	v0 =	vpack.i.f32.bf16 v0, v1  }
0xb3: {  	s0 =	sshrl.u32 s0, $0x1;
	[tilespmem:s1+$0x10000] =	vst v0  }
0xb4: {  	v0 =	vld [tilespmem:s0+$0x8000];
	_ =	sdelay $0x4  }
0xb5: {  	v1 =	vunpack.i.l.s16.s32 v0  }
0xb6: {  	v0 =	vunpack.i.u.s16.s32 v0;
	_ =	sdelay $0x3  }
0xb7: {  	v1 =	vld.idx.msk [tilespmem:v1+s2+$0x0], $0xffff  }
0xb8: {  	v0 =	vld.idx.msk [tilespmem:v0+s2+$0x0], $0xffff;
	_ =	sdelay $0x4  }
0xb9: {  	s6 =	simm.s32 $0x0;
	v0 =	vpack.i.f32.bf16 v0, v1  }
0xba: {  	s7 =	rddreg [dreg:$0x6];
	s8 =	sand.u32 $0xF800, s6;
	[tilespmem:s0+$0x10000] =	vst v0;
	s0 =	sand.u32 $0x80, s6  }
0xbb: {  	[tilespmem:s6], [sflag:$0x1] =	stream.strided.gather [hbm4b:s7+s24], $0x4000, s25, s24, $0x38;
	[tilespmem:$0x18000] =	vst v63  }
0xbc: {  	s0 =	sor.u32 s0, s8;
	_ =	swait.ge [sflag:s29], $0x4000  }
0xbd: {  	s1 =	sor.u32 $0x100, s0;
	[sflag:s29] =	ssyncset.done $0x0  }
0xbe: {  	s1 =	sshrl.u32 s1, $0x1;
	[sflag:s29] =	ssyncadd.s32 $0xFFFFC000  }
0xbf: {  	v0 =	vld [tilespmem:s1+$0x8000];
	_ =	sdelay $0x4  }
0xc0: {  	v1 =	vunpack.i.l.s16.s32 v0  }
0xc1: {  	v0 =	vunpack.i.u.s16.s32 v0;
	_ =	sdelay $0x3  }
0xc2: {  	v1 =	vld.idx.msk [tilespmem:v1+s23+$0x0], $0xffff  }
0xc3: {  	v0 =	vld.idx.msk [tilespmem:v0+s23+$0x0], $0xffff;
	_ =	sdelay $0x4  }
0xc4: {  	s0 =	sor.u32 $0x140, s0;
	v0 =	vpack.i.f32.bf16 v0, v1  }
0xc5: {  	s4 =	sshrl.u32 s0, $0x1;
	[tilespmem:s1+$0x10000] =	vst v0  }
0xc6: {  	v0 =	vld [tilespmem:s4+$0x8000];
	_ =	sdelay $0x4  }
0xc7: {  	v1 =	vunpack.i.l.s16.s32 v0  }
0xc8: {  	v2 =	vunpack.i.u.s16.s32 v0;
	_ =	sdelay $0x3  }
0xc9: {  	v0 =	vld.idx.msk [tilespmem:v1+s23+$0x0], $0xffff  }
0xca: {  	v1 =	vld.idx.msk [tilespmem:v2+s23+$0x0], $0xffff  }
0xcb: {  	s9 =	simm.s32 $0x80;
	s0 =	simm.s32 $0x400  }
0xcc: {  	s6 =	sand.u32 $0x80, s9;
	s5 =	sand.u32 $0xF800, s0;
	s1 =	simm.s32 $0x100  }
.LBB2_10:
0xcd: {  	p0 =	sne.s32 s1, $0x1F80  }
0xce: {  	s5 =	sor.u32 s6, s5;
	s6 =	smov.u32 s1;
	s1 =	sadd.s32 $0x80, s1  }
0xcf: {  	v0 =	vpack.i.f32.bf16 v1, v0;
	s7 =	sor.u32 $0x100, s5;
	s5 =	sor.u32 $0x140, s5  }
0xd0: {  	s7 =	sshrl.u32 s7, $0x1;
	[tilespmem:s4+$0x10000] =	vst v0  }
0xd1: {  	v0 =	vld [tilespmem:s7+$0x8000];
	_ =	sdelay $0x4  }
0xd2: {  	v1 =	vunpack.i.u.s16.s32 v0;
	v0 =	vunpack.i.l.s16.s32 v0;
	_ =	sdelay $0x4  }
0xd3: {  	v0 =	vld.idx.msk [tilespmem:v0+s23+$0x0], $0xffff  }
0xd4: {  	v1 =	vld.idx.msk [tilespmem:v1+s23+$0x0], $0xffff;
	_ =	sdelay $0x5  }
0xd5: {  	s4 =	sshrl.u32 s5, $0x1;
	v0 =	vpack.i.f32.bf16 v1, v0  }
0xd6: {  	[tilespmem:s7+$0x10000] =	vst v0  }
0xd7: {  	v0 =	vld [tilespmem:s4+$0x8000];
	_ =	sdelay $0x4  }
0xd8: {  	v1 =	vunpack.i.u.s16.s32 v0;
	v0 =	vunpack.i.l.s16.s32 v0;
	_ =	sdelay $0x4  }
0xd9: {  	v0 =	vld.idx.msk [tilespmem:v0+s23+$0x0], $0xffff  }
.Ltmp4:
0xda: {  	v1 =	vld.idx.msk [tilespmem:v1+s23+$0x0], $0xffff;
	(pc) =	sbr.rel @p0 .LBB2_10-.Ltmp4, $3  }
0xdb: {  	_ =	sdelay $0x1  }
0xdc: {  	s0 =	sadd.s32 $0x400, s0  }
0xdd: {  	s6 =	sand.u32 $0x80, s6;
	s5 =	sand.u32 $0xF800, s0  }
0xde: {  	s0 =	sor.u32 s6, s5  }
0xdf: {  	v0 =	vpack.i.f32.bf16 v1, v0;
	s1 =	sor.u32 $0x100, s0  }
0xe0: {  	[tilespmem:s4+$0x10000] =	vst v0;
	s1 =	sshrl.u32 s1, $0x1  }
0xe1: {  	v0 =	vld [tilespmem:s1+$0x8000];
	_ =	sdelay $0x4  }
0xe2: {  	v1 =	vunpack.i.l.s16.s32 v0  }
0xe3: {  	v0 =	vunpack.i.u.s16.s32 v0;
	_ =	sdelay $0x3  }
0xe4: {  	v1 =	vld.idx.msk [tilespmem:v1+s23+$0x0], $0xffff  }
0xe5: {  	v0 =	vld.idx.msk [tilespmem:v0+s23+$0x0], $0xffff;
	_ =	sdelay $0x4  }
0xe6: {  	s0 =	sor.u32 $0x140, s0;
	v0 =	vpack.i.f32.bf16 v0, v1  }
0xe7: {  	s0 =	sshrl.u32 s0, $0x1;
	[tilespmem:s1+$0x10000] =	vst v0  }
0xe8: {  	v0 =	vld [tilespmem:s0+$0x8000];
	_ =	sdelay $0x4  }
0xe9: {  	v1 =	vunpack.i.l.s16.s32 v0  }
0xea: {  	v0 =	vunpack.i.u.s16.s32 v0;
	_ =	sdelay $0x3  }
0xeb: {  	v1 =	vld.idx.msk [tilespmem:v1+s23+$0x0], $0xffff  }
0xec: {  	v0 =	vld.idx.msk [tilespmem:v0+s23+$0x0], $0xffff;
	_ =	sdelay $0x4  }
0xed: {  	s7 =	simm.s32 $0x0;
	v0 =	vpack.i.f32.bf16 v0, v1  }
0xee: {  	s6 =	rddreg [dreg:$0x7];
	s8 =	sand.u32 $0xF800, s7;
	[tilespmem:s0+$0x10000] =	vst v0;
	s0 =	sand.u32 $0x80, s7  }
0xef: {  	[tilespmem:s23], [sflag:$0x2] =	stream.strided.gather [hbm4b:s6+s24], $0x4000, s25, s24, $0x38;
	[tilespmem:$0x18000] =	vst v63  }
0xf0: {  	s0 =	sor.u32 s0, s8;
	_ =	swait.ge [sflag:s28], $0x4000  }
0xf1: {  	s1 =	sor.u32 $0x200, s0;
	[sflag:s28] =	ssyncset.done $0x0  }
0xf2: {  	s1 =	sshrl.u32 s1, $0x1;
	[sflag:s28] =	ssyncadd.s32 $0xFFFFC000  }
0xf3: {  	v0 =	vld [tilespmem:s1+$0x8000];
	_ =	sdelay $0x4  }
0xf4: {  	v1 =	vunpack.i.l.s16.s32 v0  }
0xf5: {  	v0 =	vunpack.i.u.s16.s32 v0;
	_ =	sdelay $0x3  }
0xf6: {  	v1 =	vld.idx.msk [tilespmem:v1+s2+$0x0], $0xffff  }
0xf7: {  	v0 =	vld.idx.msk [tilespmem:v0+s2+$0x0], $0xffff;
	_ =	sdelay $0x4  }
0xf8: {  	s0 =	sor.u32 $0x240, s0;
	v0 =	vpack.i.f32.bf16 v0, v1  }
0xf9: {  	s4 =	sshrl.u32 s0, $0x1;
	[tilespmem:s1+$0x10000] =	vst v0  }
0xfa: {  	v0 =	vld [tilespmem:s4+$0x8000];
	_ =	sdelay $0x4  }
0xfb: {  	v1 =	vunpack.i.l.s16.s32 v0  }
0xfc: {  	v2 =	vunpack.i.u.s16.s32 v0;
	_ =	sdelay $0x3  }
0xfd: {  	v0 =	vld.idx.msk [tilespmem:v1+s2+$0x0], $0xffff  }
0xfe: {  	v1 =	vld.idx.msk [tilespmem:v2+s2+$0x0], $0xffff  }
0xff: {  	s9 =	simm.s32 $0x80;
	s0 =	simm.s32 $0x400  }
0x100: {  	s6 =	sand.u32 $0x80, s9;
	s5 =	sand.u32 $0xF800, s0;
	s1 =	simm.s32 $0x100  }
.LBB2_12:
0x101: {  	p0 =	sne.s32 s1, $0x1F80  }
0x102: {  	s5 =	sor.u32 s6, s5;
	s6 =	smov.u32 s1;
	s1 =	sadd.s32 $0x80, s1  }
0x103: {  	v0 =	vpack.i.f32.bf16 v1, v0;
	s7 =	sor.u32 $0x200, s5;
	s5 =	sor.u32 $0x240, s5  }
0x104: {  	s7 =	sshrl.u32 s7, $0x1;
	[tilespmem:s4+$0x10000] =	vst v0  }
0x105: {  	v0 =	vld [tilespmem:s7+$0x8000];
	_ =	sdelay $0x4  }
0x106: {  	v1 =	vunpack.i.u.s16.s32 v0;
	v0 =	vunpack.i.l.s16.s32 v0;
	_ =	sdelay $0x4  }
0x107: {  	v0 =	vld.idx.msk [tilespmem:v0+s2+$0x0], $0xffff  }
0x108: {  	v1 =	vld.idx.msk [tilespmem:v1+s2+$0x0], $0xffff;
	_ =	sdelay $0x5  }
0x109: {  	s4 =	sshrl.u32 s5, $0x1;
	v0 =	vpack.i.f32.bf16 v1, v0  }
0x10a: {  	[tilespmem:s7+$0x10000] =	vst v0  }
0x10b: {  	v0 =	vld [tilespmem:s4+$0x8000];
	_ =	sdelay $0x4  }
0x10c: {  	v1 =	vunpack.i.u.s16.s32 v0;
	v0 =	vunpack.i.l.s16.s32 v0;
	_ =	sdelay $0x4  }
0x10d: {  	v0 =	vld.idx.msk [tilespmem:v0+s2+$0x0], $0xffff  }
.Ltmp5:
0x10e: {  	v1 =	vld.idx.msk [tilespmem:v1+s2+$0x0], $0xffff;
	(pc) =	sbr.rel @p0 .LBB2_12-.Ltmp5, $3  }
0x10f: {  	_ =	sdelay $0x1  }
0x110: {  	s0 =	sadd.s32 $0x400, s0  }
0x111: {  	s6 =	sand.u32 $0x80, s6;
	s5 =	sand.u32 $0xF800, s0  }
0x112: {  	s0 =	sor.u32 s6, s5  }
0x113: {  	v0 =	vpack.i.f32.bf16 v1, v0;
	s1 =	sor.u32 $0x200, s0  }
0x114: {  	[tilespmem:s4+$0x10000] =	vst v0;
	s1 =	sshrl.u32 s1, $0x1  }
0x115: {  	v0 =	vld [tilespmem:s1+$0x8000];
	_ =	sdelay $0x4  }
0x116: {  	v1 =	vunpack.i.l.s16.s32 v0  }
0x117: {  	v0 =	vunpack.i.u.s16.s32 v0;
	_ =	sdelay $0x3  }
0x118: {  	v1 =	vld.idx.msk [tilespmem:v1+s2+$0x0], $0xffff  }
0x119: {  	v0 =	vld.idx.msk [tilespmem:v0+s2+$0x0], $0xffff;
	_ =	sdelay $0x4  }
0x11a: {  	s0 =	sor.u32 $0x240, s0;
	v0 =	vpack.i.f32.bf16 v0, v1  }
0x11b: {  	s0 =	sshrl.u32 s0, $0x1;
	[tilespmem:s1+$0x10000] =	vst v0  }
0x11c: {  	v0 =	vld [tilespmem:s0+$0x8000];
	_ =	sdelay $0x4  }
0x11d: {  	v1 =	vunpack.i.l.s16.s32 v0  }
0x11e: {  	v0 =	vunpack.i.u.s16.s32 v0;
	_ =	sdelay $0x3  }
0x11f: {  	v1 =	vld.idx.msk [tilespmem:v1+s2+$0x0], $0xffff  }
0x120: {  	v0 =	vld.idx.msk [tilespmem:v0+s2+$0x0], $0xffff;
	_ =	sdelay $0x4  }
0x121: {  	s6 =	simm.s32 $0x0;
	v0 =	vpack.i.f32.bf16 v0, v1  }
0x122: {  	s7 =	rddreg [dreg:$0x8];
	s8 =	sand.u32 $0xF800, s6;
	[tilespmem:s0+$0x10000] =	vst v0;
	s0 =	sand.u32 $0x80, s6  }
0x123: {  	[tilespmem:s6], [sflag:$0x1] =	stream.strided.gather [hbm4b:s7+s24], $0x4000, s25, s24, $0x38;
	[tilespmem:$0x18000] =	vst v63  }
0x124: {  	s0 =	sor.u32 s0, s8;
	_ =	swait.ge [sflag:s29], $0x4000  }
0x125: {  	s1 =	sor.u32 $0x200, s0;
	[sflag:s29] =	ssyncset.done $0x0  }
0x126: {  	s1 =	sshrl.u32 s1, $0x1;
	[sflag:s29] =	ssyncadd.s32 $0xFFFFC000  }
0x127: {  	v0 =	vld [tilespmem:s1+$0x8000];
	_ =	sdelay $0x4  }
0x128: {  	v1 =	vunpack.i.l.s16.s32 v0  }
0x129: {  	v0 =	vunpack.i.u.s16.s32 v0;
	_ =	sdelay $0x3  }
0x12a: {  	v1 =	vld.idx.msk [tilespmem:v1+s23+$0x0], $0xffff  }
0x12b: {  	v0 =	vld.idx.msk [tilespmem:v0+s23+$0x0], $0xffff;
	_ =	sdelay $0x4  }
0x12c: {  	s0 =	sor.u32 $0x240, s0;
	v0 =	vpack.i.f32.bf16 v0, v1  }
0x12d: {  	s4 =	sshrl.u32 s0, $0x1;
	[tilespmem:s1+$0x10000] =	vst v0  }
0x12e: {  	v0 =	vld [tilespmem:s4+$0x8000];
	_ =	sdelay $0x4  }
0x12f: {  	v1 =	vunpack.i.l.s16.s32 v0  }
0x130: {  	v2 =	vunpack.i.u.s16.s32 v0;
	_ =	sdelay $0x3  }
0x131: {  	v0 =	vld.idx.msk [tilespmem:v1+s23+$0x0], $0xffff  }
0x132: {  	v1 =	vld.idx.msk [tilespmem:v2+s23+$0x0], $0xffff  }
0x133: {  	s9 =	simm.s32 $0x80;
	s0 =	simm.s32 $0x400  }
0x134: {  	s6 =	sand.u32 $0x80, s9;
	s5 =	sand.u32 $0xF800, s0;
	s1 =	simm.s32 $0x100  }
.LBB2_14:
0x135: {  	p0 =	sne.s32 s1, $0x1F80  }
0x136: {  	s5 =	sor.u32 s6, s5;
	s6 =	smov.u32 s1;
	s1 =	sadd.s32 $0x80, s1  }
0x137: {  	v0 =	vpack.i.f32.bf16 v1, v0;
	s7 =	sor.u32 $0x200, s5;
	s5 =	sor.u32 $0x240, s5  }
0x138: {  	s7 =	sshrl.u32 s7, $0x1;
	[tilespmem:s4+$0x10000] =	vst v0  }
0x139: {  	v0 =	vld [tilespmem:s7+$0x8000];
	_ =	sdelay $0x4  }
0x13a: {  	v1 =	vunpack.i.u.s16.s32 v0;
	v0 =	vunpack.i.l.s16.s32 v0;
	_ =	sdelay $0x4  }
0x13b: {  	v0 =	vld.idx.msk [tilespmem:v0+s23+$0x0], $0xffff  }
0x13c: {  	v1 =	vld.idx.msk [tilespmem:v1+s23+$0x0], $0xffff;
	_ =	sdelay $0x5  }
0x13d: {  	s4 =	sshrl.u32 s5, $0x1;
	v0 =	vpack.i.f32.bf16 v1, v0  }
0x13e: {  	[tilespmem:s7+$0x10000] =	vst v0  }
0x13f: {  	v0 =	vld [tilespmem:s4+$0x8000];
	_ =	sdelay $0x4  }
0x140: {  	v1 =	vunpack.i.u.s16.s32 v0;
	v0 =	vunpack.i.l.s16.s32 v0;
	_ =	sdelay $0x4  }
0x141: {  	v0 =	vld.idx.msk [tilespmem:v0+s23+$0x0], $0xffff  }
.Ltmp6:
0x142: {  	v1 =	vld.idx.msk [tilespmem:v1+s23+$0x0], $0xffff;
	(pc) =	sbr.rel @p0 .LBB2_14-.Ltmp6, $3  }
0x143: {  	_ =	sdelay $0x1  }
0x144: {  	s0 =	sadd.s32 $0x400, s0  }
0x145: {  	s6 =	sand.u32 $0x80, s6;
	s5 =	sand.u32 $0xF800, s0  }
0x146: {  	s0 =	sor.u32 s6, s5  }
0x147: {  	v0 =	vpack.i.f32.bf16 v1, v0;
	s1 =	sor.u32 $0x200, s0  }
0x148: {  	[tilespmem:s4+$0x10000] =	vst v0;
	s1 =	sshrl.u32 s1, $0x1  }
0x149: {  	v0 =	vld [tilespmem:s1+$0x8000];
	_ =	sdelay $0x4  }
0x14a: {  	v1 =	vunpack.i.l.s16.s32 v0  }
0x14b: {  	v0 =	vunpack.i.u.s16.s32 v0;
	_ =	sdelay $0x3  }
0x14c: {  	v1 =	vld.idx.msk [tilespmem:v1+s23+$0x0], $0xffff  }
0x14d: {  	v0 =	vld.idx.msk [tilespmem:v0+s23+$0x0], $0xffff;
	_ =	sdelay $0x4  }
0x14e: {  	s0 =	sor.u32 $0x240, s0;
	v0 =	vpack.i.f32.bf16 v0, v1  }
0x14f: {  	s0 =	sshrl.u32 s0, $0x1;
	[tilespmem:s1+$0x10000] =	vst v0  }
0x150: {  	v0 =	vld [tilespmem:s0+$0x8000];
	_ =	sdelay $0x4  }
0x151: {  	v1 =	vunpack.i.l.s16.s32 v0  }
0x152: {  	v0 =	vunpack.i.u.s16.s32 v0;
	_ =	sdelay $0x3  }
0x153: {  	v1 =	vld.idx.msk [tilespmem:v1+s23+$0x0], $0xffff  }
0x154: {  	v0 =	vld.idx.msk [tilespmem:v0+s23+$0x0], $0xffff;
	_ =	sdelay $0x4  }
0x155: {  	s7 =	simm.s32 $0x0;
	v0 =	vpack.i.f32.bf16 v0, v1  }
0x156: {  	s8 =	sand.u32 $0xF800, s7;
	[tilespmem:s0+$0x10000] =	vst v0;
	s0 =	sand.u32 $0x80, s7  }
0x157: {  	[tilespmem:s23], [sflag:$0x2] =	stream.strided.gather [hbm4b:s11+s24], $0x4000, s25, s24, $0x38;
	[tilespmem:$0x18000] =	vst v63  }
0x158: {  	s0 =	sor.u32 s0, s8;
	_ =	swait.ge [sflag:s28], $0x4000  }
0x159: {  	s1 =	sor.u32 $0x300, s0;
	[sflag:s28] =	ssyncset.done $0x0  }
0x15a: {  	s1 =	sshrl.u32 s1, $0x1;
	[sflag:s28] =	ssyncadd.s32 $0xFFFFC000  }
0x15b: {  	v0 =	vld [tilespmem:s1+$0x8000];
	_ =	sdelay $0x4  }
0x15c: {  	v1 =	vunpack.i.l.s16.s32 v0  }
0x15d: {  	v0 =	vunpack.i.u.s16.s32 v0;
	_ =	sdelay $0x3  }
0x15e: {  	v1 =	vld.idx.msk [tilespmem:v1+s2+$0x0], $0xffff  }
0x15f: {  	v0 =	vld.idx.msk [tilespmem:v0+s2+$0x0], $0xffff;
	_ =	sdelay $0x4  }
0x160: {  	s0 =	sor.u32 $0x340, s0;
	v0 =	vpack.i.f32.bf16 v0, v1  }
0x161: {  	s4 =	sshrl.u32 s0, $0x1;
	[tilespmem:s1+$0x10000] =	vst v0  }
0x162: {  	v0 =	vld [tilespmem:s4+$0x8000];
	_ =	sdelay $0x4  }
0x163: {  	v1 =	vunpack.i.l.s16.s32 v0  }
0x164: {  	v2 =	vunpack.i.u.s16.s32 v0;
	_ =	sdelay $0x3  }
0x165: {  	v0 =	vld.idx.msk [tilespmem:v1+s2+$0x0], $0xffff  }
0x166: {  	v1 =	vld.idx.msk [tilespmem:v2+s2+$0x0], $0xffff  }
0x167: {  	s9 =	simm.s32 $0x80;
	s0 =	simm.s32 $0x400  }
0x168: {  	s6 =	sand.u32 $0x80, s9;
	s5 =	sand.u32 $0xF800, s0;
	s1 =	simm.s32 $0x100  }
.LBB2_16:
0x169: {  	p0 =	sne.s32 s1, $0x1F80  }
0x16a: {  	s5 =	sor.u32 s6, s5;
	s6 =	smov.u32 s1;
	s1 =	sadd.s32 $0x80, s1  }
0x16b: {  	v0 =	vpack.i.f32.bf16 v1, v0;
	s7 =	sor.u32 $0x300, s5;
	s5 =	sor.u32 $0x340, s5  }
0x16c: {  	s7 =	sshrl.u32 s7, $0x1;
	[tilespmem:s4+$0x10000] =	vst v0  }
0x16d: {  	v0 =	vld [tilespmem:s7+$0x8000];
	_ =	sdelay $0x4  }
0x16e: {  	v1 =	vunpack.i.u.s16.s32 v0;
	v0 =	vunpack.i.l.s16.s32 v0;
	_ =	sdelay $0x4  }
0x16f: {  	v0 =	vld.idx.msk [tilespmem:v0+s2+$0x0], $0xffff  }
0x170: {  	v1 =	vld.idx.msk [tilespmem:v1+s2+$0x0], $0xffff;
	_ =	sdelay $0x5  }
0x171: {  	s4 =	sshrl.u32 s5, $0x1;
	v0 =	vpack.i.f32.bf16 v1, v0  }
0x172: {  	[tilespmem:s7+$0x10000] =	vst v0  }
0x173: {  	v0 =	vld [tilespmem:s4+$0x8000];
	_ =	sdelay $0x4  }
0x174: {  	v1 =	vunpack.i.u.s16.s32 v0;
	v0 =	vunpack.i.l.s16.s32 v0;
	_ =	sdelay $0x4  }
0x175: {  	v0 =	vld.idx.msk [tilespmem:v0+s2+$0x0], $0xffff  }
.Ltmp7:
0x176: {  	v1 =	vld.idx.msk [tilespmem:v1+s2+$0x0], $0xffff;
	(pc) =	sbr.rel @p0 .LBB2_16-.Ltmp7, $3  }
0x177: {  	_ =	sdelay $0x1  }
0x178: {  	s0 =	sadd.s32 $0x400, s0  }
0x179: {  	s6 =	sand.u32 $0x80, s6;
	s5 =	sand.u32 $0xF800, s0  }
0x17a: {  	s0 =	sor.u32 s6, s5  }
0x17b: {  	v0 =	vpack.i.f32.bf16 v1, v0;
	s1 =	sor.u32 $0x300, s0  }
0x17c: {  	[tilespmem:s4+$0x10000] =	vst v0;
	s1 =	sshrl.u32 s1, $0x1  }
0x17d: {  	v0 =	vld [tilespmem:s1+$0x8000];
	_ =	sdelay $0x4  }
0x17e: {  	v1 =	vunpack.i.l.s16.s32 v0  }
0x17f: {  	v0 =	vunpack.i.u.s16.s32 v0;
	_ =	sdelay $0x3  }
0x180: {  	v1 =	vld.idx.msk [tilespmem:v1+s2+$0x0], $0xffff  }
0x181: {  	v0 =	vld.idx.msk [tilespmem:v0+s2+$0x0], $0xffff;
	_ =	sdelay $0x4  }
0x182: {  	s0 =	sor.u32 $0x340, s0;
	v0 =	vpack.i.f32.bf16 v0, v1  }
0x183: {  	s0 =	sshrl.u32 s0, $0x1;
	[tilespmem:s1+$0x10000] =	vst v0  }
0x184: {  	v0 =	vld [tilespmem:s0+$0x8000];
	_ =	sdelay $0x4  }
0x185: {  	v1 =	vunpack.i.l.s16.s32 v0  }
0x186: {  	v0 =	vunpack.i.u.s16.s32 v0;
	_ =	sdelay $0x3  }
0x187: {  	v1 =	vld.idx.msk [tilespmem:v1+s2+$0x0], $0xffff  }
0x188: {  	v0 =	vld.idx.msk [tilespmem:v0+s2+$0x0], $0xffff;
	_ =	sdelay $0x4  }
0x189: {  	s7 =	simm.s32 $0x0;
	v0 =	vpack.i.f32.bf16 v0, v1  }
0x18a: {  	s8 =	sand.u32 $0xF800, s7;
	[tilespmem:s0+$0x10000] =	vst v0;
	s0 =	sand.u32 $0x80, s7  }
0x18b: {  	[tilespmem:s7], [sflag:$0x1] =	stream.strided.gather [hbm4b:s12+s24], $0x4000, s25, s24, $0x38;
	[tilespmem:$0x18000] =	vst v63  }
0x18c: {  	s0 =	sor.u32 s0, s8;
	_ =	swait.ge [sflag:s29], $0x4000  }
0x18d: {  	s1 =	sor.u32 $0x300, s0;
	[sflag:s29] =	ssyncset.done $0x0  }
0x18e: {  	s1 =	sshrl.u32 s1, $0x1;
	[sflag:s29] =	ssyncadd.s32 $0xFFFFC000  }
0x18f: {  	v0 =	vld [tilespmem:s1+$0x8000];
	_ =	sdelay $0x4  }
0x190: {  	v1 =	vunpack.i.l.s16.s32 v0  }
0x191: {  	v0 =	vunpack.i.u.s16.s32 v0;
	_ =	sdelay $0x3  }
0x192: {  	v1 =	vld.idx.msk [tilespmem:v1+s23+$0x0], $0xffff  }
0x193: {  	v0 =	vld.idx.msk [tilespmem:v0+s23+$0x0], $0xffff;
	_ =	sdelay $0x4  }
0x194: {  	s0 =	sor.u32 $0x340, s0;
	v0 =	vpack.i.f32.bf16 v0, v1  }
0x195: {  	s4 =	sshrl.u32 s0, $0x1;
	[tilespmem:s1+$0x10000] =	vst v0  }
0x196: {  	v0 =	vld [tilespmem:s4+$0x8000];
	_ =	sdelay $0x4  }
0x197: {  	v1 =	vunpack.i.l.s16.s32 v0  }
0x198: {  	v2 =	vunpack.i.u.s16.s32 v0;
	_ =	sdelay $0x3  }
0x199: {  	v0 =	vld.idx.msk [tilespmem:v1+s23+$0x0], $0xffff  }
0x19a: {  	v1 =	vld.idx.msk [tilespmem:v2+s23+$0x0], $0xffff  }
0x19b: {  	s9 =	simm.s32 $0x80;
	s0 =	simm.s32 $0x400  }
0x19c: {  	s6 =	sand.u32 $0x80, s9;
	s5 =	sand.u32 $0xF800, s0;
	s1 =	simm.s32 $0x100  }
.LBB2_18:
0x19d: {  	p0 =	sne.s32 s1, $0x1F80  }
0x19e: {  	s5 =	sor.u32 s6, s5;
	s6 =	smov.u32 s1;
	s1 =	sadd.s32 $0x80, s1  }
0x19f: {  	v0 =	vpack.i.f32.bf16 v1, v0;
	s7 =	sor.u32 $0x300, s5;
	s5 =	sor.u32 $0x340, s5  }
0x1a0: {  	s7 =	sshrl.u32 s7, $0x1;
	[tilespmem:s4+$0x10000] =	vst v0  }
0x1a1: {  	v0 =	vld [tilespmem:s7+$0x8000];
	_ =	sdelay $0x4  }
0x1a2: {  	v1 =	vunpack.i.u.s16.s32 v0;
	v0 =	vunpack.i.l.s16.s32 v0;
	_ =	sdelay $0x4  }
0x1a3: {  	v0 =	vld.idx.msk [tilespmem:v0+s23+$0x0], $0xffff  }
0x1a4: {  	v1 =	vld.idx.msk [tilespmem:v1+s23+$0x0], $0xffff;
	_ =	sdelay $0x5  }
0x1a5: {  	s4 =	sshrl.u32 s5, $0x1;
	v0 =	vpack.i.f32.bf16 v1, v0  }
0x1a6: {  	[tilespmem:s7+$0x10000] =	vst v0  }
0x1a7: {  	v0 =	vld [tilespmem:s4+$0x8000];
	_ =	sdelay $0x4  }
0x1a8: {  	v1 =	vunpack.i.u.s16.s32 v0;
	v0 =	vunpack.i.l.s16.s32 v0;
	_ =	sdelay $0x4  }
0x1a9: {  	v0 =	vld.idx.msk [tilespmem:v0+s23+$0x0], $0xffff  }
.Ltmp8:
0x1aa: {  	v1 =	vld.idx.msk [tilespmem:v1+s23+$0x0], $0xffff;
	(pc) =	sbr.rel @p0 .LBB2_18-.Ltmp8, $3  }
0x1ab: {  	_ =	sdelay $0x1  }
0x1ac: {  	s0 =	sadd.s32 $0x400, s0  }
0x1ad: {  	s6 =	sand.u32 $0x80, s6;
	s5 =	sand.u32 $0xF800, s0  }
0x1ae: {  	s0 =	sor.u32 s6, s5  }
0x1af: {  	v0 =	vpack.i.f32.bf16 v1, v0;
	s1 =	sor.u32 $0x300, s0  }
0x1b0: {  	[tilespmem:s4+$0x10000] =	vst v0;
	s1 =	sshrl.u32 s1, $0x1  }
0x1b1: {  	v0 =	vld [tilespmem:s1+$0x8000];
	_ =	sdelay $0x4  }
0x1b2: {  	v1 =	vunpack.i.l.s16.s32 v0  }
0x1b3: {  	v0 =	vunpack.i.u.s16.s32 v0;
	_ =	sdelay $0x3  }
0x1b4: {  	v1 =	vld.idx.msk [tilespmem:v1+s23+$0x0], $0xffff  }
0x1b5: {  	v0 =	vld.idx.msk [tilespmem:v0+s23+$0x0], $0xffff;
	_ =	sdelay $0x4  }
0x1b6: {  	s0 =	sor.u32 $0x340, s0;
	v0 =	vpack.i.f32.bf16 v0, v1  }
0x1b7: {  	s0 =	sshrl.u32 s0, $0x1;
	[tilespmem:s1+$0x10000] =	vst v0  }
0x1b8: {  	v0 =	vld [tilespmem:s0+$0x8000];
	_ =	sdelay $0x4  }
0x1b9: {  	v1 =	vunpack.i.l.s16.s32 v0  }
0x1ba: {  	v0 =	vunpack.i.u.s16.s32 v0;
	_ =	sdelay $0x3  }
0x1bb: {  	v1 =	vld.idx.msk [tilespmem:v1+s23+$0x0], $0xffff  }
0x1bc: {  	v0 =	vld.idx.msk [tilespmem:v0+s23+$0x0], $0xffff;
	_ =	sdelay $0x4  }
0x1bd: {  	v0 =	vpack.i.f32.bf16 v0, v1  }
0x1be: {  	p0 =	por $0x0, $0x0;
	[tilespmem:s0+$0x10000] =	vst v0;
	s0 =	simm.s32 $0x1  }
0x1bf: {  	[tilespmem:s23], [sflag:$0x2] =	stream.strided.gather [hbm4b:s13+s24], $0x4000, s25, s24, $0x38;
	[tilespmem:$0x18000] =	vst v63  }
0x1c0: {  	s0 =	simm.s32 @!p0 $0x0  }
0x1c1: {  	s0 =	sshll.u32 s0, $0x7  }
0x1c2: {  	_ =	swait.ge [sflag:s28], $0x4000;
	s0 =	sadd.s32 $0x0, s0  }
0x1c3: {  	[sflag:s28] =	ssyncset.done $0x0;
	s9 =	sor.u32 $0x400, s0  }
0x1c4: {  	[sflag:s28] =	ssyncadd.s32 $0xFFFFC000;
	s1 =	sshra.s32 s9, $0x1  }
0x1c5: {  	v0 =	vld [tilespmem:s1+$0x8000];
	_ =	sdelay $0x4  }
0x1c6: {  	v1 =	vunpack.i.l.s16.s32 v0  }
0x1c7: {  	v0 =	vunpack.i.u.s16.s32 v0;
	_ =	sdelay $0x3  }
0x1c8: {  	v1 =	vld.idx.msk [tilespmem:v1+s2+$0x0], $0xffff  }
0x1c9: {  	v0 =	vld.idx.msk [tilespmem:v0+s2+$0x0], $0xffff;
	_ =	sdelay $0x4  }
0x1ca: {  	s0 =	sor.u32 $0x440, s0;
	v0 =	vpack.i.f32.bf16 v0, v1  }
0x1cb: {  	s4 =	sshra.s32 s0, $0x1;
	[tilespmem:s1+$0x10000] =	vst v0  }
0x1cc: {  	v0 =	vld [tilespmem:s4+$0x8000];
	_ =	sdelay $0x4  }
0x1cd: {  	v1 =	vunpack.i.l.s16.s32 v0  }
0x1ce: {  	v2 =	vunpack.i.u.s16.s32 v0;
	_ =	sdelay $0x3  }
0x1cf: {  	v0 =	vld.idx.msk [tilespmem:v1+s2+$0x0], $0xffff  }
0x1d0: {  	v1 =	vld.idx.msk [tilespmem:v2+s2+$0x0], $0xffff  }
0x1d1: {  	p0 =	por !p0, !p0;
	s1 =	simm.s32 $0x1  }
0x1d2: {  	s1 =	simm.s32 @!p0 $0x0  }
0x1d3: {  	s0 =	simm.s32 $0x100;
	s5 =	sshll.u32 s1, $0x7;
	s1 =	simm.s32 $0x400  }
.LBB2_20:
0x1d4: {  	p1 =	sne.s32 s0, $0x1F80;
	s0 =	sadd.s32 $0x80, s0;
	s5 =	sadd.s32 s5, s1  }
0x1d5: {  	v0 =	vpack.i.f32.bf16 v1, v0;
	s6 =	sor.u32 $0x400, s5;
	s5 =	sor.u32 $0x440, s5  }
0x1d6: {  	s6 =	sshra.s32 s6, $0x1;
	[tilespmem:s4+$0x10000] =	vst v0  }
0x1d7: {  	v0 =	vld [tilespmem:s6+$0x8000];
	_ =	sdelay $0x4  }
0x1d8: {  	v1 =	vunpack.i.u.s16.s32 v0;
	v0 =	vunpack.i.l.s16.s32 v0;
	_ =	sdelay $0x4  }
0x1d9: {  	v0 =	vld.idx.msk [tilespmem:v0+s2+$0x0], $0xffff  }
0x1da: {  	v1 =	vld.idx.msk [tilespmem:v1+s2+$0x0], $0xffff;
	_ =	sdelay $0x5  }
0x1db: {  	s4 =	sshra.s32 s5, $0x1;
	v0 =	vpack.i.f32.bf16 v1, v0  }
0x1dc: {  	[tilespmem:s6+$0x10000] =	vst v0  }
0x1dd: {  	v0 =	vld [tilespmem:s4+$0x8000];
	_ =	sdelay $0x4  }
0x1de: {  	v1 =	vunpack.i.u.s16.s32 v0;
	v0 =	vunpack.i.l.s16.s32 v0;
	_ =	sdelay $0x4  }
0x1df: {  	v0 =	vld.idx.msk [tilespmem:v0+s2+$0x0], $0xffff  }
.Ltmp9:
0x1e0: {  	v1 =	vld.idx.msk [tilespmem:v1+s2+$0x0], $0xffff;
	(pc) =	sbr.rel @p1 .LBB2_20-.Ltmp9, $4  }
0x1e1: {  	_ = 	snop  }
0x1e2: {  	p0 =	por !p0, !p0;
	s5 =	simm.s32 $0x1  }
0x1e3: {  	s5 =	simm.s32 @!p0 $0x0  }
0x1e4: {  	s1 =	sadd.s32 $0x400, s1;
	s5 =	sshll.u32 s5, $0x7  }
0x1e5: {  	s0 =	sadd.s32 s5, s1  }
0x1e6: {  	v0 =	vpack.i.f32.bf16 v1, v0;
	s1 =	sor.u32 $0x400, s0  }
0x1e7: {  	[tilespmem:s4+$0x10000] =	vst v0;
	s1 =	sshra.s32 s1, $0x1  }
0x1e8: {  	v0 =	vld [tilespmem:s1+$0x8000];
	_ =	sdelay $0x4  }
0x1e9: {  	v1 =	vunpack.i.l.s16.s32 v0  }
0x1ea: {  	v0 =	vunpack.i.u.s16.s32 v0;
	_ =	sdelay $0x3  }
0x1eb: {  	v1 =	vld.idx.msk [tilespmem:v1+s2+$0x0], $0xffff  }
0x1ec: {  	v0 =	vld.idx.msk [tilespmem:v0+s2+$0x0], $0xffff;
	_ =	sdelay $0x4  }
0x1ed: {  	s0 =	sor.u32 $0x440, s0;
	v0 =	vpack.i.f32.bf16 v0, v1  }
0x1ee: {  	s0 =	sshra.s32 s0, $0x1;
	[tilespmem:s1+$0x10000] =	vst v0  }
0x1ef: {  	v0 =	vld [tilespmem:s0+$0x8000];
	_ =	sdelay $0x4  }
0x1f0: {  	v1 =	vunpack.i.l.s16.s32 v0  }
0x1f1: {  	v0 =	vunpack.i.u.s16.s32 v0;
	_ =	sdelay $0x3  }
0x1f2: {  	v1 =	vld.idx.msk [tilespmem:v1+s2+$0x0], $0xffff  }
0x1f3: {  	v0 =	vld.idx.msk [tilespmem:v0+s2+$0x0], $0xffff;
	_ =	sdelay $0x4  }
0x1f4: {  	v0 =	vpack.i.f32.bf16 v0, v1  }
0x1f5: {  	s8 =	simm.s32 $0x0;
	p0 =	por $0x0, $0x0;
	[tilespmem:s0+$0x10000] =	vst v0;
	s0 =	simm.s32 $0x1  }
0x1f6: {  	[tilespmem:s8], [sflag:$0x1] =	stream.strided.gather [hbm4b:s14+s24], $0x4000, s25, s24, $0x38;
	[tilespmem:$0x18000] =	vst v63  }
0x1f7: {  	s0 =	simm.s32 @!p0 $0x0  }
0x1f8: {  	s0 =	sshll.u32 s0, $0x7  }
0x1f9: {  	_ =	swait.ge [sflag:s29], $0x4000;
	s0 =	sadd.s32 $0x0, s0  }
0x1fa: {  	[sflag:s29] =	ssyncset.done $0x0;
	s9 =	sor.u32 $0x400, s0  }
0x1fb: {  	[sflag:s29] =	ssyncadd.s32 $0xFFFFC000;
	s1 =	sshra.s32 s9, $0x1  }
0x1fc: {  	v0 =	vld [tilespmem:s1+$0x8000];
	_ =	sdelay $0x4  }
0x1fd: {  	v1 =	vunpack.i.l.s16.s32 v0  }
0x1fe: {  	v0 =	vunpack.i.u.s16.s32 v0;
	_ =	sdelay $0x3  }
0x1ff: {  	v1 =	vld.idx.msk [tilespmem:v1+s23+$0x0], $0xffff  }
0x200: {  	v0 =	vld.idx.msk [tilespmem:v0+s23+$0x0], $0xffff;
	_ =	sdelay $0x4  }
0x201: {  	s0 =	sor.u32 $0x440, s0;
	v0 =	vpack.i.f32.bf16 v0, v1  }
0x202: {  	s4 =	sshra.s32 s0, $0x1;
	[tilespmem:s1+$0x10000] =	vst v0  }
0x203: {  	v0 =	vld [tilespmem:s4+$0x8000];
	_ =	sdelay $0x4  }
0x204: {  	v1 =	vunpack.i.l.s16.s32 v0  }
0x205: {  	v2 =	vunpack.i.u.s16.s32 v0;
	_ =	sdelay $0x3  }
0x206: {  	v0 =	vld.idx.msk [tilespmem:v1+s23+$0x0], $0xffff  }
0x207: {  	v1 =	vld.idx.msk [tilespmem:v2+s23+$0x0], $0xffff  }
0x208: {  	p0 =	por !p0, !p0;
	s1 =	simm.s32 $0x1  }
0x209: {  	s1 =	simm.s32 @!p0 $0x0  }
0x20a: {  	s0 =	simm.s32 $0x100;
	s5 =	sshll.u32 s1, $0x7;
	s1 =	simm.s32 $0x400  }
.LBB2_22:
0x20b: {  	p1 =	sne.s32 s0, $0x1F80;
	s0 =	sadd.s32 $0x80, s0;
	s5 =	sadd.s32 s5, s1  }
0x20c: {  	v0 =	vpack.i.f32.bf16 v1, v0;
	s6 =	sor.u32 $0x400, s5;
	s5 =	sor.u32 $0x440, s5  }
0x20d: {  	s6 =	sshra.s32 s6, $0x1;
	[tilespmem:s4+$0x10000] =	vst v0  }
0x20e: {  	v0 =	vld [tilespmem:s6+$0x8000];
	_ =	sdelay $0x4  }
0x20f: {  	v1 =	vunpack.i.u.s16.s32 v0;
	v0 =	vunpack.i.l.s16.s32 v0;
	_ =	sdelay $0x4  }
0x210: {  	v0 =	vld.idx.msk [tilespmem:v0+s23+$0x0], $0xffff  }
0x211: {  	v1 =	vld.idx.msk [tilespmem:v1+s23+$0x0], $0xffff;
	_ =	sdelay $0x5  }
0x212: {  	s4 =	sshra.s32 s5, $0x1;
	v0 =	vpack.i.f32.bf16 v1, v0  }
0x213: {  	[tilespmem:s6+$0x10000] =	vst v0  }
0x214: {  	v0 =	vld [tilespmem:s4+$0x8000];
	_ =	sdelay $0x4  }
0x215: {  	v1 =	vunpack.i.u.s16.s32 v0;
	v0 =	vunpack.i.l.s16.s32 v0;
	_ =	sdelay $0x4  }
0x216: {  	v0 =	vld.idx.msk [tilespmem:v0+s23+$0x0], $0xffff  }
.Ltmp10:
0x217: {  	v1 =	vld.idx.msk [tilespmem:v1+s23+$0x0], $0xffff;
	(pc) =	sbr.rel @p1 .LBB2_22-.Ltmp10, $4  }
0x218: {  	_ = 	snop  }
0x219: {  	p0 =	por !p0, !p0;
	s5 =	simm.s32 $0x1  }
0x21a: {  	s5 =	simm.s32 @!p0 $0x0  }
0x21b: {  	s1 =	sadd.s32 $0x400, s1;
	s5 =	sshll.u32 s5, $0x7  }
0x21c: {  	s0 =	sadd.s32 s5, s1  }
0x21d: {  	v0 =	vpack.i.f32.bf16 v1, v0;
	s1 =	sor.u32 $0x400, s0  }
0x21e: {  	[tilespmem:s4+$0x10000] =	vst v0;
	s1 =	sshra.s32 s1, $0x1  }
0x21f: {  	v0 =	vld [tilespmem:s1+$0x8000];
	_ =	sdelay $0x4  }
0x220: {  	v1 =	vunpack.i.l.s16.s32 v0  }
0x221: {  	v0 =	vunpack.i.u.s16.s32 v0;
	_ =	sdelay $0x3  }
0x222: {  	v1 =	vld.idx.msk [tilespmem:v1+s23+$0x0], $0xffff  }
0x223: {  	v0 =	vld.idx.msk [tilespmem:v0+s23+$0x0], $0xffff;
	_ =	sdelay $0x4  }
0x224: {  	s0 =	sor.u32 $0x440, s0;
	v0 =	vpack.i.f32.bf16 v0, v1  }
0x225: {  	s0 =	sshra.s32 s0, $0x1;
	[tilespmem:s1+$0x10000] =	vst v0  }
0x226: {  	v0 =	vld [tilespmem:s0+$0x8000];
	_ =	sdelay $0x4  }
0x227: {  	v1 =	vunpack.i.l.s16.s32 v0  }
0x228: {  	v0 =	vunpack.i.u.s16.s32 v0;
	_ =	sdelay $0x3  }
0x229: {  	v1 =	vld.idx.msk [tilespmem:v1+s23+$0x0], $0xffff  }
0x22a: {  	v0 =	vld.idx.msk [tilespmem:v0+s23+$0x0], $0xffff;
	_ =	sdelay $0x4  }
0x22b: {  	v0 =	vpack.i.f32.bf16 v0, v1  }
0x22c: {  	p0 =	por $0x0, $0x0;
	[tilespmem:s0+$0x10000] =	vst v0;
	s0 =	simm.s32 $0x1  }
0x22d: {  	[tilespmem:s23], [sflag:$0x2] =	stream.strided.gather [hbm4b:s15+s24], $0x4000, s25, s24, $0x38;
	[tilespmem:$0x18000] =	vst v63  }
0x22e: {  	s0 =	simm.s32 @!p0 $0x0  }
0x22f: {  	s0 =	sshll.u32 s0, $0x7  }
0x230: {  	_ =	swait.ge [sflag:s28], $0x4000;
	s0 =	sadd.s32 $0x0, s0  }
0x231: {  	[sflag:s28] =	ssyncset.done $0x0;
	s9 =	sor.u32 $0x500, s0  }
0x232: {  	[sflag:s28] =	ssyncadd.s32 $0xFFFFC000;
	s1 =	sshra.s32 s9, $0x1  }
0x233: {  	v0 =	vld [tilespmem:s1+$0x8000];
	_ =	sdelay $0x4  }
0x234: {  	v1 =	vunpack.i.l.s16.s32 v0  }
0x235: {  	v0 =	vunpack.i.u.s16.s32 v0;
	_ =	sdelay $0x3  }
0x236: {  	v1 =	vld.idx.msk [tilespmem:v1+s2+$0x0], $0xffff  }
0x237: {  	v0 =	vld.idx.msk [tilespmem:v0+s2+$0x0], $0xffff;
	_ =	sdelay $0x4  }
0x238: {  	s0 =	sor.u32 $0x540, s0;
	v0 =	vpack.i.f32.bf16 v0, v1  }
0x239: {  	s4 =	sshra.s32 s0, $0x1;
	[tilespmem:s1+$0x10000] =	vst v0  }
0x23a: {  	v0 =	vld [tilespmem:s4+$0x8000];
	_ =	sdelay $0x4  }
0x23b: {  	v1 =	vunpack.i.l.s16.s32 v0  }
0x23c: {  	v2 =	vunpack.i.u.s16.s32 v0;
	_ =	sdelay $0x3  }
0x23d: {  	v0 =	vld.idx.msk [tilespmem:v1+s2+$0x0], $0xffff  }
0x23e: {  	v1 =	vld.idx.msk [tilespmem:v2+s2+$0x0], $0xffff  }
0x23f: {  	p0 =	por !p0, !p0;
	s1 =	simm.s32 $0x1  }
0x240: {  	s1 =	simm.s32 @!p0 $0x0  }
0x241: {  	s0 =	simm.s32 $0x100;
	s5 =	sshll.u32 s1, $0x7;
	s1 =	simm.s32 $0x400  }
.LBB2_24:
0x242: {  	p1 =	sne.s32 s0, $0x1F80;
	s0 =	sadd.s32 $0x80, s0;
	s5 =	sadd.s32 s5, s1  }
0x243: {  	v0 =	vpack.i.f32.bf16 v1, v0;
	s6 =	sor.u32 $0x500, s5;
	s5 =	sor.u32 $0x540, s5  }
0x244: {  	s6 =	sshra.s32 s6, $0x1;
	[tilespmem:s4+$0x10000] =	vst v0  }
0x245: {  	v0 =	vld [tilespmem:s6+$0x8000];
	_ =	sdelay $0x4  }
0x246: {  	v1 =	vunpack.i.u.s16.s32 v0;
	v0 =	vunpack.i.l.s16.s32 v0;
	_ =	sdelay $0x4  }
0x247: {  	v0 =	vld.idx.msk [tilespmem:v0+s2+$0x0], $0xffff  }
0x248: {  	v1 =	vld.idx.msk [tilespmem:v1+s2+$0x0], $0xffff;
	_ =	sdelay $0x5  }
0x249: {  	s4 =	sshra.s32 s5, $0x1;
	v0 =	vpack.i.f32.bf16 v1, v0  }
0x24a: {  	[tilespmem:s6+$0x10000] =	vst v0  }
0x24b: {  	v0 =	vld [tilespmem:s4+$0x8000];
	_ =	sdelay $0x4  }
0x24c: {  	v1 =	vunpack.i.u.s16.s32 v0;
	v0 =	vunpack.i.l.s16.s32 v0;
	_ =	sdelay $0x4  }
0x24d: {  	v0 =	vld.idx.msk [tilespmem:v0+s2+$0x0], $0xffff  }
.Ltmp11:
0x24e: {  	v1 =	vld.idx.msk [tilespmem:v1+s2+$0x0], $0xffff;
	(pc) =	sbr.rel @p1 .LBB2_24-.Ltmp11, $4  }
0x24f: {  	_ = 	snop  }
0x250: {  	p0 =	por !p0, !p0;
	s5 =	simm.s32 $0x1  }
0x251: {  	s5 =	simm.s32 @!p0 $0x0  }
0x252: {  	s1 =	sadd.s32 $0x400, s1;
	s5 =	sshll.u32 s5, $0x7  }
0x253: {  	s0 =	sadd.s32 s5, s1  }
0x254: {  	v0 =	vpack.i.f32.bf16 v1, v0;
	s1 =	sor.u32 $0x500, s0  }
0x255: {  	[tilespmem:s4+$0x10000] =	vst v0;
	s1 =	sshra.s32 s1, $0x1  }
0x256: {  	v0 =	vld [tilespmem:s1+$0x8000];
	_ =	sdelay $0x4  }
0x257: {  	v1 =	vunpack.i.l.s16.s32 v0  }
0x258: {  	v0 =	vunpack.i.u.s16.s32 v0;
	_ =	sdelay $0x3  }
0x259: {  	v1 =	vld.idx.msk [tilespmem:v1+s2+$0x0], $0xffff  }
0x25a: {  	v0 =	vld.idx.msk [tilespmem:v0+s2+$0x0], $0xffff;
	_ =	sdelay $0x4  }
0x25b: {  	s0 =	sor.u32 $0x540, s0;
	v0 =	vpack.i.f32.bf16 v0, v1  }
0x25c: {  	s0 =	sshra.s32 s0, $0x1;
	[tilespmem:s1+$0x10000] =	vst v0  }
0x25d: {  	v0 =	vld [tilespmem:s0+$0x8000];
	_ =	sdelay $0x4  }
0x25e: {  	v1 =	vunpack.i.l.s16.s32 v0  }
0x25f: {  	v0 =	vunpack.i.u.s16.s32 v0;
	_ =	sdelay $0x3  }
0x260: {  	v1 =	vld.idx.msk [tilespmem:v1+s2+$0x0], $0xffff  }
0x261: {  	v0 =	vld.idx.msk [tilespmem:v0+s2+$0x0], $0xffff;
	_ =	sdelay $0x4  }
0x262: {  	v0 =	vpack.i.f32.bf16 v0, v1  }
0x263: {  	s8 =	simm.s32 $0x0;
	p0 =	por $0x0, $0x0;
	[tilespmem:s0+$0x10000] =	vst v0;
	s0 =	simm.s32 $0x1  }
0x264: {  	[tilespmem:s8], [sflag:$0x1] =	stream.strided.gather [hbm4b:s16+s24], $0x4000, s25, s24, $0x38;
	[tilespmem:$0x18000] =	vst v63  }
0x265: {  	s0 =	simm.s32 @!p0 $0x0  }
0x266: {  	s0 =	sshll.u32 s0, $0x7  }
0x267: {  	_ =	swait.ge [sflag:s29], $0x4000;
	s0 =	sadd.s32 $0x0, s0  }
0x268: {  	[sflag:s29] =	ssyncset.done $0x0;
	s9 =	sor.u32 $0x500, s0  }
0x269: {  	[sflag:s29] =	ssyncadd.s32 $0xFFFFC000;
	s1 =	sshra.s32 s9, $0x1  }
0x26a: {  	v0 =	vld [tilespmem:s1+$0x8000];
	_ =	sdelay $0x4  }
0x26b: {  	v1 =	vunpack.i.l.s16.s32 v0  }
0x26c: {  	v0 =	vunpack.i.u.s16.s32 v0;
	_ =	sdelay $0x3  }
0x26d: {  	v1 =	vld.idx.msk [tilespmem:v1+s23+$0x0], $0xffff  }
0x26e: {  	v0 =	vld.idx.msk [tilespmem:v0+s23+$0x0], $0xffff;
	_ =	sdelay $0x4  }
0x26f: {  	s0 =	sor.u32 $0x540, s0;
	v0 =	vpack.i.f32.bf16 v0, v1  }
0x270: {  	s4 =	sshra.s32 s0, $0x1;
	[tilespmem:s1+$0x10000] =	vst v0  }
0x271: {  	v0 =	vld [tilespmem:s4+$0x8000];
	_ =	sdelay $0x4  }
0x272: {  	v1 =	vunpack.i.l.s16.s32 v0  }
0x273: {  	v2 =	vunpack.i.u.s16.s32 v0;
	_ =	sdelay $0x3  }
0x274: {  	v0 =	vld.idx.msk [tilespmem:v1+s23+$0x0], $0xffff  }
0x275: {  	v1 =	vld.idx.msk [tilespmem:v2+s23+$0x0], $0xffff  }
0x276: {  	p0 =	por !p0, !p0;
	s1 =	simm.s32 $0x1  }
0x277: {  	s1 =	simm.s32 @!p0 $0x0  }
0x278: {  	s0 =	simm.s32 $0x100;
	s5 =	sshll.u32 s1, $0x7;
	s1 =	simm.s32 $0x400  }
.LBB2_26:
0x279: {  	p1 =	sne.s32 s0, $0x1F80;
	s0 =	sadd.s32 $0x80, s0;
	s5 =	sadd.s32 s5, s1  }
0x27a: {  	v0 =	vpack.i.f32.bf16 v1, v0;
	s6 =	sor.u32 $0x500, s5;
	s5 =	sor.u32 $0x540, s5  }
0x27b: {  	s6 =	sshra.s32 s6, $0x1;
	[tilespmem:s4+$0x10000] =	vst v0  }
0x27c: {  	v0 =	vld [tilespmem:s6+$0x8000];
	_ =	sdelay $0x4  }
0x27d: {  	v1 =	vunpack.i.u.s16.s32 v0;
	v0 =	vunpack.i.l.s16.s32 v0;
	_ =	sdelay $0x4  }
0x27e: {  	v0 =	vld.idx.msk [tilespmem:v0+s23+$0x0], $0xffff  }
0x27f: {  	v1 =	vld.idx.msk [tilespmem:v1+s23+$0x0], $0xffff;
	_ =	sdelay $0x5  }
0x280: {  	s4 =	sshra.s32 s5, $0x1;
	v0 =	vpack.i.f32.bf16 v1, v0  }
0x281: {  	[tilespmem:s6+$0x10000] =	vst v0  }
0x282: {  	v0 =	vld [tilespmem:s4+$0x8000];
	_ =	sdelay $0x4  }
0x283: {  	v1 =	vunpack.i.u.s16.s32 v0;
	v0 =	vunpack.i.l.s16.s32 v0;
	_ =	sdelay $0x4  }
0x284: {  	v0 =	vld.idx.msk [tilespmem:v0+s23+$0x0], $0xffff  }
.Ltmp12:
0x285: {  	v1 =	vld.idx.msk [tilespmem:v1+s23+$0x0], $0xffff;
	(pc) =	sbr.rel @p1 .LBB2_26-.Ltmp12, $4  }
0x286: {  	_ = 	snop  }
0x287: {  	p0 =	por !p0, !p0;
	s5 =	simm.s32 $0x1  }
0x288: {  	s5 =	simm.s32 @!p0 $0x0  }
0x289: {  	s1 =	sadd.s32 $0x400, s1;
	s5 =	sshll.u32 s5, $0x7  }
0x28a: {  	s0 =	sadd.s32 s5, s1  }
0x28b: {  	v0 =	vpack.i.f32.bf16 v1, v0;
	s1 =	sor.u32 $0x500, s0  }
0x28c: {  	[tilespmem:s4+$0x10000] =	vst v0;
	s1 =	sshra.s32 s1, $0x1  }
0x28d: {  	v0 =	vld [tilespmem:s1+$0x8000];
	_ =	sdelay $0x4  }
0x28e: {  	v1 =	vunpack.i.l.s16.s32 v0  }
0x28f: {  	v0 =	vunpack.i.u.s16.s32 v0;
	_ =	sdelay $0x3  }
0x290: {  	v1 =	vld.idx.msk [tilespmem:v1+s23+$0x0], $0xffff  }
0x291: {  	v0 =	vld.idx.msk [tilespmem:v0+s23+$0x0], $0xffff;
	_ =	sdelay $0x4  }
0x292: {  	s0 =	sor.u32 $0x540, s0;
	v0 =	vpack.i.f32.bf16 v0, v1  }
0x293: {  	s0 =	sshra.s32 s0, $0x1;
	[tilespmem:s1+$0x10000] =	vst v0  }
0x294: {  	v0 =	vld [tilespmem:s0+$0x8000];
	_ =	sdelay $0x4  }
0x295: {  	v1 =	vunpack.i.l.s16.s32 v0  }
0x296: {  	v0 =	vunpack.i.u.s16.s32 v0;
	_ =	sdelay $0x3  }
0x297: {  	v1 =	vld.idx.msk [tilespmem:v1+s23+$0x0], $0xffff  }
0x298: {  	v0 =	vld.idx.msk [tilespmem:v0+s23+$0x0], $0xffff;
	_ =	sdelay $0x4  }
0x299: {  	v0 =	vpack.i.f32.bf16 v0, v1  }
0x29a: {  	p0 =	por $0x0, $0x0;
	[tilespmem:s0+$0x10000] =	vst v0;
	s0 =	simm.s32 $0x1  }
0x29b: {  	[tilespmem:s23], [sflag:$0x2] =	stream.strided.gather [hbm4b:s17+s24], $0x4000, s25, s24, $0x38;
	[tilespmem:$0x18000] =	vst v63  }
0x29c: {  	s0 =	simm.s32 @!p0 $0x0  }
0x29d: {  	s0 =	sshll.u32 s0, $0x7  }
0x29e: {  	_ =	swait.ge [sflag:s28], $0x4000;
	s0 =	sadd.s32 $0x0, s0  }
0x29f: {  	[sflag:s28] =	ssyncset.done $0x0;
	s9 =	sor.u32 $0x600, s0  }
0x2a0: {  	[sflag:s28] =	ssyncadd.s32 $0xFFFFC000;
	s1 =	sshra.s32 s9, $0x1  }
0x2a1: {  	v0 =	vld [tilespmem:s1+$0x8000];
	_ =	sdelay $0x4  }
0x2a2: {  	v1 =	vunpack.i.l.s16.s32 v0  }
0x2a3: {  	v0 =	vunpack.i.u.s16.s32 v0;
	_ =	sdelay $0x3  }
0x2a4: {  	v1 =	vld.idx.msk [tilespmem:v1+s2+$0x0], $0xffff  }
0x2a5: {  	v0 =	vld.idx.msk [tilespmem:v0+s2+$0x0], $0xffff;
	_ =	sdelay $0x4  }
0x2a6: {  	s0 =	sor.u32 $0x640, s0;
	v0 =	vpack.i.f32.bf16 v0, v1  }
0x2a7: {  	s4 =	sshra.s32 s0, $0x1;
	[tilespmem:s1+$0x10000] =	vst v0  }
0x2a8: {  	v0 =	vld [tilespmem:s4+$0x8000];
	_ =	sdelay $0x4  }
0x2a9: {  	v1 =	vunpack.i.l.s16.s32 v0  }
0x2aa: {  	v2 =	vunpack.i.u.s16.s32 v0;
	_ =	sdelay $0x3  }
0x2ab: {  	v0 =	vld.idx.msk [tilespmem:v1+s2+$0x0], $0xffff  }
0x2ac: {  	v1 =	vld.idx.msk [tilespmem:v2+s2+$0x0], $0xffff  }
0x2ad: {  	p0 =	por !p0, !p0;
	s1 =	simm.s32 $0x1  }
0x2ae: {  	s1 =	simm.s32 @!p0 $0x0  }
0x2af: {  	s0 =	simm.s32 $0x100;
	s5 =	sshll.u32 s1, $0x7;
	s1 =	simm.s32 $0x400  }
.LBB2_28:
0x2b0: {  	p1 =	sne.s32 s0, $0x1F80;
	s0 =	sadd.s32 $0x80, s0;
	s5 =	sadd.s32 s5, s1  }
0x2b1: {  	v0 =	vpack.i.f32.bf16 v1, v0;
	s6 =	sor.u32 $0x600, s5;
	s5 =	sor.u32 $0x640, s5  }
0x2b2: {  	s6 =	sshra.s32 s6, $0x1;
	[tilespmem:s4+$0x10000] =	vst v0  }
0x2b3: {  	v0 =	vld [tilespmem:s6+$0x8000];
	_ =	sdelay $0x4  }
0x2b4: {  	v1 =	vunpack.i.u.s16.s32 v0;
	v0 =	vunpack.i.l.s16.s32 v0;
	_ =	sdelay $0x4  }
0x2b5: {  	v0 =	vld.idx.msk [tilespmem:v0+s2+$0x0], $0xffff  }
0x2b6: {  	v1 =	vld.idx.msk [tilespmem:v1+s2+$0x0], $0xffff;
	_ =	sdelay $0x5  }
0x2b7: {  	s4 =	sshra.s32 s5, $0x1;
	v0 =	vpack.i.f32.bf16 v1, v0  }
0x2b8: {  	[tilespmem:s6+$0x10000] =	vst v0  }
0x2b9: {  	v0 =	vld [tilespmem:s4+$0x8000];
	_ =	sdelay $0x4  }
0x2ba: {  	v1 =	vunpack.i.u.s16.s32 v0;
	v0 =	vunpack.i.l.s16.s32 v0;
	_ =	sdelay $0x4  }
0x2bb: {  	v0 =	vld.idx.msk [tilespmem:v0+s2+$0x0], $0xffff  }
.Ltmp13:
0x2bc: {  	v1 =	vld.idx.msk [tilespmem:v1+s2+$0x0], $0xffff;
	(pc) =	sbr.rel @p1 .LBB2_28-.Ltmp13, $4  }
0x2bd: {  	_ = 	snop  }
0x2be: {  	p0 =	por !p0, !p0;
	s5 =	simm.s32 $0x1  }
0x2bf: {  	s5 =	simm.s32 @!p0 $0x0  }
0x2c0: {  	s1 =	sadd.s32 $0x400, s1;
	s5 =	sshll.u32 s5, $0x7  }
0x2c1: {  	s0 =	sadd.s32 s5, s1  }
0x2c2: {  	v0 =	vpack.i.f32.bf16 v1, v0;
	s1 =	sor.u32 $0x600, s0  }
0x2c3: {  	[tilespmem:s4+$0x10000] =	vst v0;
	s1 =	sshra.s32 s1, $0x1  }
0x2c4: {  	v0 =	vld [tilespmem:s1+$0x8000];
	_ =	sdelay $0x4  }
0x2c5: {  	v1 =	vunpack.i.l.s16.s32 v0  }
0x2c6: {  	v0 =	vunpack.i.u.s16.s32 v0;
	_ =	sdelay $0x3  }
0x2c7: {  	v1 =	vld.idx.msk [tilespmem:v1+s2+$0x0], $0xffff  }
0x2c8: {  	v0 =	vld.idx.msk [tilespmem:v0+s2+$0x0], $0xffff;
	_ =	sdelay $0x4  }
0x2c9: {  	s0 =	sor.u32 $0x640, s0;
	v0 =	vpack.i.f32.bf16 v0, v1  }
0x2ca: {  	s0 =	sshra.s32 s0, $0x1;
	[tilespmem:s1+$0x10000] =	vst v0  }
0x2cb: {  	v0 =	vld [tilespmem:s0+$0x8000];
	_ =	sdelay $0x4  }
0x2cc: {  	v1 =	vunpack.i.l.s16.s32 v0  }
0x2cd: {  	v0 =	vunpack.i.u.s16.s32 v0;
	_ =	sdelay $0x3  }
0x2ce: {  	v1 =	vld.idx.msk [tilespmem:v1+s2+$0x0], $0xffff  }
0x2cf: {  	v0 =	vld.idx.msk [tilespmem:v0+s2+$0x0], $0xffff;
	_ =	sdelay $0x4  }
0x2d0: {  	v0 =	vpack.i.f32.bf16 v0, v1  }
0x2d1: {  	s8 =	simm.s32 $0x0;
	p0 =	por $0x0, $0x0;
	[tilespmem:s0+$0x10000] =	vst v0;
	s0 =	simm.s32 $0x1  }
0x2d2: {  	[tilespmem:s8], [sflag:$0x1] =	stream.strided.gather [hbm4b:s18+s24], $0x4000, s25, s24, $0x38;
	[tilespmem:$0x18000] =	vst v63  }
0x2d3: {  	s0 =	simm.s32 @!p0 $0x0  }
0x2d4: {  	s0 =	sshll.u32 s0, $0x7  }
0x2d5: {  	_ =	swait.ge [sflag:s29], $0x4000;
	s0 =	sadd.s32 $0x0, s0  }
0x2d6: {  	[sflag:s29] =	ssyncset.done $0x0;
	s9 =	sor.u32 $0x600, s0  }
0x2d7: {  	[sflag:s29] =	ssyncadd.s32 $0xFFFFC000;
	s1 =	sshra.s32 s9, $0x1  }
0x2d8: {  	v0 =	vld [tilespmem:s1+$0x8000];
	_ =	sdelay $0x4  }
0x2d9: {  	v1 =	vunpack.i.l.s16.s32 v0  }
0x2da: {  	v0 =	vunpack.i.u.s16.s32 v0;
	_ =	sdelay $0x3  }
0x2db: {  	v1 =	vld.idx.msk [tilespmem:v1+s23+$0x0], $0xffff  }
0x2dc: {  	v0 =	vld.idx.msk [tilespmem:v0+s23+$0x0], $0xffff;
	_ =	sdelay $0x4  }
0x2dd: {  	s0 =	sor.u32 $0x640, s0;
	v0 =	vpack.i.f32.bf16 v0, v1  }
0x2de: {  	s4 =	sshra.s32 s0, $0x1;
	[tilespmem:s1+$0x10000] =	vst v0  }
0x2df: {  	v0 =	vld [tilespmem:s4+$0x8000];
	_ =	sdelay $0x4  }
0x2e0: {  	v1 =	vunpack.i.l.s16.s32 v0  }
0x2e1: {  	v2 =	vunpack.i.u.s16.s32 v0;
	_ =	sdelay $0x3  }
0x2e2: {  	v0 =	vld.idx.msk [tilespmem:v1+s23+$0x0], $0xffff  }
0x2e3: {  	v1 =	vld.idx.msk [tilespmem:v2+s23+$0x0], $0xffff  }
0x2e4: {  	p0 =	por !p0, !p0;
	s1 =	simm.s32 $0x1  }
0x2e5: {  	s1 =	simm.s32 @!p0 $0x0  }
0x2e6: {  	s0 =	simm.s32 $0x100;
	s5 =	sshll.u32 s1, $0x7;
	s1 =	simm.s32 $0x400  }
.LBB2_30:
0x2e7: {  	p1 =	sne.s32 s0, $0x1F80;
	s0 =	sadd.s32 $0x80, s0;
	s5 =	sadd.s32 s5, s1  }
0x2e8: {  	v0 =	vpack.i.f32.bf16 v1, v0;
	s6 =	sor.u32 $0x600, s5;
	s5 =	sor.u32 $0x640, s5  }
0x2e9: {  	s6 =	sshra.s32 s6, $0x1;
	[tilespmem:s4+$0x10000] =	vst v0  }
0x2ea: {  	v0 =	vld [tilespmem:s6+$0x8000];
	_ =	sdelay $0x4  }
0x2eb: {  	v1 =	vunpack.i.u.s16.s32 v0;
	v0 =	vunpack.i.l.s16.s32 v0;
	_ =	sdelay $0x4  }
0x2ec: {  	v0 =	vld.idx.msk [tilespmem:v0+s23+$0x0], $0xffff  }
0x2ed: {  	v1 =	vld.idx.msk [tilespmem:v1+s23+$0x0], $0xffff;
	_ =	sdelay $0x5  }
0x2ee: {  	s4 =	sshra.s32 s5, $0x1;
	v0 =	vpack.i.f32.bf16 v1, v0  }
0x2ef: {  	[tilespmem:s6+$0x10000] =	vst v0  }
0x2f0: {  	v0 =	vld [tilespmem:s4+$0x8000];
	_ =	sdelay $0x4  }
0x2f1: {  	v1 =	vunpack.i.u.s16.s32 v0;
	v0 =	vunpack.i.l.s16.s32 v0;
	_ =	sdelay $0x4  }
0x2f2: {  	v0 =	vld.idx.msk [tilespmem:v0+s23+$0x0], $0xffff  }
.Ltmp14:
0x2f3: {  	v1 =	vld.idx.msk [tilespmem:v1+s23+$0x0], $0xffff;
	(pc) =	sbr.rel @p1 .LBB2_30-.Ltmp14, $4  }
0x2f4: {  	_ = 	snop  }
0x2f5: {  	p0 =	por !p0, !p0;
	s5 =	simm.s32 $0x1  }
0x2f6: {  	s5 =	simm.s32 @!p0 $0x0  }
0x2f7: {  	s1 =	sadd.s32 $0x400, s1;
	s5 =	sshll.u32 s5, $0x7  }
0x2f8: {  	s0 =	sadd.s32 s5, s1  }
0x2f9: {  	v0 =	vpack.i.f32.bf16 v1, v0;
	s1 =	sor.u32 $0x600, s0  }
0x2fa: {  	[tilespmem:s4+$0x10000] =	vst v0;
	s1 =	sshra.s32 s1, $0x1  }
0x2fb: {  	v0 =	vld [tilespmem:s1+$0x8000];
	_ =	sdelay $0x4  }
0x2fc: {  	v1 =	vunpack.i.l.s16.s32 v0  }
0x2fd: {  	v0 =	vunpack.i.u.s16.s32 v0;
	_ =	sdelay $0x3  }
0x2fe: {  	v1 =	vld.idx.msk [tilespmem:v1+s23+$0x0], $0xffff  }
0x2ff: {  	v0 =	vld.idx.msk [tilespmem:v0+s23+$0x0], $0xffff;
	_ =	sdelay $0x4  }
0x300: {  	s0 =	sor.u32 $0x640, s0;
	v0 =	vpack.i.f32.bf16 v0, v1  }
0x301: {  	s0 =	sshra.s32 s0, $0x1;
	[tilespmem:s1+$0x10000] =	vst v0  }
0x302: {  	v0 =	vld [tilespmem:s0+$0x8000];
	_ =	sdelay $0x4  }
0x303: {  	v1 =	vunpack.i.l.s16.s32 v0  }
0x304: {  	v0 =	vunpack.i.u.s16.s32 v0;
	_ =	sdelay $0x3  }
0x305: {  	v1 =	vld.idx.msk [tilespmem:v1+s23+$0x0], $0xffff  }
0x306: {  	v0 =	vld.idx.msk [tilespmem:v0+s23+$0x0], $0xffff;
	_ =	sdelay $0x4  }
0x307: {  	v0 =	vpack.i.f32.bf16 v0, v1  }
0x308: {  	p0 =	por $0x0, $0x0;
	[tilespmem:s0+$0x10000] =	vst v0;
	s0 =	simm.s32 $0x1  }
0x309: {  	[tilespmem:s23], [sflag:$0x2] =	stream.strided.gather [hbm4b:s19+s24], $0x4000, s25, s24, $0x38;
	[tilespmem:$0x18000] =	vst v63  }
0x30a: {  	s0 =	simm.s32 @!p0 $0x0  }
0x30b: {  	s0 =	sshll.u32 s0, $0x7  }
0x30c: {  	_ =	swait.ge [sflag:s28], $0x4000;
	s0 =	sadd.s32 $0x0, s0  }
0x30d: {  	[sflag:s28] =	ssyncset.done $0x0;
	s9 =	sor.u32 $0x700, s0  }
0x30e: {  	[sflag:s28] =	ssyncadd.s32 $0xFFFFC000;
	s1 =	sshra.s32 s9, $0x1  }
0x30f: {  	v0 =	vld [tilespmem:s1+$0x8000];
	_ =	sdelay $0x4  }
0x310: {  	v1 =	vunpack.i.l.s16.s32 v0  }
0x311: {  	v0 =	vunpack.i.u.s16.s32 v0;
	_ =	sdelay $0x3  }
0x312: {  	v1 =	vld.idx.msk [tilespmem:v1+s2+$0x0], $0xffff  }
0x313: {  	v0 =	vld.idx.msk [tilespmem:v0+s2+$0x0], $0xffff;
	_ =	sdelay $0x4  }
0x314: {  	s0 =	sor.u32 $0x740, s0;
	v0 =	vpack.i.f32.bf16 v0, v1  }
0x315: {  	s4 =	sshra.s32 s0, $0x1;
	[tilespmem:s1+$0x10000] =	vst v0  }
0x316: {  	v0 =	vld [tilespmem:s4+$0x8000];
	_ =	sdelay $0x4  }
0x317: {  	v1 =	vunpack.i.l.s16.s32 v0  }
0x318: {  	v2 =	vunpack.i.u.s16.s32 v0;
	_ =	sdelay $0x3  }
0x319: {  	v0 =	vld.idx.msk [tilespmem:v1+s2+$0x0], $0xffff  }
0x31a: {  	v1 =	vld.idx.msk [tilespmem:v2+s2+$0x0], $0xffff  }
0x31b: {  	p0 =	por !p0, !p0;
	s1 =	simm.s32 $0x1  }
0x31c: {  	s1 =	simm.s32 @!p0 $0x0  }
0x31d: {  	s0 =	simm.s32 $0x100;
	s5 =	sshll.u32 s1, $0x7;
	s1 =	simm.s32 $0x400  }
.LBB2_32:
0x31e: {  	p1 =	sne.s32 s0, $0x1F80;
	s0 =	sadd.s32 $0x80, s0;
	s5 =	sadd.s32 s5, s1  }
0x31f: {  	v0 =	vpack.i.f32.bf16 v1, v0;
	s6 =	sor.u32 $0x700, s5;
	s5 =	sor.u32 $0x740, s5  }
0x320: {  	s6 =	sshra.s32 s6, $0x1;
	[tilespmem:s4+$0x10000] =	vst v0  }
0x321: {  	v0 =	vld [tilespmem:s6+$0x8000];
	_ =	sdelay $0x4  }
0x322: {  	v1 =	vunpack.i.u.s16.s32 v0;
	v0 =	vunpack.i.l.s16.s32 v0;
	_ =	sdelay $0x4  }
0x323: {  	v0 =	vld.idx.msk [tilespmem:v0+s2+$0x0], $0xffff  }
0x324: {  	v1 =	vld.idx.msk [tilespmem:v1+s2+$0x0], $0xffff;
	_ =	sdelay $0x5  }
0x325: {  	s4 =	sshra.s32 s5, $0x1;
	v0 =	vpack.i.f32.bf16 v1, v0  }
0x326: {  	[tilespmem:s6+$0x10000] =	vst v0  }
0x327: {  	v0 =	vld [tilespmem:s4+$0x8000];
	_ =	sdelay $0x4  }
0x328: {  	v1 =	vunpack.i.u.s16.s32 v0;
	v0 =	vunpack.i.l.s16.s32 v0;
	_ =	sdelay $0x4  }
0x329: {  	v0 =	vld.idx.msk [tilespmem:v0+s2+$0x0], $0xffff  }
.Ltmp15:
0x32a: {  	v1 =	vld.idx.msk [tilespmem:v1+s2+$0x0], $0xffff;
	(pc) =	sbr.rel @p1 .LBB2_32-.Ltmp15, $4  }
0x32b: {  	_ = 	snop  }
0x32c: {  	p0 =	por !p0, !p0;
	s5 =	simm.s32 $0x1  }
0x32d: {  	s5 =	simm.s32 @!p0 $0x0  }
0x32e: {  	s1 =	sadd.s32 $0x400, s1;
	s5 =	sshll.u32 s5, $0x7  }
0x32f: {  	s0 =	sadd.s32 s5, s1  }
0x330: {  	v0 =	vpack.i.f32.bf16 v1, v0;
	s1 =	sor.u32 $0x700, s0  }
0x331: {  	[tilespmem:s4+$0x10000] =	vst v0;
	s1 =	sshra.s32 s1, $0x1  }
0x332: {  	v0 =	vld [tilespmem:s1+$0x8000];
	_ =	sdelay $0x4  }
0x333: {  	v1 =	vunpack.i.l.s16.s32 v0  }
0x334: {  	v0 =	vunpack.i.u.s16.s32 v0;
	_ =	sdelay $0x3  }
0x335: {  	v1 =	vld.idx.msk [tilespmem:v1+s2+$0x0], $0xffff  }
0x336: {  	v0 =	vld.idx.msk [tilespmem:v0+s2+$0x0], $0xffff;
	_ =	sdelay $0x4  }
0x337: {  	s0 =	sor.u32 $0x740, s0;
	v0 =	vpack.i.f32.bf16 v0, v1  }
0x338: {  	s0 =	sshra.s32 s0, $0x1;
	[tilespmem:s1+$0x10000] =	vst v0  }
0x339: {  	v0 =	vld [tilespmem:s0+$0x8000];
	_ =	sdelay $0x4  }
0x33a: {  	v1 =	vunpack.i.l.s16.s32 v0  }
0x33b: {  	v0 =	vunpack.i.u.s16.s32 v0;
	_ =	sdelay $0x3  }
0x33c: {  	v1 =	vld.idx.msk [tilespmem:v1+s2+$0x0], $0xffff  }
0x33d: {  	v0 =	vld.idx.msk [tilespmem:v0+s2+$0x0], $0xffff;
	_ =	sdelay $0x3  }
0x33e: {  	p0 =	por $0x0, $0x0;
	s1 =	simm.s32 $0x1  }
0x33f: {  	s1 =	simm.s32 @!p0 $0x0;
	v0 =	vpack.i.f32.bf16 v0, v1  }
0x340: {  	s8 =	sshll.u32 s1, $0x7;
	[tilespmem:s0+$0x10000] =	vst v0  }
0x341: {  	s0 =	sadd.s32 $0x0, s8;
	_ =	swait.ge [sflag:s29], $0x4000  }
0x342: {  	s9 =	sor.u32 $0x700, s0;
	[sflag:s29] =	ssyncset.done $0x0  }
0x343: {  	s1 =	sshra.s32 s9, $0x1;
	[sflag:s29] =	ssyncadd.s32 $0xFFFFC000  }
0x344: {  	v0 =	vld [tilespmem:s1+$0x8000];
	_ =	sdelay $0x4  }
0x345: {  	v1 =	vunpack.i.l.s16.s32 v0  }
0x346: {  	v0 =	vunpack.i.u.s16.s32 v0;
	_ =	sdelay $0x3  }
0x347: {  	v1 =	vld.idx.msk [tilespmem:v1+s23+$0x0], $0xffff  }
0x348: {  	v0 =	vld.idx.msk [tilespmem:v0+s23+$0x0], $0xffff;
	_ =	sdelay $0x4  }
0x349: {  	s0 =	sor.u32 $0x740, s0;
	v0 =	vpack.i.f32.bf16 v0, v1  }
0x34a: {  	s4 =	sshra.s32 s0, $0x1;
	[tilespmem:s1+$0x10000] =	vst v0  }
0x34b: {  	v0 =	vld [tilespmem:s4+$0x8000];
	_ =	sdelay $0x4  }
0x34c: {  	v1 =	vunpack.i.l.s16.s32 v0  }
0x34d: {  	v2 =	vunpack.i.u.s16.s32 v0;
	_ =	sdelay $0x3  }
0x34e: {  	v0 =	vld.idx.msk [tilespmem:v1+s23+$0x0], $0xffff  }
0x34f: {  	v1 =	vld.idx.msk [tilespmem:v2+s23+$0x0], $0xffff  }
0x350: {  	p0 =	por !p0, !p0;
	s1 =	simm.s32 $0x1  }
0x351: {  	s1 =	simm.s32 @!p0 $0x0  }
0x352: {  	s0 =	simm.s32 $0x100;
	s5 =	sshll.u32 s1, $0x7;
	s1 =	simm.s32 $0x400  }
.LBB2_34:
0x353: {  	p1 =	sne.s32 s0, $0x1F80;
	s0 =	sadd.s32 $0x80, s0;
	s5 =	sadd.s32 s5, s1  }
0x354: {  	v0 =	vpack.i.f32.bf16 v1, v0;
	s6 =	sor.u32 $0x700, s5;
	s5 =	sor.u32 $0x740, s5  }
0x355: {  	s6 =	sshra.s32 s6, $0x1;
	[tilespmem:s4+$0x10000] =	vst v0  }
0x356: {  	v0 =	vld [tilespmem:s6+$0x8000];
	_ =	sdelay $0x4  }
0x357: {  	v1 =	vunpack.i.u.s16.s32 v0;
	v0 =	vunpack.i.l.s16.s32 v0;
	_ =	sdelay $0x4  }
0x358: {  	v0 =	vld.idx.msk [tilespmem:v0+s23+$0x0], $0xffff  }
0x359: {  	v1 =	vld.idx.msk [tilespmem:v1+s23+$0x0], $0xffff;
	_ =	sdelay $0x5  }
0x35a: {  	s4 =	sshra.s32 s5, $0x1;
	v0 =	vpack.i.f32.bf16 v1, v0  }
0x35b: {  	[tilespmem:s6+$0x10000] =	vst v0  }
0x35c: {  	v0 =	vld [tilespmem:s4+$0x8000];
	_ =	sdelay $0x4  }
0x35d: {  	v1 =	vunpack.i.u.s16.s32 v0;
	v0 =	vunpack.i.l.s16.s32 v0;
	_ =	sdelay $0x4  }
0x35e: {  	v0 =	vld.idx.msk [tilespmem:v0+s23+$0x0], $0xffff  }
.Ltmp16:
0x35f: {  	v1 =	vld.idx.msk [tilespmem:v1+s23+$0x0], $0xffff;
	(pc) =	sbr.rel @p1 .LBB2_34-.Ltmp16, $4  }
0x360: {  	_ = 	snop  }
0x361: {  	p0 =	por !p0, !p0;
	s5 =	simm.s32 $0x1  }
0x362: {  	s5 =	simm.s32 @!p0 $0x0  }
0x363: {  	s1 =	sadd.s32 $0x400, s1;
	s5 =	sshll.u32 s5, $0x7  }
0x364: {  	s0 =	sadd.s32 s5, s1  }
0x365: {  	v0 =	vpack.i.f32.bf16 v1, v0;
	s1 =	sor.u32 $0x700, s0  }
0x366: {  	[tilespmem:s4+$0x10000] =	vst v0;
	s1 =	sshra.s32 s1, $0x1  }
0x367: {  	v0 =	vld [tilespmem:s1+$0x8000];
	_ =	sdelay $0x4  }
0x368: {  	v62 =	vunpack.i.l.s16.s32 v0  }
0x369: {  	v0 =	vunpack.i.u.s16.s32 v0;
	_ =	sdelay $0x3  }
0x36a: {  	v1 =	vld.idx.msk [tilespmem:v62+s23+$0x0], $0xffff  }
0x36b: {  	v0 =	vld.idx.msk [tilespmem:v0+s23+$0x0], $0xffff;
	_ =	sdelay $0x4  }
0x36c: {  	s0 =	sor.u32 $0x740, s0;
	v0 =	vpack.i.f32.bf16 v0, v1  }
0x36d: {  	s9 =	sshra.s32 s0, $0x1;
	[tilespmem:s1+$0x10000] =	vst v0  }
0x36e: {  	v0 =	vld [tilespmem:s9+$0x8000];
	_ =	sdelay $0x4  }
0x36f: {  	v63 =	vunpack.i.l.s16.s32 v0  }
0x370: {  	v0 =	vunpack.i.u.s16.s32 v0;
	_ =	sdelay $0x3  }
0x371: {  	v1 =	vld.idx.msk [tilespmem:v63+s23+$0x0], $0xffff  }
0x372: {  	v0 =	vld.idx.msk [tilespmem:v0+s23+$0x0], $0xffff;
	_ =	sdelay $0x4  }
0x373: {  	s5 =	sadd.s32 $0x0, s20;
	v0 =	vpack.i.f32.bf16 v0, v1  }
0x374: {  	s4 =	simm.s32 $0x10400;
	s0 =	simm.s32 $0x10000;
	s1 =	simm.s32 $0x40;
	[tilespmem:s9+$0x10000] =	vst v0  }
.LBB2_36:
0x375: {  	[hbm4b:s5+s22] =	stream.strided.scatter [tilespmem:s0], [sflag:$0x4], $0x400, s23, s22, $0x38;
	[tilespmem:$0x18000] =	vst v63  }
0x376: {  	s5 =	smov.u32 s1;
	s0 =	smov.u32 s4;
	p0 =	sne.s32 s1, $0x7C0  }
.Ltmp17:
0x377: {  	s1 =	sadd.s32 $0x40, s1;
	(pc) =	sbr.rel @p0 .LBB2_36-.Ltmp17, $2  }
0x378: {  	_ =	sdelay $0x2  }
0x379: {  	s4 =	sadd.s32 $0x400, s4;
	s5 =	sadd.s32 s5, s20  }
0x37a: {  	s31 =	sadd.s32 $0x1, s31  }
0x37b: {  	p0 =	sne.s32 s31, s21  }
.Ltmp18:
0x37c: {  	_ = 	snop;
	(pc) =	sbr.rel @p0 .LBB2_1-.Ltmp18, $4  }
0x37d: {  	[hbm4b:s5+s22] =	stream.strided.scatter [tilespmem:s0], [sflag:$0x4], $0x400, s23, s22, $0x38;
	[tilespmem:$0x18000] =	vst v63  }
0x37e: {  	_ =	swait.ge [sflag:s30], $0x8000  }
0x37f: {  	[sflag:s30] =	ssyncset.done $0x0  }
0x380: {  	[sflag:s30] =	ssyncadd.s32 $0xFFFF8000  }
0x381: {  	_ =	sfence.sel $0x180000  }
0x382: {  	[bflag:$0x0] =	sbarrier.arrive $0xFFFF  }
0x383: {  	_ =	strace $0x9000004D  }
0x384: {  	s0 =	stileid.u32;
	[bflag:$0x2] =	sbarrier.arrive $0xFFFF  }
0x385: {  	p0 =	sne.s32 s0, $0x0;
	s0 =	rddreg [dreg:$0x2]  }
0x386: {  	s0 =	sadd.s32 @!p0 $0x100000, s0  }
0x387: {  	[sflag:s0] =	ssyncadd.tile.s32 @!p0 $0x1;
	_ =	shalt  }
.Lfunc_end2:
_tile_overlayer_lowered:
.L_overlay_start_2:
0x388: {  	(tag) =	ssettag $0x2  }
0x389: {  	s0 =	rddreg [dreg:$0x0];
	s2 =	stileid.u32  }
0x38a: {  	s1 =	rddreg [dreg:$0x1];
	p0 =	sne.s32 s2, $0x0  }
0x38b: {  	s3 =	rddreg [dreg:$0x2];
	[bflag:$0x3] =	sbarrier.arrive $0xFFFF;
	s2 =	simm.s32 @!p0 $0x1C05  }
0x38c: {  	[timem:s3], [sflag:s2] =	dma.local @!p0 [hbm:s0], s1  }
0x38d: {  	s0 =	simm.s32 @!p0 $0x5  }
0x38e: {  	_ =	swait.ge @!p0 [sflag:s0], s1  }
0x38f: {  	s1 =	ssub.s32 @!p0 $0x0, s1;
	[sflag:s0] =	ssyncset.done @!p0 $0x0  }
0x390: {  	[sflag:s0] =	ssyncadd.s32 @!p0 s1  }
0x391: {  	[bflag:$0x3] =	sbarrier.arrive $0xFFFF  }
0x392: {  	_ =	shalt  }

</sc_bundles>
